<compile_context>
chip_gen: v7x
topology: tpu7x:2x2x1
jax: 0.10.2.dev20260603
libtpu: 0.0.44.dev20260713+nightly
codegen_flags: <defaults>
</compile_context>

<pallas_src>
import functools

import jax
import jax.numpy as jnp
from jax import lax
from jax.experimental import pallas as pl
from jax.experimental.pallas import tpu as pltpu
from jax.experimental.pallas import tpu_sc as plsc

N = 10000
E = 320000
D = 16
NT = 16
NP = N
NPT = 640
CW = 128
ROWS = E // CW
RPT0 = 157
RPTB = 156
GS = 6
NG = RPTB // GS

_MESH = plsc.VectorSubcoreMesh(core_axis_name="c", subcore_axis_name="s",
                               num_cores=1)


def _zero_rows(ref, n):
  z = jnp.zeros((D,), jnp.float32)

  def body(i, c):
    ref[i, :] = z
    return c

  lax.fori_loop(0, n, body, 0)


@functools.partial(
    pl.kernel,
    out_type=jax.ShapeDtypeStruct((NP, D), jnp.float32),
    mesh=_MESH,
    scratch_types=[
        pltpu.VMEM((CW,), jnp.float32),
        pltpu.VMEM((NPT,), jnp.float32),
        pltpu.VMEM((NPT, D), jnp.float32),
        pltpu.VMEM((NPT, D), jnp.float32),
        pltpu.VMEM((RPT0 * CW,), jnp.int32),
        pltpu.VMEM((RPT0 * CW,), jnp.int32),
        pltpu.VMEM((2, GS, CW, D), jnp.float32),
        pltpu.VMEM((D,), jnp.float32),
        pltpu.SemaphoreType.DMA,
        pltpu.SemaphoreType.DMA,
        pltpu.SemaphoreType.DMA,
        pltpu.VMEM_SHARED((NP,), jnp.float32),
        pltpu.VMEM_SHARED((NP, D), jnp.float32),
        pltpu.VMEM_SHARED((NP, D), jnp.float32),
        pltpu.VMEM_SHARED((NP, D), jnp.float32),
    ],
    compiler_params=pltpu.CompilerParams(needs_layout_passes=False, use_tc_tiling_on_sc=False),
)
def _prop_kernel(h1_hbm, e3_hbm, b1_hbm,
                 p2_hbm,
                 ones_v, dinv_v, g_v, s_v, si_v, di_v, rows_v, b1_v,
                 sem_g, sem_s0, sem_s1, deg_sh, g_sh, s1_sh, s2_sh):
  src_hbm = e3_hbm.at[0]
  dst_hbm = e3_hbm.at[1]

  t = lax.axis_index("s")
  nb = jnp.minimum(t * NPT, N - NPT)
  extra = (t < 4).astype(jnp.int32)
  nrows = RPTB + extra
  ebase = RPTB * t + jnp.minimum(t, 4)

  pltpu.sync_copy(b1_hbm, b1_v)

  @pl.when(t < 4)
  def _load_big():
    pltpu.sync_copy(src_hbm.at[pl.ds(ebase * CW, RPT0 * CW)], si_v)
    pltpu.sync_copy(dst_hbm.at[pl.ds(ebase * CW, RPT0 * CW)], di_v)

  @pl.when(t >= 4)
  def _load_small():
    pltpu.sync_copy(src_hbm.at[pl.ds(ebase * CW, RPTB * CW)],
                    si_v.at[pl.ds(0, RPTB * CW)])
    pltpu.sync_copy(dst_hbm.at[pl.ds(ebase * CW, RPTB * CW)],
                    di_v.at[pl.ds(0, RPTB * CW)])

  z16 = jnp.zeros((16,), jnp.float32)

  def zero_ones(i, c):
    ones_v[pl.ds(i * 16, 16)] = z16 + 1.0
    dinv_v[pl.ds(i * 16, 16)] = z16
    return c

  lax.fori_loop(0, CW // 16, zero_ones, 0)

  def zero_dinv(i, c):
    dinv_v[pl.ds(i * 16, 16)] = z16
    return c

  lax.fori_loop(CW // 16, NPT // 16, zero_dinv, 0)
  pltpu.sync_copy(dinv_v, deg_sh.at[pl.ds(nb, NPT)])

  _zero_rows(s_v, NPT)
  pltpu.sync_copy(s_v, s1_sh.at[pl.ds(nb, NPT)])
  pltpu.sync_copy(s_v, s2_sh.at[pl.ds(nb, NPT)])
  plsc.subcore_barrier()

  def hist_fire(r, c):
    pltpu.async_copy(ones_v, deg_sh.at[di_v.at[pl.ds(r * CW, CW)]], sem_s0,
                     add=True)
    return c

  lax.fori_loop(0, nrows, hist_fire, 0)

  pltpu.sync_copy(h1_hbm.at[pl.ds(nb, NPT)], g_v)

  def hist_drain(r, c):
    pltpu.make_async_copy(ones_v, deg_sh.at[di_v.at[pl.ds(0, CW)]],
                          sem_s0).wait()
    return c

  lax.fori_loop(0, nrows, hist_drain, 0)
  plsc.subcore_barrier()

  pltpu.sync_copy(deg_sh.at[pl.ds(nb, NPT)], dinv_v)

  def newton(i, c):
    d = dinv_v[pl.ds(i * 16, 16)] + 1.0
    bits = plsc.bitcast(d, jnp.int32)
    bits = jnp.int32(0x5F3759DF) - lax.shift_right_logical(bits, 1)
    y = plsc.bitcast(bits, jnp.float32)
    y = y * (1.5 - 0.5 * d * y * y)
    y = y * (1.5 - 0.5 * d * y * y)
    y = y * (1.5 - 0.5 * d * y * y)
    dinv_v[pl.ds(i * 16, 16)] = y
    return c

  lax.fori_loop(0, NPT // 16, newton, 0)

  def _splat(dvec, j):
    return dvec.at[jnp.full((16,), j, jnp.int32)].get(
        mode="promise_in_bounds")

  def scale(k, c):
    dvec = dinv_v[pl.ds(k * 16, 16)]
    for j in range(16):
      row = k * 16 + j
      g_v[row, :] = g_v[row, :] * _splat(dvec, j)
    return c

  lax.fori_loop(0, NPT // 16, scale, 0)
  pltpu.sync_copy(g_v, g_sh.at[pl.ds(nb, NPT)])
  plsc.subcore_barrier()

  def propagate(s_sh):
    sems = [sem_s0, sem_s1]

    def pair(p, c):
      for par in range(2):
        grp = p * 2 + par
        buf = rows_v.at[par]
        sem_s = sems[par]

        @pl.when(grp >= 2)
        def _drain():
          for j in range(GS):
            pltpu.make_async_copy(buf.at[j], s_sh.at[di_v.at[pl.ds(0, CW)]],
                                  sem_s).wait()

        gs = []
        for j in range(GS):
          row = grp * GS + j
          gs.append(pltpu.async_copy(g_sh.at[si_v.at[pl.ds(row * CW, CW)]],
                                     buf.at[j], sem_g))
        for j in range(GS):
          row = grp * GS + j
          gs[j].wait()
          pltpu.async_copy(buf.at[j], s_sh.at[di_v.at[pl.ds(row * CW, CW)]],
                           sem_s, add=True)
      return c

    lax.fori_loop(0, NG // 2, pair, 0)
    for j in range(GS):
      pltpu.make_async_copy(rows_v.at[1].at[j], s_sh.at[di_v.at[pl.ds(0, CW)]],
                            sem_s1).wait()

    @pl.when(t < 4)
    def _last_row():
      pltpu.sync_copy(g_sh.at[si_v.at[pl.ds(RPTB * CW, CW)]],
                      rows_v.at[1].at[0])
      pltpu.sync_copy(rows_v.at[1].at[0],
                      s_sh.at[di_v.at[pl.ds(RPTB * CW, CW)]], add=True)

    for j in range(GS):
      pltpu.make_async_copy(rows_v.at[0].at[j], s_sh.at[di_v.at[pl.ds(0, CW)]],
                            sem_s0).wait()

  propagate(s1_sh)
  plsc.subcore_barrier()

  pltpu.sync_copy(s1_sh.at[pl.ds(nb, NPT)], s_v)
  b1v = b1_v[...]

  def mid(k, c):
    dvec = dinv_v[pl.ds(k * 16, 16)]
    for j in range(16):
      row = k * 16 + j
      dj = _splat(dvec, j)
      r = (s_v[row, :] + g_v[row, :]) * dj + b1v
      g_v[row, :] = jnp.maximum(r, 0.0) * dj
    return c

  lax.fori_loop(0, NPT // 16, mid, 0)
  pltpu.sync_copy(g_v, g_sh.at[pl.ds(nb, NPT)])
  plsc.subcore_barrier()

  propagate(s2_sh)
  plsc.subcore_barrier()

  pltpu.sync_copy(s2_sh.at[pl.ds(nb, NPT)], s_v)

  def fin(k, c):
    dvec = dinv_v[pl.ds(k * 16, 16)]
    for j in range(16):
      row = k * 16 + j
      s_v[row, :] = (s_v[row, :] + g_v[row, :]) * _splat(dvec, j)
    return c

  lax.fori_loop(0, NPT // 16, fin, 0)
  pltpu.sync_copy(s_v, p2_hbm.at[pl.ds(nb, NPT)])


_BM = 2000


def _mm1_body(x_ref, w_ref, o_ref):
  o_ref[...] = jnp.dot(x_ref[...], w_ref[...],
                       preferred_element_type=jnp.float32)


def _mm2_body(p_ref, w_ref, b_ref, o_ref):
  o_ref[...] = jnp.dot(p_ref[...], w_ref[...],
                       preferred_element_type=jnp.float32) + b_ref[...]


def _mm1(x, W1):
  return pl.pallas_call(
      _mm1_body,
      grid=(N // _BM,),
      in_specs=[
          pl.BlockSpec((_BM, 128), lambda i: (i, 0)),
          pl.BlockSpec((128, D), lambda i: (0, 0)),
      ],
      out_specs=pl.BlockSpec((_BM, D), lambda i: (i, 0)),
      out_shape=jax.ShapeDtypeStruct((N, D), jnp.float32),
  )(x, W1)


_BM2 = 2000


def _mm2(p2, W2, b2):
  return pl.pallas_call(
      _mm2_body,
      grid=(N // _BM2,),
      in_specs=[
          pl.BlockSpec((_BM2, D), lambda i: (i, 0)),
          pl.BlockSpec((D, 128), lambda i: (0, 0)),
          pl.BlockSpec((1, 128), lambda i: (0, 0)),
      ],
      out_specs=pl.BlockSpec((_BM2, 128), lambda i: (i, 0)),
      out_shape=jax.ShapeDtypeStruct((N, 128), jnp.float32),
  )(p2, W2, b2)


@jax.jit
def kernel(x, edge_index, W1, b1, W2, b2):
  h1 = _mm1(x, W1)
  p2 = _prop_kernel(h1, edge_index, b1)
  out = _mm2(p2, W2, b2[None, :])
  return out

# --- scband reference (transcript-rebuilt; emitter-appended) ---
"""Pipeline reference for scband-model-41059887350378 (READ-ONLY COPY).

The authoritative reference and input builder live on the scoring server;
editing this copy changes nothing except your own understanding.
"""

import jax, jax.numpy as jnp
import numpy as np

N = 10000
E = 320000
D_IN = 128
HID = 16
D_OUT = 128


def setup_inputs(seed: int = 0) -> dict:
    key = jax.random.key(seed)
    k1, k2, k3, k4, k5, k6 = jax.random.split(key, 6)
    x = jax.random.normal(k1, (N, D_IN), dtype=jnp.float32)
    edge_index = jax.random.randint(k2, (2, E), 0, N, dtype=jnp.int32)
    W1 = jax.random.normal(k3, (D_IN, HID), dtype=jnp.float32) * (1.0 / np.sqrt(D_IN))
    b1 = jnp.zeros((HID,), dtype=jnp.float32)
    W2 = jax.random.normal(k4, (HID, D_OUT), dtype=jnp.float32) * (1.0 / np.sqrt(HID))
    b2 = jnp.zeros((D_OUT,), dtype=jnp.float32)
    return {"x": x, "edge_index": edge_index, "W1": W1, "b1": b1, "W2": W2, "b2": b2}


def _gcn_layer(x, edge_index, W, b):
    n = x.shape[0]
    src = edge_index[0]
    dst = edge_index[1]
    loop = jnp.arange(n, dtype=src.dtype)
    src = jnp.concatenate([src, loop])
    dst = jnp.concatenate([dst, loop])
    ones = jnp.ones(src.shape[0], dtype=x.dtype)
    deg = jax.ops.segment_sum(ones, dst, num_segments=n)
    dinv = jnp.where(deg > 0, jax.lax.rsqrt(deg), 0.0)
    norm = dinv[src] * dinv[dst]
    h = x @ W
    msg = h[src] * norm[:, None]
    out = jax.ops.segment_sum(msg, dst, num_segments=n)
    return out + b


def reference(x, edge_index, W1, b1, W2, b2):
    h = _gcn_layer(x, edge_index, W1, b1)
    h = jax.nn.relu(h)
    out = _gcn_layer(h, edge_index, W2, b2)
    return out

if __name__ == "__main__":
    import jax
    _d = setup_inputs()
    print(jax.jit(kernel)(*tuple(_d.values())))

</pallas_src>

<mosaic_0001>
#map = affine_map<(d0, d1) -> (0, 0)>
#map1 = affine_map<(d0, d1) -> (0)>
module attributes {stable_mosaic.version = 14 : i64} {
  func.func @_prop_kernel(%arg0: i32, %arg1: i32, %arg2: memref<10000x16xf32, #tpu.memory_space<hbm>>, %arg3: memref<2x320000xi32, #tpu.memory_space<hbm>>, %arg4: memref<16xf32, #tpu.memory_space<hbm>>, %arg5: memref<10000x16xf32, #tpu.memory_space<hbm>>, %arg6: memref<128xf32, #tpu.memory_space<vmem>>, %arg7: memref<640xf32, #tpu.memory_space<vmem>>, %arg8: memref<640x16xf32, #tpu.memory_space<vmem>>, %arg9: memref<640x16xf32, #tpu.memory_space<vmem>>, %arg10: memref<20096xi32, #tpu.memory_space<vmem>>, %arg11: memref<20096xi32, #tpu.memory_space<vmem>>, %arg12: memref<2x6x128x16xf32, #tpu.memory_space<vmem>>, %arg13: memref<16xf32, #tpu.memory_space<vmem>>, %arg14: memref<!tpu.dma_semaphore, #tpu.memory_space<semaphore_mem>>, %arg15: memref<!tpu.dma_semaphore, #tpu.memory_space<semaphore_mem>>, %arg16: memref<!tpu.dma_semaphore, #tpu.memory_space<semaphore_mem>>, %arg17: memref<10000xf32, #tpu.memory_space<vmem_shared>>, %arg18: memref<10000x16xf32, #tpu.memory_space<vmem_shared>>, %arg19: memref<10000x16xf32, #tpu.memory_space<vmem_shared>>, %arg20: memref<10000x16xf32, #tpu.memory_space<vmem_shared>>) attributes {dimension_semantics = [#tpu.dimension_semantics<core_parallel>, #tpu.dimension_semantics<subcore_parallel>], iteration_bounds = array<i64: 1, 16>, scalar_prefetch = 0 : i64, scratch_operands = 15 : i64, tpu.core_type = #tpu.core_type<sc_vector_subcore>, window_params = [{transform_indices = #map}, {transform_indices = #map}, {transform_indices = #map1}, {transform_indices = #map}]} {
    %mul3A = arith.constant 640 : i32
    %mul3A_0 = arith.muli %arg1, %mul3A : i32
    %min3A = arith.constant 9360 : i32
    %min3A_1 = arith.minsi %mul3A_0, %min3A : i32
    %lt3A = arith.constant 4 : i32
    %lt3A_2 = arith.cmpi slt, %arg1, %lt3A : i32
    %convert_element_type3A = arith.extui %lt3A_2 : i1 to i32
    %add3A = arith.constant 156 : i32
    %add3A_3 = arith.addi %add3A, %convert_element_type3A : i32
    %mul3A_4 = arith.constant 156 : i32
    %mul3A_5 = arith.muli %mul3A_4, %arg1 : i32
    %min3A_6 = arith.constant 4 : i32
    %min3A_7 = arith.minsi %arg1, %min3A_6 : i32
    %add3A_8 = arith.addi %mul3A_5, %min3A_7 : i32
    "tpu.region"() ({
      %run_scoped3A = tpu.sem_alloc : memref<!tpu.dma_semaphore, #tpu.memory_space<semaphore_mem>>
      tpu.enqueue_dma source(%arg4 : memref<16xf32, #tpu.memory_space<hbm>>) target(%arg13 : memref<16xf32, #tpu.memory_space<vmem>>) target_semaphore(%run_scoped3A : memref<!tpu.dma_semaphore, #tpu.memory_space<semaphore_mem>>)
      tpu.wait_dma2 semaphore(%run_scoped3A : memref<!tpu.dma_semaphore, #tpu.memory_space<semaphore_mem>>) src(%arg4 : memref<16xf32, #tpu.memory_space<hbm>>) dst(%arg13 : memref<16xf32, #tpu.memory_space<vmem>>)
      tpu.yield
    }) : () -> ()
    %lt3A_9 = arith.constant 4 : i32
    %lt3A_10 = arith.cmpi slt, %arg1, %lt3A_9 : i32
    %convert_element_type3A_11 = arith.extui %lt3A_10 : i1 to i32
    %cond3A = arith.constant 0 : i32
    %cond3A_12 = arith.constant 1 : i32
    %cond3A_13 = arith.constant 0 : i32
    %cond3A_14 = arith.cmpi ne, %convert_element_type3A_11, %cond3A_13 : i32
    scf.if %cond3A_14 {
      %mul3A_495 = arith.constant 128 : i32
      %mul3A_496 = arith.muli %add3A_8, %mul3A_495 : i32
      "tpu.region"() ({
        %run_scoped3A = tpu.sem_alloc : memref<!tpu.dma_semaphore, #tpu.memory_space<semaphore_mem>>
        %dma_start3A = arith.constant 0 : i32
        %dma_start3A_499 = tpu.memref_slice %arg3[%cond3A, %dma_start3A] : memref<2x320000xi32, #tpu.memory_space<hbm>> -> memref<1x320000xi32, #tpu.memory_space<hbm>>
        %dma_start3A_500 = tpu.memref_squeeze %dma_start3A_499 : memref<1x320000xi32, #tpu.memory_space<hbm>> -> memref<320000xi32, #tpu.memory_space<hbm>>
        %dma_start3A_501 = tpu.memref_slice %dma_start3A_500[%mul3A_496] : memref<320000xi32, #tpu.memory_space<hbm>> -> memref<20096xi32, #tpu.memory_space<hbm>>
        %dma_start3A_502 = arith.constant 0 : i32
        %dma_start3A_503 = tpu.memref_slice %arg3[%cond3A, %dma_start3A_502] : memref<2x320000xi32, #tpu.memory_space<hbm>> -> memref<1x320000xi32, #tpu.memory_space<hbm>>
        %dma_start3A_504 = tpu.memref_squeeze %dma_start3A_503 : memref<1x320000xi32, #tpu.memory_space<hbm>> -> memref<320000xi32, #tpu.memory_space<hbm>>
        %dma_start3A_505 = tpu.memref_slice %dma_start3A_504[%mul3A_496] : memref<320000xi32, #tpu.memory_space<hbm>> -> memref<20096xi32, #tpu.memory_space<hbm>>
        tpu.enqueue_dma source(%dma_start3A_505 : memref<20096xi32, #tpu.memory_space<hbm>>) target(%arg10 : memref<20096xi32, #tpu.memory_space<vmem>>) target_semaphore(%run_scoped3A : memref<!tpu.dma_semaphore, #tpu.memory_space<semaphore_mem>>)
        %dma_wait3A_506 = arith.constant 0 : i32
        %dma_wait3A_507 = tpu.memref_slice %arg3[%cond3A, %dma_wait3A_506] : memref<2x320000xi32, #tpu.memory_space<hbm>> -> memref<1x320000xi32, #tpu.memory_space<hbm>>
        %dma_wait3A_508 = tpu.memref_squeeze %dma_wait3A_507 : memref<1x320000xi32, #tpu.memory_space<hbm>> -> memref<320000xi32, #tpu.memory_space<hbm>>
        %dma_wait3A_509 = tpu.memref_slice %dma_wait3A_508[%mul3A_496] : memref<320000xi32, #tpu.memory_space<hbm>> -> memref<20096xi32, #tpu.memory_space<hbm>>
        %dma_wait3A_510 = arith.constant 0 : i32
        %dma_wait3A_511 = tpu.memref_slice %arg3[%cond3A, %dma_wait3A_510] : memref<2x320000xi32, #tpu.memory_space<hbm>> -> memref<1x320000xi32, #tpu.memory_space<hbm>>
        %dma_wait3A_512 = tpu.memref_squeeze %dma_wait3A_511 : memref<1x320000xi32, #tpu.memory_space<hbm>> -> memref<320000xi32, #tpu.memory_space<hbm>>
        %dma_wait3A_513 = tpu.memref_slice %dma_wait3A_512[%mul3A_496] : memref<320000xi32, #tpu.memory_space<hbm>> -> memref<20096xi32, #tpu.memory_space<hbm>>
        tpu.wait_dma2 semaphore(%run_scoped3A : memref<!tpu.dma_semaphore, #tpu.memory_space<semaphore_mem>>) src(%dma_wait3A_513 : memref<20096xi32, #tpu.memory_space<hbm>>) dst(%arg10 : memref<20096xi32, #tpu.memory_space<vmem>>)
        tpu.yield
      }) : () -> ()
      %mul3A_497 = arith.constant 128 : i32
      %mul3A_498 = arith.muli %add3A_8, %mul3A_497 : i32
      "tpu.region"() ({
        %run_scoped3A = tpu.sem_alloc : memref<!tpu.dma_semaphore, #tpu.memory_space<semaphore_mem>>
        %dma_start3A = arith.constant 0 : i32
        %dma_start3A_499 = tpu.memref_slice %arg3[%cond3A_12, %dma_start3A] : memref<2x320000xi32, #tpu.memory_space<hbm>> -> memref<1x320000xi32, #tpu.memory_space<hbm>>
        %dma_start3A_500 = tpu.memref_squeeze %dma_start3A_499 : memref<1x320000xi32, #tpu.memory_space<hbm>> -> memref<320000xi32, #tpu.memory_space<hbm>>
        %dma_start3A_501 = tpu.memref_slice %dma_start3A_500[%mul3A_498] : memref<320000xi32, #tpu.memory_space<hbm>> -> memref<20096xi32, #tpu.memory_space<hbm>>
        %dma_start3A_502 = arith.constant 0 : i32
        %dma_start3A_503 = tpu.memref_slice %arg3[%cond3A_12, %dma_start3A_502] : memref<2x320000xi32, #tpu.memory_space<hbm>> -> memref<1x320000xi32, #tpu.memory_space<hbm>>
        %dma_start3A_504 = tpu.memref_squeeze %dma_start3A_503 : memref<1x320000xi32, #tpu.memory_space<hbm>> -> memref<320000xi32, #tpu.memory_space<hbm>>
        %dma_start3A_505 = tpu.memref_slice %dma_start3A_504[%mul3A_498] : memref<320000xi32, #tpu.memory_space<hbm>> -> memref<20096xi32, #tpu.memory_space<hbm>>
        tpu.enqueue_dma source(%dma_start3A_505 : memref<20096xi32, #tpu.memory_space<hbm>>) target(%arg11 : memref<20096xi32, #tpu.memory_space<vmem>>) target_semaphore(%run_scoped3A : memref<!tpu.dma_semaphore, #tpu.memory_space<semaphore_mem>>)
        %dma_wait3A_506 = arith.constant 0 : i32
        %dma_wait3A_507 = tpu.memref_slice %arg3[%cond3A_12, %dma_wait3A_506] : memref<2x320000xi32, #tpu.memory_space<hbm>> -> memref<1x320000xi32, #tpu.memory_space<hbm>>
        %dma_wait3A_508 = tpu.memref_squeeze %dma_wait3A_507 : memref<1x320000xi32, #tpu.memory_space<hbm>> -> memref<320000xi32, #tpu.memory_space<hbm>>
        %dma_wait3A_509 = tpu.memref_slice %dma_wait3A_508[%mul3A_498] : memref<320000xi32, #tpu.memory_space<hbm>> -> memref<20096xi32, #tpu.memory_space<hbm>>
        %dma_wait3A_510 = arith.constant 0 : i32
        %dma_wait3A_511 = tpu.memref_slice %arg3[%cond3A_12, %dma_wait3A_510] : memref<2x320000xi32, #tpu.memory_space<hbm>> -> memref<1x320000xi32, #tpu.memory_space<hbm>>
        %dma_wait3A_512 = tpu.memref_squeeze %dma_wait3A_511 : memref<1x320000xi32, #tpu.memory_space<hbm>> -> memref<320000xi32, #tpu.memory_space<hbm>>
        %dma_wait3A_513 = tpu.memref_slice %dma_wait3A_512[%mul3A_498] : memref<320000xi32, #tpu.memory_space<hbm>> -> memref<20096xi32, #tpu.memory_space<hbm>>
        tpu.wait_dma2 semaphore(%run_scoped3A : memref<!tpu.dma_semaphore, #tpu.memory_space<semaphore_mem>>) src(%dma_wait3A_513 : memref<20096xi32, #tpu.memory_space<hbm>>) dst(%arg11 : memref<20096xi32, #tpu.memory_space<vmem>>)
        tpu.yield
      }) : () -> ()
    } else {
    }
    %ge3A = arith.constant 4 : i32
    %ge3A_15 = arith.cmpi sge, %arg1, %ge3A : i32
    %convert_element_type3A_16 = arith.extui %ge3A_15 : i1 to i32
    %cond3A_17 = arith.constant 0 : i32
    %cond3A_18 = arith.constant 1 : i32
    %cond3A_19 = arith.constant 0 : i32
    %cond3A_20 = arith.cmpi ne, %convert_element_type3A_16, %cond3A_19 : i32
    scf.if %cond3A_20 {
      %mul3A_495 = arith.constant 128 : i32
      %mul3A_496 = arith.muli %add3A_8, %mul3A_495 : i32
      "tpu.region"() ({
        %run_scoped3A = tpu.sem_alloc : memref<!tpu.dma_semaphore, #tpu.memory_space<semaphore_mem>>
        %dma_start3A = arith.constant 0 : i32
        %dma_start3A_499 = tpu.memref_slice %arg10[%dma_start3A] : memref<20096xi32, #tpu.memory_space<vmem>> -> memref<19968xi32, #tpu.memory_space<vmem>>
        %dma_start3A_500 = arith.constant 0 : i32
        %dma_start3A_501 = tpu.memref_slice %arg3[%cond3A_17, %dma_start3A_500] : memref<2x320000xi32, #tpu.memory_space<hbm>> -> memref<1x320000xi32, #tpu.memory_space<hbm>>
        %dma_start3A_502 = tpu.memref_squeeze %dma_start3A_501 : memref<1x320000xi32, #tpu.memory_space<hbm>> -> memref<320000xi32, #tpu.memory_space<hbm>>
        %dma_start3A_503 = tpu.memref_slice %dma_start3A_502[%mul3A_496] : memref<320000xi32, #tpu.memory_space<hbm>> -> memref<19968xi32, #tpu.memory_space<hbm>>
        %dma_start3A_504 = arith.constant 0 : i32
        %dma_start3A_505 = tpu.memref_slice %arg10[%dma_start3A_504] : memref<20096xi32, #tpu.memory_space<vmem>> -> memref<19968xi32, #tpu.memory_space<vmem>>
        %dma_start3A_506 = arith.constant 0 : i32
        %dma_start3A_507 = tpu.memref_slice %arg3[%cond3A_17, %dma_start3A_506] : memref<2x320000xi32, #tpu.memory_space<hbm>> -> memref<1x320000xi32, #tpu.memory_space<hbm>>
        %dma_start3A_508 = tpu.memref_squeeze %dma_start3A_507 : memref<1x320000xi32, #tpu.memory_space<hbm>> -> memref<320000xi32, #tpu.memory_space<hbm>>
        %dma_start3A_509 = tpu.memref_slice %dma_start3A_508[%mul3A_496] : memref<320000xi32, #tpu.memory_space<hbm>> -> memref<19968xi32, #tpu.memory_space<hbm>>
        tpu.enqueue_dma source(%dma_start3A_509 : memref<19968xi32, #tpu.memory_space<hbm>>) target(%dma_start3A_505 : memref<19968xi32, #tpu.memory_space<vmem>>) target_semaphore(%run_scoped3A : memref<!tpu.dma_semaphore, #tpu.memory_space<semaphore_mem>>)
        %dma_wait3A_510 = arith.constant 0 : i32
        %dma_wait3A_511 = tpu.memref_slice %arg10[%dma_wait3A_510] : memref<20096xi32, #tpu.memory_space<vmem>> -> memref<19968xi32, #tpu.memory_space<vmem>>
        %dma_wait3A_512 = arith.constant 0 : i32
        %dma_wait3A_513 = tpu.memref_slice %arg3[%cond3A_17, %dma_wait3A_512] : memref<2x320000xi32, #tpu.memory_space<hbm>> -> memref<1x320000xi32, #tpu.memory_space<hbm>>
        %dma_wait3A_514 = tpu.memref_squeeze %dma_wait3A_513 : memref<1x320000xi32, #tpu.memory_space<hbm>> -> memref<320000xi32, #tpu.memory_space<hbm>>
        %dma_wait3A_515 = tpu.memref_slice %dma_wait3A_514[%mul3A_496] : memref<320000xi32, #tpu.memory_space<hbm>> -> memref<19968xi32, #tpu.memory_space<hbm>>
        %dma_wait3A_516 = arith.constant 0 : i32
        %dma_wait3A_517 = tpu.memref_slice %arg10[%dma_wait3A_516] : memref<20096xi32, #tpu.memory_space<vmem>> -> memref<19968xi32, #tpu.memory_space<vmem>>
        %dma_wait3A_518 = arith.constant 0 : i32
        %dma_wait3A_519 = tpu.memref_slice %arg3[%cond3A_17, %dma_wait3A_518] : memref<2x320000xi32, #tpu.memory_space<hbm>> -> memref<1x320000xi32, #tpu.memory_space<hbm>>
        %dma_wait3A_520 = tpu.memref_squeeze %dma_wait3A_519 : memref<1x320000xi32, #tpu.memory_space<hbm>> -> memref<320000xi32, #tpu.memory_space<hbm>>
        %dma_wait3A_521 = tpu.memref_slice %dma_wait3A_520[%mul3A_496] : memref<320000xi32, #tpu.memory_space<hbm>> -> memref<19968xi32, #tpu.memory_space<hbm>>
        tpu.wait_dma2 semaphore(%run_scoped3A : memref<!tpu.dma_semaphore, #tpu.memory_space<semaphore_mem>>) src(%dma_wait3A_521 : memref<19968xi32, #tpu.memory_space<hbm>>) dst(%dma_wait3A_517 : memref<19968xi32, #tpu.memory_space<vmem>>)
        tpu.yield
      }) : () -> ()
      %mul3A_497 = arith.constant 128 : i32
      %mul3A_498 = arith.muli %add3A_8, %mul3A_497 : i32
      "tpu.region"() ({
        %run_scoped3A = tpu.sem_alloc : memref<!tpu.dma_semaphore, #tpu.memory_space<semaphore_mem>>
        %dma_start3A = arith.constant 0 : i32
        %dma_start3A_499 = tpu.memref_slice %arg11[%dma_start3A] : memref<20096xi32, #tpu.memory_space<vmem>> -> memref<19968xi32, #tpu.memory_space<vmem>>
        %dma_start3A_500 = arith.constant 0 : i32
        %dma_start3A_501 = tpu.memref_slice %arg3[%cond3A_18, %dma_start3A_500] : memref<2x320000xi32, #tpu.memory_space<hbm>> -> memref<1x320000xi32, #tpu.memory_space<hbm>>
        %dma_start3A_502 = tpu.memref_squeeze %dma_start3A_501 : memref<1x320000xi32, #tpu.memory_space<hbm>> -> memref<320000xi32, #tpu.memory_space<hbm>>
        %dma_start3A_503 = tpu.memref_slice %dma_start3A_502[%mul3A_498] : memref<320000xi32, #tpu.memory_space<hbm>> -> memref<19968xi32, #tpu.memory_space<hbm>>
        %dma_start3A_504 = arith.constant 0 : i32
        %dma_start3A_505 = tpu.memref_slice %arg11[%dma_start3A_504] : memref<20096xi32, #tpu.memory_space<vmem>> -> memref<19968xi32, #tpu.memory_space<vmem>>
        %dma_start3A_506 = arith.constant 0 : i32
        %dma_start3A_507 = tpu.memref_slice %arg3[%cond3A_18, %dma_start3A_506] : memref<2x320000xi32, #tpu.memory_space<hbm>> -> memref<1x320000xi32, #tpu.memory_space<hbm>>
        %dma_start3A_508 = tpu.memref_squeeze %dma_start3A_507 : memref<1x320000xi32, #tpu.memory_space<hbm>> -> memref<320000xi32, #tpu.memory_space<hbm>>
        %dma_start3A_509 = tpu.memref_slice %dma_start3A_508[%mul3A_498] : memref<320000xi32, #tpu.memory_space<hbm>> -> memref<19968xi32, #tpu.memory_space<hbm>>
        tpu.enqueue_dma source(%dma_start3A_509 : memref<19968xi32, #tpu.memory_space<hbm>>) target(%dma_start3A_505 : memref<19968xi32, #tpu.memory_space<vmem>>) target_semaphore(%run_scoped3A : memref<!tpu.dma_semaphore, #tpu.memory_space<semaphore_mem>>)
        %dma_wait3A_510 = arith.constant 0 : i32
        %dma_wait3A_511 = tpu.memref_slice %arg11[%dma_wait3A_510] : memref<20096xi32, #tpu.memory_space<vmem>> -> memref<19968xi32, #tpu.memory_space<vmem>>
        %dma_wait3A_512 = arith.constant 0 : i32
        %dma_wait3A_513 = tpu.memref_slice %arg3[%cond3A_18, %dma_wait3A_512] : memref<2x320000xi32, #tpu.memory_space<hbm>> -> memref<1x320000xi32, #tpu.memory_space<hbm>>
        %dma_wait3A_514 = tpu.memref_squeeze %dma_wait3A_513 : memref<1x320000xi32, #tpu.memory_space<hbm>> -> memref<320000xi32, #tpu.memory_space<hbm>>
        %dma_wait3A_515 = tpu.memref_slice %dma_wait3A_514[%mul3A_498] : memref<320000xi32, #tpu.memory_space<hbm>> -> memref<19968xi32, #tpu.memory_space<hbm>>
        %dma_wait3A_516 = arith.constant 0 : i32
        %dma_wait3A_517 = tpu.memref_slice %arg11[%dma_wait3A_516] : memref<20096xi32, #tpu.memory_space<vmem>> -> memref<19968xi32, #tpu.memory_space<vmem>>
        %dma_wait3A_518 = arith.constant 0 : i32
        %dma_wait3A_519 = tpu.memref_slice %arg3[%cond3A_18, %dma_wait3A_518] : memref<2x320000xi32, #tpu.memory_space<hbm>> -> memref<1x320000xi32, #tpu.memory_space<hbm>>
        %dma_wait3A_520 = tpu.memref_squeeze %dma_wait3A_519 : memref<1x320000xi32, #tpu.memory_space<hbm>> -> memref<320000xi32, #tpu.memory_space<hbm>>
        %dma_wait3A_521 = tpu.memref_slice %dma_wait3A_520[%mul3A_498] : memref<320000xi32, #tpu.memory_space<hbm>> -> memref<19968xi32, #tpu.memory_space<hbm>>
        tpu.wait_dma2 semaphore(%run_scoped3A : memref<!tpu.dma_semaphore, #tpu.memory_space<semaphore_mem>>) src(%dma_wait3A_521 : memref<19968xi32, #tpu.memory_space<hbm>>) dst(%dma_wait3A_517 : memref<19968xi32, #tpu.memory_space<vmem>>)
        tpu.yield
      }) : () -> ()
    } else {
    }
    %broadcast_in_dim3A = arith.constant 0.000000e+00 : f32
    %broadcast_in_dim3A_21 = vector.broadcast %broadcast_in_dim3A : f32 to vector<16xf32>
    %scan3A = arith.constant 0 : i32
    %scan3A_22 = arith.constant 0 : i32
    %scan3A_23 = arith.constant 8 : i32
    %scan3A_24 = arith.addi %scan3A_22, %scan3A_23 : i32
    %scan3A_25 = arith.constant 1 : i32
    scf.for %scan3A_495 = %scan3A_22 to %scan3A_24 step %scan3A_25  : i32 {
      %add3A_496 = arith.constant 1.000000e+00 : f32
      %add3A_497 = vector.broadcast %add3A_496 : f32 to vector<16xf32>
      %add3A_498 = arith.addf %broadcast_in_dim3A_21, %add3A_497 : vector<16xf32>
      %mul3A_499 = arith.constant 16 : i32
      %mul3A_500 = arith.muli %scan3A_495, %mul3A_499 : i32
      %swap3A = arith.index_cast %mul3A_500 : i32 to index
      %swap3A_501 = tpu.vector_load %arg6[%swap3A] {strides = array<i32>} : memref<128xf32, #tpu.memory_space<vmem>>, vector<16xf32>,
      tpu.vector_store %arg6[%swap3A], %add3A_498 {strides = array<i32>} : memref<128xf32, #tpu.memory_space<vmem>>, vector<16xf32>,
      %mul3A_502 = arith.constant 16 : i32
      %mul3A_503 = arith.muli %scan3A_495, %mul3A_502 : i32
      %swap3A_504 = arith.index_cast %mul3A_503 : i32 to index
      %swap3A_505 = tpu.vector_load %arg7[%swap3A_504] {strides = array<i32>} : memref<640xf32, #tpu.memory_space<vmem>>, vector<16xf32>,
      tpu.vector_store %arg7[%swap3A_504], %broadcast_in_dim3A_21 {strides = array<i32>} : memref<640xf32, #tpu.memory_space<vmem>>, vector<16xf32>,
    }
    %scan3A_26 = arith.constant 8 : i32
    %scan3A_27 = arith.constant 0 : i32
    %scan3A_28 = arith.constant 8 : i32
    %scan3A_29 = arith.constant 32 : i32
    %scan3A_30 = arith.addi %scan3A_28, %scan3A_29 : i32
    %scan3A_31 = arith.constant 1 : i32
    scf.for %scan3A_495 = %scan3A_28 to %scan3A_30 step %scan3A_31  : i32 {
      %mul3A_496 = arith.constant 16 : i32
      %mul3A_497 = arith.muli %scan3A_495, %mul3A_496 : i32
      %swap3A = arith.index_cast %mul3A_497 : i32 to index
      %swap3A_498 = tpu.vector_load %arg7[%swap3A] {strides = array<i32>} : memref<640xf32, #tpu.memory_space<vmem>>, vector<16xf32>,
      tpu.vector_store %arg7[%swap3A], %broadcast_in_dim3A_21 {strides = array<i32>} : memref<640xf32, #tpu.memory_space<vmem>>, vector<16xf32>,
    }
    %scan3A_32 = arith.constant 32 : i32
    "tpu.region"() ({
      %run_scoped3A = tpu.sem_alloc : memref<!tpu.dma_semaphore, #tpu.memory_space<semaphore_mem>>
      %dma_start3A = tpu.memref_slice %arg17[%min3A_1] : memref<10000xf32, #tpu.memory_space<vmem_shared>> -> memref<640xf32, #tpu.memory_space<vmem_shared>>
      %dma_start3A_495 = tpu.memref_slice %arg17[%min3A_1] : memref<10000xf32, #tpu.memory_space<vmem_shared>> -> memref<640xf32, #tpu.memory_space<vmem_shared>>
      tpu.enqueue_dma source(%arg7 : memref<640xf32, #tpu.memory_space<vmem>>) target(%dma_start3A_495 : memref<640xf32, #tpu.memory_space<vmem_shared>>) target_semaphore(%run_scoped3A : memref<!tpu.dma_semaphore, #tpu.memory_space<semaphore_mem>>)
      %dma_wait3A_496 = tpu.memref_slice %arg17[%min3A_1] : memref<10000xf32, #tpu.memory_space<vmem_shared>> -> memref<640xf32, #tpu.memory_space<vmem_shared>>
      %dma_wait3A_497 = tpu.memref_slice %arg17[%min3A_1] : memref<10000xf32, #tpu.memory_space<vmem_shared>> -> memref<640xf32, #tpu.memory_space<vmem_shared>>
      tpu.wait_dma2 semaphore(%run_scoped3A : memref<!tpu.dma_semaphore, #tpu.memory_space<semaphore_mem>>) src(%arg7 : memref<640xf32, #tpu.memory_space<vmem>>) dst(%dma_wait3A_497 : memref<640xf32, #tpu.memory_space<vmem_shared>>)
      tpu.yield
    }) : () -> ()
    %broadcast_in_dim3A_33 = arith.constant 0.000000e+00 : f32
    %broadcast_in_dim3A_34 = vector.broadcast %broadcast_in_dim3A_33 : f32 to vector<16xf32>
    %scan3A_35 = arith.constant 0 : i32
    %scan3A_36 = arith.constant 0 : i32
    %scan3A_37 = arith.constant 640 : i32
    %scan3A_38 = arith.addi %scan3A_36, %scan3A_37 : i32
    %scan3A_39 = arith.constant 1 : i32
    scf.for %scan3A_495 = %scan3A_36 to %scan3A_38 step %scan3A_39  : i32 {
      %swap3A = arith.index_cast %scan3A_495 : i32 to index
      %swap3A_496 = arith.constant 0 : index
      %swap3A_497 = tpu.vector_load %arg9[%swap3A, %swap3A_496] {strides = array<i32>} : memref<640x16xf32, #tpu.memory_space<vmem>>, vector<16xf32>,
      tpu.vector_store %arg9[%swap3A, %swap3A_496], %broadcast_in_dim3A_34 {strides = array<i32>} : memref<640x16xf32, #tpu.memory_space<vmem>>, vector<16xf32>,
    }
    %scan3A_40 = arith.constant 640 : i32
    "tpu.region"() ({
      %run_scoped3A = tpu.sem_alloc : memref<!tpu.dma_semaphore, #tpu.memory_space<semaphore_mem>>
      %dma_start3A = arith.constant 0 : i32
      %dma_start3A_495 = tpu.memref_slice %arg19[%min3A_1, %dma_start3A] : memref<10000x16xf32, #tpu.memory_space<vmem_shared>> -> memref<640x16xf32, #tpu.memory_space<vmem_shared>>
      %dma_start3A_496 = arith.constant 0 : i32
      %dma_start3A_497 = tpu.memref_slice %arg19[%min3A_1, %dma_start3A_496] : memref<10000x16xf32, #tpu.memory_space<vmem_shared>> -> memref<640x16xf32, #tpu.memory_space<vmem_shared>>
      tpu.enqueue_dma source(%arg9 : memref<640x16xf32, #tpu.memory_space<vmem>>) target(%dma_start3A_497 : memref<640x16xf32, #tpu.memory_space<vmem_shared>>) target_semaphore(%run_scoped3A : memref<!tpu.dma_semaphore, #tpu.memory_space<semaphore_mem>>)
      %dma_wait3A_498 = arith.constant 0 : i32
      %dma_wait3A_499 = tpu.memref_slice %arg19[%min3A_1, %dma_wait3A_498] : memref<10000x16xf32, #tpu.memory_space<vmem_shared>> -> memref<640x16xf32, #tpu.memory_space<vmem_shared>>
      %dma_wait3A_500 = arith.constant 0 : i32
      %dma_wait3A_501 = tpu.memref_slice %arg19[%min3A_1, %dma_wait3A_500] : memref<10000x16xf32, #tpu.memory_space<vmem_shared>> -> memref<640x16xf32, #tpu.memory_space<vmem_shared>>
      tpu.wait_dma2 semaphore(%run_scoped3A : memref<!tpu.dma_semaphore, #tpu.memory_space<semaphore_mem>>) src(%arg9 : memref<640x16xf32, #tpu.memory_space<vmem>>) dst(%dma_wait3A_501 : memref<640x16xf32, #tpu.memory_space<vmem_shared>>)
      tpu.yield
    }) : () -> ()
    "tpu.region"() ({
      %run_scoped3A = tpu.sem_alloc : memref<!tpu.dma_semaphore, #tpu.memory_space<semaphore_mem>>
      %dma_start3A = arith.constant 0 : i32
      %dma_start3A_495 = tpu.memref_slice %arg20[%min3A_1, %dma_start3A] : memref<10000x16xf32, #tpu.memory_space<vmem_shared>> -> memref<640x16xf32, #tpu.memory_space<vmem_shared>>
      %dma_start3A_496 = arith.constant 0 : i32
      %dma_start3A_497 = tpu.memref_slice %arg20[%min3A_1, %dma_start3A_496] : memref<10000x16xf32, #tpu.memory_space<vmem_shared>> -> memref<640x16xf32, #tpu.memory_space<vmem_shared>>
      tpu.enqueue_dma source(%arg9 : memref<640x16xf32, #tpu.memory_space<vmem>>) target(%dma_start3A_497 : memref<640x16xf32, #tpu.memory_space<vmem_shared>>) target_semaphore(%run_scoped3A : memref<!tpu.dma_semaphore, #tpu.memory_space<semaphore_mem>>)
      %dma_wait3A_498 = arith.constant 0 : i32
      %dma_wait3A_499 = tpu.memref_slice %arg20[%min3A_1, %dma_wait3A_498] : memref<10000x16xf32, #tpu.memory_space<vmem_shared>> -> memref<640x16xf32, #tpu.memory_space<vmem_shared>>
      %dma_wait3A_500 = arith.constant 0 : i32
      %dma_wait3A_501 = tpu.memref_slice %arg20[%min3A_1, %dma_wait3A_500] : memref<10000x16xf32, #tpu.memory_space<vmem_shared>> -> memref<640x16xf32, #tpu.memory_space<vmem_shared>>
      tpu.wait_dma2 semaphore(%run_scoped3A : memref<!tpu.dma_semaphore, #tpu.memory_space<semaphore_mem>>) src(%arg9 : memref<640x16xf32, #tpu.memory_space<vmem>>) dst(%dma_wait3A_501 : memref<640x16xf32, #tpu.memory_space<vmem_shared>>)
      tpu.yield
    }) : () -> ()
    %barrier3A = arith.constant 0 : index
    tpu.barrier barrier_id(%barrier3A)
    %while3A = arith.constant 0 : i32
    %while3A_41 = arith.constant 0 : i32
    %while3A_42 = arith.subi %add3A_3, %while3A_41 : i32
    %while3A_43 = arith.addi %while3A_41, %while3A_42 : i32
    %while3A_44 = arith.constant 1 : i32
    %while3A_45 = arith.divsi %while3A_42, %while3A_44 : i32
    %while3A_46 = arith.muli %while3A_45, %while3A_44 : i32
    %while3A_47 = arith.addi %while3A_41, %while3A_46 : i32
    %while3A_48 = arith.constant 1 : i32
    scf.for %while3A_495 = %while3A_41 to %while3A_47 step %while3A_48  : i32 {
      %mul3A_496 = arith.constant 128 : i32
      %mul3A_497 = arith.muli %while3A_495, %mul3A_496 : i32
      %dma_start3A = tpu.memref_slice %arg11[%mul3A_497] : memref<20096xi32, #tpu.memory_space<vmem>> -> memref<128xi32, #tpu.memory_space<vmem>>
      %dma_start3A_498 = arith.constant 0 : i32
      %dma_start3A_499 = tpu.memref_slice %arg17[%dma_start3A_498] : memref<10000xf32, #tpu.memory_space<vmem_shared>> -> memref<10000xf32, #tpu.memory_space<vmem_shared>>
      tpu.enqueue_indirect_dma source(%arg6 : memref<128xf32, #tpu.memory_space<vmem>>) target(%dma_start3A_499 : memref<10000xf32, #tpu.memory_space<vmem_shared>>) offsets(%dma_start3A : memref<128xi32, #tpu.memory_space<vmem>>) semaphore(%arg15 : memref<!tpu.dma_semaphore, #tpu.memory_space<semaphore_mem>>) {add = true}
    }
    %while3A_49 = arith.constant 1 : i32
    scf.for %while3A_495 = %while3A_47 to %while3A_43 step %while3A_49  : i32 {
      %mul3A_496 = arith.constant 128 : i32
      %mul3A_497 = arith.muli %while3A_495, %mul3A_496 : i32
      %dma_start3A = tpu.memref_slice %arg11[%mul3A_497] : memref<20096xi32, #tpu.memory_space<vmem>> -> memref<128xi32, #tpu.memory_space<vmem>>
      %dma_start3A_498 = arith.constant 0 : i32
      %dma_start3A_499 = tpu.memref_slice %arg17[%dma_start3A_498] : memref<10000xf32, #tpu.memory_space<vmem_shared>> -> memref<10000xf32, #tpu.memory_space<vmem_shared>>
      tpu.enqueue_indirect_dma source(%arg6 : memref<128xf32, #tpu.memory_space<vmem>>) target(%dma_start3A_499 : memref<10000xf32, #tpu.memory_space<vmem_shared>>) offsets(%dma_start3A : memref<128xi32, #tpu.memory_space<vmem>>) semaphore(%arg15 : memref<!tpu.dma_semaphore, #tpu.memory_space<semaphore_mem>>) {add = true}
    }
    "tpu.region"() ({
      %run_scoped3A = tpu.sem_alloc : memref<!tpu.dma_semaphore, #tpu.memory_space<semaphore_mem>>
      %dma_start3A = arith.constant 0 : i32
      %dma_start3A_495 = tpu.memref_slice %arg2[%min3A_1, %dma_start3A] : memref<10000x16xf32, #tpu.memory_space<hbm>> -> memref<640x16xf32, #tpu.memory_space<hbm>>
      %dma_start3A_496 = arith.constant 0 : i32
      %dma_start3A_497 = tpu.memref_slice %arg2[%min3A_1, %dma_start3A_496] : memref<10000x16xf32, #tpu.memory_space<hbm>> -> memref<640x16xf32, #tpu.memory_space<hbm>>
      tpu.enqueue_dma source(%dma_start3A_497 : memref<640x16xf32, #tpu.memory_space<hbm>>) target(%arg8 : memref<640x16xf32, #tpu.memory_space<vmem>>) target_semaphore(%run_scoped3A : memref<!tpu.dma_semaphore, #tpu.memory_space<semaphore_mem>>)
      %dma_wait3A_498 = arith.constant 0 : i32
      %dma_wait3A_499 = tpu.memref_slice %arg2[%min3A_1, %dma_wait3A_498] : memref<10000x16xf32, #tpu.memory_space<hbm>> -> memref<640x16xf32, #tpu.memory_space<hbm>>
      %dma_wait3A_500 = arith.constant 0 : i32
      %dma_wait3A_501 = tpu.memref_slice %arg2[%min3A_1, %dma_wait3A_500] : memref<10000x16xf32, #tpu.memory_space<hbm>> -> memref<640x16xf32, #tpu.memory_space<hbm>>
      tpu.wait_dma2 semaphore(%run_scoped3A : memref<!tpu.dma_semaphore, #tpu.memory_space<semaphore_mem>>) src(%dma_wait3A_501 : memref<640x16xf32, #tpu.memory_space<hbm>>) dst(%arg8 : memref<640x16xf32, #tpu.memory_space<vmem>>)
      tpu.yield
    }) : () -> ()
    %while3A_50 = arith.constant 0 : i32
    %while3A_51 = arith.constant 0 : i32
    %while3A_52 = arith.subi %add3A_3, %while3A_51 : i32
    %while3A_53 = arith.addi %while3A_51, %while3A_52 : i32
    %while3A_54 = arith.constant 1 : i32
    %while3A_55 = arith.divsi %while3A_52, %while3A_54 : i32
    %while3A_56 = arith.muli %while3A_55, %while3A_54 : i32
    %while3A_57 = arith.addi %while3A_51, %while3A_56 : i32
    %while3A_58 = arith.constant 1 : i32
    scf.for %while3A_495 = %while3A_51 to %while3A_57 step %while3A_58  : i32 {
      %dma_wait3A_496 = arith.constant 0 : i32
      %dma_wait3A_497 = tpu.memref_slice %arg11[%dma_wait3A_496] : memref<20096xi32, #tpu.memory_space<vmem>> -> memref<128xi32, #tpu.memory_space<vmem>>
      %dma_wait3A_498 = arith.constant 0 : i32
      %dma_wait3A_499 = tpu.memref_slice %arg17[%dma_wait3A_498] : memref<10000xf32, #tpu.memory_space<vmem_shared>> -> memref<10000xf32, #tpu.memory_space<vmem_shared>>
      tpu.wait_indirect_dma semaphore(%arg15 : memref<!tpu.dma_semaphore, #tpu.memory_space<semaphore_mem>>) src(%arg6 : memref<128xf32, #tpu.memory_space<vmem>>) dst(%dma_wait3A_499 : memref<10000xf32, #tpu.memory_space<vmem_shared>>)
    }
    %while3A_59 = arith.constant 1 : i32
    scf.for %while3A_495 = %while3A_57 to %while3A_53 step %while3A_59  : i32 {
      %dma_wait3A_496 = arith.constant 0 : i32
      %dma_wait3A_497 = tpu.memref_slice %arg11[%dma_wait3A_496] : memref<20096xi32, #tpu.memory_space<vmem>> -> memref<128xi32, #tpu.memory_space<vmem>>
      %dma_wait3A_498 = arith.constant 0 : i32
      %dma_wait3A_499 = tpu.memref_slice %arg17[%dma_wait3A_498] : memref<10000xf32, #tpu.memory_space<vmem_shared>> -> memref<10000xf32, #tpu.memory_space<vmem_shared>>
      tpu.wait_indirect_dma semaphore(%arg15 : memref<!tpu.dma_semaphore, #tpu.memory_space<semaphore_mem>>) src(%arg6 : memref<128xf32, #tpu.memory_space<vmem>>) dst(%dma_wait3A_499 : memref<10000xf32, #tpu.memory_space<vmem_shared>>)
    }
    %barrier3A_60 = arith.constant 0 : index
    tpu.barrier barrier_id(%barrier3A_60)
    "tpu.region"() ({
      %run_scoped3A = tpu.sem_alloc : memref<!tpu.dma_semaphore, #tpu.memory_space<semaphore_mem>>
      %dma_start3A = tpu.memref_slice %arg17[%min3A_1] : memref<10000xf32, #tpu.memory_space<vmem_shared>> -> memref<640xf32, #tpu.memory_space<vmem_shared>>
      %dma_start3A_495 = tpu.memref_slice %arg17[%min3A_1] : memref<10000xf32, #tpu.memory_space<vmem_shared>> -> memref<640xf32, #tpu.memory_space<vmem_shared>>
      tpu.enqueue_dma source(%dma_start3A_495 : memref<640xf32, #tpu.memory_space<vmem_shared>>) target(%arg7 : memref<640xf32, #tpu.memory_space<vmem>>) target_semaphore(%run_scoped3A : memref<!tpu.dma_semaphore, #tpu.memory_space<semaphore_mem>>)
      %dma_wait3A_496 = tpu.memref_slice %arg17[%min3A_1] : memref<10000xf32, #tpu.memory_space<vmem_shared>> -> memref<640xf32, #tpu.memory_space<vmem_shared>>
      %dma_wait3A_497 = tpu.memref_slice %arg17[%min3A_1] : memref<10000xf32, #tpu.memory_space<vmem_shared>> -> memref<640xf32, #tpu.memory_space<vmem_shared>>
      tpu.wait_dma2 semaphore(%run_scoped3A : memref<!tpu.dma_semaphore, #tpu.memory_space<semaphore_mem>>) src(%dma_wait3A_497 : memref<640xf32, #tpu.memory_space<vmem_shared>>) dst(%arg7 : memref<640xf32, #tpu.memory_space<vmem>>)
      tpu.yield
    }) : () -> ()
    %scan3A_61 = arith.constant 0 : i32
    %scan3A_62 = arith.constant 0 : i32
    %scan3A_63 = arith.constant 40 : i32
    %scan3A_64 = arith.addi %scan3A_62, %scan3A_63 : i32
    %scan3A_65 = arith.constant 1 : i32
    scf.for %scan3A_495 = %scan3A_62 to %scan3A_64 step %scan3A_65  : i32 {
      %mul3A_496 = arith.constant 16 : i32
      %mul3A_497 = arith.muli %scan3A_495, %mul3A_496 : i32
      %get3A_498 = arith.index_cast %mul3A_497 : i32 to index
      %get3A_499 = tpu.vector_load %arg7[%get3A_498] {strides = array<i32>} : memref<640xf32, #tpu.memory_space<vmem>>, vector<16xf32>,
      %add3A_500 = arith.constant 1.000000e+00 : f32
      %add3A_501 = vector.broadcast %add3A_500 : f32 to vector<16xf32>
      %add3A_502 = arith.addf %get3A_499, %add3A_501 : vector<16xf32>
      %bitcast3A = vector.bitcast %add3A_502 : vector<16xf32> to vector<16xi32>
      %shift_right_logical3A = arith.constant 1 : i32
      %shift_right_logical3A_503 = vector.broadcast %shift_right_logical3A : i32 to vector<16xi32>
      %shift_right_logical3A_504 = arith.shrui %bitcast3A, %shift_right_logical3A_503 : vector<16xi32>
      %sub3A = arith.constant 1597463007 : i32
      %sub3A_505 = vector.broadcast %sub3A : i32 to vector<16xi32>
      %sub3A_506 = arith.subi %sub3A_505, %shift_right_logical3A_504 : vector<16xi32>
      %bitcast3A_507 = vector.bitcast %sub3A_506 : vector<16xi32> to vector<16xf32>
      %mul3A_508 = arith.constant 5.000000e-01 : f32
      %mul3A_509 = vector.broadcast %mul3A_508 : f32 to vector<16xf32>
      %mul3A_510 = arith.mulf %mul3A_509, %add3A_502 : vector<16xf32>
      %mul3A_511 = arith.mulf %mul3A_510, %bitcast3A_507 : vector<16xf32>
      %mul3A_512 = arith.mulf %mul3A_511, %bitcast3A_507 : vector<16xf32>
      %sub3A_513 = arith.constant 1.500000e+00 : f32
      %sub3A_514 = vector.broadcast %sub3A_513 : f32 to vector<16xf32>
      %sub3A_515 = arith.subf %sub3A_514, %mul3A_512 : vector<16xf32>
      %mul3A_516 = arith.mulf %bitcast3A_507, %sub3A_515 : vector<16xf32>
      %mul3A_517 = arith.constant 5.000000e-01 : f32
      %mul3A_518 = vector.broadcast %mul3A_517 : f32 to vector<16xf32>
      %mul3A_519 = arith.mulf %mul3A_518, %add3A_502 : vector<16xf32>
      %mul3A_520 = arith.mulf %mul3A_519, %mul3A_516 : vector<16xf32>
      %mul3A_521 = arith.mulf %mul3A_520, %mul3A_516 : vector<16xf32>
      %sub3A_522 = arith.constant 1.500000e+00 : f32
      %sub3A_523 = vector.broadcast %sub3A_522 : f32 to vector<16xf32>
      %sub3A_524 = arith.subf %sub3A_523, %mul3A_521 : vector<16xf32>
      %mul3A_525 = arith.mulf %mul3A_516, %sub3A_524 : vector<16xf32>
      %mul3A_526 = arith.constant 5.000000e-01 : f32
      %mul3A_527 = vector.broadcast %mul3A_526 : f32 to vector<16xf32>
      %mul3A_528 = arith.mulf %mul3A_527, %add3A_502 : vector<16xf32>
      %mul3A_529 = arith.mulf %mul3A_528, %mul3A_525 : vector<16xf32>
      %mul3A_530 = arith.mulf %mul3A_529, %mul3A_525 : vector<16xf32>
      %sub3A_531 = arith.constant 1.500000e+00 : f32
      %sub3A_532 = vector.broadcast %sub3A_531 : f32 to vector<16xf32>
      %sub3A_533 = arith.subf %sub3A_532, %mul3A_530 : vector<16xf32>
      %mul3A_534 = arith.mulf %mul3A_525, %sub3A_533 : vector<16xf32>
      %mul3A_535 = arith.constant 16 : i32
      %mul3A_536 = arith.muli %scan3A_495, %mul3A_535 : i32
      %swap3A = arith.index_cast %mul3A_536 : i32 to index
      %swap3A_537 = tpu.vector_load %arg7[%swap3A] {strides = array<i32>} : memref<640xf32, #tpu.memory_space<vmem>>, vector<16xf32>,
      tpu.vector_store %arg7[%swap3A], %mul3A_534 {strides = array<i32>} : memref<640xf32, #tpu.memory_space<vmem>>, vector<16xf32>,
    }
    %scan3A_66 = arith.constant 40 : i32
    %scan3A_67 = arith.constant 0 : i32
    %scan3A_68 = arith.constant 0 : i32
    %scan3A_69 = arith.constant 40 : i32
    %scan3A_70 = arith.addi %scan3A_68, %scan3A_69 : i32
    %scan3A_71 = arith.constant 1 : i32
    scf.for %scan3A_495 = %scan3A_68 to %scan3A_70 step %scan3A_71  : i32 {
      %mul3A_496 = arith.constant 16 : i32
      %mul3A_497 = arith.muli %scan3A_495, %mul3A_496 : i32
      %get3A_498 = arith.index_cast %mul3A_497 : i32 to index
      %get3A_499 = tpu.vector_load %arg7[%get3A_498] {strides = array<i32>} : memref<640xf32, #tpu.memory_space<vmem>>, vector<16xf32>,
      %mul3A_500 = arith.constant 16 : i32
      %mul3A_501 = arith.muli %scan3A_495, %mul3A_500 : i32
      %add3A_502 = arith.constant 0 : i32
      %add3A_503 = arith.addi %mul3A_501, %add3A_502 : i32
      %get3A_504 = arith.index_cast %add3A_503 : i32 to index
      %get3A_505 = arith.constant 0 : index
      %get3A_506 = tpu.vector_load %arg8[%get3A_504, %get3A_505] {strides = array<i32>} : memref<640x16xf32, #tpu.memory_space<vmem>>, vector<16xf32>,
      %broadcast_in_dim3A_507 = arith.constant 0 : i32
      %broadcast_in_dim3A_508 = vector.broadcast %broadcast_in_dim3A_507 : i32 to vector<16xi32>
      %lt3A_509 = arith.constant 0 : i32
      %lt3A_510 = vector.broadcast %lt3A_509 : i32 to vector<16xi32>
      %lt3A_511 = arith.cmpi slt, %broadcast_in_dim3A_508, %lt3A_510 : vector<16xi32>
      %add3A_512 = arith.constant 16 : i32
      %add3A_513 = vector.broadcast %add3A_512 : i32 to vector<16xi32>
      %add3A_514 = arith.addi %broadcast_in_dim3A_508, %add3A_513 : vector<16xi32>
      %select_n3A = arith.select %lt3A_511, %add3A_514, %broadcast_in_dim3A_508 : vector<16xi1>, vector<16xi32>
      %broadcast_in_dim3A_515 = vector.shape_cast %select_n3A : vector<16xi32> to vector<16x1xi32>
      %gather3A = vector.shape_cast %broadcast_in_dim3A_515 : vector<16x1xi32> to vector<16xi32>
      %gather3A_516 = tpu.dynamic_gather %get3A_499[%gather3A] in [0] : vector<16xf32>, vector<16xi32> -> vector<16xf32>
      %mul3A_517 = arith.mulf %get3A_506, %gather3A_516 : vector<16xf32>
      %swap3A = arith.index_cast %add3A_503 : i32 to index
      %swap3A_518 = arith.constant 0 : index
      %swap3A_519 = tpu.vector_load %arg8[%swap3A, %swap3A_518] {strides = array<i32>} : memref<640x16xf32, #tpu.memory_space<vmem>>, vector<16xf32>,
      tpu.vector_store %arg8[%swap3A, %swap3A_518], %mul3A_517 {strides = array<i32>} : memref<640x16xf32, #tpu.memory_space<vmem>>, vector<16xf32>,
      %mul3A_520 = arith.constant 16 : i32
      %mul3A_521 = arith.muli %scan3A_495, %mul3A_520 : i32
      %add3A_522 = arith.constant 1 : i32
      %add3A_523 = arith.addi %mul3A_521, %add3A_522 : i32
      %get3A_524 = arith.index_cast %add3A_523 : i32 to index
      %get3A_525 = arith.constant 0 : index
      %get3A_526 = tpu.vector_load %arg8[%get3A_524, %get3A_525] {strides = array<i32>} : memref<640x16xf32, #tpu.memory_space<vmem>>, vector<16xf32>,
      %broadcast_in_dim3A_527 = arith.constant 1 : i32
      %broadcast_in_dim3A_528 = vector.broadcast %broadcast_in_dim3A_527 : i32 to vector<16xi32>
      %lt3A_529 = arith.constant 0 : i32
      %lt3A_530 = vector.broadcast %lt3A_529 : i32 to vector<16xi32>
      %lt3A_531 = arith.cmpi slt, %broadcast_in_dim3A_528, %lt3A_530 : vector<16xi32>
      %add3A_532 = arith.constant 16 : i32
      %add3A_533 = vector.broadcast %add3A_532 : i32 to vector<16xi32>
      %add3A_534 = arith.addi %broadcast_in_dim3A_528, %add3A_533 : vector<16xi32>
      %select_n3A_535 = arith.select %lt3A_531, %add3A_534, %broadcast_in_dim3A_528 : vector<16xi1>, vector<16xi32>
      %broadcast_in_dim3A_536 = vector.shape_cast %select_n3A_535 : vector<16xi32> to vector<16x1xi32>
      %gather3A_537 = vector.shape_cast %broadcast_in_dim3A_536 : vector<16x1xi32> to vector<16xi32>
      %gather3A_538 = tpu.dynamic_gather %get3A_499[%gather3A_537] in [0] : vector<16xf32>, vector<16xi32> -> vector<16xf32>
      %mul3A_539 = arith.mulf %get3A_526, %gather3A_538 : vector<16xf32>
      %swap3A_540 = arith.index_cast %add3A_523 : i32 to index
      %swap3A_541 = arith.constant 0 : index
      %swap3A_542 = tpu.vector_load %arg8[%swap3A_540, %swap3A_541] {strides = array<i32>} : memref<640x16xf32, #tpu.memory_space<vmem>>, vector<16xf32>,
      tpu.vector_store %arg8[%swap3A_540, %swap3A_541], %mul3A_539 {strides = array<i32>} : memref<640x16xf32, #tpu.memory_space<vmem>>, vector<16xf32>,
      %mul3A_543 = arith.constant 16 : i32
      %mul3A_544 = arith.muli %scan3A_495, %mul3A_543 : i32
      %add3A_545 = arith.constant 2 : i32
      %add3A_546 = arith.addi %mul3A_544, %add3A_545 : i32
      %get3A_547 = arith.index_cast %add3A_546 : i32 to index
      %get3A_548 = arith.constant 0 : index
      %get3A_549 = tpu.vector_load %arg8[%get3A_547, %get3A_548] {strides = array<i32>} : memref<640x16xf32, #tpu.memory_space<vmem>>, vector<16xf32>,
      %broadcast_in_dim3A_550 = arith.constant 2 : i32
      %broadcast_in_dim3A_551 = vector.broadcast %broadcast_in_dim3A_550 : i32 to vector<16xi32>
      %lt3A_552 = arith.constant 0 : i32
      %lt3A_553 = vector.broadcast %lt3A_552 : i32 to vector<16xi32>
      %lt3A_554 = arith.cmpi slt, %broadcast_in_dim3A_551, %lt3A_553 : vector<16xi32>
      %add3A_555 = arith.constant 16 : i32
      %add3A_556 = vector.broadcast %add3A_555 : i32 to vector<16xi32>
      %add3A_557 = arith.addi %broadcast_in_dim3A_551, %add3A_556 : vector<16xi32>
      %select_n3A_558 = arith.select %lt3A_554, %add3A_557, %broadcast_in_dim3A_551 : vector<16xi1>, vector<16xi32>
      %broadcast_in_dim3A_559 = vector.shape_cast %select_n3A_558 : vector<16xi32> to vector<16x1xi32>
      %gather3A_560 = vector.shape_cast %broadcast_in_dim3A_559 : vector<16x1xi32> to vector<16xi32>
      %gather3A_561 = tpu.dynamic_gather %get3A_499[%gather3A_560] in [0] : vector<16xf32>, vector<16xi32> -> vector<16xf32>
      %mul3A_562 = arith.mulf %get3A_549, %gather3A_561 : vector<16xf32>
      %swap3A_563 = arith.index_cast %add3A_546 : i32 to index
      %swap3A_564 = arith.constant 0 : index
      %swap3A_565 = tpu.vector_load %arg8[%swap3A_563, %swap3A_564] {strides = array<i32>} : memref<640x16xf32, #tpu.memory_space<vmem>>, vector<16xf32>,
      tpu.vector_store %arg8[%swap3A_563, %swap3A_564], %mul3A_562 {strides = array<i32>} : memref<640x16xf32, #tpu.memory_space<vmem>>, vector<16xf32>,
      %mul3A_566 = arith.constant 16 : i32
      %mul3A_567 = arith.muli %scan3A_495, %mul3A_566 : i32
      %add3A_568 = arith.constant 3 : i32
      %add3A_569 = arith.addi %mul3A_567, %add3A_568 : i32
      %get3A_570 = arith.index_cast %add3A_569 : i32 to index
      %get3A_571 = arith.constant 0 : index
      %get3A_572 = tpu.vector_load %arg8[%get3A_570, %get3A_571] {strides = array<i32>} : memref<640x16xf32, #tpu.memory_space<vmem>>, vector<16xf32>,
      %broadcast_in_dim3A_573 = arith.constant 3 : i32
      %broadcast_in_dim3A_574 = vector.broadcast %broadcast_in_dim3A_573 : i32 to vector<16xi32>
      %lt3A_575 = arith.constant 0 : i32
      %lt3A_576 = vector.broadcast %lt3A_575 : i32 to vector<16xi32>
      %lt3A_577 = arith.cmpi slt, %broadcast_in_dim3A_574, %lt3A_576 : vector<16xi32>
      %add3A_578 = arith.constant 16 : i32
      %add3A_579 = vector.broadcast %add3A_578 : i32 to vector<16xi32>
      %add3A_580 = arith.addi %broadcast_in_dim3A_574, %add3A_579 : vector<16xi32>
      %select_n3A_581 = arith.select %lt3A_577, %add3A_580, %broadcast_in_dim3A_574 : vector<16xi1>, vector<16xi32>
      %broadcast_in_dim3A_582 = vector.shape_cast %select_n3A_581 : vector<16xi32> to vector<16x1xi32>
      %gather3A_583 = vector.shape_cast %broadcast_in_dim3A_582 : vector<16x1xi32> to vector<16xi32>
      %gather3A_584 = tpu.dynamic_gather %get3A_499[%gather3A_583] in [0] : vector<16xf32>, vector<16xi32> -> vector<16xf32>
      %mul3A_585 = arith.mulf %get3A_572, %gather3A_584 : vector<16xf32>
      %swap3A_586 = arith.index_cast %add3A_569 : i32 to index
      %swap3A_587 = arith.constant 0 : index
      %swap3A_588 = tpu.vector_load %arg8[%swap3A_586, %swap3A_587] {strides = array<i32>} : memref<640x16xf32, #tpu.memory_space<vmem>>, vector<16xf32>,
      tpu.vector_store %arg8[%swap3A_586, %swap3A_587], %mul3A_585 {strides = array<i32>} : memref<640x16xf32, #tpu.memory_space<vmem>>, vector<16xf32>,
      %mul3A_589 = arith.constant 16 : i32
      %mul3A_590 = arith.muli %scan3A_495, %mul3A_589 : i32
      %add3A_591 = arith.constant 4 : i32
      %add3A_592 = arith.addi %mul3A_590, %add3A_591 : i32
      %get3A_593 = arith.index_cast %add3A_592 : i32 to index
      %get3A_594 = arith.constant 0 : index
      %get3A_595 = tpu.vector_load %arg8[%get3A_593, %get3A_594] {strides = array<i32>} : memref<640x16xf32, #tpu.memory_space<vmem>>, vector<16xf32>,
      %broadcast_in_dim3A_596 = arith.constant 4 : i32
      %broadcast_in_dim3A_597 = vector.broadcast %broadcast_in_dim3A_596 : i32 to vector<16xi32>
      %lt3A_598 = arith.constant 0 : i32
      %lt3A_599 = vector.broadcast %lt3A_598 : i32 to vector<16xi32>
      %lt3A_600 = arith.cmpi slt, %broadcast_in_dim3A_597, %lt3A_599 : vector<16xi32>
      %add3A_601 = arith.constant 16 : i32
      %add3A_602 = vector.broadcast %add3A_601 : i32 to vector<16xi32>
      %add3A_603 = arith.addi %broadcast_in_dim3A_597, %add3A_602 : vector<16xi32>
      %select_n3A_604 = arith.select %lt3A_600, %add3A_603, %broadcast_in_dim3A_597 : vector<16xi1>, vector<16xi32>
      %broadcast_in_dim3A_605 = vector.shape_cast %select_n3A_604 : vector<16xi32> to vector<16x1xi32>
      %gather3A_606 = vector.shape_cast %broadcast_in_dim3A_605 : vector<16x1xi32> to vector<16xi32>
      %gather3A_607 = tpu.dynamic_gather %get3A_499[%gather3A_606] in [0] : vector<16xf32>, vector<16xi32> -> vector<16xf32>
      %mul3A_608 = arith.mulf %get3A_595, %gather3A_607 : vector<16xf32>
      %swap3A_609 = arith.index_cast %add3A_592 : i32 to index
      %swap3A_610 = arith.constant 0 : index
      %swap3A_611 = tpu.vector_load %arg8[%swap3A_609, %swap3A_610] {strides = array<i32>} : memref<640x16xf32, #tpu.memory_space<vmem>>, vector<16xf32>,
      tpu.vector_store %arg8[%swap3A_609, %swap3A_610], %mul3A_608 {strides = array<i32>} : memref<640x16xf32, #tpu.memory_space<vmem>>, vector<16xf32>,
      %mul3A_612 = arith.constant 16 : i32
      %mul3A_613 = arith.muli %scan3A_495, %mul3A_612 : i32
      %add3A_614 = arith.constant 5 : i32
      %add3A_615 = arith.addi %mul3A_613, %add3A_614 : i32
      %get3A_616 = arith.index_cast %add3A_615 : i32 to index
      %get3A_617 = arith.constant 0 : index
      %get3A_618 = tpu.vector_load %arg8[%get3A_616, %get3A_617] {strides = array<i32>} : memref<640x16xf32, #tpu.memory_space<vmem>>, vector<16xf32>,
      %broadcast_in_dim3A_619 = arith.constant 5 : i32
      %broadcast_in_dim3A_620 = vector.broadcast %broadcast_in_dim3A_619 : i32 to vector<16xi32>
      %lt3A_621 = arith.constant 0 : i32
      %lt3A_622 = vector.broadcast %lt3A_621 : i32 to vector<16xi32>
      %lt3A_623 = arith.cmpi slt, %broadcast_in_dim3A_620, %lt3A_622 : vector<16xi32>
      %add3A_624 = arith.constant 16 : i32
      %add3A_625 = vector.broadcast %add3A_624 : i32 to vector<16xi32>
      %add3A_626 = arith.addi %broadcast_in_dim3A_620, %add3A_625 : vector<16xi32>
      %select_n3A_627 = arith.select %lt3A_623, %add3A_626, %broadcast_in_dim3A_620 : vector<16xi1>, vector<16xi32>
      %broadcast_in_dim3A_628 = vector.shape_cast %select_n3A_627 : vector<16xi32> to vector<16x1xi32>
      %gather3A_629 = vector.shape_cast %broadcast_in_dim3A_628 : vector<16x1xi32> to vector<16xi32>
      %gather3A_630 = tpu.dynamic_gather %get3A_499[%gather3A_629] in [0] : vector<16xf32>, vector<16xi32> -> vector<16xf32>
      %mul3A_631 = arith.mulf %get3A_618, %gather3A_630 : vector<16xf32>
      %swap3A_632 = arith.index_cast %add3A_615 : i32 to index
      %swap3A_633 = arith.constant 0 : index
      %swap3A_634 = tpu.vector_load %arg8[%swap3A_632, %swap3A_633] {strides = array<i32>} : memref<640x16xf32, #tpu.memory_space<vmem>>, vector<16xf32>,
      tpu.vector_store %arg8[%swap3A_632, %swap3A_633], %mul3A_631 {strides = array<i32>} : memref<640x16xf32, #tpu.memory_space<vmem>>, vector<16xf32>,
      %mul3A_635 = arith.constant 16 : i32
      %mul3A_636 = arith.muli %scan3A_495, %mul3A_635 : i32
      %add3A_637 = arith.constant 6 : i32
      %add3A_638 = arith.addi %mul3A_636, %add3A_637 : i32
      %get3A_639 = arith.index_cast %add3A_638 : i32 to index
      %get3A_640 = arith.constant 0 : index
      %get3A_641 = tpu.vector_load %arg8[%get3A_639, %get3A_640] {strides = array<i32>} : memref<640x16xf32, #tpu.memory_space<vmem>>, vector<16xf32>,
      %broadcast_in_dim3A_642 = arith.constant 6 : i32
      %broadcast_in_dim3A_643 = vector.broadcast %broadcast_in_dim3A_642 : i32 to vector<16xi32>
      %lt3A_644 = arith.constant 0 : i32
      %lt3A_645 = vector.broadcast %lt3A_644 : i32 to vector<16xi32>
      %lt3A_646 = arith.cmpi slt, %broadcast_in_dim3A_643, %lt3A_645 : vector<16xi32>
      %add3A_647 = arith.constant 16 : i32
      %add3A_648 = vector.broadcast %add3A_647 : i32 to vector<16xi32>
      %add3A_649 = arith.addi %broadcast_in_dim3A_643, %add3A_648 : vector<16xi32>
      %select_n3A_650 = arith.select %lt3A_646, %add3A_649, %broadcast_in_dim3A_643 : vector<16xi1>, vector<16xi32>
      %broadcast_in_dim3A_651 = vector.shape_cast %select_n3A_650 : vector<16xi32> to vector<16x1xi32>
      %gather3A_652 = vector.shape_cast %broadcast_in_dim3A_651 : vector<16x1xi32> to vector<16xi32>
      %gather3A_653 = tpu.dynamic_gather %get3A_499[%gather3A_652] in [0] : vector<16xf32>, vector<16xi32> -> vector<16xf32>
      %mul3A_654 = arith.mulf %get3A_641, %gather3A_653 : vector<16xf32>
      %swap3A_655 = arith.index_cast %add3A_638 : i32 to index
      %swap3A_656 = arith.constant 0 : index
      %swap3A_657 = tpu.vector_load %arg8[%swap3A_655, %swap3A_656] {strides = array<i32>} : memref<640x16xf32, #tpu.memory_space<vmem>>, vector<16xf32>,
      tpu.vector_store %arg8[%swap3A_655, %swap3A_656], %mul3A_654 {strides = array<i32>} : memref<640x16xf32, #tpu.memory_space<vmem>>, vector<16xf32>,
      %mul3A_658 = arith.constant 16 : i32
      %mul3A_659 = arith.muli %scan3A_495, %mul3A_658 : i32
      %add3A_660 = arith.constant 7 : i32
      %add3A_661 = arith.addi %mul3A_659, %add3A_660 : i32
      %get3A_662 = arith.index_cast %add3A_661 : i32 to index
      %get3A_663 = arith.constant 0 : index
      %get3A_664 = tpu.vector_load %arg8[%get3A_662, %get3A_663] {strides = array<i32>} : memref<640x16xf32, #tpu.memory_space<vmem>>, vector<16xf32>,
      %broadcast_in_dim3A_665 = arith.constant 7 : i32
      %broadcast_in_dim3A_666 = vector.broadcast %broadcast_in_dim3A_665 : i32 to vector<16xi32>
      %lt3A_667 = arith.constant 0 : i32
      %lt3A_668 = vector.broadcast %lt3A_667 : i32 to vector<16xi32>
      %lt3A_669 = arith.cmpi slt, %broadcast_in_dim3A_666, %lt3A_668 : vector<16xi32>
      %add3A_670 = arith.constant 16 : i32
      %add3A_671 = vector.broadcast %add3A_670 : i32 to vector<16xi32>
      %add3A_672 = arith.addi %broadcast_in_dim3A_666, %add3A_671 : vector<16xi32>
      %select_n3A_673 = arith.select %lt3A_669, %add3A_672, %broadcast_in_dim3A_666 : vector<16xi1>, vector<16xi32>
      %broadcast_in_dim3A_674 = vector.shape_cast %select_n3A_673 : vector<16xi32> to vector<16x1xi32>
      %gather3A_675 = vector.shape_cast %broadcast_in_dim3A_674 : vector<16x1xi32> to vector<16xi32>
      %gather3A_676 = tpu.dynamic_gather %get3A_499[%gather3A_675] in [0] : vector<16xf32>, vector<16xi32> -> vector<16xf32>
      %mul3A_677 = arith.mulf %get3A_664, %gather3A_676 : vector<16xf32>
      %swap3A_678 = arith.index_cast %add3A_661 : i32 to index
      %swap3A_679 = arith.constant 0 : index
      %swap3A_680 = tpu.vector_load %arg8[%swap3A_678, %swap3A_679] {strides = array<i32>} : memref<640x16xf32, #tpu.memory_space<vmem>>, vector<16xf32>,
      tpu.vector_store %arg8[%swap3A_678, %swap3A_679], %mul3A_677 {strides = array<i32>} : memref<640x16xf32, #tpu.memory_space<vmem>>, vector<16xf32>,
      %mul3A_681 = arith.constant 16 : i32
      %mul3A_682 = arith.muli %scan3A_495, %mul3A_681 : i32
      %add3A_683 = arith.constant 8 : i32
      %add3A_684 = arith.addi %mul3A_682, %add3A_683 : i32
      %get3A_685 = arith.index_cast %add3A_684 : i32 to index
      %get3A_686 = arith.constant 0 : index
      %get3A_687 = tpu.vector_load %arg8[%get3A_685, %get3A_686] {strides = array<i32>} : memref<640x16xf32, #tpu.memory_space<vmem>>, vector<16xf32>,
      %broadcast_in_dim3A_688 = arith.constant 8 : i32
      %broadcast_in_dim3A_689 = vector.broadcast %broadcast_in_dim3A_688 : i32 to vector<16xi32>
      %lt3A_690 = arith.constant 0 : i32
      %lt3A_691 = vector.broadcast %lt3A_690 : i32 to vector<16xi32>
      %lt3A_692 = arith.cmpi slt, %broadcast_in_dim3A_689, %lt3A_691 : vector<16xi32>
      %add3A_693 = arith.constant 16 : i32
      %add3A_694 = vector.broadcast %add3A_693 : i32 to vector<16xi32>
      %add3A_695 = arith.addi %broadcast_in_dim3A_689, %add3A_694 : vector<16xi32>
      %select_n3A_696 = arith.select %lt3A_692, %add3A_695, %broadcast_in_dim3A_689 : vector<16xi1>, vector<16xi32>
      %broadcast_in_dim3A_697 = vector.shape_cast %select_n3A_696 : vector<16xi32> to vector<16x1xi32>
      %gather3A_698 = vector.shape_cast %broadcast_in_dim3A_697 : vector<16x1xi32> to vector<16xi32>
      %gather3A_699 = tpu.dynamic_gather %get3A_499[%gather3A_698] in [0] : vector<16xf32>, vector<16xi32> -> vector<16xf32>
      %mul3A_700 = arith.mulf %get3A_687, %gather3A_699 : vector<16xf32>
      %swap3A_701 = arith.index_cast %add3A_684 : i32 to index
      %swap3A_702 = arith.constant 0 : index
      %swap3A_703 = tpu.vector_load %arg8[%swap3A_701, %swap3A_702] {strides = array<i32>} : memref<640x16xf32, #tpu.memory_space<vmem>>, vector<16xf32>,
      tpu.vector_store %arg8[%swap3A_701, %swap3A_702], %mul3A_700 {strides = array<i32>} : memref<640x16xf32, #tpu.memory_space<vmem>>, vector<16xf32>,
      %mul3A_704 = arith.constant 16 : i32
      %mul3A_705 = arith.muli %scan3A_495, %mul3A_704 : i32
      %add3A_706 = arith.constant 9 : i32
      %add3A_707 = arith.addi %mul3A_705, %add3A_706 : i32
      %get3A_708 = arith.index_cast %add3A_707 : i32 to index
      %get3A_709 = arith.constant 0 : index
      %get3A_710 = tpu.vector_load %arg8[%get3A_708, %get3A_709] {strides = array<i32>} : memref<640x16xf32, #tpu.memory_space<vmem>>, vector<16xf32>,
      %broadcast_in_dim3A_711 = arith.constant 9 : i32
      %broadcast_in_dim3A_712 = vector.broadcast %broadcast_in_dim3A_711 : i32 to vector<16xi32>
      %lt3A_713 = arith.constant 0 : i32
      %lt3A_714 = vector.broadcast %lt3A_713 : i32 to vector<16xi32>
      %lt3A_715 = arith.cmpi slt, %broadcast_in_dim3A_712, %lt3A_714 : vector<16xi32>
      %add3A_716 = arith.constant 16 : i32
      %add3A_717 = vector.broadcast %add3A_716 : i32 to vector<16xi32>
      %add3A_718 = arith.addi %broadcast_in_dim3A_712, %add3A_717 : vector<16xi32>
      %select_n3A_719 = arith.select %lt3A_715, %add3A_718, %broadcast_in_dim3A_712 : vector<16xi1>, vector<16xi32>
      %broadcast_in_dim3A_720 = vector.shape_cast %select_n3A_719 : vector<16xi32> to vector<16x1xi32>
      %gather3A_721 = vector.shape_cast %broadcast_in_dim3A_720 : vector<16x1xi32> to vector<16xi32>
      %gather3A_722 = tpu.dynamic_gather %get3A_499[%gather3A_721] in [0] : vector<16xf32>, vector<16xi32> -> vector<16xf32>
      %mul3A_723 = arith.mulf %get3A_710, %gather3A_722 : vector<16xf32>
      %swap3A_724 = arith.index_cast %add3A_707 : i32 to index
      %swap3A_725 = arith.constant 0 : index
      %swap3A_726 = tpu.vector_load %arg8[%swap3A_724, %swap3A_725] {strides = array<i32>} : memref<640x16xf32, #tpu.memory_space<vmem>>, vector<16xf32>,
      tpu.vector_store %arg8[%swap3A_724, %swap3A_725], %mul3A_723 {strides = array<i32>} : memref<640x16xf32, #tpu.memory_space<vmem>>, vector<16xf32>,
      %mul3A_727 = arith.constant 16 : i32
      %mul3A_728 = arith.muli %scan3A_495, %mul3A_727 : i32
      %add3A_729 = arith.constant 10 : i32
      %add3A_730 = arith.addi %mul3A_728, %add3A_729 : i32
      %get3A_731 = arith.index_cast %add3A_730 : i32 to index
      %get3A_732 = arith.constant 0 : index
      %get3A_733 = tpu.vector_load %arg8[%get3A_731, %get3A_732] {strides = array<i32>} : memref<640x16xf32, #tpu.memory_space<vmem>>, vector<16xf32>,
      %broadcast_in_dim3A_734 = arith.constant 10 : i32
      %broadcast_in_dim3A_735 = vector.broadcast %broadcast_in_dim3A_734 : i32 to vector<16xi32>
      %lt3A_736 = arith.constant 0 : i32
      %lt3A_737 = vector.broadcast %lt3A_736 : i32 to vector<16xi32>
      %lt3A_738 = arith.cmpi slt, %broadcast_in_dim3A_735, %lt3A_737 : vector<16xi32>
      %add3A_739 = arith.constant 16 : i32
      %add3A_740 = vector.broadcast %add3A_739 : i32 to vector<16xi32>
      %add3A_741 = arith.addi %broadcast_in_dim3A_735, %add3A_740 : vector<16xi32>
      %select_n3A_742 = arith.select %lt3A_738, %add3A_741, %broadcast_in_dim3A_735 : vector<16xi1>, vector<16xi32>
      %broadcast_in_dim3A_743 = vector.shape_cast %select_n3A_742 : vector<16xi32> to vector<16x1xi32>
      %gather3A_744 = vector.shape_cast %broadcast_in_dim3A_743 : vector<16x1xi32> to vector<16xi32>
      %gather3A_745 = tpu.dynamic_gather %get3A_499[%gather3A_744] in [0] : vector<16xf32>, vector<16xi32> -> vector<16xf32>
      %mul3A_746 = arith.mulf %get3A_733, %gather3A_745 : vector<16xf32>
      %swap3A_747 = arith.index_cast %add3A_730 : i32 to index
      %swap3A_748 = arith.constant 0 : index
      %swap3A_749 = tpu.vector_load %arg8[%swap3A_747, %swap3A_748] {strides = array<i32>} : memref<640x16xf32, #tpu.memory_space<vmem>>, vector<16xf32>,
      tpu.vector_store %arg8[%swap3A_747, %swap3A_748], %mul3A_746 {strides = array<i32>} : memref<640x16xf32, #tpu.memory_space<vmem>>, vector<16xf32>,
      %mul3A_750 = arith.constant 16 : i32
      %mul3A_751 = arith.muli %scan3A_495, %mul3A_750 : i32
      %add3A_752 = arith.constant 11 : i32
      %add3A_753 = arith.addi %mul3A_751, %add3A_752 : i32
      %get3A_754 = arith.index_cast %add3A_753 : i32 to index
      %get3A_755 = arith.constant 0 : index
      %get3A_756 = tpu.vector_load %arg8[%get3A_754, %get3A_755] {strides = array<i32>} : memref<640x16xf32, #tpu.memory_space<vmem>>, vector<16xf32>,
      %broadcast_in_dim3A_757 = arith.constant 11 : i32
      %broadcast_in_dim3A_758 = vector.broadcast %broadcast_in_dim3A_757 : i32 to vector<16xi32>
      %lt3A_759 = arith.constant 0 : i32
      %lt3A_760 = vector.broadcast %lt3A_759 : i32 to vector<16xi32>
      %lt3A_761 = arith.cmpi slt, %broadcast_in_dim3A_758, %lt3A_760 : vector<16xi32>
      %add3A_762 = arith.constant 16 : i32
      %add3A_763 = vector.broadcast %add3A_762 : i32 to vector<16xi32>
      %add3A_764 = arith.addi %broadcast_in_dim3A_758, %add3A_763 : vector<16xi32>
      %select_n3A_765 = arith.select %lt3A_761, %add3A_764, %broadcast_in_dim3A_758 : vector<16xi1>, vector<16xi32>
      %broadcast_in_dim3A_766 = vector.shape_cast %select_n3A_765 : vector<16xi32> to vector<16x1xi32>
      %gather3A_767 = vector.shape_cast %broadcast_in_dim3A_766 : vector<16x1xi32> to vector<16xi32>
      %gather3A_768 = tpu.dynamic_gather %get3A_499[%gather3A_767] in [0] : vector<16xf32>, vector<16xi32> -> vector<16xf32>
      %mul3A_769 = arith.mulf %get3A_756, %gather3A_768 : vector<16xf32>
      %swap3A_770 = arith.index_cast %add3A_753 : i32 to index
      %swap3A_771 = arith.constant 0 : index
      %swap3A_772 = tpu.vector_load %arg8[%swap3A_770, %swap3A_771] {strides = array<i32>} : memref<640x16xf32, #tpu.memory_space<vmem>>, vector<16xf32>,
      tpu.vector_store %arg8[%swap3A_770, %swap3A_771], %mul3A_769 {strides = array<i32>} : memref<640x16xf32, #tpu.memory_space<vmem>>, vector<16xf32>,
      %mul3A_773 = arith.constant 16 : i32
      %mul3A_774 = arith.muli %scan3A_495, %mul3A_773 : i32
      %add3A_775 = arith.constant 12 : i32
      %add3A_776 = arith.addi %mul3A_774, %add3A_775 : i32
      %get3A_777 = arith.index_cast %add3A_776 : i32 to index
      %get3A_778 = arith.constant 0 : index
      %get3A_779 = tpu.vector_load %arg8[%get3A_777, %get3A_778] {strides = array<i32>} : memref<640x16xf32, #tpu.memory_space<vmem>>, vector<16xf32>,
      %broadcast_in_dim3A_780 = arith.constant 12 : i32
      %broadcast_in_dim3A_781 = vector.broadcast %broadcast_in_dim3A_780 : i32 to vector<16xi32>
      %lt3A_782 = arith.constant 0 : i32
      %lt3A_783 = vector.broadcast %lt3A_782 : i32 to vector<16xi32>
      %lt3A_784 = arith.cmpi slt, %broadcast_in_dim3A_781, %lt3A_783 : vector<16xi32>
      %add3A_785 = arith.constant 16 : i32
      %add3A_786 = vector.broadcast %add3A_785 : i32 to vector<16xi32>
      %add3A_787 = arith.addi %broadcast_in_dim3A_781, %add3A_786 : vector<16xi32>
      %select_n3A_788 = arith.select %lt3A_784, %add3A_787, %broadcast_in_dim3A_781 : vector<16xi1>, vector<16xi32>
      %broadcast_in_dim3A_789 = vector.shape_cast %select_n3A_788 : vector<16xi32> to vector<16x1xi32>
      %gather3A_790 = vector.shape_cast %broadcast_in_dim3A_789 : vector<16x1xi32> to vector<16xi32>
      %gather3A_791 = tpu.dynamic_gather %get3A_499[%gather3A_790] in [0] : vector<16xf32>, vector<16xi32> -> vector<16xf32>
      %mul3A_792 = arith.mulf %get3A_779, %gather3A_791 : vector<16xf32>
      %swap3A_793 = arith.index_cast %add3A_776 : i32 to index
      %swap3A_794 = arith.constant 0 : index
      %swap3A_795 = tpu.vector_load %arg8[%swap3A_793, %swap3A_794] {strides = array<i32>} : memref<640x16xf32, #tpu.memory_space<vmem>>, vector<16xf32>,
      tpu.vector_store %arg8[%swap3A_793, %swap3A_794], %mul3A_792 {strides = array<i32>} : memref<640x16xf32, #tpu.memory_space<vmem>>, vector<16xf32>,
      %mul3A_796 = arith.constant 16 : i32
      %mul3A_797 = arith.muli %scan3A_495, %mul3A_796 : i32
      %add3A_798 = arith.constant 13 : i32
      %add3A_799 = arith.addi %mul3A_797, %add3A_798 : i32
      %get3A_800 = arith.index_cast %add3A_799 : i32 to index
      %get3A_801 = arith.constant 0 : index
      %get3A_802 = tpu.vector_load %arg8[%get3A_800, %get3A_801] {strides = array<i32>} : memref<640x16xf32, #tpu.memory_space<vmem>>, vector<16xf32>,
      %broadcast_in_dim3A_803 = arith.constant 13 : i32
      %broadcast_in_dim3A_804 = vector.broadcast %broadcast_in_dim3A_803 : i32 to vector<16xi32>
      %lt3A_805 = arith.constant 0 : i32
      %lt3A_806 = vector.broadcast %lt3A_805 : i32 to vector<16xi32>
      %lt3A_807 = arith.cmpi slt, %broadcast_in_dim3A_804, %lt3A_806 : vector<16xi32>
      %add3A_808 = arith.constant 16 : i32
      %add3A_809 = vector.broadcast %add3A_808 : i32 to vector<16xi32>
      %add3A_810 = arith.addi %broadcast_in_dim3A_804, %add3A_809 : vector<16xi32>
      %select_n3A_811 = arith.select %lt3A_807, %add3A_810, %broadcast_in_dim3A_804 : vector<16xi1>, vector<16xi32>
      %broadcast_in_dim3A_812 = vector.shape_cast %select_n3A_811 : vector<16xi32> to vector<16x1xi32>
      %gather3A_813 = vector.shape_cast %broadcast_in_dim3A_812 : vector<16x1xi32> to vector<16xi32>
      %gather3A_814 = tpu.dynamic_gather %get3A_499[%gather3A_813] in [0] : vector<16xf32>, vector<16xi32> -> vector<16xf32>
      %mul3A_815 = arith.mulf %get3A_802, %gather3A_814 : vector<16xf32>
      %swap3A_816 = arith.index_cast %add3A_799 : i32 to index
      %swap3A_817 = arith.constant 0 : index
      %swap3A_818 = tpu.vector_load %arg8[%swap3A_816, %swap3A_817] {strides = array<i32>} : memref<640x16xf32, #tpu.memory_space<vmem>>, vector<16xf32>,
      tpu.vector_store %arg8[%swap3A_816, %swap3A_817], %mul3A_815 {strides = array<i32>} : memref<640x16xf32, #tpu.memory_space<vmem>>, vector<16xf32>,
      %mul3A_819 = arith.constant 16 : i32
      %mul3A_820 = arith.muli %scan3A_495, %mul3A_819 : i32
      %add3A_821 = arith.constant 14 : i32
      %add3A_822 = arith.addi %mul3A_820, %add3A_821 : i32
      %get3A_823 = arith.index_cast %add3A_822 : i32 to index
      %get3A_824 = arith.constant 0 : index
      %get3A_825 = tpu.vector_load %arg8[%get3A_823, %get3A_824] {strides = array<i32>} : memref<640x16xf32, #tpu.memory_space<vmem>>, vector<16xf32>,
      %broadcast_in_dim3A_826 = arith.constant 14 : i32
      %broadcast_in_dim3A_827 = vector.broadcast %broadcast_in_dim3A_826 : i32 to vector<16xi32>
      %lt3A_828 = arith.constant 0 : i32
      %lt3A_829 = vector.broadcast %lt3A_828 : i32 to vector<16xi32>
      %lt3A_830 = arith.cmpi slt, %broadcast_in_dim3A_827, %lt3A_829 : vector<16xi32>
      %add3A_831 = arith.constant 16 : i32
      %add3A_832 = vector.broadcast %add3A_831 : i32 to vector<16xi32>
      %add3A_833 = arith.addi %broadcast_in_dim3A_827, %add3A_832 : vector<16xi32>
      %select_n3A_834 = arith.select %lt3A_830, %add3A_833, %broadcast_in_dim3A_827 : vector<16xi1>, vector<16xi32>
      %broadcast_in_dim3A_835 = vector.shape_cast %select_n3A_834 : vector<16xi32> to vector<16x1xi32>
      %gather3A_836 = vector.shape_cast %broadcast_in_dim3A_835 : vector<16x1xi32> to vector<16xi32>
      %gather3A_837 = tpu.dynamic_gather %get3A_499[%gather3A_836] in [0] : vector<16xf32>, vector<16xi32> -> vector<16xf32>
      %mul3A_838 = arith.mulf %get3A_825, %gather3A_837 : vector<16xf32>
      %swap3A_839 = arith.index_cast %add3A_822 : i32 to index
      %swap3A_840 = arith.constant 0 : index
      %swap3A_841 = tpu.vector_load %arg8[%swap3A_839, %swap3A_840] {strides = array<i32>} : memref<640x16xf32, #tpu.memory_space<vmem>>, vector<16xf32>,
      tpu.vector_store %arg8[%swap3A_839, %swap3A_840], %mul3A_838 {strides = array<i32>} : memref<640x16xf32, #tpu.memory_space<vmem>>, vector<16xf32>,
      %mul3A_842 = arith.constant 16 : i32
      %mul3A_843 = arith.muli %scan3A_495, %mul3A_842 : i32
      %add3A_844 = arith.constant 15 : i32
      %add3A_845 = arith.addi %mul3A_843, %add3A_844 : i32
      %get3A_846 = arith.index_cast %add3A_845 : i32 to index
      %get3A_847 = arith.constant 0 : index
      %get3A_848 = tpu.vector_load %arg8[%get3A_846, %get3A_847] {strides = array<i32>} : memref<640x16xf32, #tpu.memory_space<vmem>>, vector<16xf32>,
      %broadcast_in_dim3A_849 = arith.constant 15 : i32
      %broadcast_in_dim3A_850 = vector.broadcast %broadcast_in_dim3A_849 : i32 to vector<16xi32>
      %lt3A_851 = arith.constant 0 : i32
      %lt3A_852 = vector.broadcast %lt3A_851 : i32 to vector<16xi32>
      %lt3A_853 = arith.cmpi slt, %broadcast_in_dim3A_850, %lt3A_852 : vector<16xi32>
      %add3A_854 = arith.constant 16 : i32
      %add3A_855 = vector.broadcast %add3A_854 : i32 to vector<16xi32>
      %add3A_856 = arith.addi %broadcast_in_dim3A_850, %add3A_855 : vector<16xi32>
      %select_n3A_857 = arith.select %lt3A_853, %add3A_856, %broadcast_in_dim3A_850 : vector<16xi1>, vector<16xi32>
      %broadcast_in_dim3A_858 = vector.shape_cast %select_n3A_857 : vector<16xi32> to vector<16x1xi32>
      %gather3A_859 = vector.shape_cast %broadcast_in_dim3A_858 : vector<16x1xi32> to vector<16xi32>
      %gather3A_860 = tpu.dynamic_gather %get3A_499[%gather3A_859] in [0] : vector<16xf32>, vector<16xi32> -> vector<16xf32>
      %mul3A_861 = arith.mulf %get3A_848, %gather3A_860 : vector<16xf32>
      %swap3A_862 = arith.index_cast %add3A_845 : i32 to index
      %swap3A_863 = arith.constant 0 : index
      %swap3A_864 = tpu.vector_load %arg8[%swap3A_862, %swap3A_863] {strides = array<i32>} : memref<640x16xf32, #tpu.memory_space<vmem>>, vector<16xf32>,
      tpu.vector_store %arg8[%swap3A_862, %swap3A_863], %mul3A_861 {strides = array<i32>} : memref<640x16xf32, #tpu.memory_space<vmem>>, vector<16xf32>,
    }
    %scan3A_72 = arith.constant 40 : i32
    "tpu.region"() ({
      %run_scoped3A = tpu.sem_alloc : memref<!tpu.dma_semaphore, #tpu.memory_space<semaphore_mem>>
      %dma_start3A = arith.constant 0 : i32
      %dma_start3A_495 = tpu.memref_slice %arg18[%min3A_1, %dma_start3A] : memref<10000x16xf32, #tpu.memory_space<vmem_shared>> -> memref<640x16xf32, #tpu.memory_space<vmem_shared>>
      %dma_start3A_496 = arith.constant 0 : i32
      %dma_start3A_497 = tpu.memref_slice %arg18[%min3A_1, %dma_start3A_496] : memref<10000x16xf32, #tpu.memory_space<vmem_shared>> -> memref<640x16xf32, #tpu.memory_space<vmem_shared>>
      tpu.enqueue_dma source(%arg8 : memref<640x16xf32, #tpu.memory_space<vmem>>) target(%dma_start3A_497 : memref<640x16xf32, #tpu.memory_space<vmem_shared>>) target_semaphore(%run_scoped3A : memref<!tpu.dma_semaphore, #tpu.memory_space<semaphore_mem>>)
      %dma_wait3A_498 = arith.constant 0 : i32
      %dma_wait3A_499 = tpu.memref_slice %arg18[%min3A_1, %dma_wait3A_498] : memref<10000x16xf32, #tpu.memory_space<vmem_shared>> -> memref<640x16xf32, #tpu.memory_space<vmem_shared>>
      %dma_wait3A_500 = arith.constant 0 : i32
      %dma_wait3A_501 = tpu.memref_slice %arg18[%min3A_1, %dma_wait3A_500] : memref<10000x16xf32, #tpu.memory_space<vmem_shared>> -> memref<640x16xf32, #tpu.memory_space<vmem_shared>>
      tpu.wait_dma2 semaphore(%run_scoped3A : memref<!tpu.dma_semaphore, #tpu.memory_space<semaphore_mem>>) src(%arg8 : memref<640x16xf32, #tpu.memory_space<vmem>>) dst(%dma_wait3A_501 : memref<640x16xf32, #tpu.memory_space<vmem_shared>>)
      tpu.yield
    }) : () -> ()
    %barrier3A_73 = arith.constant 0 : index
    tpu.barrier barrier_id(%barrier3A_73)
    %scan3A_74 = arith.constant 0 : i32
    %scan3A_75 = arith.constant 0 : i32
    %scan3A_76 = arith.constant 13 : i32
    %scan3A_77 = arith.addi %scan3A_75, %scan3A_76 : i32
    %scan3A_78 = arith.constant 1 : i32
    scf.for %scan3A_495 = %scan3A_75 to %scan3A_77 step %scan3A_78  : i32 {
      %mul3A_496 = arith.constant 2 : i32
      %mul3A_497 = arith.muli %scan3A_495, %mul3A_496 : i32
      %add3A_498 = arith.constant 0 : i32
      %add3A_499 = arith.addi %mul3A_497, %add3A_498 : i32
      %ge3A_500 = arith.constant 2 : i32
      %ge3A_501 = arith.cmpi sge, %add3A_499, %ge3A_500 : i32
      %convert_element_type3A_502 = arith.extui %ge3A_501 : i1 to i32
      %cond3A_503 = arith.constant 0 : i32
      %cond3A_504 = arith.constant 0 : i32
      %cond3A_505 = arith.cmpi ne, %convert_element_type3A_502, %cond3A_504 : i32
      scf.if %cond3A_505 {
        %dma_wait3A_1199 = arith.constant 0 : i32
        %dma_wait3A_1200 = arith.constant 0 : i32
        %dma_wait3A_1201 = arith.constant 0 : i32
        %dma_wait3A_1202 = arith.constant 0 : i32
        %dma_wait3A_1203 = tpu.memref_slice %arg12[%cond3A_503, %dma_wait3A_1200, %dma_wait3A_1201, %dma_wait3A_1202] : memref<2x6x128x16xf32, #tpu.memory_space<vmem>> -> memref<1x6x128x16xf32, #tpu.memory_space<vmem>>
        %dma_wait3A_1204 = tpu.memref_squeeze %dma_wait3A_1203 : memref<1x6x128x16xf32, #tpu.memory_space<vmem>> -> memref<6x128x16xf32, #tpu.memory_space<vmem>>
        %dma_wait3A_1205 = arith.constant 0 : i32
        %dma_wait3A_1206 = arith.constant 0 : i32
        %dma_wait3A_1207 = tpu.memref_slice %dma_wait3A_1204[%dma_wait3A_1199, %dma_wait3A_1205, %dma_wait3A_1206] : memref<6x128x16xf32, #tpu.memory_space<vmem>> -> memref<1x128x16xf32, #tpu.memory_space<vmem>>
        %dma_wait3A_1208 = tpu.memref_squeeze %dma_wait3A_1207 : memref<1x128x16xf32, #tpu.memory_space<vmem>> -> memref<128x16xf32, #tpu.memory_space<vmem>>
        %dma_wait3A_1209 = arith.constant 0 : i32
        %dma_wait3A_1210 = tpu.memref_slice %arg11[%dma_wait3A_1209] : memref<20096xi32, #tpu.memory_space<vmem>> -> memref<128xi32, #tpu.memory_space<vmem>>
        %dma_wait3A_1211 = arith.constant 0 : i32
        %dma_wait3A_1212 = arith.constant 0 : i32
        %dma_wait3A_1213 = tpu.memref_slice %arg19[%dma_wait3A_1211, %dma_wait3A_1212] : memref<10000x16xf32, #tpu.memory_space<vmem_shared>> -> memref<10000x16xf32, #tpu.memory_space<vmem_shared>>
        tpu.wait_indirect_dma semaphore(%arg15 : memref<!tpu.dma_semaphore, #tpu.memory_space<semaphore_mem>>) src(%dma_wait3A_1208 : memref<128x16xf32, #tpu.memory_space<vmem>>) dst(%dma_wait3A_1213 : memref<10000x16xf32, #tpu.memory_space<vmem_shared>>)
        %dma_wait3A_1214 = arith.constant 1 : i32
        %dma_wait3A_1215 = arith.constant 0 : i32
        %dma_wait3A_1216 = arith.constant 0 : i32
        %dma_wait3A_1217 = arith.constant 0 : i32
        %dma_wait3A_1218 = tpu.memref_slice %arg12[%cond3A_503, %dma_wait3A_1215, %dma_wait3A_1216, %dma_wait3A_1217] : memref<2x6x128x16xf32, #tpu.memory_space<vmem>> -> memref<1x6x128x16xf32, #tpu.memory_space<vmem>>
        %dma_wait3A_1219 = tpu.memref_squeeze %dma_wait3A_1218 : memref<1x6x128x16xf32, #tpu.memory_space<vmem>> -> memref<6x128x16xf32, #tpu.memory_space<vmem>>
        %dma_wait3A_1220 = arith.constant 0 : i32
        %dma_wait3A_1221 = arith.constant 0 : i32
        %dma_wait3A_1222 = tpu.memref_slice %dma_wait3A_1219[%dma_wait3A_1214, %dma_wait3A_1220, %dma_wait3A_1221] : memref<6x128x16xf32, #tpu.memory_space<vmem>> -> memref<1x128x16xf32, #tpu.memory_space<vmem>>
        %dma_wait3A_1223 = tpu.memref_squeeze %dma_wait3A_1222 : memref<1x128x16xf32, #tpu.memory_space<vmem>> -> memref<128x16xf32, #tpu.memory_space<vmem>>
        %dma_wait3A_1224 = arith.constant 0 : i32
        %dma_wait3A_1225 = tpu.memref_slice %arg11[%dma_wait3A_1224] : memref<20096xi32, #tpu.memory_space<vmem>> -> memref<128xi32, #tpu.memory_space<vmem>>
        %dma_wait3A_1226 = arith.constant 0 : i32
        %dma_wait3A_1227 = arith.constant 0 : i32
        %dma_wait3A_1228 = tpu.memref_slice %arg19[%dma_wait3A_1226, %dma_wait3A_1227] : memref<10000x16xf32, #tpu.memory_space<vmem_shared>> -> memref<10000x16xf32, #tpu.memory_space<vmem_shared>>
        tpu.wait_indirect_dma semaphore(%arg15 : memref<!tpu.dma_semaphore, #tpu.memory_space<semaphore_mem>>) src(%dma_wait3A_1223 : memref<128x16xf32, #tpu.memory_space<vmem>>) dst(%dma_wait3A_1228 : memref<10000x16xf32, #tpu.memory_space<vmem_shared>>)
        %dma_wait3A_1229 = arith.constant 2 : i32
        %dma_wait3A_1230 = arith.constant 0 : i32
        %dma_wait3A_1231 = arith.constant 0 : i32
        %dma_wait3A_1232 = arith.constant 0 : i32
        %dma_wait3A_1233 = tpu.memref_slice %arg12[%cond3A_503, %dma_wait3A_1230, %dma_wait3A_1231, %dma_wait3A_1232] : memref<2x6x128x16xf32, #tpu.memory_space<vmem>> -> memref<1x6x128x16xf32, #tpu.memory_space<vmem>>
        %dma_wait3A_1234 = tpu.memref_squeeze %dma_wait3A_1233 : memref<1x6x128x16xf32, #tpu.memory_space<vmem>> -> memref<6x128x16xf32, #tpu.memory_space<vmem>>
        %dma_wait3A_1235 = arith.constant 0 : i32
        %dma_wait3A_1236 = arith.constant 0 : i32
        %dma_wait3A_1237 = tpu.memref_slice %dma_wait3A_1234[%dma_wait3A_1229, %dma_wait3A_1235, %dma_wait3A_1236] : memref<6x128x16xf32, #tpu.memory_space<vmem>> -> memref<1x128x16xf32, #tpu.memory_space<vmem>>
        %dma_wait3A_1238 = tpu.memref_squeeze %dma_wait3A_1237 : memref<1x128x16xf32, #tpu.memory_space<vmem>> -> memref<128x16xf32, #tpu.memory_space<vmem>>
        %dma_wait3A_1239 = arith.constant 0 : i32
        %dma_wait3A_1240 = tpu.memref_slice %arg11[%dma_wait3A_1239] : memref<20096xi32, #tpu.memory_space<vmem>> -> memref<128xi32, #tpu.memory_space<vmem>>
        %dma_wait3A_1241 = arith.constant 0 : i32
        %dma_wait3A_1242 = arith.constant 0 : i32
        %dma_wait3A_1243 = tpu.memref_slice %arg19[%dma_wait3A_1241, %dma_wait3A_1242] : memref<10000x16xf32, #tpu.memory_space<vmem_shared>> -> memref<10000x16xf32, #tpu.memory_space<vmem_shared>>
        tpu.wait_indirect_dma semaphore(%arg15 : memref<!tpu.dma_semaphore, #tpu.memory_space<semaphore_mem>>) src(%dma_wait3A_1238 : memref<128x16xf32, #tpu.memory_space<vmem>>) dst(%dma_wait3A_1243 : memref<10000x16xf32, #tpu.memory_space<vmem_shared>>)
        %dma_wait3A_1244 = arith.constant 3 : i32
        %dma_wait3A_1245 = arith.constant 0 : i32
        %dma_wait3A_1246 = arith.constant 0 : i32
        %dma_wait3A_1247 = arith.constant 0 : i32
        %dma_wait3A_1248 = tpu.memref_slice %arg12[%cond3A_503, %dma_wait3A_1245, %dma_wait3A_1246, %dma_wait3A_1247] : memref<2x6x128x16xf32, #tpu.memory_space<vmem>> -> memref<1x6x128x16xf32, #tpu.memory_space<vmem>>
        %dma_wait3A_1249 = tpu.memref_squeeze %dma_wait3A_1248 : memref<1x6x128x16xf32, #tpu.memory_space<vmem>> -> memref<6x128x16xf32, #tpu.memory_space<vmem>>
        %dma_wait3A_1250 = arith.constant 0 : i32
        %dma_wait3A_1251 = arith.constant 0 : i32
        %dma_wait3A_1252 = tpu.memref_slice %dma_wait3A_1249[%dma_wait3A_1244, %dma_wait3A_1250, %dma_wait3A_1251] : memref<6x128x16xf32, #tpu.memory_space<vmem>> -> memref<1x128x16xf32, #tpu.memory_space<vmem>>
        %dma_wait3A_1253 = tpu.memref_squeeze %dma_wait3A_1252 : memref<1x128x16xf32, #tpu.memory_space<vmem>> -> memref<128x16xf32, #tpu.memory_space<vmem>>
        %dma_wait3A_1254 = arith.constant 0 : i32
        %dma_wait3A_1255 = tpu.memref_slice %arg11[%dma_wait3A_1254] : memref<20096xi32, #tpu.memory_space<vmem>> -> memref<128xi32, #tpu.memory_space<vmem>>
        %dma_wait3A_1256 = arith.constant 0 : i32
        %dma_wait3A_1257 = arith.constant 0 : i32
        %dma_wait3A_1258 = tpu.memref_slice %arg19[%dma_wait3A_1256, %dma_wait3A_1257] : memref<10000x16xf32, #tpu.memory_space<vmem_shared>> -> memref<10000x16xf32, #tpu.memory_space<vmem_shared>>
        tpu.wait_indirect_dma semaphore(%arg15 : memref<!tpu.dma_semaphore, #tpu.memory_space<semaphore_mem>>) src(%dma_wait3A_1253 : memref<128x16xf32, #tpu.memory_space<vmem>>) dst(%dma_wait3A_1258 : memref<10000x16xf32, #tpu.memory_space<vmem_shared>>)
        %dma_wait3A_1259 = arith.constant 4 : i32
        %dma_wait3A_1260 = arith.constant 0 : i32
        %dma_wait3A_1261 = arith.constant 0 : i32
        %dma_wait3A_1262 = arith.constant 0 : i32
        %dma_wait3A_1263 = tpu.memref_slice %arg12[%cond3A_503, %dma_wait3A_1260, %dma_wait3A_1261, %dma_wait3A_1262] : memref<2x6x128x16xf32, #tpu.memory_space<vmem>> -> memref<1x6x128x16xf32, #tpu.memory_space<vmem>>
        %dma_wait3A_1264 = tpu.memref_squeeze %dma_wait3A_1263 : memref<1x6x128x16xf32, #tpu.memory_space<vmem>> -> memref<6x128x16xf32, #tpu.memory_space<vmem>>
        %dma_wait3A_1265 = arith.constant 0 : i32
        %dma_wait3A_1266 = arith.constant 0 : i32
        %dma_wait3A_1267 = tpu.memref_slice %dma_wait3A_1264[%dma_wait3A_1259, %dma_wait3A_1265, %dma_wait3A_1266] : memref<6x128x16xf32, #tpu.memory_space<vmem>> -> memref<1x128x16xf32, #tpu.memory_space<vmem>>
        %dma_wait3A_1268 = tpu.memref_squeeze %dma_wait3A_1267 : memref<1x128x16xf32, #tpu.memory_space<vmem>> -> memref<128x16xf32, #tpu.memory_space<vmem>>
        %dma_wait3A_1269 = arith.constant 0 : i32
        %dma_wait3A_1270 = tpu.memref_slice %arg11[%dma_wait3A_1269] : memref<20096xi32, #tpu.memory_space<vmem>> -> memref<128xi32, #tpu.memory_space<vmem>>
        %dma_wait3A_1271 = arith.constant 0 : i32
        %dma_wait3A_1272 = arith.constant 0 : i32
        %dma_wait3A_1273 = tpu.memref_slice %arg19[%dma_wait3A_1271, %dma_wait3A_1272] : memref<10000x16xf32, #tpu.memory_space<vmem_shared>> -> memref<10000x16xf32, #tpu.memory_space<vmem_shared>>
        tpu.wait_indirect_dma semaphore(%arg15 : memref<!tpu.dma_semaphore, #tpu.memory_space<semaphore_mem>>) src(%dma_wait3A_1268 : memref<128x16xf32, #tpu.memory_space<vmem>>) dst(%dma_wait3A_1273 : memref<10000x16xf32, #tpu.memory_space<vmem_shared>>)
        %dma_wait3A_1274 = arith.constant 5 : i32
        %dma_wait3A_1275 = arith.constant 0 : i32
        %dma_wait3A_1276 = arith.constant 0 : i32
        %dma_wait3A_1277 = arith.constant 0 : i32
        %dma_wait3A_1278 = tpu.memref_slice %arg12[%cond3A_503, %dma_wait3A_1275, %dma_wait3A_1276, %dma_wait3A_1277] : memref<2x6x128x16xf32, #tpu.memory_space<vmem>> -> memref<1x6x128x16xf32, #tpu.memory_space<vmem>>
        %dma_wait3A_1279 = tpu.memref_squeeze %dma_wait3A_1278 : memref<1x6x128x16xf32, #tpu.memory_space<vmem>> -> memref<6x128x16xf32, #tpu.memory_space<vmem>>
        %dma_wait3A_1280 = arith.constant 0 : i32
        %dma_wait3A_1281 = arith.constant 0 : i32
        %dma_wait3A_1282 = tpu.memref_slice %dma_wait3A_1279[%dma_wait3A_1274, %dma_wait3A_1280, %dma_wait3A_1281] : memref<6x128x16xf32, #tpu.memory_space<vmem>> -> memref<1x128x16xf32, #tpu.memory_space<vmem>>
        %dma_wait3A_1283 = tpu.memref_squeeze %dma_wait3A_1282 : memref<1x128x16xf32, #tpu.memory_space<vmem>> -> memref<128x16xf32, #tpu.memory_space<vmem>>
        %dma_wait3A_1284 = arith.constant 0 : i32
        %dma_wait3A_1285 = tpu.memref_slice %arg11[%dma_wait3A_1284] : memref<20096xi32, #tpu.memory_space<vmem>> -> memref<128xi32, #tpu.memory_space<vmem>>
        %dma_wait3A_1286 = arith.constant 0 : i32
        %dma_wait3A_1287 = arith.constant 0 : i32
        %dma_wait3A_1288 = tpu.memref_slice %arg19[%dma_wait3A_1286, %dma_wait3A_1287] : memref<10000x16xf32, #tpu.memory_space<vmem_shared>> -> memref<10000x16xf32, #tpu.memory_space<vmem_shared>>
        tpu.wait_indirect_dma semaphore(%arg15 : memref<!tpu.dma_semaphore, #tpu.memory_space<semaphore_mem>>) src(%dma_wait3A_1283 : memref<128x16xf32, #tpu.memory_space<vmem>>) dst(%dma_wait3A_1288 : memref<10000x16xf32, #tpu.memory_space<vmem_shared>>)
      } else {
      }
      %mul3A_506 = arith.constant 6 : i32
      %mul3A_507 = arith.muli %add3A_499, %mul3A_506 : i32
      %add3A_508 = arith.constant 0 : i32
      %add3A_509 = arith.addi %mul3A_507, %add3A_508 : i32
      %mul3A_510 = arith.constant 128 : i32
      %mul3A_511 = arith.muli %add3A_509, %mul3A_510 : i32
      %dma_start3A = arith.constant 0 : i32
      %dma_start3A_512 = arith.constant 0 : i32
      %dma_start3A_513 = arith.constant 0 : i32
      %dma_start3A_514 = arith.constant 0 : i32
      %dma_start3A_515 = arith.constant 0 : i32
      %dma_start3A_516 = tpu.memref_slice %arg12[%dma_start3A, %dma_start3A_513, %dma_start3A_514, %dma_start3A_515] : memref<2x6x128x16xf32, #tpu.memory_space<vmem>> -> memref<1x6x128x16xf32, #tpu.memory_space<vmem>>
      %dma_start3A_517 = tpu.memref_squeeze %dma_start3A_516 : memref<1x6x128x16xf32, #tpu.memory_space<vmem>> -> memref<6x128x16xf32, #tpu.memory_space<vmem>>
      %dma_start3A_518 = arith.constant 0 : i32
      %dma_start3A_519 = arith.constant 0 : i32
      %dma_start3A_520 = tpu.memref_slice %dma_start3A_517[%dma_start3A_512, %dma_start3A_518, %dma_start3A_519] : memref<6x128x16xf32, #tpu.memory_space<vmem>> -> memref<1x128x16xf32, #tpu.memory_space<vmem>>
      %dma_start3A_521 = tpu.memref_squeeze %dma_start3A_520 : memref<1x128x16xf32, #tpu.memory_space<vmem>> -> memref<128x16xf32, #tpu.memory_space<vmem>>
      %dma_start3A_522 = tpu.memref_slice %arg10[%mul3A_511] : memref<20096xi32, #tpu.memory_space<vmem>> -> memref<128xi32, #tpu.memory_space<vmem>>
      %dma_start3A_523 = arith.constant 0 : i32
      %dma_start3A_524 = arith.constant 0 : i32
      %dma_start3A_525 = tpu.memref_slice %arg18[%dma_start3A_523, %dma_start3A_524] : memref<10000x16xf32, #tpu.memory_space<vmem_shared>> -> memref<10000x16xf32, #tpu.memory_space<vmem_shared>>
      tpu.enqueue_indirect_dma source(%dma_start3A_525 : memref<10000x16xf32, #tpu.memory_space<vmem_shared>>) target(%dma_start3A_521 : memref<128x16xf32, #tpu.memory_space<vmem>>) offsets(%dma_start3A_522 : memref<128xi32, #tpu.memory_space<vmem>>) semaphore(%arg14 : memref<!tpu.dma_semaphore, #tpu.memory_space<semaphore_mem>>)
      %mul3A_526 = arith.constant 6 : i32
      %mul3A_527 = arith.muli %add3A_499, %mul3A_526 : i32
      %add3A_528 = arith.constant 1 : i32
      %add3A_529 = arith.addi %mul3A_527, %add3A_528 : i32
      %mul3A_530 = arith.constant 128 : i32
      %mul3A_531 = arith.muli %add3A_529, %mul3A_530 : i32
      %dma_start3A_532 = arith.constant 0 : i32
      %dma_start3A_533 = arith.constant 1 : i32
      %dma_start3A_534 = arith.constant 0 : i32
      %dma_start3A_535 = arith.constant 0 : i32
      %dma_start3A_536 = arith.constant 0 : i32
      %dma_start3A_537 = tpu.memref_slice %arg12[%dma_start3A_532, %dma_start3A_534, %dma_start3A_535, %dma_start3A_536] : memref<2x6x128x16xf32, #tpu.memory_space<vmem>> -> memref<1x6x128x16xf32, #tpu.memory_space<vmem>>
      %dma_start3A_538 = tpu.memref_squeeze %dma_start3A_537 : memref<1x6x128x16xf32, #tpu.memory_space<vmem>> -> memref<6x128x16xf32, #tpu.memory_space<vmem>>
      %dma_start3A_539 = arith.constant 0 : i32
      %dma_start3A_540 = arith.constant 0 : i32
      %dma_start3A_541 = tpu.memref_slice %dma_start3A_538[%dma_start3A_533, %dma_start3A_539, %dma_start3A_540] : memref<6x128x16xf32, #tpu.memory_space<vmem>> -> memref<1x128x16xf32, #tpu.memory_space<vmem>>
      %dma_start3A_542 = tpu.memref_squeeze %dma_start3A_541 : memref<1x128x16xf32, #tpu.memory_space<vmem>> -> memref<128x16xf32, #tpu.memory_space<vmem>>
      %dma_start3A_543 = tpu.memref_slice %arg10[%mul3A_531] : memref<20096xi32, #tpu.memory_space<vmem>> -> memref<128xi32, #tpu.memory_space<vmem>>
      %dma_start3A_544 = arith.constant 0 : i32
      %dma_start3A_545 = arith.constant 0 : i32
      %dma_start3A_546 = tpu.memref_slice %arg18[%dma_start3A_544, %dma_start3A_545] : memref<10000x16xf32, #tpu.memory_space<vmem_shared>> -> memref<10000x16xf32, #tpu.memory_space<vmem_shared>>
      tpu.enqueue_indirect_dma source(%dma_start3A_546 : memref<10000x16xf32, #tpu.memory_space<vmem_shared>>) target(%dma_start3A_542 : memref<128x16xf32, #tpu.memory_space<vmem>>) offsets(%dma_start3A_543 : memref<128xi32, #tpu.memory_space<vmem>>) semaphore(%arg14 : memref<!tpu.dma_semaphore, #tpu.memory_space<semaphore_mem>>)
      %mul3A_547 = arith.constant 6 : i32
      %mul3A_548 = arith.muli %add3A_499, %mul3A_547 : i32
      %add3A_549 = arith.constant 2 : i32
      %add3A_550 = arith.addi %mul3A_548, %add3A_549 : i32
      %mul3A_551 = arith.constant 128 : i32
      %mul3A_552 = arith.muli %add3A_550, %mul3A_551 : i32
      %dma_start3A_553 = arith.constant 0 : i32
      %dma_start3A_554 = arith.constant 2 : i32
      %dma_start3A_555 = arith.constant 0 : i32
      %dma_start3A_556 = arith.constant 0 : i32
      %dma_start3A_557 = arith.constant 0 : i32
      %dma_start3A_558 = tpu.memref_slice %arg12[%dma_start3A_553, %dma_start3A_555, %dma_start3A_556, %dma_start3A_557] : memref<2x6x128x16xf32, #tpu.memory_space<vmem>> -> memref<1x6x128x16xf32, #tpu.memory_space<vmem>>
      %dma_start3A_559 = tpu.memref_squeeze %dma_start3A_558 : memref<1x6x128x16xf32, #tpu.memory_space<vmem>> -> memref<6x128x16xf32, #tpu.memory_space<vmem>>
      %dma_start3A_560 = arith.constant 0 : i32
      %dma_start3A_561 = arith.constant 0 : i32
      %dma_start3A_562 = tpu.memref_slice %dma_start3A_559[%dma_start3A_554, %dma_start3A_560, %dma_start3A_561] : memref<6x128x16xf32, #tpu.memory_space<vmem>> -> memref<1x128x16xf32, #tpu.memory_space<vmem>>
      %dma_start3A_563 = tpu.memref_squeeze %dma_start3A_562 : memref<1x128x16xf32, #tpu.memory_space<vmem>> -> memref<128x16xf32, #tpu.memory_space<vmem>>
      %dma_start3A_564 = tpu.memref_slice %arg10[%mul3A_552] : memref<20096xi32, #tpu.memory_space<vmem>> -> memref<128xi32, #tpu.memory_space<vmem>>
      %dma_start3A_565 = arith.constant 0 : i32
      %dma_start3A_566 = arith.constant 0 : i32
      %dma_start3A_567 = tpu.memref_slice %arg18[%dma_start3A_565, %dma_start3A_566] : memref<10000x16xf32, #tpu.memory_space<vmem_shared>> -> memref<10000x16xf32, #tpu.memory_space<vmem_shared>>
      tpu.enqueue_indirect_dma source(%dma_start3A_567 : memref<10000x16xf32, #tpu.memory_space<vmem_shared>>) target(%dma_start3A_563 : memref<128x16xf32, #tpu.memory_space<vmem>>) offsets(%dma_start3A_564 : memref<128xi32, #tpu.memory_space<vmem>>) semaphore(%arg14 : memref<!tpu.dma_semaphore, #tpu.memory_space<semaphore_mem>>)
      %mul3A_568 = arith.constant 6 : i32
      %mul3A_569 = arith.muli %add3A_499, %mul3A_568 : i32
      %add3A_570 = arith.constant 3 : i32
      %add3A_571 = arith.addi %mul3A_569, %add3A_570 : i32
      %mul3A_572 = arith.constant 128 : i32
      %mul3A_573 = arith.muli %add3A_571, %mul3A_572 : i32
      %dma_start3A_574 = arith.constant 0 : i32
      %dma_start3A_575 = arith.constant 3 : i32
      %dma_start3A_576 = arith.constant 0 : i32
      %dma_start3A_577 = arith.constant 0 : i32
      %dma_start3A_578 = arith.constant 0 : i32
      %dma_start3A_579 = tpu.memref_slice %arg12[%dma_start3A_574, %dma_start3A_576, %dma_start3A_577, %dma_start3A_578] : memref<2x6x128x16xf32, #tpu.memory_space<vmem>> -> memref<1x6x128x16xf32, #tpu.memory_space<vmem>>
      %dma_start3A_580 = tpu.memref_squeeze %dma_start3A_579 : memref<1x6x128x16xf32, #tpu.memory_space<vmem>> -> memref<6x128x16xf32, #tpu.memory_space<vmem>>
      %dma_start3A_581 = arith.constant 0 : i32
      %dma_start3A_582 = arith.constant 0 : i32
      %dma_start3A_583 = tpu.memref_slice %dma_start3A_580[%dma_start3A_575, %dma_start3A_581, %dma_start3A_582] : memref<6x128x16xf32, #tpu.memory_space<vmem>> -> memref<1x128x16xf32, #tpu.memory_space<vmem>>
      %dma_start3A_584 = tpu.memref_squeeze %dma_start3A_583 : memref<1x128x16xf32, #tpu.memory_space<vmem>> -> memref<128x16xf32, #tpu.memory_space<vmem>>
      %dma_start3A_585 = tpu.memref_slice %arg10[%mul3A_573] : memref<20096xi32, #tpu.memory_space<vmem>> -> memref<128xi32, #tpu.memory_space<vmem>>
      %dma_start3A_586 = arith.constant 0 : i32
      %dma_start3A_587 = arith.constant 0 : i32
      %dma_start3A_588 = tpu.memref_slice %arg18[%dma_start3A_586, %dma_start3A_587] : memref<10000x16xf32, #tpu.memory_space<vmem_shared>> -> memref<10000x16xf32, #tpu.memory_space<vmem_shared>>
      tpu.enqueue_indirect_dma source(%dma_start3A_588 : memref<10000x16xf32, #tpu.memory_space<vmem_shared>>) target(%dma_start3A_584 : memref<128x16xf32, #tpu.memory_space<vmem>>) offsets(%dma_start3A_585 : memref<128xi32, #tpu.memory_space<vmem>>) semaphore(%arg14 : memref<!tpu.dma_semaphore, #tpu.memory_space<semaphore_mem>>)
      %mul3A_589 = arith.constant 6 : i32
      %mul3A_590 = arith.muli %add3A_499, %mul3A_589 : i32
      %add3A_591 = arith.constant 4 : i32
      %add3A_592 = arith.addi %mul3A_590, %add3A_591 : i32
      %mul3A_593 = arith.constant 128 : i32
      %mul3A_594 = arith.muli %add3A_592, %mul3A_593 : i32
      %dma_start3A_595 = arith.constant 0 : i32
      %dma_start3A_596 = arith.constant 4 : i32
      %dma_start3A_597 = arith.constant 0 : i32
      %dma_start3A_598 = arith.constant 0 : i32
      %dma_start3A_599 = arith.constant 0 : i32
      %dma_start3A_600 = tpu.memref_slice %arg12[%dma_start3A_595, %dma_start3A_597, %dma_start3A_598, %dma_start3A_599] : memref<2x6x128x16xf32, #tpu.memory_space<vmem>> -> memref<1x6x128x16xf32, #tpu.memory_space<vmem>>
      %dma_start3A_601 = tpu.memref_squeeze %dma_start3A_600 : memref<1x6x128x16xf32, #tpu.memory_space<vmem>> -> memref<6x128x16xf32, #tpu.memory_space<vmem>>
      %dma_start3A_602 = arith.constant 0 : i32
      %dma_start3A_603 = arith.constant 0 : i32
      %dma_start3A_604 = tpu.memref_slice %dma_start3A_601[%dma_start3A_596, %dma_start3A_602, %dma_start3A_603] : memref<6x128x16xf32, #tpu.memory_space<vmem>> -> memref<1x128x16xf32, #tpu.memory_space<vmem>>
      %dma_start3A_605 = tpu.memref_squeeze %dma_start3A_604 : memref<1x128x16xf32, #tpu.memory_space<vmem>> -> memref<128x16xf32, #tpu.memory_space<vmem>>
      %dma_start3A_606 = tpu.memref_slice %arg10[%mul3A_594] : memref<20096xi32, #tpu.memory_space<vmem>> -> memref<128xi32, #tpu.memory_space<vmem>>
      %dma_start3A_607 = arith.constant 0 : i32
      %dma_start3A_608 = arith.constant 0 : i32
      %dma_start3A_609 = tpu.memref_slice %arg18[%dma_start3A_607, %dma_start3A_608] : memref<10000x16xf32, #tpu.memory_space<vmem_shared>> -> memref<10000x16xf32, #tpu.memory_space<vmem_shared>>
      tpu.enqueue_indirect_dma source(%dma_start3A_609 : memref<10000x16xf32, #tpu.memory_space<vmem_shared>>) target(%dma_start3A_605 : memref<128x16xf32, #tpu.memory_space<vmem>>) offsets(%dma_start3A_606 : memref<128xi32, #tpu.memory_space<vmem>>) semaphore(%arg14 : memref<!tpu.dma_semaphore, #tpu.memory_space<semaphore_mem>>)
      %mul3A_610 = arith.constant 6 : i32
      %mul3A_611 = arith.muli %add3A_499, %mul3A_610 : i32
      %add3A_612 = arith.constant 5 : i32
      %add3A_613 = arith.addi %mul3A_611, %add3A_612 : i32
      %mul3A_614 = arith.constant 128 : i32
      %mul3A_615 = arith.muli %add3A_613, %mul3A_614 : i32
      %dma_start3A_616 = arith.constant 0 : i32
      %dma_start3A_617 = arith.constant 5 : i32
      %dma_start3A_618 = arith.constant 0 : i32
      %dma_start3A_619 = arith.constant 0 : i32
      %dma_start3A_620 = arith.constant 0 : i32
      %dma_start3A_621 = tpu.memref_slice %arg12[%dma_start3A_616, %dma_start3A_618, %dma_start3A_619, %dma_start3A_620] : memref<2x6x128x16xf32, #tpu.memory_space<vmem>> -> memref<1x6x128x16xf32, #tpu.memory_space<vmem>>
      %dma_start3A_622 = tpu.memref_squeeze %dma_start3A_621 : memref<1x6x128x16xf32, #tpu.memory_space<vmem>> -> memref<6x128x16xf32, #tpu.memory_space<vmem>>
      %dma_start3A_623 = arith.constant 0 : i32
      %dma_start3A_624 = arith.constant 0 : i32
      %dma_start3A_625 = tpu.memref_slice %dma_start3A_622[%dma_start3A_617, %dma_start3A_623, %dma_start3A_624] : memref<6x128x16xf32, #tpu.memory_space<vmem>> -> memref<1x128x16xf32, #tpu.memory_space<vmem>>
      %dma_start3A_626 = tpu.memref_squeeze %dma_start3A_625 : memref<1x128x16xf32, #tpu.memory_space<vmem>> -> memref<128x16xf32, #tpu.memory_space<vmem>>
      %dma_start3A_627 = tpu.memref_slice %arg10[%mul3A_615] : memref<20096xi32, #tpu.memory_space<vmem>> -> memref<128xi32, #tpu.memory_space<vmem>>
      %dma_start3A_628 = arith.constant 0 : i32
      %dma_start3A_629 = arith.constant 0 : i32
      %dma_start3A_630 = tpu.memref_slice %arg18[%dma_start3A_628, %dma_start3A_629] : memref<10000x16xf32, #tpu.memory_space<vmem_shared>> -> memref<10000x16xf32, #tpu.memory_space<vmem_shared>>
      tpu.enqueue_indirect_dma source(%dma_start3A_630 : memref<10000x16xf32, #tpu.memory_space<vmem_shared>>) target(%dma_start3A_626 : memref<128x16xf32, #tpu.memory_space<vmem>>) offsets(%dma_start3A_627 : memref<128xi32, #tpu.memory_space<vmem>>) semaphore(%arg14 : memref<!tpu.dma_semaphore, #tpu.memory_space<semaphore_mem>>)
      %mul3A_631 = arith.constant 6 : i32
      %mul3A_632 = arith.muli %add3A_499, %mul3A_631 : i32
      %add3A_633 = arith.constant 0 : i32
      %add3A_634 = arith.addi %mul3A_632, %add3A_633 : i32
      %dma_wait3A_635 = arith.constant 0 : i32
      %dma_wait3A_636 = arith.constant 0 : i32
      %dma_wait3A_637 = arith.constant 0 : i32
      %dma_wait3A_638 = arith.constant 0 : i32
      %dma_wait3A_639 = arith.constant 0 : i32
      %dma_wait3A_640 = tpu.memref_slice %arg12[%dma_wait3A_635, %dma_wait3A_637, %dma_wait3A_638, %dma_wait3A_639] : memref<2x6x128x16xf32, #tpu.memory_space<vmem>> -> memref<1x6x128x16xf32, #tpu.memory_space<vmem>>
      %dma_wait3A_641 = tpu.memref_squeeze %dma_wait3A_640 : memref<1x6x128x16xf32, #tpu.memory_space<vmem>> -> memref<6x128x16xf32, #tpu.memory_space<vmem>>
      %dma_wait3A_642 = arith.constant 0 : i32
      %dma_wait3A_643 = arith.constant 0 : i32
      %dma_wait3A_644 = tpu.memref_slice %dma_wait3A_641[%dma_wait3A_636, %dma_wait3A_642, %dma_wait3A_643] : memref<6x128x16xf32, #tpu.memory_space<vmem>> -> memref<1x128x16xf32, #tpu.memory_space<vmem>>
      %dma_wait3A_645 = tpu.memref_squeeze %dma_wait3A_644 : memref<1x128x16xf32, #tpu.memory_space<vmem>> -> memref<128x16xf32, #tpu.memory_space<vmem>>
      %dma_wait3A_646 = tpu.memref_slice %arg10[%mul3A_511] : memref<20096xi32, #tpu.memory_space<vmem>> -> memref<128xi32, #tpu.memory_space<vmem>>
      %dma_wait3A_647 = arith.constant 0 : i32
      %dma_wait3A_648 = arith.constant 0 : i32
      %dma_wait3A_649 = tpu.memref_slice %arg18[%dma_wait3A_647, %dma_wait3A_648] : memref<10000x16xf32, #tpu.memory_space<vmem_shared>> -> memref<10000x16xf32, #tpu.memory_space<vmem_shared>>
      tpu.wait_indirect_dma semaphore(%arg14 : memref<!tpu.dma_semaphore, #tpu.memory_space<semaphore_mem>>) src(%dma_wait3A_649 : memref<10000x16xf32, #tpu.memory_space<vmem_shared>>) dst(%dma_wait3A_645 : memref<128x16xf32, #tpu.memory_space<vmem>>)
      %mul3A_650 = arith.constant 128 : i32
      %mul3A_651 = arith.muli %add3A_634, %mul3A_650 : i32
      %dma_start3A_652 = arith.constant 0 : i32
      %dma_start3A_653 = arith.constant 0 : i32
      %dma_start3A_654 = arith.constant 0 : i32
      %dma_start3A_655 = arith.constant 0 : i32
      %dma_start3A_656 = arith.constant 0 : i32
      %dma_start3A_657 = tpu.memref_slice %arg12[%dma_start3A_652, %dma_start3A_654, %dma_start3A_655, %dma_start3A_656] : memref<2x6x128x16xf32, #tpu.memory_space<vmem>> -> memref<1x6x128x16xf32, #tpu.memory_space<vmem>>
      %dma_start3A_658 = tpu.memref_squeeze %dma_start3A_657 : memref<1x6x128x16xf32, #tpu.memory_space<vmem>> -> memref<6x128x16xf32, #tpu.memory_space<vmem>>
      %dma_start3A_659 = arith.constant 0 : i32
      %dma_start3A_660 = arith.constant 0 : i32
      %dma_start3A_661 = tpu.memref_slice %dma_start3A_658[%dma_start3A_653, %dma_start3A_659, %dma_start3A_660] : memref<6x128x16xf32, #tpu.memory_space<vmem>> -> memref<1x128x16xf32, #tpu.memory_space<vmem>>
      %dma_start3A_662 = tpu.memref_squeeze %dma_start3A_661 : memref<1x128x16xf32, #tpu.memory_space<vmem>> -> memref<128x16xf32, #tpu.memory_space<vmem>>
      %dma_start3A_663 = tpu.memref_slice %arg11[%mul3A_651] : memref<20096xi32, #tpu.memory_space<vmem>> -> memref<128xi32, #tpu.memory_space<vmem>>
      %dma_start3A_664 = arith.constant 0 : i32
      %dma_start3A_665 = arith.constant 0 : i32
      %dma_start3A_666 = tpu.memref_slice %arg19[%dma_start3A_664, %dma_start3A_665] : memref<10000x16xf32, #tpu.memory_space<vmem_shared>> -> memref<10000x16xf32, #tpu.memory_space<vmem_shared>>
      tpu.enqueue_indirect_dma source(%dma_start3A_662 : memref<128x16xf32, #tpu.memory_space<vmem>>) target(%dma_start3A_666 : memref<10000x16xf32, #tpu.memory_space<vmem_shared>>) offsets(%dma_start3A_663 : memref<128xi32, #tpu.memory_space<vmem>>) semaphore(%arg15 : memref<!tpu.dma_semaphore, #tpu.memory_space<semaphore_mem>>) {add = true}
      %mul3A_667 = arith.constant 6 : i32
      %mul3A_668 = arith.muli %add3A_499, %mul3A_667 : i32
      %add3A_669 = arith.constant 1 : i32
      %add3A_670 = arith.addi %mul3A_668, %add3A_669 : i32
      %dma_wait3A_671 = arith.constant 0 : i32
      %dma_wait3A_672 = arith.constant 1 : i32
      %dma_wait3A_673 = arith.constant 0 : i32
      %dma_wait3A_674 = arith.constant 0 : i32
      %dma_wait3A_675 = arith.constant 0 : i32
      %dma_wait3A_676 = tpu.memref_slice %arg12[%dma_wait3A_671, %dma_wait3A_673, %dma_wait3A_674, %dma_wait3A_675] : memref<2x6x128x16xf32, #tpu.memory_space<vmem>> -> memref<1x6x128x16xf32, #tpu.memory_space<vmem>>
      %dma_wait3A_677 = tpu.memref_squeeze %dma_wait3A_676 : memref<1x6x128x16xf32, #tpu.memory_space<vmem>> -> memref<6x128x16xf32, #tpu.memory_space<vmem>>
      %dma_wait3A_678 = arith.constant 0 : i32
      %dma_wait3A_679 = arith.constant 0 : i32
      %dma_wait3A_680 = tpu.memref_slice %dma_wait3A_677[%dma_wait3A_672, %dma_wait3A_678, %dma_wait3A_679] : memref<6x128x16xf32, #tpu.memory_space<vmem>> -> memref<1x128x16xf32, #tpu.memory_space<vmem>>
      %dma_wait3A_681 = tpu.memref_squeeze %dma_wait3A_680 : memref<1x128x16xf32, #tpu.memory_space<vmem>> -> memref<128x16xf32, #tpu.memory_space<vmem>>
      %dma_wait3A_682 = tpu.memref_slice %arg10[%mul3A_531] : memref<20096xi32, #tpu.memory_space<vmem>> -> memref<128xi32, #tpu.memory_space<vmem>>
      %dma_wait3A_683 = arith.constant 0 : i32
      %dma_wait3A_684 = arith.constant 0 : i32
      %dma_wait3A_685 = tpu.memref_slice %arg18[%dma_wait3A_683, %dma_wait3A_684] : memref<10000x16xf32, #tpu.memory_space<vmem_shared>> -> memref<10000x16xf32, #tpu.memory_space<vmem_shared>>
      tpu.wait_indirect_dma semaphore(%arg14 : memref<!tpu.dma_semaphore, #tpu.memory_space<semaphore_mem>>) src(%dma_wait3A_685 : memref<10000x16xf32, #tpu.memory_space<vmem_shared>>) dst(%dma_wait3A_681 : memref<128x16xf32, #tpu.memory_space<vmem>>)
      %mul3A_686 = arith.constant 128 : i32
      %mul3A_687 = arith.muli %add3A_670, %mul3A_686 : i32
      %dma_start3A_688 = arith.constant 0 : i32
      %dma_start3A_689 = arith.constant 1 : i32
      %dma_start3A_690 = arith.constant 0 : i32
      %dma_start3A_691 = arith.constant 0 : i32
      %dma_start3A_692 = arith.constant 0 : i32
      %dma_start3A_693 = tpu.memref_slice %arg12[%dma_start3A_688, %dma_start3A_690, %dma_start3A_691, %dma_start3A_692] : memref<2x6x128x16xf32, #tpu.memory_space<vmem>> -> memref<1x6x128x16xf32, #tpu.memory_space<vmem>>
      %dma_start3A_694 = tpu.memref_squeeze %dma_start3A_693 : memref<1x6x128x16xf32, #tpu.memory_space<vmem>> -> memref<6x128x16xf32, #tpu.memory_space<vmem>>
      %dma_start3A_695 = arith.constant 0 : i32
      %dma_start3A_696 = arith.constant 0 : i32
      %dma_start3A_697 = tpu.memref_slice %dma_start3A_694[%dma_start3A_689, %dma_start3A_695, %dma_start3A_696] : memref<6x128x16xf32, #tpu.memory_space<vmem>> -> memref<1x128x16xf32, #tpu.memory_space<vmem>>
      %dma_start3A_698 = tpu.memref_squeeze %dma_start3A_697 : memref<1x128x16xf32, #tpu.memory_space<vmem>> -> memref<128x16xf32, #tpu.memory_space<vmem>>
      %dma_start3A_699 = tpu.memref_slice %arg11[%mul3A_687] : memref<20096xi32, #tpu.memory_space<vmem>> -> memref<128xi32, #tpu.memory_space<vmem>>
      %dma_start3A_700 = arith.constant 0 : i32
      %dma_start3A_701 = arith.constant 0 : i32
      %dma_start3A_702 = tpu.memref_slice %arg19[%dma_start3A_700, %dma_start3A_701] : memref<10000x16xf32, #tpu.memory_space<vmem_shared>> -> memref<10000x16xf32, #tpu.memory_space<vmem_shared>>
      tpu.enqueue_indirect_dma source(%dma_start3A_698 : memref<128x16xf32, #tpu.memory_space<vmem>>) target(%dma_start3A_702 : memref<10000x16xf32, #tpu.memory_space<vmem_shared>>) offsets(%dma_start3A_699 : memref<128xi32, #tpu.memory_space<vmem>>) semaphore(%arg15 : memref<!tpu.dma_semaphore, #tpu.memory_space<semaphore_mem>>) {add = true}
      %mul3A_703 = arith.constant 6 : i32
      %mul3A_704 = arith.muli %add3A_499, %mul3A_703 : i32
      %add3A_705 = arith.constant 2 : i32
      %add3A_706 = arith.addi %mul3A_704, %add3A_705 : i32
      %dma_wait3A_707 = arith.constant 0 : i32
      %dma_wait3A_708 = arith.constant 2 : i32
      %dma_wait3A_709 = arith.constant 0 : i32
      %dma_wait3A_710 = arith.constant 0 : i32
      %dma_wait3A_711 = arith.constant 0 : i32
      %dma_wait3A_712 = tpu.memref_slice %arg12[%dma_wait3A_707, %dma_wait3A_709, %dma_wait3A_710, %dma_wait3A_711] : memref<2x6x128x16xf32, #tpu.memory_space<vmem>> -> memref<1x6x128x16xf32, #tpu.memory_space<vmem>>
      %dma_wait3A_713 = tpu.memref_squeeze %dma_wait3A_712 : memref<1x6x128x16xf32, #tpu.memory_space<vmem>> -> memref<6x128x16xf32, #tpu.memory_space<vmem>>
      %dma_wait3A_714 = arith.constant 0 : i32
      %dma_wait3A_715 = arith.constant 0 : i32
      %dma_wait3A_716 = tpu.memref_slice %dma_wait3A_713[%dma_wait3A_708, %dma_wait3A_714, %dma_wait3A_715] : memref<6x128x16xf32, #tpu.memory_space<vmem>> -> memref<1x128x16xf32, #tpu.memory_space<vmem>>
      %dma_wait3A_717 = tpu.memref_squeeze %dma_wait3A_716 : memref<1x128x16xf32, #tpu.memory_space<vmem>> -> memref<128x16xf32, #tpu.memory_space<vmem>>
      %dma_wait3A_718 = tpu.memref_slice %arg10[%mul3A_552] : memref<20096xi32, #tpu.memory_space<vmem>> -> memref<128xi32, #tpu.memory_space<vmem>>
      %dma_wait3A_719 = arith.constant 0 : i32
      %dma_wait3A_720 = arith.constant 0 : i32
      %dma_wait3A_721 = tpu.memref_slice %arg18[%dma_wait3A_719, %dma_wait3A_720] : memref<10000x16xf32, #tpu.memory_space<vmem_shared>> -> memref<10000x16xf32, #tpu.memory_space<vmem_shared>>
      tpu.wait_indirect_dma semaphore(%arg14 : memref<!tpu.dma_semaphore, #tpu.memory_space<semaphore_mem>>) src(%dma_wait3A_721 : memref<10000x16xf32, #tpu.memory_space<vmem_shared>>) dst(%dma_wait3A_717 : memref<128x16xf32, #tpu.memory_space<vmem>>)
      %mul3A_722 = arith.constant 128 : i32
      %mul3A_723 = arith.muli %add3A_706, %mul3A_722 : i32
      %dma_start3A_724 = arith.constant 0 : i32
      %dma_start3A_725 = arith.constant 2 : i32
      %dma_start3A_726 = arith.constant 0 : i32
      %dma_start3A_727 = arith.constant 0 : i32
      %dma_start3A_728 = arith.constant 0 : i32
      %dma_start3A_729 = tpu.memref_slice %arg12[%dma_start3A_724, %dma_start3A_726, %dma_start3A_727, %dma_start3A_728] : memref<2x6x128x16xf32, #tpu.memory_space<vmem>> -> memref<1x6x128x16xf32, #tpu.memory_space<vmem>>
      %dma_start3A_730 = tpu.memref_squeeze %dma_start3A_729 : memref<1x6x128x16xf32, #tpu.memory_space<vmem>> -> memref<6x128x16xf32, #tpu.memory_space<vmem>>
      %dma_start3A_731 = arith.constant 0 : i32
      %dma_start3A_732 = arith.constant 0 : i32
      %dma_start3A_733 = tpu.memref_slice %dma_start3A_730[%dma_start3A_725, %dma_start3A_731, %dma_start3A_732] : memref<6x128x16xf32, #tpu.memory_space<vmem>> -> memref<1x128x16xf32, #tpu.memory_space<vmem>>
      %dma_start3A_734 = tpu.memref_squeeze %dma_start3A_733 : memref<1x128x16xf32, #tpu.memory_space<vmem>> -> memref<128x16xf32, #tpu.memory_space<vmem>>
      %dma_start3A_735 = tpu.memref_slice %arg11[%mul3A_723] : memref<20096xi32, #tpu.memory_space<vmem>> -> memref<128xi32, #tpu.memory_space<vmem>>
      %dma_start3A_736 = arith.constant 0 : i32
      %dma_start3A_737 = arith.constant 0 : i32
      %dma_start3A_738 = tpu.memref_slice %arg19[%dma_start3A_736, %dma_start3A_737] : memref<10000x16xf32, #tpu.memory_space<vmem_shared>> -> memref<10000x16xf32, #tpu.memory_space<vmem_shared>>
      tpu.enqueue_indirect_dma source(%dma_start3A_734 : memref<128x16xf32, #tpu.memory_space<vmem>>) target(%dma_start3A_738 : memref<10000x16xf32, #tpu.memory_space<vmem_shared>>) offsets(%dma_start3A_735 : memref<128xi32, #tpu.memory_space<vmem>>) semaphore(%arg15 : memref<!tpu.dma_semaphore, #tpu.memory_space<semaphore_mem>>) {add = true}
      %mul3A_739 = arith.constant 6 : i32
      %mul3A_740 = arith.muli %add3A_499, %mul3A_739 : i32
      %add3A_741 = arith.constant 3 : i32
      %add3A_742 = arith.addi %mul3A_740, %add3A_741 : i32
      %dma_wait3A_743 = arith.constant 0 : i32
      %dma_wait3A_744 = arith.constant 3 : i32
      %dma_wait3A_745 = arith.constant 0 : i32
      %dma_wait3A_746 = arith.constant 0 : i32
      %dma_wait3A_747 = arith.constant 0 : i32
      %dma_wait3A_748 = tpu.memref_slice %arg12[%dma_wait3A_743, %dma_wait3A_745, %dma_wait3A_746, %dma_wait3A_747] : memref<2x6x128x16xf32, #tpu.memory_space<vmem>> -> memref<1x6x128x16xf32, #tpu.memory_space<vmem>>
      %dma_wait3A_749 = tpu.memref_squeeze %dma_wait3A_748 : memref<1x6x128x16xf32, #tpu.memory_space<vmem>> -> memref<6x128x16xf32, #tpu.memory_space<vmem>>
      %dma_wait3A_750 = arith.constant 0 : i32
      %dma_wait3A_751 = arith.constant 0 : i32
      %dma_wait3A_752 = tpu.memref_slice %dma_wait3A_749[%dma_wait3A_744, %dma_wait3A_750, %dma_wait3A_751] : memref<6x128x16xf32, #tpu.memory_space<vmem>> -> memref<1x128x16xf32, #tpu.memory_space<vmem>>
      %dma_wait3A_753 = tpu.memref_squeeze %dma_wait3A_752 : memref<1x128x16xf32, #tpu.memory_space<vmem>> -> memref<128x16xf32, #tpu.memory_space<vmem>>
      %dma_wait3A_754 = tpu.memref_slice %arg10[%mul3A_573] : memref<20096xi32, #tpu.memory_space<vmem>> -> memref<128xi32, #tpu.memory_space<vmem>>
      %dma_wait3A_755 = arith.constant 0 : i32
      %dma_wait3A_756 = arith.constant 0 : i32
      %dma_wait3A_757 = tpu.memref_slice %arg18[%dma_wait3A_755, %dma_wait3A_756] : memref<10000x16xf32, #tpu.memory_space<vmem_shared>> -> memref<10000x16xf32, #tpu.memory_space<vmem_shared>>
      tpu.wait_indirect_dma semaphore(%arg14 : memref<!tpu.dma_semaphore, #tpu.memory_space<semaphore_mem>>) src(%dma_wait3A_757 : memref<10000x16xf32, #tpu.memory_space<vmem_shared>>) dst(%dma_wait3A_753 : memref<128x16xf32, #tpu.memory_space<vmem>>)
      %mul3A_758 = arith.constant 128 : i32
      %mul3A_759 = arith.muli %add3A_742, %mul3A_758 : i32
      %dma_start3A_760 = arith.constant 0 : i32
      %dma_start3A_761 = arith.constant 3 : i32
      %dma_start3A_762 = arith.constant 0 : i32
      %dma_start3A_763 = arith.constant 0 : i32
      %dma_start3A_764 = arith.constant 0 : i32
      %dma_start3A_765 = tpu.memref_slice %arg12[%dma_start3A_760, %dma_start3A_762, %dma_start3A_763, %dma_start3A_764] : memref<2x6x128x16xf32, #tpu.memory_space<vmem>> -> memref<1x6x128x16xf32, #tpu.memory_space<vmem>>
      %dma_start3A_766 = tpu.memref_squeeze %dma_start3A_765 : memref<1x6x128x16xf32, #tpu.memory_space<vmem>> -> memref<6x128x16xf32, #tpu.memory_space<vmem>>
      %dma_start3A_767 = arith.constant 0 : i32
      %dma_start3A_768 = arith.constant 0 : i32
      %dma_start3A_769 = tpu.memref_slice %dma_start3A_766[%dma_start3A_761, %dma_start3A_767, %dma_start3A_768] : memref<6x128x16xf32, #tpu.memory_space<vmem>> -> memref<1x128x16xf32, #tpu.memory_space<vmem>>
      %dma_start3A_770 = tpu.memref_squeeze %dma_start3A_769 : memref<1x128x16xf32, #tpu.memory_space<vmem>> -> memref<128x16xf32, #tpu.memory_space<vmem>>
      %dma_start3A_771 = tpu.memref_slice %arg11[%mul3A_759] : memref<20096xi32, #tpu.memory_space<vmem>> -> memref<128xi32, #tpu.memory_space<vmem>>
      %dma_start3A_772 = arith.constant 0 : i32
      %dma_start3A_773 = arith.constant 0 : i32
      %dma_start3A_774 = tpu.memref_slice %arg19[%dma_start3A_772, %dma_start3A_773] : memref<10000x16xf32, #tpu.memory_space<vmem_shared>> -> memref<10000x16xf32, #tpu.memory_space<vmem_shared>>
      tpu.enqueue_indirect_dma source(%dma_start3A_770 : memref<128x16xf32, #tpu.memory_space<vmem>>) target(%dma_start3A_774 : memref<10000x16xf32, #tpu.memory_space<vmem_shared>>) offsets(%dma_start3A_771 : memref<128xi32, #tpu.memory_space<vmem>>) semaphore(%arg15 : memref<!tpu.dma_semaphore, #tpu.memory_space<semaphore_mem>>) {add = true}
      %mul3A_775 = arith.constant 6 : i32
      %mul3A_776 = arith.muli %add3A_499, %mul3A_775 : i32
      %add3A_777 = arith.constant 4 : i32
      %add3A_778 = arith.addi %mul3A_776, %add3A_777 : i32
      %dma_wait3A_779 = arith.constant 0 : i32
      %dma_wait3A_780 = arith.constant 4 : i32
      %dma_wait3A_781 = arith.constant 0 : i32
      %dma_wait3A_782 = arith.constant 0 : i32
      %dma_wait3A_783 = arith.constant 0 : i32
      %dma_wait3A_784 = tpu.memref_slice %arg12[%dma_wait3A_779, %dma_wait3A_781, %dma_wait3A_782, %dma_wait3A_783] : memref<2x6x128x16xf32, #tpu.memory_space<vmem>> -> memref<1x6x128x16xf32, #tpu.memory_space<vmem>>
      %dma_wait3A_785 = tpu.memref_squeeze %dma_wait3A_784 : memref<1x6x128x16xf32, #tpu.memory_space<vmem>> -> memref<6x128x16xf32, #tpu.memory_space<vmem>>
      %dma_wait3A_786 = arith.constant 0 : i32
      %dma_wait3A_787 = arith.constant 0 : i32
      %dma_wait3A_788 = tpu.memref_slice %dma_wait3A_785[%dma_wait3A_780, %dma_wait3A_786, %dma_wait3A_787] : memref<6x128x16xf32, #tpu.memory_space<vmem>> -> memref<1x128x16xf32, #tpu.memory_space<vmem>>
      %dma_wait3A_789 = tpu.memref_squeeze %dma_wait3A_788 : memref<1x128x16xf32, #tpu.memory_space<vmem>> -> memref<128x16xf32, #tpu.memory_space<vmem>>
      %dma_wait3A_790 = tpu.memref_slice %arg10[%mul3A_594] : memref<20096xi32, #tpu.memory_space<vmem>> -> memref<128xi32, #tpu.memory_space<vmem>>
      %dma_wait3A_791 = arith.constant 0 : i32
      %dma_wait3A_792 = arith.constant 0 : i32
      %dma_wait3A_793 = tpu.memref_slice %arg18[%dma_wait3A_791, %dma_wait3A_792] : memref<10000x16xf32, #tpu.memory_space<vmem_shared>> -> memref<10000x16xf32, #tpu.memory_space<vmem_shared>>
      tpu.wait_indirect_dma semaphore(%arg14 : memref<!tpu.dma_semaphore, #tpu.memory_space<semaphore_mem>>) src(%dma_wait3A_793 : memref<10000x16xf32, #tpu.memory_space<vmem_shared>>) dst(%dma_wait3A_789 : memref<128x16xf32, #tpu.memory_space<vmem>>)
      %mul3A_794 = arith.constant 128 : i32
      %mul3A_795 = arith.muli %add3A_778, %mul3A_794 : i32
      %dma_start3A_796 = arith.constant 0 : i32
      %dma_start3A_797 = arith.constant 4 : i32
      %dma_start3A_798 = arith.constant 0 : i32
      %dma_start3A_799 = arith.constant 0 : i32
      %dma_start3A_800 = arith.constant 0 : i32
      %dma_start3A_801 = tpu.memref_slice %arg12[%dma_start3A_796, %dma_start3A_798, %dma_start3A_799, %dma_start3A_800] : memref<2x6x128x16xf32, #tpu.memory_space<vmem>> -> memref<1x6x128x16xf32, #tpu.memory_space<vmem>>
      %dma_start3A_802 = tpu.memref_squeeze %dma_start3A_801 : memref<1x6x128x16xf32, #tpu.memory_space<vmem>> -> memref<6x128x16xf32, #tpu.memory_space<vmem>>
      %dma_start3A_803 = arith.constant 0 : i32
      %dma_start3A_804 = arith.constant 0 : i32
      %dma_start3A_805 = tpu.memref_slice %dma_start3A_802[%dma_start3A_797, %dma_start3A_803, %dma_start3A_804] : memref<6x128x16xf32, #tpu.memory_space<vmem>> -> memref<1x128x16xf32, #tpu.memory_space<vmem>>
      %dma_start3A_806 = tpu.memref_squeeze %dma_start3A_805 : memref<1x128x16xf32, #tpu.memory_space<vmem>> -> memref<128x16xf32, #tpu.memory_space<vmem>>
      %dma_start3A_807 = tpu.memref_slice %arg11[%mul3A_795] : memref<20096xi32, #tpu.memory_space<vmem>> -> memref<128xi32, #tpu.memory_space<vmem>>
      %dma_start3A_808 = arith.constant 0 : i32
      %dma_start3A_809 = arith.constant 0 : i32
      %dma_start3A_810 = tpu.memref_slice %arg19[%dma_start3A_808, %dma_start3A_809] : memref<10000x16xf32, #tpu.memory_space<vmem_shared>> -> memref<10000x16xf32, #tpu.memory_space<vmem_shared>>
      tpu.enqueue_indirect_dma source(%dma_start3A_806 : memref<128x16xf32, #tpu.memory_space<vmem>>) target(%dma_start3A_810 : memref<10000x16xf32, #tpu.memory_space<vmem_shared>>) offsets(%dma_start3A_807 : memref<128xi32, #tpu.memory_space<vmem>>) semaphore(%arg15 : memref<!tpu.dma_semaphore, #tpu.memory_space<semaphore_mem>>) {add = true}
      %mul3A_811 = arith.constant 6 : i32
      %mul3A_812 = arith.muli %add3A_499, %mul3A_811 : i32
      %add3A_813 = arith.constant 5 : i32
      %add3A_814 = arith.addi %mul3A_812, %add3A_813 : i32
      %dma_wait3A_815 = arith.constant 0 : i32
      %dma_wait3A_816 = arith.constant 5 : i32
      %dma_wait3A_817 = arith.constant 0 : i32
      %dma_wait3A_818 = arith.constant 0 : i32
      %dma_wait3A_819 = arith.constant 0 : i32
      %dma_wait3A_820 = tpu.memref_slice %arg12[%dma_wait3A_815, %dma_wait3A_817, %dma_wait3A_818, %dma_wait3A_819] : memref<2x6x128x16xf32, #tpu.memory_space<vmem>> -> memref<1x6x128x16xf32, #tpu.memory_space<vmem>>
      %dma_wait3A_821 = tpu.memref_squeeze %dma_wait3A_820 : memref<1x6x128x16xf32, #tpu.memory_space<vmem>> -> memref<6x128x16xf32, #tpu.memory_space<vmem>>
      %dma_wait3A_822 = arith.constant 0 : i32
      %dma_wait3A_823 = arith.constant 0 : i32
      %dma_wait3A_824 = tpu.memref_slice %dma_wait3A_821[%dma_wait3A_816, %dma_wait3A_822, %dma_wait3A_823] : memref<6x128x16xf32, #tpu.memory_space<vmem>> -> memref<1x128x16xf32, #tpu.memory_space<vmem>>
      %dma_wait3A_825 = tpu.memref_squeeze %dma_wait3A_824 : memref<1x128x16xf32, #tpu.memory_space<vmem>> -> memref<128x16xf32, #tpu.memory_space<vmem>>
      %dma_wait3A_826 = tpu.memref_slice %arg10[%mul3A_615] : memref<20096xi32, #tpu.memory_space<vmem>> -> memref<128xi32, #tpu.memory_space<vmem>>
      %dma_wait3A_827 = arith.constant 0 : i32
      %dma_wait3A_828 = arith.constant 0 : i32
      %dma_wait3A_829 = tpu.memref_slice %arg18[%dma_wait3A_827, %dma_wait3A_828] : memref<10000x16xf32, #tpu.memory_space<vmem_shared>> -> memref<10000x16xf32, #tpu.memory_space<vmem_shared>>
      tpu.wait_indirect_dma semaphore(%arg14 : memref<!tpu.dma_semaphore, #tpu.memory_space<semaphore_mem>>) src(%dma_wait3A_829 : memref<10000x16xf32, #tpu.memory_space<vmem_shared>>) dst(%dma_wait3A_825 : memref<128x16xf32, #tpu.memory_space<vmem>>)
      %mul3A_830 = arith.constant 128 : i32
      %mul3A_831 = arith.muli %add3A_814, %mul3A_830 : i32
      %dma_start3A_832 = arith.constant 0 : i32
      %dma_start3A_833 = arith.constant 5 : i32
      %dma_start3A_834 = arith.constant 0 : i32
      %dma_start3A_835 = arith.constant 0 : i32
      %dma_start3A_836 = arith.constant 0 : i32
      %dma_start3A_837 = tpu.memref_slice %arg12[%dma_start3A_832, %dma_start3A_834, %dma_start3A_835, %dma_start3A_836] : memref<2x6x128x16xf32, #tpu.memory_space<vmem>> -> memref<1x6x128x16xf32, #tpu.memory_space<vmem>>
      %dma_start3A_838 = tpu.memref_squeeze %dma_start3A_837 : memref<1x6x128x16xf32, #tpu.memory_space<vmem>> -> memref<6x128x16xf32, #tpu.memory_space<vmem>>
      %dma_start3A_839 = arith.constant 0 : i32
      %dma_start3A_840 = arith.constant 0 : i32
      %dma_start3A_841 = tpu.memref_slice %dma_start3A_838[%dma_start3A_833, %dma_start3A_839, %dma_start3A_840] : memref<6x128x16xf32, #tpu.memory_space<vmem>> -> memref<1x128x16xf32, #tpu.memory_space<vmem>>
      %dma_start3A_842 = tpu.memref_squeeze %dma_start3A_841 : memref<1x128x16xf32, #tpu.memory_space<vmem>> -> memref<128x16xf32, #tpu.memory_space<vmem>>
      %dma_start3A_843 = tpu.memref_slice %arg11[%mul3A_831] : memref<20096xi32, #tpu.memory_space<vmem>> -> memref<128xi32, #tpu.memory_space<vmem>>
      %dma_start3A_844 = arith.constant 0 : i32
      %dma_start3A_845 = arith.constant 0 : i32
      %dma_start3A_846 = tpu.memref_slice %arg19[%dma_start3A_844, %dma_start3A_845] : memref<10000x16xf32, #tpu.memory_space<vmem_shared>> -> memref<10000x16xf32, #tpu.memory_space<vmem_shared>>
      tpu.enqueue_indirect_dma source(%dma_start3A_842 : memref<128x16xf32, #tpu.memory_space<vmem>>) target(%dma_start3A_846 : memref<10000x16xf32, #tpu.memory_space<vmem_shared>>) offsets(%dma_start3A_843 : memref<128xi32, #tpu.memory_space<vmem>>) semaphore(%arg15 : memref<!tpu.dma_semaphore, #tpu.memory_space<semaphore_mem>>) {add = true}
      %mul3A_847 = arith.constant 2 : i32
      %mul3A_848 = arith.muli %scan3A_495, %mul3A_847 : i32
      %add3A_849 = arith.constant 1 : i32
      %add3A_850 = arith.addi %mul3A_848, %add3A_849 : i32
      %ge3A_851 = arith.constant 2 : i32
      %ge3A_852 = arith.cmpi sge, %add3A_850, %ge3A_851 : i32
      %convert_element_type3A_853 = arith.extui %ge3A_852 : i1 to i32
      %cond3A_854 = arith.constant 1 : i32
      %cond3A_855 = arith.constant 0 : i32
      %cond3A_856 = arith.cmpi ne, %convert_element_type3A_853, %cond3A_855 : i32
      scf.if %cond3A_856 {
        %dma_wait3A_1199 = arith.constant 0 : i32
        %dma_wait3A_1200 = arith.constant 0 : i32
        %dma_wait3A_1201 = arith.constant 0 : i32
        %dma_wait3A_1202 = arith.constant 0 : i32
        %dma_wait3A_1203 = tpu.memref_slice %arg12[%cond3A_854, %dma_wait3A_1200, %dma_wait3A_1201, %dma_wait3A_1202] : memref<2x6x128x16xf32, #tpu.memory_space<vmem>> -> memref<1x6x128x16xf32, #tpu.memory_space<vmem>>
        %dma_wait3A_1204 = tpu.memref_squeeze %dma_wait3A_1203 : memref<1x6x128x16xf32, #tpu.memory_space<vmem>> -> memref<6x128x16xf32, #tpu.memory_space<vmem>>
        %dma_wait3A_1205 = arith.constant 0 : i32
        %dma_wait3A_1206 = arith.constant 0 : i32
        %dma_wait3A_1207 = tpu.memref_slice %dma_wait3A_1204[%dma_wait3A_1199, %dma_wait3A_1205, %dma_wait3A_1206] : memref<6x128x16xf32, #tpu.memory_space<vmem>> -> memref<1x128x16xf32, #tpu.memory_space<vmem>>
        %dma_wait3A_1208 = tpu.memref_squeeze %dma_wait3A_1207 : memref<1x128x16xf32, #tpu.memory_space<vmem>> -> memref<128x16xf32, #tpu.memory_space<vmem>>
        %dma_wait3A_1209 = arith.constant 0 : i32
        %dma_wait3A_1210 = tpu.memref_slice %arg11[%dma_wait3A_1209] : memref<20096xi32, #tpu.memory_space<vmem>> -> memref<128xi32, #tpu.memory_space<vmem>>
        %dma_wait3A_1211 = arith.constant 0 : i32
        %dma_wait3A_1212 = arith.constant 0 : i32
        %dma_wait3A_1213 = tpu.memref_slice %arg19[%dma_wait3A_1211, %dma_wait3A_1212] : memref<10000x16xf32, #tpu.memory_space<vmem_shared>> -> memref<10000x16xf32, #tpu.memory_space<vmem_shared>>
        tpu.wait_indirect_dma semaphore(%arg16 : memref<!tpu.dma_semaphore, #tpu.memory_space<semaphore_mem>>) src(%dma_wait3A_1208 : memref<128x16xf32, #tpu.memory_space<vmem>>) dst(%dma_wait3A_1213 : memref<10000x16xf32, #tpu.memory_space<vmem_shared>>)
        %dma_wait3A_1214 = arith.constant 1 : i32
        %dma_wait3A_1215 = arith.constant 0 : i32
        %dma_wait3A_1216 = arith.constant 0 : i32
        %dma_wait3A_1217 = arith.constant 0 : i32
        %dma_wait3A_1218 = tpu.memref_slice %arg12[%cond3A_854, %dma_wait3A_1215, %dma_wait3A_1216, %dma_wait3A_1217] : memref<2x6x128x16xf32, #tpu.memory_space<vmem>> -> memref<1x6x128x16xf32, #tpu.memory_space<vmem>>
        %dma_wait3A_1219 = tpu.memref_squeeze %dma_wait3A_1218 : memref<1x6x128x16xf32, #tpu.memory_space<vmem>> -> memref<6x128x16xf32, #tpu.memory_space<vmem>>
        %dma_wait3A_1220 = arith.constant 0 : i32
        %dma_wait3A_1221 = arith.constant 0 : i32
        %dma_wait3A_1222 = tpu.memref_slice %dma_wait3A_1219[%dma_wait3A_1214, %dma_wait3A_1220, %dma_wait3A_1221] : memref<6x128x16xf32, #tpu.memory_space<vmem>> -> memref<1x128x16xf32, #tpu.memory_space<vmem>>
        %dma_wait3A_1223 = tpu.memref_squeeze %dma_wait3A_1222 : memref<1x128x16xf32, #tpu.memory_space<vmem>> -> memref<128x16xf32, #tpu.memory_space<vmem>>
        %dma_wait3A_1224 = arith.constant 0 : i32
        %dma_wait3A_1225 = tpu.memref_slice %arg11[%dma_wait3A_1224] : memref<20096xi32, #tpu.memory_space<vmem>> -> memref<128xi32, #tpu.memory_space<vmem>>
        %dma_wait3A_1226 = arith.constant 0 : i32
        %dma_wait3A_1227 = arith.constant 0 : i32
        %dma_wait3A_1228 = tpu.memref_slice %arg19[%dma_wait3A_1226, %dma_wait3A_1227] : memref<10000x16xf32, #tpu.memory_space<vmem_shared>> -> memref<10000x16xf32, #tpu.memory_space<vmem_shared>>
        tpu.wait_indirect_dma semaphore(%arg16 : memref<!tpu.dma_semaphore, #tpu.memory_space<semaphore_mem>>) src(%dma_wait3A_1223 : memref<128x16xf32, #tpu.memory_space<vmem>>) dst(%dma_wait3A_1228 : memref<10000x16xf32, #tpu.memory_space<vmem_shared>>)
        %dma_wait3A_1229 = arith.constant 2 : i32
        %dma_wait3A_1230 = arith.constant 0 : i32
        %dma_wait3A_1231 = arith.constant 0 : i32
        %dma_wait3A_1232 = arith.constant 0 : i32
        %dma_wait3A_1233 = tpu.memref_slice %arg12[%cond3A_854, %dma_wait3A_1230, %dma_wait3A_1231, %dma_wait3A_1232] : memref<2x6x128x16xf32, #tpu.memory_space<vmem>> -> memref<1x6x128x16xf32, #tpu.memory_space<vmem>>
        %dma_wait3A_1234 = tpu.memref_squeeze %dma_wait3A_1233 : memref<1x6x128x16xf32, #tpu.memory_space<vmem>> -> memref<6x128x16xf32, #tpu.memory_space<vmem>>
        %dma_wait3A_1235 = arith.constant 0 : i32
        %dma_wait3A_1236 = arith.constant 0 : i32
        %dma_wait3A_1237 = tpu.memref_slice %dma_wait3A_1234[%dma_wait3A_1229, %dma_wait3A_1235, %dma_wait3A_1236] : memref<6x128x16xf32, #tpu.memory_space<vmem>> -> memref<1x128x16xf32, #tpu.memory_space<vmem>>
        %dma_wait3A_1238 = tpu.memref_squeeze %dma_wait3A_1237 : memref<1x128x16xf32, #tpu.memory_space<vmem>> -> memref<128x16xf32, #tpu.memory_space<vmem>>
        %dma_wait3A_1239 = arith.constant 0 : i32
        %dma_wait3A_1240 = tpu.memref_slice %arg11[%dma_wait3A_1239] : memref<20096xi32, #tpu.memory_space<vmem>> -> memref<128xi32, #tpu.memory_space<vmem>>
        %dma_wait3A_1241 = arith.constant 0 : i32
        %dma_wait3A_1242 = arith.constant 0 : i32
        %dma_wait3A_1243 = tpu.memref_slice %arg19[%dma_wait3A_1241, %dma_wait3A_1242] : memref<10000x16xf32, #tpu.memory_space<vmem_shared>> -> memref<10000x16xf32, #tpu.memory_space<vmem_shared>>
        tpu.wait_indirect_dma semaphore(%arg16 : memref<!tpu.dma_semaphore, #tpu.memory_space<semaphore_mem>>) src(%dma_wait3A_1238 : memref<128x16xf32, #tpu.memory_space<vmem>>) dst(%dma_wait3A_1243 : memref<10000x16xf32, #tpu.memory_space<vmem_shared>>)
        %dma_wait3A_1244 = arith.constant 3 : i32
        %dma_wait3A_1245 = arith.constant 0 : i32
        %dma_wait3A_1246 = arith.constant 0 : i32
        %dma_wait3A_1247 = arith.constant 0 : i32
        %dma_wait3A_1248 = tpu.memref_slice %arg12[%cond3A_854, %dma_wait3A_1245, %dma_wait3A_1246, %dma_wait3A_1247] : memref<2x6x128x16xf32, #tpu.memory_space<vmem>> -> memref<1x6x128x16xf32, #tpu.memory_space<vmem>>
        %dma_wait3A_1249 = tpu.memref_squeeze %dma_wait3A_1248 : memref<1x6x128x16xf32, #tpu.memory_space<vmem>> -> memref<6x128x16xf32, #tpu.memory_space<vmem>>
        %dma_wait3A_1250 = arith.constant 0 : i32
        %dma_wait3A_1251 = arith.constant 0 : i32
        %dma_wait3A_1252 = tpu.memref_slice %dma_wait3A_1249[%dma_wait3A_1244, %dma_wait3A_1250, %dma_wait3A_1251] : memref<6x128x16xf32, #tpu.memory_space<vmem>> -> memref<1x128x16xf32, #tpu.memory_space<vmem>>
        %dma_wait3A_1253 = tpu.memref_squeeze %dma_wait3A_1252 : memref<1x128x16xf32, #tpu.memory_space<vmem>> -> memref<128x16xf32, #tpu.memory_space<vmem>>
        %dma_wait3A_1254 = arith.constant 0 : i32
        %dma_wait3A_1255 = tpu.memref_slice %arg11[%dma_wait3A_1254] : memref<20096xi32, #tpu.memory_space<vmem>> -> memref<128xi32, #tpu.memory_space<vmem>>
        %dma_wait3A_1256 = arith.constant 0 : i32
        %dma_wait3A_1257 = arith.constant 0 : i32
        %dma_wait3A_1258 = tpu.memref_slice %arg19[%dma_wait3A_1256, %dma_wait3A_1257] : memref<10000x16xf32, #tpu.memory_space<vmem_shared>> -> memref<10000x16xf32, #tpu.memory_space<vmem_shared>>
        tpu.wait_indirect_dma semaphore(%arg16 : memref<!tpu.dma_semaphore, #tpu.memory_space<semaphore_mem>>) src(%dma_wait3A_1253 : memref<128x16xf32, #tpu.memory_space<vmem>>) dst(%dma_wait3A_1258 : memref<10000x16xf32, #tpu.memory_space<vmem_shared>>)
        %dma_wait3A_1259 = arith.constant 4 : i32
        %dma_wait3A_1260 = arith.constant 0 : i32
        %dma_wait3A_1261 = arith.constant 0 : i32
        %dma_wait3A_1262 = arith.constant 0 : i32
        %dma_wait3A_1263 = tpu.memref_slice %arg12[%cond3A_854, %dma_wait3A_1260, %dma_wait3A_1261, %dma_wait3A_1262] : memref<2x6x128x16xf32, #tpu.memory_space<vmem>> -> memref<1x6x128x16xf32, #tpu.memory_space<vmem>>
        %dma_wait3A_1264 = tpu.memref_squeeze %dma_wait3A_1263 : memref<1x6x128x16xf32, #tpu.memory_space<vmem>> -> memref<6x128x16xf32, #tpu.memory_space<vmem>>
        %dma_wait3A_1265 = arith.constant 0 : i32
        %dma_wait3A_1266 = arith.constant 0 : i32
        %dma_wait3A_1267 = tpu.memref_slice %dma_wait3A_1264[%dma_wait3A_1259, %dma_wait3A_1265, %dma_wait3A_1266] : memref<6x128x16xf32, #tpu.memory_space<vmem>> -> memref<1x128x16xf32, #tpu.memory_space<vmem>>
        %dma_wait3A_1268 = tpu.memref_squeeze %dma_wait3A_1267 : memref<1x128x16xf32, #tpu.memory_space<vmem>> -> memref<128x16xf32, #tpu.memory_space<vmem>>
        %dma_wait3A_1269 = arith.constant 0 : i32
        %dma_wait3A_1270 = tpu.memref_slice %arg11[%dma_wait3A_1269] : memref<20096xi32, #tpu.memory_space<vmem>> -> memref<128xi32, #tpu.memory_space<vmem>>
        %dma_wait3A_1271 = arith.constant 0 : i32
        %dma_wait3A_1272 = arith.constant 0 : i32
        %dma_wait3A_1273 = tpu.memref_slice %arg19[%dma_wait3A_1271, %dma_wait3A_1272] : memref<10000x16xf32, #tpu.memory_space<vmem_shared>> -> memref<10000x16xf32, #tpu.memory_space<vmem_shared>>
        tpu.wait_indirect_dma semaphore(%arg16 : memref<!tpu.dma_semaphore, #tpu.memory_space<semaphore_mem>>) src(%dma_wait3A_1268 : memref<128x16xf32, #tpu.memory_space<vmem>>) dst(%dma_wait3A_1273 : memref<10000x16xf32, #tpu.memory_space<vmem_shared>>)
        %dma_wait3A_1274 = arith.constant 5 : i32
        %dma_wait3A_1275 = arith.constant 0 : i32
        %dma_wait3A_1276 = arith.constant 0 : i32
        %dma_wait3A_1277 = arith.constant 0 : i32
        %dma_wait3A_1278 = tpu.memref_slice %arg12[%cond3A_854, %dma_wait3A_1275, %dma_wait3A_1276, %dma_wait3A_1277] : memref<2x6x128x16xf32, #tpu.memory_space<vmem>> -> memref<1x6x128x16xf32, #tpu.memory_space<vmem>>
        %dma_wait3A_1279 = tpu.memref_squeeze %dma_wait3A_1278 : memref<1x6x128x16xf32, #tpu.memory_space<vmem>> -> memref<6x128x16xf32, #tpu.memory_space<vmem>>
        %dma_wait3A_1280 = arith.constant 0 : i32
        %dma_wait3A_1281 = arith.constant 0 : i32
        %dma_wait3A_1282 = tpu.memref_slice %dma_wait3A_1279[%dma_wait3A_1274, %dma_wait3A_1280, %dma_wait3A_1281] : memref<6x128x16xf32, #tpu.memory_space<vmem>> -> memref<1x128x16xf32, #tpu.memory_space<vmem>>
        %dma_wait3A_1283 = tpu.memref_squeeze %dma_wait3A_1282 : memref<1x128x16xf32, #tpu.memory_space<vmem>> -> memref<128x16xf32, #tpu.memory_space<vmem>>
        %dma_wait3A_1284 = arith.constant 0 : i32
        %dma_wait3A_1285 = tpu.memref_slice %arg11[%dma_wait3A_1284] : memref<20096xi32, #tpu.memory_space<vmem>> -> memref<128xi32, #tpu.memory_space<vmem>>
        %dma_wait3A_1286 = arith.constant 0 : i32
        %dma_wait3A_1287 = arith.constant 0 : i32
        %dma_wait3A_1288 = tpu.memref_slice %arg19[%dma_wait3A_1286, %dma_wait3A_1287] : memref<10000x16xf32, #tpu.memory_space<vmem_shared>> -> memref<10000x16xf32, #tpu.memory_space<vmem_shared>>
        tpu.wait_indirect_dma semaphore(%arg16 : memref<!tpu.dma_semaphore, #tpu.memory_space<semaphore_mem>>) src(%dma_wait3A_1283 : memref<128x16xf32, #tpu.memory_space<vmem>>) dst(%dma_wait3A_1288 : memref<10000x16xf32, #tpu.memory_space<vmem_shared>>)
      } else {
      }
      %mul3A_857 = arith.constant 6 : i32
      %mul3A_858 = arith.muli %add3A_850, %mul3A_857 : i32
      %add3A_859 = arith.constant 0 : i32
      %add3A_860 = arith.addi %mul3A_858, %add3A_859 : i32
      %mul3A_861 = arith.constant 128 : i32
      %mul3A_862 = arith.muli %add3A_860, %mul3A_861 : i32
      %dma_start3A_863 = arith.constant 1 : i32
      %dma_start3A_864 = arith.constant 0 : i32
      %dma_start3A_865 = arith.constant 0 : i32
      %dma_start3A_866 = arith.constant 0 : i32
      %dma_start3A_867 = arith.constant 0 : i32
      %dma_start3A_868 = tpu.memref_slice %arg12[%dma_start3A_863, %dma_start3A_865, %dma_start3A_866, %dma_start3A_867] : memref<2x6x128x16xf32, #tpu.memory_space<vmem>> -> memref<1x6x128x16xf32, #tpu.memory_space<vmem>>
      %dma_start3A_869 = tpu.memref_squeeze %dma_start3A_868 : memref<1x6x128x16xf32, #tpu.memory_space<vmem>> -> memref<6x128x16xf32, #tpu.memory_space<vmem>>
      %dma_start3A_870 = arith.constant 0 : i32
      %dma_start3A_871 = arith.constant 0 : i32
      %dma_start3A_872 = tpu.memref_slice %dma_start3A_869[%dma_start3A_864, %dma_start3A_870, %dma_start3A_871] : memref<6x128x16xf32, #tpu.memory_space<vmem>> -> memref<1x128x16xf32, #tpu.memory_space<vmem>>
      %dma_start3A_873 = tpu.memref_squeeze %dma_start3A_872 : memref<1x128x16xf32, #tpu.memory_space<vmem>> -> memref<128x16xf32, #tpu.memory_space<vmem>>
      %dma_start3A_874 = tpu.memref_slice %arg10[%mul3A_862] : memref<20096xi32, #tpu.memory_space<vmem>> -> memref<128xi32, #tpu.memory_space<vmem>>
      %dma_start3A_875 = arith.constant 0 : i32
      %dma_start3A_876 = arith.constant 0 : i32
      %dma_start3A_877 = tpu.memref_slice %arg18[%dma_start3A_875, %dma_start3A_876] : memref<10000x16xf32, #tpu.memory_space<vmem_shared>> -> memref<10000x16xf32, #tpu.memory_space<vmem_shared>>
      tpu.enqueue_indirect_dma source(%dma_start3A_877 : memref<10000x16xf32, #tpu.memory_space<vmem_shared>>) target(%dma_start3A_873 : memref<128x16xf32, #tpu.memory_space<vmem>>) offsets(%dma_start3A_874 : memref<128xi32, #tpu.memory_space<vmem>>) semaphore(%arg14 : memref<!tpu.dma_semaphore, #tpu.memory_space<semaphore_mem>>)
      %mul3A_878 = arith.constant 6 : i32
      %mul3A_879 = arith.muli %add3A_850, %mul3A_878 : i32
      %add3A_880 = arith.constant 1 : i32
      %add3A_881 = arith.addi %mul3A_879, %add3A_880 : i32
      %mul3A_882 = arith.constant 128 : i32
      %mul3A_883 = arith.muli %add3A_881, %mul3A_882 : i32
      %dma_start3A_884 = arith.constant 1 : i32
      %dma_start3A_885 = arith.constant 1 : i32
      %dma_start3A_886 = arith.constant 0 : i32
      %dma_start3A_887 = arith.constant 0 : i32
      %dma_start3A_888 = arith.constant 0 : i32
      %dma_start3A_889 = tpu.memref_slice %arg12[%dma_start3A_884, %dma_start3A_886, %dma_start3A_887, %dma_start3A_888] : memref<2x6x128x16xf32, #tpu.memory_space<vmem>> -> memref<1x6x128x16xf32, #tpu.memory_space<vmem>>
      %dma_start3A_890 = tpu.memref_squeeze %dma_start3A_889 : memref<1x6x128x16xf32, #tpu.memory_space<vmem>> -> memref<6x128x16xf32, #tpu.memory_space<vmem>>
      %dma_start3A_891 = arith.constant 0 : i32
      %dma_start3A_892 = arith.constant 0 : i32
      %dma_start3A_893 = tpu.memref_slice %dma_start3A_890[%dma_start3A_885, %dma_start3A_891, %dma_start3A_892] : memref<6x128x16xf32, #tpu.memory_space<vmem>> -> memref<1x128x16xf32, #tpu.memory_space<vmem>>
      %dma_start3A_894 = tpu.memref_squeeze %dma_start3A_893 : memref<1x128x16xf32, #tpu.memory_space<vmem>> -> memref<128x16xf32, #tpu.memory_space<vmem>>
      %dma_start3A_895 = tpu.memref_slice %arg10[%mul3A_883] : memref<20096xi32, #tpu.memory_space<vmem>> -> memref<128xi32, #tpu.memory_space<vmem>>
      %dma_start3A_896 = arith.constant 0 : i32
      %dma_start3A_897 = arith.constant 0 : i32
      %dma_start3A_898 = tpu.memref_slice %arg18[%dma_start3A_896, %dma_start3A_897] : memref<10000x16xf32, #tpu.memory_space<vmem_shared>> -> memref<10000x16xf32, #tpu.memory_space<vmem_shared>>
      tpu.enqueue_indirect_dma source(%dma_start3A_898 : memref<10000x16xf32, #tpu.memory_space<vmem_shared>>) target(%dma_start3A_894 : memref<128x16xf32, #tpu.memory_space<vmem>>) offsets(%dma_start3A_895 : memref<128xi32, #tpu.memory_space<vmem>>) semaphore(%arg14 : memref<!tpu.dma_semaphore, #tpu.memory_space<semaphore_mem>>)
      %mul3A_899 = arith.constant 6 : i32
      %mul3A_900 = arith.muli %add3A_850, %mul3A_899 : i32
      %add3A_901 = arith.constant 2 : i32
      %add3A_902 = arith.addi %mul3A_900, %add3A_901 : i32
      %mul3A_903 = arith.constant 128 : i32
      %mul3A_904 = arith.muli %add3A_902, %mul3A_903 : i32
      %dma_start3A_905 = arith.constant 1 : i32
      %dma_start3A_906 = arith.constant 2 : i32
      %dma_start3A_907 = arith.constant 0 : i32
      %dma_start3A_908 = arith.constant 0 : i32
      %dma_start3A_909 = arith.constant 0 : i32
      %dma_start3A_910 = tpu.memref_slice %arg12[%dma_start3A_905, %dma_start3A_907, %dma_start3A_908, %dma_start3A_909] : memref<2x6x128x16xf32, #tpu.memory_space<vmem>> -> memref<1x6x128x16xf32, #tpu.memory_space<vmem>>
      %dma_start3A_911 = tpu.memref_squeeze %dma_start3A_910 : memref<1x6x128x16xf32, #tpu.memory_space<vmem>> -> memref<6x128x16xf32, #tpu.memory_space<vmem>>
      %dma_start3A_912 = arith.constant 0 : i32
      %dma_start3A_913 = arith.constant 0 : i32
      %dma_start3A_914 = tpu.memref_slice %dma_start3A_911[%dma_start3A_906, %dma_start3A_912, %dma_start3A_913] : memref<6x128x16xf32, #tpu.memory_space<vmem>> -> memref<1x128x16xf32, #tpu.memory_space<vmem>>
      %dma_start3A_915 = tpu.memref_squeeze %dma_start3A_914 : memref<1x128x16xf32, #tpu.memory_space<vmem>> -> memref<128x16xf32, #tpu.memory_space<vmem>>
      %dma_start3A_916 = tpu.memref_slice %arg10[%mul3A_904] : memref<20096xi32, #tpu.memory_space<vmem>> -> memref<128xi32, #tpu.memory_space<vmem>>
      %dma_start3A_917 = arith.constant 0 : i32
      %dma_start3A_918 = arith.constant 0 : i32
      %dma_start3A_919 = tpu.memref_slice %arg18[%dma_start3A_917, %dma_start3A_918] : memref<10000x16xf32, #tpu.memory_space<vmem_shared>> -> memref<10000x16xf32, #tpu.memory_space<vmem_shared>>
      tpu.enqueue_indirect_dma source(%dma_start3A_919 : memref<10000x16xf32, #tpu.memory_space<vmem_shared>>) target(%dma_start3A_915 : memref<128x16xf32, #tpu.memory_space<vmem>>) offsets(%dma_start3A_916 : memref<128xi32, #tpu.memory_space<vmem>>) semaphore(%arg14 : memref<!tpu.dma_semaphore, #tpu.memory_space<semaphore_mem>>)
      %mul3A_920 = arith.constant 6 : i32
      %mul3A_921 = arith.muli %add3A_850, %mul3A_920 : i32
      %add3A_922 = arith.constant 3 : i32
      %add3A_923 = arith.addi %mul3A_921, %add3A_922 : i32
      %mul3A_924 = arith.constant 128 : i32
      %mul3A_925 = arith.muli %add3A_923, %mul3A_924 : i32
      %dma_start3A_926 = arith.constant 1 : i32
      %dma_start3A_927 = arith.constant 3 : i32
      %dma_start3A_928 = arith.constant 0 : i32
      %dma_start3A_929 = arith.constant 0 : i32
      %dma_start3A_930 = arith.constant 0 : i32
      %dma_start3A_931 = tpu.memref_slice %arg12[%dma_start3A_926, %dma_start3A_928, %dma_start3A_929, %dma_start3A_930] : memref<2x6x128x16xf32, #tpu.memory_space<vmem>> -> memref<1x6x128x16xf32, #tpu.memory_space<vmem>>
      %dma_start3A_932 = tpu.memref_squeeze %dma_start3A_931 : memref<1x6x128x16xf32, #tpu.memory_space<vmem>> -> memref<6x128x16xf32, #tpu.memory_space<vmem>>
      %dma_start3A_933 = arith.constant 0 : i32
      %dma_start3A_934 = arith.constant 0 : i32
      %dma_start3A_935 = tpu.memref_slice %dma_start3A_932[%dma_start3A_927, %dma_start3A_933, %dma_start3A_934] : memref<6x128x16xf32, #tpu.memory_space<vmem>> -> memref<1x128x16xf32, #tpu.memory_space<vmem>>
      %dma_start3A_936 = tpu.memref_squeeze %dma_start3A_935 : memref<1x128x16xf32, #tpu.memory_space<vmem>> -> memref<128x16xf32, #tpu.memory_space<vmem>>
      %dma_start3A_937 = tpu.memref_slice %arg10[%mul3A_925] : memref<20096xi32, #tpu.memory_space<vmem>> -> memref<128xi32, #tpu.memory_space<vmem>>
      %dma_start3A_938 = arith.constant 0 : i32
      %dma_start3A_939 = arith.constant 0 : i32
      %dma_start3A_940 = tpu.memref_slice %arg18[%dma_start3A_938, %dma_start3A_939] : memref<10000x16xf32, #tpu.memory_space<vmem_shared>> -> memref<10000x16xf32, #tpu.memory_space<vmem_shared>>
      tpu.enqueue_indirect_dma source(%dma_start3A_940 : memref<10000x16xf32, #tpu.memory_space<vmem_shared>>) target(%dma_start3A_936 : memref<128x16xf32, #tpu.memory_space<vmem>>) offsets(%dma_start3A_937 : memref<128xi32, #tpu.memory_space<vmem>>) semaphore(%arg14 : memref<!tpu.dma_semaphore, #tpu.memory_space<semaphore_mem>>)
      %mul3A_941 = arith.constant 6 : i32
      %mul3A_942 = arith.muli %add3A_850, %mul3A_941 : i32
      %add3A_943 = arith.constant 4 : i32
      %add3A_944 = arith.addi %mul3A_942, %add3A_943 : i32
      %mul3A_945 = arith.constant 128 : i32
      %mul3A_946 = arith.muli %add3A_944, %mul3A_945 : i32
      %dma_start3A_947 = arith.constant 1 : i32
      %dma_start3A_948 = arith.constant 4 : i32
      %dma_start3A_949 = arith.constant 0 : i32
      %dma_start3A_950 = arith.constant 0 : i32
      %dma_start3A_951 = arith.constant 0 : i32
      %dma_start3A_952 = tpu.memref_slice %arg12[%dma_start3A_947, %dma_start3A_949, %dma_start3A_950, %dma_start3A_951] : memref<2x6x128x16xf32, #tpu.memory_space<vmem>> -> memref<1x6x128x16xf32, #tpu.memory_space<vmem>>
      %dma_start3A_953 = tpu.memref_squeeze %dma_start3A_952 : memref<1x6x128x16xf32, #tpu.memory_space<vmem>> -> memref<6x128x16xf32, #tpu.memory_space<vmem>>
      %dma_start3A_954 = arith.constant 0 : i32
      %dma_start3A_955 = arith.constant 0 : i32
      %dma_start3A_956 = tpu.memref_slice %dma_start3A_953[%dma_start3A_948, %dma_start3A_954, %dma_start3A_955] : memref<6x128x16xf32, #tpu.memory_space<vmem>> -> memref<1x128x16xf32, #tpu.memory_space<vmem>>
      %dma_start3A_957 = tpu.memref_squeeze %dma_start3A_956 : memref<1x128x16xf32, #tpu.memory_space<vmem>> -> memref<128x16xf32, #tpu.memory_space<vmem>>
      %dma_start3A_958 = tpu.memref_slice %arg10[%mul3A_946] : memref<20096xi32, #tpu.memory_space<vmem>> -> memref<128xi32, #tpu.memory_space<vmem>>
      %dma_start3A_959 = arith.constant 0 : i32
      %dma_start3A_960 = arith.constant 0 : i32
      %dma_start3A_961 = tpu.memref_slice %arg18[%dma_start3A_959, %dma_start3A_960] : memref<10000x16xf32, #tpu.memory_space<vmem_shared>> -> memref<10000x16xf32, #tpu.memory_space<vmem_shared>>
      tpu.enqueue_indirect_dma source(%dma_start3A_961 : memref<10000x16xf32, #tpu.memory_space<vmem_shared>>) target(%dma_start3A_957 : memref<128x16xf32, #tpu.memory_space<vmem>>) offsets(%dma_start3A_958 : memref<128xi32, #tpu.memory_space<vmem>>) semaphore(%arg14 : memref<!tpu.dma_semaphore, #tpu.memory_space<semaphore_mem>>)
      %mul3A_962 = arith.constant 6 : i32
      %mul3A_963 = arith.muli %add3A_850, %mul3A_962 : i32
      %add3A_964 = arith.constant 5 : i32
      %add3A_965 = arith.addi %mul3A_963, %add3A_964 : i32
      %mul3A_966 = arith.constant 128 : i32
      %mul3A_967 = arith.muli %add3A_965, %mul3A_966 : i32
      %dma_start3A_968 = arith.constant 1 : i32
      %dma_start3A_969 = arith.constant 5 : i32
      %dma_start3A_970 = arith.constant 0 : i32
      %dma_start3A_971 = arith.constant 0 : i32
      %dma_start3A_972 = arith.constant 0 : i32
      %dma_start3A_973 = tpu.memref_slice %arg12[%dma_start3A_968, %dma_start3A_970, %dma_start3A_971, %dma_start3A_972] : memref<2x6x128x16xf32, #tpu.memory_space<vmem>> -> memref<1x6x128x16xf32, #tpu.memory_space<vmem>>
      %dma_start3A_974 = tpu.memref_squeeze %dma_start3A_973 : memref<1x6x128x16xf32, #tpu.memory_space<vmem>> -> memref<6x128x16xf32, #tpu.memory_space<vmem>>
      %dma_start3A_975 = arith.constant 0 : i32
      %dma_start3A_976 = arith.constant 0 : i32
      %dma_start3A_977 = tpu.memref_slice %dma_start3A_974[%dma_start3A_969, %dma_start3A_975, %dma_start3A_976] : memref<6x128x16xf32, #tpu.memory_space<vmem>> -> memref<1x128x16xf32, #tpu.memory_space<vmem>>
      %dma_start3A_978 = tpu.memref_squeeze %dma_start3A_977 : memref<1x128x16xf32, #tpu.memory_space<vmem>> -> memref<128x16xf32, #tpu.memory_space<vmem>>
      %dma_start3A_979 = tpu.memref_slice %arg10[%mul3A_967] : memref<20096xi32, #tpu.memory_space<vmem>> -> memref<128xi32, #tpu.memory_space<vmem>>
      %dma_start3A_980 = arith.constant 0 : i32
      %dma_start3A_981 = arith.constant 0 : i32
      %dma_start3A_982 = tpu.memref_slice %arg18[%dma_start3A_980, %dma_start3A_981] : memref<10000x16xf32, #tpu.memory_space<vmem_shared>> -> memref<10000x16xf32, #tpu.memory_space<vmem_shared>>
      tpu.enqueue_indirect_dma source(%dma_start3A_982 : memref<10000x16xf32, #tpu.memory_space<vmem_shared>>) target(%dma_start3A_978 : memref<128x16xf32, #tpu.memory_space<vmem>>) offsets(%dma_start3A_979 : memref<128xi32, #tpu.memory_space<vmem>>) semaphore(%arg14 : memref<!tpu.dma_semaphore, #tpu.memory_space<semaphore_mem>>)
      %mul3A_983 = arith.constant 6 : i32
      %mul3A_984 = arith.muli %add3A_850, %mul3A_983 : i32
      %add3A_985 = arith.constant 0 : i32
      %add3A_986 = arith.addi %mul3A_984, %add3A_985 : i32
      %dma_wait3A_987 = arith.constant 1 : i32
      %dma_wait3A_988 = arith.constant 0 : i32
      %dma_wait3A_989 = arith.constant 0 : i32
      %dma_wait3A_990 = arith.constant 0 : i32
      %dma_wait3A_991 = arith.constant 0 : i32
      %dma_wait3A_992 = tpu.memref_slice %arg12[%dma_wait3A_987, %dma_wait3A_989, %dma_wait3A_990, %dma_wait3A_991] : memref<2x6x128x16xf32, #tpu.memory_space<vmem>> -> memref<1x6x128x16xf32, #tpu.memory_space<vmem>>
      %dma_wait3A_993 = tpu.memref_squeeze %dma_wait3A_992 : memref<1x6x128x16xf32, #tpu.memory_space<vmem>> -> memref<6x128x16xf32, #tpu.memory_space<vmem>>
      %dma_wait3A_994 = arith.constant 0 : i32
      %dma_wait3A_995 = arith.constant 0 : i32
      %dma_wait3A_996 = tpu.memref_slice %dma_wait3A_993[%dma_wait3A_988, %dma_wait3A_994, %dma_wait3A_995] : memref<6x128x16xf32, #tpu.memory_space<vmem>> -> memref<1x128x16xf32, #tpu.memory_space<vmem>>
      %dma_wait3A_997 = tpu.memref_squeeze %dma_wait3A_996 : memref<1x128x16xf32, #tpu.memory_space<vmem>> -> memref<128x16xf32, #tpu.memory_space<vmem>>
      %dma_wait3A_998 = tpu.memref_slice %arg10[%mul3A_862] : memref<20096xi32, #tpu.memory_space<vmem>> -> memref<128xi32, #tpu.memory_space<vmem>>
      %dma_wait3A_999 = arith.constant 0 : i32
      %dma_wait3A_1000 = arith.constant 0 : i32
      %dma_wait3A_1001 = tpu.memref_slice %arg18[%dma_wait3A_999, %dma_wait3A_1000] : memref<10000x16xf32, #tpu.memory_space<vmem_shared>> -> memref<10000x16xf32, #tpu.memory_space<vmem_shared>>
      tpu.wait_indirect_dma semaphore(%arg14 : memref<!tpu.dma_semaphore, #tpu.memory_space<semaphore_mem>>) src(%dma_wait3A_1001 : memref<10000x16xf32, #tpu.memory_space<vmem_shared>>) dst(%dma_wait3A_997 : memref<128x16xf32, #tpu.memory_space<vmem>>)
      %mul3A_1002 = arith.constant 128 : i32
      %mul3A_1003 = arith.muli %add3A_986, %mul3A_1002 : i32
      %dma_start3A_1004 = arith.constant 1 : i32
      %dma_start3A_1005 = arith.constant 0 : i32
      %dma_start3A_1006 = arith.constant 0 : i32
      %dma_start3A_1007 = arith.constant 0 : i32
      %dma_start3A_1008 = arith.constant 0 : i32
      %dma_start3A_1009 = tpu.memref_slice %arg12[%dma_start3A_1004, %dma_start3A_1006, %dma_start3A_1007, %dma_start3A_1008] : memref<2x6x128x16xf32, #tpu.memory_space<vmem>> -> memref<1x6x128x16xf32, #tpu.memory_space<vmem>>
      %dma_start3A_1010 = tpu.memref_squeeze %dma_start3A_1009 : memref<1x6x128x16xf32, #tpu.memory_space<vmem>> -> memref<6x128x16xf32, #tpu.memory_space<vmem>>
      %dma_start3A_1011 = arith.constant 0 : i32
      %dma_start3A_1012 = arith.constant 0 : i32
      %dma_start3A_1013 = tpu.memref_slice %dma_start3A_1010[%dma_start3A_1005, %dma_start3A_1011, %dma_start3A_1012] : memref<6x128x16xf32, #tpu.memory_space<vmem>> -> memref<1x128x16xf32, #tpu.memory_space<vmem>>
      %dma_start3A_1014 = tpu.memref_squeeze %dma_start3A_1013 : memref<1x128x16xf32, #tpu.memory_space<vmem>> -> memref<128x16xf32, #tpu.memory_space<vmem>>
      %dma_start3A_1015 = tpu.memref_slice %arg11[%mul3A_1003] : memref<20096xi32, #tpu.memory_space<vmem>> -> memref<128xi32, #tpu.memory_space<vmem>>
      %dma_start3A_1016 = arith.constant 0 : i32
      %dma_start3A_1017 = arith.constant 0 : i32
      %dma_start3A_1018 = tpu.memref_slice %arg19[%dma_start3A_1016, %dma_start3A_1017] : memref<10000x16xf32, #tpu.memory_space<vmem_shared>> -> memref<10000x16xf32, #tpu.memory_space<vmem_shared>>
      tpu.enqueue_indirect_dma source(%dma_start3A_1014 : memref<128x16xf32, #tpu.memory_space<vmem>>) target(%dma_start3A_1018 : memref<10000x16xf32, #tpu.memory_space<vmem_shared>>) offsets(%dma_start3A_1015 : memref<128xi32, #tpu.memory_space<vmem>>) semaphore(%arg16 : memref<!tpu.dma_semaphore, #tpu.memory_space<semaphore_mem>>) {add = true}
      %mul3A_1019 = arith.constant 6 : i32
      %mul3A_1020 = arith.muli %add3A_850, %mul3A_1019 : i32
      %add3A_1021 = arith.constant 1 : i32
      %add3A_1022 = arith.addi %mul3A_1020, %add3A_1021 : i32
      %dma_wait3A_1023 = arith.constant 1 : i32
      %dma_wait3A_1024 = arith.constant 1 : i32
      %dma_wait3A_1025 = arith.constant 0 : i32
      %dma_wait3A_1026 = arith.constant 0 : i32
      %dma_wait3A_1027 = arith.constant 0 : i32
      %dma_wait3A_1028 = tpu.memref_slice %arg12[%dma_wait3A_1023, %dma_wait3A_1025, %dma_wait3A_1026, %dma_wait3A_1027] : memref<2x6x128x16xf32, #tpu.memory_space<vmem>> -> memref<1x6x128x16xf32, #tpu.memory_space<vmem>>
      %dma_wait3A_1029 = tpu.memref_squeeze %dma_wait3A_1028 : memref<1x6x128x16xf32, #tpu.memory_space<vmem>> -> memref<6x128x16xf32, #tpu.memory_space<vmem>>
      %dma_wait3A_1030 = arith.constant 0 : i32
      %dma_wait3A_1031 = arith.constant 0 : i32
      %dma_wait3A_1032 = tpu.memref_slice %dma_wait3A_1029[%dma_wait3A_1024, %dma_wait3A_1030, %dma_wait3A_1031] : memref<6x128x16xf32, #tpu.memory_space<vmem>> -> memref<1x128x16xf32, #tpu.memory_space<vmem>>
      %dma_wait3A_1033 = tpu.memref_squeeze %dma_wait3A_1032 : memref<1x128x16xf32, #tpu.memory_space<vmem>> -> memref<128x16xf32, #tpu.memory_space<vmem>>
      %dma_wait3A_1034 = tpu.memref_slice %arg10[%mul3A_883] : memref<20096xi32, #tpu.memory_space<vmem>> -> memref<128xi32, #tpu.memory_space<vmem>>
      %dma_wait3A_1035 = arith.constant 0 : i32
      %dma_wait3A_1036 = arith.constant 0 : i32
      %dma_wait3A_1037 = tpu.memref_slice %arg18[%dma_wait3A_1035, %dma_wait3A_1036] : memref<10000x16xf32, #tpu.memory_space<vmem_shared>> -> memref<10000x16xf32, #tpu.memory_space<vmem_shared>>
      tpu.wait_indirect_dma semaphore(%arg14 : memref<!tpu.dma_semaphore, #tpu.memory_space<semaphore_mem>>) src(%dma_wait3A_1037 : memref<10000x16xf32, #tpu.memory_space<vmem_shared>>) dst(%dma_wait3A_1033 : memref<128x16xf32, #tpu.memory_space<vmem>>)
      %mul3A_1038 = arith.constant 128 : i32
      %mul3A_1039 = arith.muli %add3A_1022, %mul3A_1038 : i32
      %dma_start3A_1040 = arith.constant 1 : i32
      %dma_start3A_1041 = arith.constant 1 : i32
      %dma_start3A_1042 = arith.constant 0 : i32
      %dma_start3A_1043 = arith.constant 0 : i32
      %dma_start3A_1044 = arith.constant 0 : i32
      %dma_start3A_1045 = tpu.memref_slice %arg12[%dma_start3A_1040, %dma_start3A_1042, %dma_start3A_1043, %dma_start3A_1044] : memref<2x6x128x16xf32, #tpu.memory_space<vmem>> -> memref<1x6x128x16xf32, #tpu.memory_space<vmem>>
      %dma_start3A_1046 = tpu.memref_squeeze %dma_start3A_1045 : memref<1x6x128x16xf32, #tpu.memory_space<vmem>> -> memref<6x128x16xf32, #tpu.memory_space<vmem>>
      %dma_start3A_1047 = arith.constant 0 : i32
      %dma_start3A_1048 = arith.constant 0 : i32
      %dma_start3A_1049 = tpu.memref_slice %dma_start3A_1046[%dma_start3A_1041, %dma_start3A_1047, %dma_start3A_1048] : memref<6x128x16xf32, #tpu.memory_space<vmem>> -> memref<1x128x16xf32, #tpu.memory_space<vmem>>
      %dma_start3A_1050 = tpu.memref_squeeze %dma_start3A_1049 : memref<1x128x16xf32, #tpu.memory_space<vmem>> -> memref<128x16xf32, #tpu.memory_space<vmem>>
      %dma_start3A_1051 = tpu.memref_slice %arg11[%mul3A_1039] : memref<20096xi32, #tpu.memory_space<vmem>> -> memref<128xi32, #tpu.memory_space<vmem>>
      %dma_start3A_1052 = arith.constant 0 : i32
      %dma_start3A_1053 = arith.constant 0 : i32
      %dma_start3A_1054 = tpu.memref_slice %arg19[%dma_start3A_1052, %dma_start3A_1053] : memref<10000x16xf32, #tpu.memory_space<vmem_shared>> -> memref<10000x16xf32, #tpu.memory_space<vmem_shared>>
      tpu.enqueue_indirect_dma source(%dma_start3A_1050 : memref<128x16xf32, #tpu.memory_space<vmem>>) target(%dma_start3A_1054 : memref<10000x16xf32, #tpu.memory_space<vmem_shared>>) offsets(%dma_start3A_1051 : memref<128xi32, #tpu.memory_space<vmem>>) semaphore(%arg16 : memref<!tpu.dma_semaphore, #tpu.memory_space<semaphore_mem>>) {add = true}
      %mul3A_1055 = arith.constant 6 : i32
      %mul3A_1056 = arith.muli %add3A_850, %mul3A_1055 : i32
      %add3A_1057 = arith.constant 2 : i32
      %add3A_1058 = arith.addi %mul3A_1056, %add3A_1057 : i32
      %dma_wait3A_1059 = arith.constant 1 : i32
      %dma_wait3A_1060 = arith.constant 2 : i32
      %dma_wait3A_1061 = arith.constant 0 : i32
      %dma_wait3A_1062 = arith.constant 0 : i32
      %dma_wait3A_1063 = arith.constant 0 : i32
      %dma_wait3A_1064 = tpu.memref_slice %arg12[%dma_wait3A_1059, %dma_wait3A_1061, %dma_wait3A_1062, %dma_wait3A_1063] : memref<2x6x128x16xf32, #tpu.memory_space<vmem>> -> memref<1x6x128x16xf32, #tpu.memory_space<vmem>>
      %dma_wait3A_1065 = tpu.memref_squeeze %dma_wait3A_1064 : memref<1x6x128x16xf32, #tpu.memory_space<vmem>> -> memref<6x128x16xf32, #tpu.memory_space<vmem>>
      %dma_wait3A_1066 = arith.constant 0 : i32
      %dma_wait3A_1067 = arith.constant 0 : i32
      %dma_wait3A_1068 = tpu.memref_slice %dma_wait3A_1065[%dma_wait3A_1060, %dma_wait3A_1066, %dma_wait3A_1067] : memref<6x128x16xf32, #tpu.memory_space<vmem>> -> memref<1x128x16xf32, #tpu.memory_space<vmem>>
      %dma_wait3A_1069 = tpu.memref_squeeze %dma_wait3A_1068 : memref<1x128x16xf32, #tpu.memory_space<vmem>> -> memref<128x16xf32, #tpu.memory_space<vmem>>
      %dma_wait3A_1070 = tpu.memref_slice %arg10[%mul3A_904] : memref<20096xi32, #tpu.memory_space<vmem>> -> memref<128xi32, #tpu.memory_space<vmem>>
      %dma_wait3A_1071 = arith.constant 0 : i32
      %dma_wait3A_1072 = arith.constant 0 : i32
      %dma_wait3A_1073 = tpu.memref_slice %arg18[%dma_wait3A_1071, %dma_wait3A_1072] : memref<10000x16xf32, #tpu.memory_space<vmem_shared>> -> memref<10000x16xf32, #tpu.memory_space<vmem_shared>>
      tpu.wait_indirect_dma semaphore(%arg14 : memref<!tpu.dma_semaphore, #tpu.memory_space<semaphore_mem>>) src(%dma_wait3A_1073 : memref<10000x16xf32, #tpu.memory_space<vmem_shared>>) dst(%dma_wait3A_1069 : memref<128x16xf32, #tpu.memory_space<vmem>>)
      %mul3A_1074 = arith.constant 128 : i32
      %mul3A_1075 = arith.muli %add3A_1058, %mul3A_1074 : i32
      %dma_start3A_1076 = arith.constant 1 : i32
      %dma_start3A_1077 = arith.constant 2 : i32
      %dma_start3A_1078 = arith.constant 0 : i32
      %dma_start3A_1079 = arith.constant 0 : i32
      %dma_start3A_1080 = arith.constant 0 : i32
      %dma_start3A_1081 = tpu.memref_slice %arg12[%dma_start3A_1076, %dma_start3A_1078, %dma_start3A_1079, %dma_start3A_1080] : memref<2x6x128x16xf32, #tpu.memory_space<vmem>> -> memref<1x6x128x16xf32, #tpu.memory_space<vmem>>
      %dma_start3A_1082 = tpu.memref_squeeze %dma_start3A_1081 : memref<1x6x128x16xf32, #tpu.memory_space<vmem>> -> memref<6x128x16xf32, #tpu.memory_space<vmem>>
      %dma_start3A_1083 = arith.constant 0 : i32
      %dma_start3A_1084 = arith.constant 0 : i32
      %dma_start3A_1085 = tpu.memref_slice %dma_start3A_1082[%dma_start3A_1077, %dma_start3A_1083, %dma_start3A_1084] : memref<6x128x16xf32, #tpu.memory_space<vmem>> -> memref<1x128x16xf32, #tpu.memory_space<vmem>>
      %dma_start3A_1086 = tpu.memref_squeeze %dma_start3A_1085 : memref<1x128x16xf32, #tpu.memory_space<vmem>> -> memref<128x16xf32, #tpu.memory_space<vmem>>
      %dma_start3A_1087 = tpu.memref_slice %arg11[%mul3A_1075] : memref<20096xi32, #tpu.memory_space<vmem>> -> memref<128xi32, #tpu.memory_space<vmem>>
      %dma_start3A_1088 = arith.constant 0 : i32
      %dma_start3A_1089 = arith.constant 0 : i32
      %dma_start3A_1090 = tpu.memref_slice %arg19[%dma_start3A_1088, %dma_start3A_1089] : memref<10000x16xf32, #tpu.memory_space<vmem_shared>> -> memref<10000x16xf32, #tpu.memory_space<vmem_shared>>
      tpu.enqueue_indirect_dma source(%dma_start3A_1086 : memref<128x16xf32, #tpu.memory_space<vmem>>) target(%dma_start3A_1090 : memref<10000x16xf32, #tpu.memory_space<vmem_shared>>) offsets(%dma_start3A_1087 : memref<128xi32, #tpu.memory_space<vmem>>) semaphore(%arg16 : memref<!tpu.dma_semaphore, #tpu.memory_space<semaphore_mem>>) {add = true}
      %mul3A_1091 = arith.constant 6 : i32
      %mul3A_1092 = arith.muli %add3A_850, %mul3A_1091 : i32
      %add3A_1093 = arith.constant 3 : i32
      %add3A_1094 = arith.addi %mul3A_1092, %add3A_1093 : i32
      %dma_wait3A_1095 = arith.constant 1 : i32
      %dma_wait3A_1096 = arith.constant 3 : i32
      %dma_wait3A_1097 = arith.constant 0 : i32
      %dma_wait3A_1098 = arith.constant 0 : i32
      %dma_wait3A_1099 = arith.constant 0 : i32
      %dma_wait3A_1100 = tpu.memref_slice %arg12[%dma_wait3A_1095, %dma_wait3A_1097, %dma_wait3A_1098, %dma_wait3A_1099] : memref<2x6x128x16xf32, #tpu.memory_space<vmem>> -> memref<1x6x128x16xf32, #tpu.memory_space<vmem>>
      %dma_wait3A_1101 = tpu.memref_squeeze %dma_wait3A_1100 : memref<1x6x128x16xf32, #tpu.memory_space<vmem>> -> memref<6x128x16xf32, #tpu.memory_space<vmem>>
      %dma_wait3A_1102 = arith.constant 0 : i32
      %dma_wait3A_1103 = arith.constant 0 : i32
      %dma_wait3A_1104 = tpu.memref_slice %dma_wait3A_1101[%dma_wait3A_1096, %dma_wait3A_1102, %dma_wait3A_1103] : memref<6x128x16xf32, #tpu.memory_space<vmem>> -> memref<1x128x16xf32, #tpu.memory_space<vmem>>
      %dma_wait3A_1105 = tpu.memref_squeeze %dma_wait3A_1104 : memref<1x128x16xf32, #tpu.memory_space<vmem>> -> memref<128x16xf32, #tpu.memory_space<vmem>>
      %dma_wait3A_1106 = tpu.memref_slice %arg10[%mul3A_925] : memref<20096xi32, #tpu.memory_space<vmem>> -> memref<128xi32, #tpu.memory_space<vmem>>
      %dma_wait3A_1107 = arith.constant 0 : i32
      %dma_wait3A_1108 = arith.constant 0 : i32
      %dma_wait3A_1109 = tpu.memref_slice %arg18[%dma_wait3A_1107, %dma_wait3A_1108] : memref<10000x16xf32, #tpu.memory_space<vmem_shared>> -> memref<10000x16xf32, #tpu.memory_space<vmem_shared>>
      tpu.wait_indirect_dma semaphore(%arg14 : memref<!tpu.dma_semaphore, #tpu.memory_space<semaphore_mem>>) src(%dma_wait3A_1109 : memref<10000x16xf32, #tpu.memory_space<vmem_shared>>) dst(%dma_wait3A_1105 : memref<128x16xf32, #tpu.memory_space<vmem>>)
      %mul3A_1110 = arith.constant 128 : i32
      %mul3A_1111 = arith.muli %add3A_1094, %mul3A_1110 : i32
      %dma_start3A_1112 = arith.constant 1 : i32
      %dma_start3A_1113 = arith.constant 3 : i32
      %dma_start3A_1114 = arith.constant 0 : i32
      %dma_start3A_1115 = arith.constant 0 : i32
      %dma_start3A_1116 = arith.constant 0 : i32
      %dma_start3A_1117 = tpu.memref_slice %arg12[%dma_start3A_1112, %dma_start3A_1114, %dma_start3A_1115, %dma_start3A_1116] : memref<2x6x128x16xf32, #tpu.memory_space<vmem>> -> memref<1x6x128x16xf32, #tpu.memory_space<vmem>>
      %dma_start3A_1118 = tpu.memref_squeeze %dma_start3A_1117 : memref<1x6x128x16xf32, #tpu.memory_space<vmem>> -> memref<6x128x16xf32, #tpu.memory_space<vmem>>
      %dma_start3A_1119 = arith.constant 0 : i32
      %dma_start3A_1120 = arith.constant 0 : i32
      %dma_start3A_1121 = tpu.memref_slice %dma_start3A_1118[%dma_start3A_1113, %dma_start3A_1119, %dma_start3A_1120] : memref<6x128x16xf32, #tpu.memory_space<vmem>> -> memref<1x128x16xf32, #tpu.memory_space<vmem>>
      %dma_start3A_1122 = tpu.memref_squeeze %dma_start3A_1121 : memref<1x128x16xf32, #tpu.memory_space<vmem>> -> memref<128x16xf32, #tpu.memory_space<vmem>>
      %dma_start3A_1123 = tpu.memref_slice %arg11[%mul3A_1111] : memref<20096xi32, #tpu.memory_space<vmem>> -> memref<128xi32, #tpu.memory_space<vmem>>
      %dma_start3A_1124 = arith.constant 0 : i32
      %dma_start3A_1125 = arith.constant 0 : i32
      %dma_start3A_1126 = tpu.memref_slice %arg19[%dma_start3A_1124, %dma_start3A_1125] : memref<10000x16xf32, #tpu.memory_space<vmem_shared>> -> memref<10000x16xf32, #tpu.memory_space<vmem_shared>>
      tpu.enqueue_indirect_dma source(%dma_start3A_1122 : memref<128x16xf32, #tpu.memory_space<vmem>>) target(%dma_start3A_1126 : memref<10000x16xf32, #tpu.memory_space<vmem_shared>>) offsets(%dma_start3A_1123 : memref<128xi32, #tpu.memory_space<vmem>>) semaphore(%arg16 : memref<!tpu.dma_semaphore, #tpu.memory_space<semaphore_mem>>) {add = true}
      %mul3A_1127 = arith.constant 6 : i32
      %mul3A_1128 = arith.muli %add3A_850, %mul3A_1127 : i32
      %add3A_1129 = arith.constant 4 : i32
      %add3A_1130 = arith.addi %mul3A_1128, %add3A_1129 : i32
      %dma_wait3A_1131 = arith.constant 1 : i32
      %dma_wait3A_1132 = arith.constant 4 : i32
      %dma_wait3A_1133 = arith.constant 0 : i32
      %dma_wait3A_1134 = arith.constant 0 : i32
      %dma_wait3A_1135 = arith.constant 0 : i32
      %dma_wait3A_1136 = tpu.memref_slice %arg12[%dma_wait3A_1131, %dma_wait3A_1133, %dma_wait3A_1134, %dma_wait3A_1135] : memref<2x6x128x16xf32, #tpu.memory_space<vmem>> -> memref<1x6x128x16xf32, #tpu.memory_space<vmem>>
      %dma_wait3A_1137 = tpu.memref_squeeze %dma_wait3A_1136 : memref<1x6x128x16xf32, #tpu.memory_space<vmem>> -> memref<6x128x16xf32, #tpu.memory_space<vmem>>
      %dma_wait3A_1138 = arith.constant 0 : i32
      %dma_wait3A_1139 = arith.constant 0 : i32
      %dma_wait3A_1140 = tpu.memref_slice %dma_wait3A_1137[%dma_wait3A_1132, %dma_wait3A_1138, %dma_wait3A_1139] : memref<6x128x16xf32, #tpu.memory_space<vmem>> -> memref<1x128x16xf32, #tpu.memory_space<vmem>>
      %dma_wait3A_1141 = tpu.memref_squeeze %dma_wait3A_1140 : memref<1x128x16xf32, #tpu.memory_space<vmem>> -> memref<128x16xf32, #tpu.memory_space<vmem>>
      %dma_wait3A_1142 = tpu.memref_slice %arg10[%mul3A_946] : memref<20096xi32, #tpu.memory_space<vmem>> -> memref<128xi32, #tpu.memory_space<vmem>>
      %dma_wait3A_1143 = arith.constant 0 : i32
      %dma_wait3A_1144 = arith.constant 0 : i32
      %dma_wait3A_1145 = tpu.memref_slice %arg18[%dma_wait3A_1143, %dma_wait3A_1144] : memref<10000x16xf32, #tpu.memory_space<vmem_shared>> -> memref<10000x16xf32, #tpu.memory_space<vmem_shared>>
      tpu.wait_indirect_dma semaphore(%arg14 : memref<!tpu.dma_semaphore, #tpu.memory_space<semaphore_mem>>) src(%dma_wait3A_1145 : memref<10000x16xf32, #tpu.memory_space<vmem_shared>>) dst(%dma_wait3A_1141 : memref<128x16xf32, #tpu.memory_space<vmem>>)
      %mul3A_1146 = arith.constant 128 : i32
      %mul3A_1147 = arith.muli %add3A_1130, %mul3A_1146 : i32
      %dma_start3A_1148 = arith.constant 1 : i32
      %dma_start3A_1149 = arith.constant 4 : i32
      %dma_start3A_1150 = arith.constant 0 : i32
      %dma_start3A_1151 = arith.constant 0 : i32
      %dma_start3A_1152 = arith.constant 0 : i32
      %dma_start3A_1153 = tpu.memref_slice %arg12[%dma_start3A_1148, %dma_start3A_1150, %dma_start3A_1151, %dma_start3A_1152] : memref<2x6x128x16xf32, #tpu.memory_space<vmem>> -> memref<1x6x128x16xf32, #tpu.memory_space<vmem>>
      %dma_start3A_1154 = tpu.memref_squeeze %dma_start3A_1153 : memref<1x6x128x16xf32, #tpu.memory_space<vmem>> -> memref<6x128x16xf32, #tpu.memory_space<vmem>>
      %dma_start3A_1155 = arith.constant 0 : i32
      %dma_start3A_1156 = arith.constant 0 : i32
      %dma_start3A_1157 = tpu.memref_slice %dma_start3A_1154[%dma_start3A_1149, %dma_start3A_1155, %dma_start3A_1156] : memref<6x128x16xf32, #tpu.memory_space<vmem>> -> memref<1x128x16xf32, #tpu.memory_space<vmem>>
      %dma_start3A_1158 = tpu.memref_squeeze %dma_start3A_1157 : memref<1x128x16xf32, #tpu.memory_space<vmem>> -> memref<128x16xf32, #tpu.memory_space<vmem>>
      %dma_start3A_1159 = tpu.memref_slice %arg11[%mul3A_1147] : memref<20096xi32, #tpu.memory_space<vmem>> -> memref<128xi32, #tpu.memory_space<vmem>>
      %dma_start3A_1160 = arith.constant 0 : i32
      %dma_start3A_1161 = arith.constant 0 : i32
      %dma_start3A_1162 = tpu.memref_slice %arg19[%dma_start3A_1160, %dma_start3A_1161] : memref<10000x16xf32, #tpu.memory_space<vmem_shared>> -> memref<10000x16xf32, #tpu.memory_space<vmem_shared>>
      tpu.enqueue_indirect_dma source(%dma_start3A_1158 : memref<128x16xf32, #tpu.memory_space<vmem>>) target(%dma_start3A_1162 : memref<10000x16xf32, #tpu.memory_space<vmem_shared>>) offsets(%dma_start3A_1159 : memref<128xi32, #tpu.memory_space<vmem>>) semaphore(%arg16 : memref<!tpu.dma_semaphore, #tpu.memory_space<semaphore_mem>>) {add = true}
      %mul3A_1163 = arith.constant 6 : i32
      %mul3A_1164 = arith.muli %add3A_850, %mul3A_1163 : i32
      %add3A_1165 = arith.constant 5 : i32
      %add3A_1166 = arith.addi %mul3A_1164, %add3A_1165 : i32
      %dma_wait3A_1167 = arith.constant 1 : i32
      %dma_wait3A_1168 = arith.constant 5 : i32
      %dma_wait3A_1169 = arith.constant 0 : i32
      %dma_wait3A_1170 = arith.constant 0 : i32
      %dma_wait3A_1171 = arith.constant 0 : i32
      %dma_wait3A_1172 = tpu.memref_slice %arg12[%dma_wait3A_1167, %dma_wait3A_1169, %dma_wait3A_1170, %dma_wait3A_1171] : memref<2x6x128x16xf32, #tpu.memory_space<vmem>> -> memref<1x6x128x16xf32, #tpu.memory_space<vmem>>
      %dma_wait3A_1173 = tpu.memref_squeeze %dma_wait3A_1172 : memref<1x6x128x16xf32, #tpu.memory_space<vmem>> -> memref<6x128x16xf32, #tpu.memory_space<vmem>>
      %dma_wait3A_1174 = arith.constant 0 : i32
      %dma_wait3A_1175 = arith.constant 0 : i32
      %dma_wait3A_1176 = tpu.memref_slice %dma_wait3A_1173[%dma_wait3A_1168, %dma_wait3A_1174, %dma_wait3A_1175] : memref<6x128x16xf32, #tpu.memory_space<vmem>> -> memref<1x128x16xf32, #tpu.memory_space<vmem>>
      %dma_wait3A_1177 = tpu.memref_squeeze %dma_wait3A_1176 : memref<1x128x16xf32, #tpu.memory_space<vmem>> -> memref<128x16xf32, #tpu.memory_space<vmem>>
      %dma_wait3A_1178 = tpu.memref_slice %arg10[%mul3A_967] : memref<20096xi32, #tpu.memory_space<vmem>> -> memref<128xi32, #tpu.memory_space<vmem>>
      %dma_wait3A_1179 = arith.constant 0 : i32
      %dma_wait3A_1180 = arith.constant 0 : i32
      %dma_wait3A_1181 = tpu.memref_slice %arg18[%dma_wait3A_1179, %dma_wait3A_1180] : memref<10000x16xf32, #tpu.memory_space<vmem_shared>> -> memref<10000x16xf32, #tpu.memory_space<vmem_shared>>
      tpu.wait_indirect_dma semaphore(%arg14 : memref<!tpu.dma_semaphore, #tpu.memory_space<semaphore_mem>>) src(%dma_wait3A_1181 : memref<10000x16xf32, #tpu.memory_space<vmem_shared>>) dst(%dma_wait3A_1177 : memref<128x16xf32, #tpu.memory_space<vmem>>)
      %mul3A_1182 = arith.constant 128 : i32
      %mul3A_1183 = arith.muli %add3A_1166, %mul3A_1182 : i32
      %dma_start3A_1184 = arith.constant 1 : i32
      %dma_start3A_1185 = arith.constant 5 : i32
      %dma_start3A_1186 = arith.constant 0 : i32
      %dma_start3A_1187 = arith.constant 0 : i32
      %dma_start3A_1188 = arith.constant 0 : i32
      %dma_start3A_1189 = tpu.memref_slice %arg12[%dma_start3A_1184, %dma_start3A_1186, %dma_start3A_1187, %dma_start3A_1188] : memref<2x6x128x16xf32, #tpu.memory_space<vmem>> -> memref<1x6x128x16xf32, #tpu.memory_space<vmem>>
      %dma_start3A_1190 = tpu.memref_squeeze %dma_start3A_1189 : memref<1x6x128x16xf32, #tpu.memory_space<vmem>> -> memref<6x128x16xf32, #tpu.memory_space<vmem>>
      %dma_start3A_1191 = arith.constant 0 : i32
      %dma_start3A_1192 = arith.constant 0 : i32
      %dma_start3A_1193 = tpu.memref_slice %dma_start3A_1190[%dma_start3A_1185, %dma_start3A_1191, %dma_start3A_1192] : memref<6x128x16xf32, #tpu.memory_space<vmem>> -> memref<1x128x16xf32, #tpu.memory_space<vmem>>
      %dma_start3A_1194 = tpu.memref_squeeze %dma_start3A_1193 : memref<1x128x16xf32, #tpu.memory_space<vmem>> -> memref<128x16xf32, #tpu.memory_space<vmem>>
      %dma_start3A_1195 = tpu.memref_slice %arg11[%mul3A_1183] : memref<20096xi32, #tpu.memory_space<vmem>> -> memref<128xi32, #tpu.memory_space<vmem>>
      %dma_start3A_1196 = arith.constant 0 : i32
      %dma_start3A_1197 = arith.constant 0 : i32
      %dma_start3A_1198 = tpu.memref_slice %arg19[%dma_start3A_1196, %dma_start3A_1197] : memref<10000x16xf32, #tpu.memory_space<vmem_shared>> -> memref<10000x16xf32, #tpu.memory_space<vmem_shared>>
      tpu.enqueue_indirect_dma source(%dma_start3A_1194 : memref<128x16xf32, #tpu.memory_space<vmem>>) target(%dma_start3A_1198 : memref<10000x16xf32, #tpu.memory_space<vmem_shared>>) offsets(%dma_start3A_1195 : memref<128xi32, #tpu.memory_space<vmem>>) semaphore(%arg16 : memref<!tpu.dma_semaphore, #tpu.memory_space<semaphore_mem>>) {add = true}
    }
    %scan3A_79 = arith.constant 13 : i32
    %dma_wait3A = arith.constant 1 : i32
    %dma_wait3A_80 = arith.constant 0 : i32
    %dma_wait3A_81 = arith.constant 0 : i32
    %dma_wait3A_82 = arith.constant 0 : i32
    %dma_wait3A_83 = arith.constant 0 : i32
    %dma_wait3A_84 = tpu.memref_slice %arg12[%dma_wait3A, %dma_wait3A_81, %dma_wait3A_82, %dma_wait3A_83] : memref<2x6x128x16xf32, #tpu.memory_space<vmem>> -> memref<1x6x128x16xf32, #tpu.memory_space<vmem>>
    %dma_wait3A_85 = tpu.memref_squeeze %dma_wait3A_84 : memref<1x6x128x16xf32, #tpu.memory_space<vmem>> -> memref<6x128x16xf32, #tpu.memory_space<vmem>>
    %dma_wait3A_86 = arith.constant 0 : i32
    %dma_wait3A_87 = arith.constant 0 : i32
    %dma_wait3A_88 = tpu.memref_slice %dma_wait3A_85[%dma_wait3A_80, %dma_wait3A_86, %dma_wait3A_87] : memref<6x128x16xf32, #tpu.memory_space<vmem>> -> memref<1x128x16xf32, #tpu.memory_space<vmem>>
    %dma_wait3A_89 = tpu.memref_squeeze %dma_wait3A_88 : memref<1x128x16xf32, #tpu.memory_space<vmem>> -> memref<128x16xf32, #tpu.memory_space<vmem>>
    %dma_wait3A_90 = arith.constant 0 : i32
    %dma_wait3A_91 = tpu.memref_slice %arg11[%dma_wait3A_90] : memref<20096xi32, #tpu.memory_space<vmem>> -> memref<128xi32, #tpu.memory_space<vmem>>
    %dma_wait3A_92 = arith.constant 0 : i32
    %dma_wait3A_93 = arith.constant 0 : i32
    %dma_wait3A_94 = tpu.memref_slice %arg19[%dma_wait3A_92, %dma_wait3A_93] : memref<10000x16xf32, #tpu.memory_space<vmem_shared>> -> memref<10000x16xf32, #tpu.memory_space<vmem_shared>>
    tpu.wait_indirect_dma semaphore(%arg16 : memref<!tpu.dma_semaphore, #tpu.memory_space<semaphore_mem>>) src(%dma_wait3A_89 : memref<128x16xf32, #tpu.memory_space<vmem>>) dst(%dma_wait3A_94 : memref<10000x16xf32, #tpu.memory_space<vmem_shared>>)
    %dma_wait3A_95 = arith.constant 1 : i32
    %dma_wait3A_96 = arith.constant 1 : i32
    %dma_wait3A_97 = arith.constant 0 : i32
    %dma_wait3A_98 = arith.constant 0 : i32
    %dma_wait3A_99 = arith.constant 0 : i32
    %dma_wait3A_100 = tpu.memref_slice %arg12[%dma_wait3A_95, %dma_wait3A_97, %dma_wait3A_98, %dma_wait3A_99] : memref<2x6x128x16xf32, #tpu.memory_space<vmem>> -> memref<1x6x128x16xf32, #tpu.memory_space<vmem>>
    %dma_wait3A_101 = tpu.memref_squeeze %dma_wait3A_100 : memref<1x6x128x16xf32, #tpu.memory_space<vmem>> -> memref<6x128x16xf32, #tpu.memory_space<vmem>>
    %dma_wait3A_102 = arith.constant 0 : i32
    %dma_wait3A_103 = arith.constant 0 : i32
    %dma_wait3A_104 = tpu.memref_slice %dma_wait3A_101[%dma_wait3A_96, %dma_wait3A_102, %dma_wait3A_103] : memref<6x128x16xf32, #tpu.memory_space<vmem>> -> memref<1x128x16xf32, #tpu.memory_space<vmem>>
    %dma_wait3A_105 = tpu.memref_squeeze %dma_wait3A_104 : memref<1x128x16xf32, #tpu.memory_space<vmem>> -> memref<128x16xf32, #tpu.memory_space<vmem>>
    %dma_wait3A_106 = arith.constant 0 : i32
    %dma_wait3A_107 = tpu.memref_slice %arg11[%dma_wait3A_106] : memref<20096xi32, #tpu.memory_space<vmem>> -> memref<128xi32, #tpu.memory_space<vmem>>
    %dma_wait3A_108 = arith.constant 0 : i32
    %dma_wait3A_109 = arith.constant 0 : i32
    %dma_wait3A_110 = tpu.memref_slice %arg19[%dma_wait3A_108, %dma_wait3A_109] : memref<10000x16xf32, #tpu.memory_space<vmem_shared>> -> memref<10000x16xf32, #tpu.memory_space<vmem_shared>>
    tpu.wait_indirect_dma semaphore(%arg16 : memref<!tpu.dma_semaphore, #tpu.memory_space<semaphore_mem>>) src(%dma_wait3A_105 : memref<128x16xf32, #tpu.memory_space<vmem>>) dst(%dma_wait3A_110 : memref<10000x16xf32, #tpu.memory_space<vmem_shared>>)
    %dma_wait3A_111 = arith.constant 1 : i32
    %dma_wait3A_112 = arith.constant 2 : i32
    %dma_wait3A_113 = arith.constant 0 : i32
    %dma_wait3A_114 = arith.constant 0 : i32
    %dma_wait3A_115 = arith.constant 0 : i32
    %dma_wait3A_116 = tpu.memref_slice %arg12[%dma_wait3A_111, %dma_wait3A_113, %dma_wait3A_114, %dma_wait3A_115] : memref<2x6x128x16xf32, #tpu.memory_space<vmem>> -> memref<1x6x128x16xf32, #tpu.memory_space<vmem>>
    %dma_wait3A_117 = tpu.memref_squeeze %dma_wait3A_116 : memref<1x6x128x16xf32, #tpu.memory_space<vmem>> -> memref<6x128x16xf32, #tpu.memory_space<vmem>>
    %dma_wait3A_118 = arith.constant 0 : i32
    %dma_wait3A_119 = arith.constant 0 : i32
    %dma_wait3A_120 = tpu.memref_slice %dma_wait3A_117[%dma_wait3A_112, %dma_wait3A_118, %dma_wait3A_119] : memref<6x128x16xf32, #tpu.memory_space<vmem>> -> memref<1x128x16xf32, #tpu.memory_space<vmem>>
    %dma_wait3A_121 = tpu.memref_squeeze %dma_wait3A_120 : memref<1x128x16xf32, #tpu.memory_space<vmem>> -> memref<128x16xf32, #tpu.memory_space<vmem>>
    %dma_wait3A_122 = arith.constant 0 : i32
    %dma_wait3A_123 = tpu.memref_slice %arg11[%dma_wait3A_122] : memref<20096xi32, #tpu.memory_space<vmem>> -> memref<128xi32, #tpu.memory_space<vmem>>
    %dma_wait3A_124 = arith.constant 0 : i32
    %dma_wait3A_125 = arith.constant 0 : i32
    %dma_wait3A_126 = tpu.memref_slice %arg19[%dma_wait3A_124, %dma_wait3A_125] : memref<10000x16xf32, #tpu.memory_space<vmem_shared>> -> memref<10000x16xf32, #tpu.memory_space<vmem_shared>>
    tpu.wait_indirect_dma semaphore(%arg16 : memref<!tpu.dma_semaphore, #tpu.memory_space<semaphore_mem>>) src(%dma_wait3A_121 : memref<128x16xf32, #tpu.memory_space<vmem>>) dst(%dma_wait3A_126 : memref<10000x16xf32, #tpu.memory_space<vmem_shared>>)
    %dma_wait3A_127 = arith.constant 1 : i32
    %dma_wait3A_128 = arith.constant 3 : i32
    %dma_wait3A_129 = arith.constant 0 : i32
    %dma_wait3A_130 = arith.constant 0 : i32
    %dma_wait3A_131 = arith.constant 0 : i32
    %dma_wait3A_132 = tpu.memref_slice %arg12[%dma_wait3A_127, %dma_wait3A_129, %dma_wait3A_130, %dma_wait3A_131] : memref<2x6x128x16xf32, #tpu.memory_space<vmem>> -> memref<1x6x128x16xf32, #tpu.memory_space<vmem>>
    %dma_wait3A_133 = tpu.memref_squeeze %dma_wait3A_132 : memref<1x6x128x16xf32, #tpu.memory_space<vmem>> -> memref<6x128x16xf32, #tpu.memory_space<vmem>>
    %dma_wait3A_134 = arith.constant 0 : i32
    %dma_wait3A_135 = arith.constant 0 : i32
    %dma_wait3A_136 = tpu.memref_slice %dma_wait3A_133[%dma_wait3A_128, %dma_wait3A_134, %dma_wait3A_135] : memref<6x128x16xf32, #tpu.memory_space<vmem>> -> memref<1x128x16xf32, #tpu.memory_space<vmem>>
    %dma_wait3A_137 = tpu.memref_squeeze %dma_wait3A_136 : memref<1x128x16xf32, #tpu.memory_space<vmem>> -> memref<128x16xf32, #tpu.memory_space<vmem>>
    %dma_wait3A_138 = arith.constant 0 : i32
    %dma_wait3A_139 = tpu.memref_slice %arg11[%dma_wait3A_138] : memref<20096xi32, #tpu.memory_space<vmem>> -> memref<128xi32, #tpu.memory_space<vmem>>
    %dma_wait3A_140 = arith.constant 0 : i32
    %dma_wait3A_141 = arith.constant 0 : i32
    %dma_wait3A_142 = tpu.memref_slice %arg19[%dma_wait3A_140, %dma_wait3A_141] : memref<10000x16xf32, #tpu.memory_space<vmem_shared>> -> memref<10000x16xf32, #tpu.memory_space<vmem_shared>>
    tpu.wait_indirect_dma semaphore(%arg16 : memref<!tpu.dma_semaphore, #tpu.memory_space<semaphore_mem>>) src(%dma_wait3A_137 : memref<128x16xf32, #tpu.memory_space<vmem>>) dst(%dma_wait3A_142 : memref<10000x16xf32, #tpu.memory_space<vmem_shared>>)
    %dma_wait3A_143 = arith.constant 1 : i32
    %dma_wait3A_144 = arith.constant 4 : i32
    %dma_wait3A_145 = arith.constant 0 : i32
    %dma_wait3A_146 = arith.constant 0 : i32
    %dma_wait3A_147 = arith.constant 0 : i32
    %dma_wait3A_148 = tpu.memref_slice %arg12[%dma_wait3A_143, %dma_wait3A_145, %dma_wait3A_146, %dma_wait3A_147] : memref<2x6x128x16xf32, #tpu.memory_space<vmem>> -> memref<1x6x128x16xf32, #tpu.memory_space<vmem>>
    %dma_wait3A_149 = tpu.memref_squeeze %dma_wait3A_148 : memref<1x6x128x16xf32, #tpu.memory_space<vmem>> -> memref<6x128x16xf32, #tpu.memory_space<vmem>>
    %dma_wait3A_150 = arith.constant 0 : i32
    %dma_wait3A_151 = arith.constant 0 : i32
    %dma_wait3A_152 = tpu.memref_slice %dma_wait3A_149[%dma_wait3A_144, %dma_wait3A_150, %dma_wait3A_151] : memref<6x128x16xf32, #tpu.memory_space<vmem>> -> memref<1x128x16xf32, #tpu.memory_space<vmem>>
    %dma_wait3A_153 = tpu.memref_squeeze %dma_wait3A_152 : memref<1x128x16xf32, #tpu.memory_space<vmem>> -> memref<128x16xf32, #tpu.memory_space<vmem>>
    %dma_wait3A_154 = arith.constant 0 : i32
    %dma_wait3A_155 = tpu.memref_slice %arg11[%dma_wait3A_154] : memref<20096xi32, #tpu.memory_space<vmem>> -> memref<128xi32, #tpu.memory_space<vmem>>
    %dma_wait3A_156 = arith.constant 0 : i32
    %dma_wait3A_157 = arith.constant 0 : i32
    %dma_wait3A_158 = tpu.memref_slice %arg19[%dma_wait3A_156, %dma_wait3A_157] : memref<10000x16xf32, #tpu.memory_space<vmem_shared>> -> memref<10000x16xf32, #tpu.memory_space<vmem_shared>>
    tpu.wait_indirect_dma semaphore(%arg16 : memref<!tpu.dma_semaphore, #tpu.memory_space<semaphore_mem>>) src(%dma_wait3A_153 : memref<128x16xf32, #tpu.memory_space<vmem>>) dst(%dma_wait3A_158 : memref<10000x16xf32, #tpu.memory_space<vmem_shared>>)
    %dma_wait3A_159 = arith.constant 1 : i32
    %dma_wait3A_160 = arith.constant 5 : i32
    %dma_wait3A_161 = arith.constant 0 : i32
    %dma_wait3A_162 = arith.constant 0 : i32
    %dma_wait3A_163 = arith.constant 0 : i32
    %dma_wait3A_164 = tpu.memref_slice %arg12[%dma_wait3A_159, %dma_wait3A_161, %dma_wait3A_162, %dma_wait3A_163] : memref<2x6x128x16xf32, #tpu.memory_space<vmem>> -> memref<1x6x128x16xf32, #tpu.memory_space<vmem>>
    %dma_wait3A_165 = tpu.memref_squeeze %dma_wait3A_164 : memref<1x6x128x16xf32, #tpu.memory_space<vmem>> -> memref<6x128x16xf32, #tpu.memory_space<vmem>>
    %dma_wait3A_166 = arith.constant 0 : i32
    %dma_wait3A_167 = arith.constant 0 : i32
    %dma_wait3A_168 = tpu.memref_slice %dma_wait3A_165[%dma_wait3A_160, %dma_wait3A_166, %dma_wait3A_167] : memref<6x128x16xf32, #tpu.memory_space<vmem>> -> memref<1x128x16xf32, #tpu.memory_space<vmem>>
    %dma_wait3A_169 = tpu.memref_squeeze %dma_wait3A_168 : memref<1x128x16xf32, #tpu.memory_space<vmem>> -> memref<128x16xf32, #tpu.memory_space<vmem>>
    %dma_wait3A_170 = arith.constant 0 : i32
    %dma_wait3A_171 = tpu.memref_slice %arg11[%dma_wait3A_170] : memref<20096xi32, #tpu.memory_space<vmem>> -> memref<128xi32, #tpu.memory_space<vmem>>
    %dma_wait3A_172 = arith.constant 0 : i32
    %dma_wait3A_173 = arith.constant 0 : i32
    %dma_wait3A_174 = tpu.memref_slice %arg19[%dma_wait3A_172, %dma_wait3A_173] : memref<10000x16xf32, #tpu.memory_space<vmem_shared>> -> memref<10000x16xf32, #tpu.memory_space<vmem_shared>>
    tpu.wait_indirect_dma semaphore(%arg16 : memref<!tpu.dma_semaphore, #tpu.memory_space<semaphore_mem>>) src(%dma_wait3A_169 : memref<128x16xf32, #tpu.memory_space<vmem>>) dst(%dma_wait3A_174 : memref<10000x16xf32, #tpu.memory_space<vmem_shared>>)
    %lt3A_175 = arith.constant 4 : i32
    %lt3A_176 = arith.cmpi slt, %arg1, %lt3A_175 : i32
    %convert_element_type3A_177 = arith.extui %lt3A_176 : i1 to i32
    %cond3A_178 = arith.constant 0 : i32
    %cond3A_179 = arith.cmpi ne, %convert_element_type3A_177, %cond3A_178 : i32
    scf.if %cond3A_179 {
      %run_scoped3A = arith.constant 1 : i32
      %run_scoped3A_495 = arith.constant 0 : i32
      "tpu.region"() ({
        %run_scoped3A_498 = tpu.sem_alloc : memref<!tpu.dma_semaphore, #tpu.memory_space<semaphore_mem>>
        %dma_start3A = arith.constant 0 : i32
        %dma_start3A_499 = arith.constant 0 : i32
        %dma_start3A_500 = arith.constant 0 : i32
        %dma_start3A_501 = tpu.memref_slice %arg12[%run_scoped3A, %dma_start3A, %dma_start3A_499, %dma_start3A_500] : memref<2x6x128x16xf32, #tpu.memory_space<vmem>> -> memref<1x6x128x16xf32, #tpu.memory_space<vmem>>
        %dma_start3A_502 = tpu.memref_squeeze %dma_start3A_501 : memref<1x6x128x16xf32, #tpu.memory_space<vmem>> -> memref<6x128x16xf32, #tpu.memory_space<vmem>>
        %dma_start3A_503 = arith.constant 0 : i32
        %dma_start3A_504 = arith.constant 0 : i32
        %dma_start3A_505 = tpu.memref_slice %dma_start3A_502[%run_scoped3A_495, %dma_start3A_503, %dma_start3A_504] : memref<6x128x16xf32, #tpu.memory_space<vmem>> -> memref<1x128x16xf32, #tpu.memory_space<vmem>>
        %dma_start3A_506 = tpu.memref_squeeze %dma_start3A_505 : memref<1x128x16xf32, #tpu.memory_space<vmem>> -> memref<128x16xf32, #tpu.memory_space<vmem>>
        %dma_start3A_507 = arith.constant 19968 : i32
        %dma_start3A_508 = tpu.memref_slice %arg10[%dma_start3A_507] : memref<20096xi32, #tpu.memory_space<vmem>> -> memref<128xi32, #tpu.memory_space<vmem>>
        %dma_start3A_509 = arith.constant 0 : i32
        %dma_start3A_510 = arith.constant 0 : i32
        %dma_start3A_511 = tpu.memref_slice %arg18[%dma_start3A_509, %dma_start3A_510] : memref<10000x16xf32, #tpu.memory_space<vmem_shared>> -> memref<10000x16xf32, #tpu.memory_space<vmem_shared>>
        tpu.enqueue_indirect_dma source(%dma_start3A_511 : memref<10000x16xf32, #tpu.memory_space<vmem_shared>>) target(%dma_start3A_506 : memref<128x16xf32, #tpu.memory_space<vmem>>) offsets(%dma_start3A_508 : memref<128xi32, #tpu.memory_space<vmem>>) semaphore(%run_scoped3A_498 : memref<!tpu.dma_semaphore, #tpu.memory_space<semaphore_mem>>)
        %dma_wait3A_512 = arith.constant 0 : i32
        %dma_wait3A_513 = arith.constant 0 : i32
        %dma_wait3A_514 = arith.constant 0 : i32
        %dma_wait3A_515 = tpu.memref_slice %arg12[%run_scoped3A, %dma_wait3A_512, %dma_wait3A_513, %dma_wait3A_514] : memref<2x6x128x16xf32, #tpu.memory_space<vmem>> -> memref<1x6x128x16xf32, #tpu.memory_space<vmem>>
        %dma_wait3A_516 = tpu.memref_squeeze %dma_wait3A_515 : memref<1x6x128x16xf32, #tpu.memory_space<vmem>> -> memref<6x128x16xf32, #tpu.memory_space<vmem>>
        %dma_wait3A_517 = arith.constant 0 : i32
        %dma_wait3A_518 = arith.constant 0 : i32
        %dma_wait3A_519 = tpu.memref_slice %dma_wait3A_516[%run_scoped3A_495, %dma_wait3A_517, %dma_wait3A_518] : memref<6x128x16xf32, #tpu.memory_space<vmem>> -> memref<1x128x16xf32, #tpu.memory_space<vmem>>
        %dma_wait3A_520 = tpu.memref_squeeze %dma_wait3A_519 : memref<1x128x16xf32, #tpu.memory_space<vmem>> -> memref<128x16xf32, #tpu.memory_space<vmem>>
        %dma_wait3A_521 = arith.constant 19968 : i32
        %dma_wait3A_522 = tpu.memref_slice %arg10[%dma_wait3A_521] : memref<20096xi32, #tpu.memory_space<vmem>> -> memref<128xi32, #tpu.memory_space<vmem>>
        %dma_wait3A_523 = arith.constant 0 : i32
        %dma_wait3A_524 = arith.constant 0 : i32
        %dma_wait3A_525 = tpu.memref_slice %arg18[%dma_wait3A_523, %dma_wait3A_524] : memref<10000x16xf32, #tpu.memory_space<vmem_shared>> -> memref<10000x16xf32, #tpu.memory_space<vmem_shared>>
        tpu.wait_indirect_dma semaphore(%run_scoped3A_498 : memref<!tpu.dma_semaphore, #tpu.memory_space<semaphore_mem>>) src(%dma_wait3A_525 : memref<10000x16xf32, #tpu.memory_space<vmem_shared>>) dst(%dma_wait3A_520 : memref<128x16xf32, #tpu.memory_space<vmem>>)
        tpu.yield
      }) : () -> ()
      %run_scoped3A_496 = arith.constant 1 : i32
      %run_scoped3A_497 = arith.constant 0 : i32
      "tpu.region"() ({
        %run_scoped3A_498 = tpu.sem_alloc : memref<!tpu.dma_semaphore, #tpu.memory_space<semaphore_mem>>
        %dma_start3A = arith.constant 0 : i32
        %dma_start3A_499 = arith.constant 0 : i32
        %dma_start3A_500 = arith.constant 0 : i32
        %dma_start3A_501 = tpu.memref_slice %arg12[%run_scoped3A_496, %dma_start3A, %dma_start3A_499, %dma_start3A_500] : memref<2x6x128x16xf32, #tpu.memory_space<vmem>> -> memref<1x6x128x16xf32, #tpu.memory_space<vmem>>
        %dma_start3A_502 = tpu.memref_squeeze %dma_start3A_501 : memref<1x6x128x16xf32, #tpu.memory_space<vmem>> -> memref<6x128x16xf32, #tpu.memory_space<vmem>>
        %dma_start3A_503 = arith.constant 0 : i32
        %dma_start3A_504 = arith.constant 0 : i32
        %dma_start3A_505 = tpu.memref_slice %dma_start3A_502[%run_scoped3A_497, %dma_start3A_503, %dma_start3A_504] : memref<6x128x16xf32, #tpu.memory_space<vmem>> -> memref<1x128x16xf32, #tpu.memory_space<vmem>>
        %dma_start3A_506 = tpu.memref_squeeze %dma_start3A_505 : memref<1x128x16xf32, #tpu.memory_space<vmem>> -> memref<128x16xf32, #tpu.memory_space<vmem>>
        %dma_start3A_507 = arith.constant 19968 : i32
        %dma_start3A_508 = tpu.memref_slice %arg11[%dma_start3A_507] : memref<20096xi32, #tpu.memory_space<vmem>> -> memref<128xi32, #tpu.memory_space<vmem>>
        %dma_start3A_509 = arith.constant 0 : i32
        %dma_start3A_510 = arith.constant 0 : i32
        %dma_start3A_511 = tpu.memref_slice %arg19[%dma_start3A_509, %dma_start3A_510] : memref<10000x16xf32, #tpu.memory_space<vmem_shared>> -> memref<10000x16xf32, #tpu.memory_space<vmem_shared>>
        tpu.enqueue_indirect_dma source(%dma_start3A_506 : memref<128x16xf32, #tpu.memory_space<vmem>>) target(%dma_start3A_511 : memref<10000x16xf32, #tpu.memory_space<vmem_shared>>) offsets(%dma_start3A_508 : memref<128xi32, #tpu.memory_space<vmem>>) semaphore(%run_scoped3A_498 : memref<!tpu.dma_semaphore, #tpu.memory_space<semaphore_mem>>) {add = true}
        %dma_wait3A_512 = arith.constant 0 : i32
        %dma_wait3A_513 = arith.constant 0 : i32
        %dma_wait3A_514 = arith.constant 0 : i32
        %dma_wait3A_515 = tpu.memref_slice %arg12[%run_scoped3A_496, %dma_wait3A_512, %dma_wait3A_513, %dma_wait3A_514] : memref<2x6x128x16xf32, #tpu.memory_space<vmem>> -> memref<1x6x128x16xf32, #tpu.memory_space<vmem>>
        %dma_wait3A_516 = tpu.memref_squeeze %dma_wait3A_515 : memref<1x6x128x16xf32, #tpu.memory_space<vmem>> -> memref<6x128x16xf32, #tpu.memory_space<vmem>>
        %dma_wait3A_517 = arith.constant 0 : i32
        %dma_wait3A_518 = arith.constant 0 : i32
        %dma_wait3A_519 = tpu.memref_slice %dma_wait3A_516[%run_scoped3A_497, %dma_wait3A_517, %dma_wait3A_518] : memref<6x128x16xf32, #tpu.memory_space<vmem>> -> memref<1x128x16xf32, #tpu.memory_space<vmem>>
        %dma_wait3A_520 = tpu.memref_squeeze %dma_wait3A_519 : memref<1x128x16xf32, #tpu.memory_space<vmem>> -> memref<128x16xf32, #tpu.memory_space<vmem>>
        %dma_wait3A_521 = arith.constant 19968 : i32
        %dma_wait3A_522 = tpu.memref_slice %arg11[%dma_wait3A_521] : memref<20096xi32, #tpu.memory_space<vmem>> -> memref<128xi32, #tpu.memory_space<vmem>>
        %dma_wait3A_523 = arith.constant 0 : i32
        %dma_wait3A_524 = arith.constant 0 : i32
        %dma_wait3A_525 = tpu.memref_slice %arg19[%dma_wait3A_523, %dma_wait3A_524] : memref<10000x16xf32, #tpu.memory_space<vmem_shared>> -> memref<10000x16xf32, #tpu.memory_space<vmem_shared>>
        tpu.wait_indirect_dma semaphore(%run_scoped3A_498 : memref<!tpu.dma_semaphore, #tpu.memory_space<semaphore_mem>>) src(%dma_wait3A_520 : memref<128x16xf32, #tpu.memory_space<vmem>>) dst(%dma_wait3A_525 : memref<10000x16xf32, #tpu.memory_space<vmem_shared>>)
        tpu.yield
      }) : () -> ()
    } else {
    }
    %dma_wait3A_180 = arith.constant 0 : i32
    %dma_wait3A_181 = arith.constant 0 : i32
    %dma_wait3A_182 = arith.constant 0 : i32
    %dma_wait3A_183 = arith.constant 0 : i32
    %dma_wait3A_184 = arith.constant 0 : i32
    %dma_wait3A_185 = tpu.memref_slice %arg12[%dma_wait3A_180, %dma_wait3A_182, %dma_wait3A_183, %dma_wait3A_184] : memref<2x6x128x16xf32, #tpu.memory_space<vmem>> -> memref<1x6x128x16xf32, #tpu.memory_space<vmem>>
    %dma_wait3A_186 = tpu.memref_squeeze %dma_wait3A_185 : memref<1x6x128x16xf32, #tpu.memory_space<vmem>> -> memref<6x128x16xf32, #tpu.memory_space<vmem>>
    %dma_wait3A_187 = arith.constant 0 : i32
    %dma_wait3A_188 = arith.constant 0 : i32
    %dma_wait3A_189 = tpu.memref_slice %dma_wait3A_186[%dma_wait3A_181, %dma_wait3A_187, %dma_wait3A_188] : memref<6x128x16xf32, #tpu.memory_space<vmem>> -> memref<1x128x16xf32, #tpu.memory_space<vmem>>
    %dma_wait3A_190 = tpu.memref_squeeze %dma_wait3A_189 : memref<1x128x16xf32, #tpu.memory_space<vmem>> -> memref<128x16xf32, #tpu.memory_space<vmem>>
    %dma_wait3A_191 = arith.constant 0 : i32
    %dma_wait3A_192 = tpu.memref_slice %arg11[%dma_wait3A_191] : memref<20096xi32, #tpu.memory_space<vmem>> -> memref<128xi32, #tpu.memory_space<vmem>>
    %dma_wait3A_193 = arith.constant 0 : i32
    %dma_wait3A_194 = arith.constant 0 : i32
    %dma_wait3A_195 = tpu.memref_slice %arg19[%dma_wait3A_193, %dma_wait3A_194] : memref<10000x16xf32, #tpu.memory_space<vmem_shared>> -> memref<10000x16xf32, #tpu.memory_space<vmem_shared>>
    tpu.wait_indirect_dma semaphore(%arg15 : memref<!tpu.dma_semaphore, #tpu.memory_space<semaphore_mem>>) src(%dma_wait3A_190 : memref<128x16xf32, #tpu.memory_space<vmem>>) dst(%dma_wait3A_195 : memref<10000x16xf32, #tpu.memory_space<vmem_shared>>)
    %dma_wait3A_196 = arith.constant 0 : i32
    %dma_wait3A_197 = arith.constant 1 : i32
    %dma_wait3A_198 = arith.constant 0 : i32
    %dma_wait3A_199 = arith.constant 0 : i32
    %dma_wait3A_200 = arith.constant 0 : i32
    %dma_wait3A_201 = tpu.memref_slice %arg12[%dma_wait3A_196, %dma_wait3A_198, %dma_wait3A_199, %dma_wait3A_200] : memref<2x6x128x16xf32, #tpu.memory_space<vmem>> -> memref<1x6x128x16xf32, #tpu.memory_space<vmem>>
    %dma_wait3A_202 = tpu.memref_squeeze %dma_wait3A_201 : memref<1x6x128x16xf32, #tpu.memory_space<vmem>> -> memref<6x128x16xf32, #tpu.memory_space<vmem>>
    %dma_wait3A_203 = arith.constant 0 : i32
    %dma_wait3A_204 = arith.constant 0 : i32
    %dma_wait3A_205 = tpu.memref_slice %dma_wait3A_202[%dma_wait3A_197, %dma_wait3A_203, %dma_wait3A_204] : memref<6x128x16xf32, #tpu.memory_space<vmem>> -> memref<1x128x16xf32, #tpu.memory_space<vmem>>
    %dma_wait3A_206 = tpu.memref_squeeze %dma_wait3A_205 : memref<1x128x16xf32, #tpu.memory_space<vmem>> -> memref<128x16xf32, #tpu.memory_space<vmem>>
    %dma_wait3A_207 = arith.constant 0 : i32
    %dma_wait3A_208 = tpu.memref_slice %arg11[%dma_wait3A_207] : memref<20096xi32, #tpu.memory_space<vmem>> -> memref<128xi32, #tpu.memory_space<vmem>>
    %dma_wait3A_209 = arith.constant 0 : i32
    %dma_wait3A_210 = arith.constant 0 : i32
    %dma_wait3A_211 = tpu.memref_slice %arg19[%dma_wait3A_209, %dma_wait3A_210] : memref<10000x16xf32, #tpu.memory_space<vmem_shared>> -> memref<10000x16xf32, #tpu.memory_space<vmem_shared>>
    tpu.wait_indirect_dma semaphore(%arg15 : memref<!tpu.dma_semaphore, #tpu.memory_space<semaphore_mem>>) src(%dma_wait3A_206 : memref<128x16xf32, #tpu.memory_space<vmem>>) dst(%dma_wait3A_211 : memref<10000x16xf32, #tpu.memory_space<vmem_shared>>)
    %dma_wait3A_212 = arith.constant 0 : i32
    %dma_wait3A_213 = arith.constant 2 : i32
    %dma_wait3A_214 = arith.constant 0 : i32
    %dma_wait3A_215 = arith.constant 0 : i32
    %dma_wait3A_216 = arith.constant 0 : i32
    %dma_wait3A_217 = tpu.memref_slice %arg12[%dma_wait3A_212, %dma_wait3A_214, %dma_wait3A_215, %dma_wait3A_216] : memref<2x6x128x16xf32, #tpu.memory_space<vmem>> -> memref<1x6x128x16xf32, #tpu.memory_space<vmem>>
    %dma_wait3A_218 = tpu.memref_squeeze %dma_wait3A_217 : memref<1x6x128x16xf32, #tpu.memory_space<vmem>> -> memref<6x128x16xf32, #tpu.memory_space<vmem>>
    %dma_wait3A_219 = arith.constant 0 : i32
    %dma_wait3A_220 = arith.constant 0 : i32
    %dma_wait3A_221 = tpu.memref_slice %dma_wait3A_218[%dma_wait3A_213, %dma_wait3A_219, %dma_wait3A_220] : memref<6x128x16xf32, #tpu.memory_space<vmem>> -> memref<1x128x16xf32, #tpu.memory_space<vmem>>
    %dma_wait3A_222 = tpu.memref_squeeze %dma_wait3A_221 : memref<1x128x16xf32, #tpu.memory_space<vmem>> -> memref<128x16xf32, #tpu.memory_space<vmem>>
    %dma_wait3A_223 = arith.constant 0 : i32
    %dma_wait3A_224 = tpu.memref_slice %arg11[%dma_wait3A_223] : memref<20096xi32, #tpu.memory_space<vmem>> -> memref<128xi32, #tpu.memory_space<vmem>>
    %dma_wait3A_225 = arith.constant 0 : i32
    %dma_wait3A_226 = arith.constant 0 : i32
    %dma_wait3A_227 = tpu.memref_slice %arg19[%dma_wait3A_225, %dma_wait3A_226] : memref<10000x16xf32, #tpu.memory_space<vmem_shared>> -> memref<10000x16xf32, #tpu.memory_space<vmem_shared>>
    tpu.wait_indirect_dma semaphore(%arg15 : memref<!tpu.dma_semaphore, #tpu.memory_space<semaphore_mem>>) src(%dma_wait3A_222 : memref<128x16xf32, #tpu.memory_space<vmem>>) dst(%dma_wait3A_227 : memref<10000x16xf32, #tpu.memory_space<vmem_shared>>)
    %dma_wait3A_228 = arith.constant 0 : i32
    %dma_wait3A_229 = arith.constant 3 : i32
    %dma_wait3A_230 = arith.constant 0 : i32
    %dma_wait3A_231 = arith.constant 0 : i32
    %dma_wait3A_232 = arith.constant 0 : i32
    %dma_wait3A_233 = tpu.memref_slice %arg12[%dma_wait3A_228, %dma_wait3A_230, %dma_wait3A_231, %dma_wait3A_232] : memref<2x6x128x16xf32, #tpu.memory_space<vmem>> -> memref<1x6x128x16xf32, #tpu.memory_space<vmem>>
    %dma_wait3A_234 = tpu.memref_squeeze %dma_wait3A_233 : memref<1x6x128x16xf32, #tpu.memory_space<vmem>> -> memref<6x128x16xf32, #tpu.memory_space<vmem>>
    %dma_wait3A_235 = arith.constant 0 : i32
    %dma_wait3A_236 = arith.constant 0 : i32
    %dma_wait3A_237 = tpu.memref_slice %dma_wait3A_234[%dma_wait3A_229, %dma_wait3A_235, %dma_wait3A_236] : memref<6x128x16xf32, #tpu.memory_space<vmem>> -> memref<1x128x16xf32, #tpu.memory_space<vmem>>
    %dma_wait3A_238 = tpu.memref_squeeze %dma_wait3A_237 : memref<1x128x16xf32, #tpu.memory_space<vmem>> -> memref<128x16xf32, #tpu.memory_space<vmem>>
    %dma_wait3A_239 = arith.constant 0 : i32
    %dma_wait3A_240 = tpu.memref_slice %arg11[%dma_wait3A_239] : memref<20096xi32, #tpu.memory_space<vmem>> -> memref<128xi32, #tpu.memory_space<vmem>>
    %dma_wait3A_241 = arith.constant 0 : i32
    %dma_wait3A_242 = arith.constant 0 : i32
    %dma_wait3A_243 = tpu.memref_slice %arg19[%dma_wait3A_241, %dma_wait3A_242] : memref<10000x16xf32, #tpu.memory_space<vmem_shared>> -> memref<10000x16xf32, #tpu.memory_space<vmem_shared>>
    tpu.wait_indirect_dma semaphore(%arg15 : memref<!tpu.dma_semaphore, #tpu.memory_space<semaphore_mem>>) src(%dma_wait3A_238 : memref<128x16xf32, #tpu.memory_space<vmem>>) dst(%dma_wait3A_243 : memref<10000x16xf32, #tpu.memory_space<vmem_shared>>)
    %dma_wait3A_244 = arith.constant 0 : i32
    %dma_wait3A_245 = arith.constant 4 : i32
    %dma_wait3A_246 = arith.constant 0 : i32
    %dma_wait3A_247 = arith.constant 0 : i32
    %dma_wait3A_248 = arith.constant 0 : i32
    %dma_wait3A_249 = tpu.memref_slice %arg12[%dma_wait3A_244, %dma_wait3A_246, %dma_wait3A_247, %dma_wait3A_248] : memref<2x6x128x16xf32, #tpu.memory_space<vmem>> -> memref<1x6x128x16xf32, #tpu.memory_space<vmem>>
    %dma_wait3A_250 = tpu.memref_squeeze %dma_wait3A_249 : memref<1x6x128x16xf32, #tpu.memory_space<vmem>> -> memref<6x128x16xf32, #tpu.memory_space<vmem>>
    %dma_wait3A_251 = arith.constant 0 : i32
    %dma_wait3A_252 = arith.constant 0 : i32
    %dma_wait3A_253 = tpu.memref_slice %dma_wait3A_250[%dma_wait3A_245, %dma_wait3A_251, %dma_wait3A_252] : memref<6x128x16xf32, #tpu.memory_space<vmem>> -> memref<1x128x16xf32, #tpu.memory_space<vmem>>
    %dma_wait3A_254 = tpu.memref_squeeze %dma_wait3A_253 : memref<1x128x16xf32, #tpu.memory_space<vmem>> -> memref<128x16xf32, #tpu.memory_space<vmem>>
    %dma_wait3A_255 = arith.constant 0 : i32
    %dma_wait3A_256 = tpu.memref_slice %arg11[%dma_wait3A_255] : memref<20096xi32, #tpu.memory_space<vmem>> -> memref<128xi32, #tpu.memory_space<vmem>>
    %dma_wait3A_257 = arith.constant 0 : i32
    %dma_wait3A_258 = arith.constant 0 : i32
    %dma_wait3A_259 = tpu.memref_slice %arg19[%dma_wait3A_257, %dma_wait3A_258] : memref<10000x16xf32, #tpu.memory_space<vmem_shared>> -> memref<10000x16xf32, #tpu.memory_space<vmem_shared>>
    tpu.wait_indirect_dma semaphore(%arg15 : memref<!tpu.dma_semaphore, #tpu.memory_space<semaphore_mem>>) src(%dma_wait3A_254 : memref<128x16xf32, #tpu.memory_space<vmem>>) dst(%dma_wait3A_259 : memref<10000x16xf32, #tpu.memory_space<vmem_shared>>)
    %dma_wait3A_260 = arith.constant 0 : i32
    %dma_wait3A_261 = arith.constant 5 : i32
    %dma_wait3A_262 = arith.constant 0 : i32
    %dma_wait3A_263 = arith.constant 0 : i32
    %dma_wait3A_264 = arith.constant 0 : i32
    %dma_wait3A_265 = tpu.memref_slice %arg12[%dma_wait3A_260, %dma_wait3A_262, %dma_wait3A_263, %dma_wait3A_264] : memref<2x6x128x16xf32, #tpu.memory_space<vmem>> -> memref<1x6x128x16xf32, #tpu.memory_space<vmem>>
    %dma_wait3A_266 = tpu.memref_squeeze %dma_wait3A_265 : memref<1x6x128x16xf32, #tpu.memory_space<vmem>> -> memref<6x128x16xf32, #tpu.memory_space<vmem>>
    %dma_wait3A_267 = arith.constant 0 : i32
    %dma_wait3A_268 = arith.constant 0 : i32
    %dma_wait3A_269 = tpu.memref_slice %dma_wait3A_266[%dma_wait3A_261, %dma_wait3A_267, %dma_wait3A_268] : memref<6x128x16xf32, #tpu.memory_space<vmem>> -> memref<1x128x16xf32, #tpu.memory_space<vmem>>
    %dma_wait3A_270 = tpu.memref_squeeze %dma_wait3A_269 : memref<1x128x16xf32, #tpu.memory_space<vmem>> -> memref<128x16xf32, #tpu.memory_space<vmem>>
    %dma_wait3A_271 = arith.constant 0 : i32
    %dma_wait3A_272 = tpu.memref_slice %arg11[%dma_wait3A_271] : memref<20096xi32, #tpu.memory_space<vmem>> -> memref<128xi32, #tpu.memory_space<vmem>>
    %dma_wait3A_273 = arith.constant 0 : i32
    %dma_wait3A_274 = arith.constant 0 : i32
    %dma_wait3A_275 = tpu.memref_slice %arg19[%dma_wait3A_273, %dma_wait3A_274] : memref<10000x16xf32, #tpu.memory_space<vmem_shared>> -> memref<10000x16xf32, #tpu.memory_space<vmem_shared>>
    tpu.wait_indirect_dma semaphore(%arg15 : memref<!tpu.dma_semaphore, #tpu.memory_space<semaphore_mem>>) src(%dma_wait3A_270 : memref<128x16xf32, #tpu.memory_space<vmem>>) dst(%dma_wait3A_275 : memref<10000x16xf32, #tpu.memory_space<vmem_shared>>)
    %barrier3A_276 = arith.constant 0 : index
    tpu.barrier barrier_id(%barrier3A_276)
    "tpu.region"() ({
      %run_scoped3A = tpu.sem_alloc : memref<!tpu.dma_semaphore, #tpu.memory_space<semaphore_mem>>
      %dma_start3A = arith.constant 0 : i32
      %dma_start3A_495 = tpu.memref_slice %arg19[%min3A_1, %dma_start3A] : memref<10000x16xf32, #tpu.memory_space<vmem_shared>> -> memref<640x16xf32, #tpu.memory_space<vmem_shared>>
      %dma_start3A_496 = arith.constant 0 : i32
      %dma_start3A_497 = tpu.memref_slice %arg19[%min3A_1, %dma_start3A_496] : memref<10000x16xf32, #tpu.memory_space<vmem_shared>> -> memref<640x16xf32, #tpu.memory_space<vmem_shared>>
      tpu.enqueue_dma source(%dma_start3A_497 : memref<640x16xf32, #tpu.memory_space<vmem_shared>>) target(%arg9 : memref<640x16xf32, #tpu.memory_space<vmem>>) target_semaphore(%run_scoped3A : memref<!tpu.dma_semaphore, #tpu.memory_space<semaphore_mem>>)
      %dma_wait3A_498 = arith.constant 0 : i32
      %dma_wait3A_499 = tpu.memref_slice %arg19[%min3A_1, %dma_wait3A_498] : memref<10000x16xf32, #tpu.memory_space<vmem_shared>> -> memref<640x16xf32, #tpu.memory_space<vmem_shared>>
      %dma_wait3A_500 = arith.constant 0 : i32
      %dma_wait3A_501 = tpu.memref_slice %arg19[%min3A_1, %dma_wait3A_500] : memref<10000x16xf32, #tpu.memory_space<vmem_shared>> -> memref<640x16xf32, #tpu.memory_space<vmem_shared>>
      tpu.wait_dma2 semaphore(%run_scoped3A : memref<!tpu.dma_semaphore, #tpu.memory_space<semaphore_mem>>) src(%dma_wait3A_501 : memref<640x16xf32, #tpu.memory_space<vmem_shared>>) dst(%arg9 : memref<640x16xf32, #tpu.memory_space<vmem>>)
      tpu.yield
    }) : () -> ()
    %get3A = arith.constant 0 : index
    %get3A_277 = tpu.vector_load %arg13[%get3A] {strides = array<i32>} : memref<16xf32, #tpu.memory_space<vmem>>, vector<16xf32>,
    %scan3A_278 = arith.constant 0 : i32
    %scan3A_279 = arith.constant 0 : i32
    %scan3A_280 = arith.constant 40 : i32
    %scan3A_281 = arith.addi %scan3A_279, %scan3A_280 : i32
    %scan3A_282 = arith.constant 1 : i32
    scf.for %scan3A_495 = %scan3A_279 to %scan3A_281 step %scan3A_282  : i32 {
      %mul3A_496 = arith.constant 16 : i32
      %mul3A_497 = arith.muli %scan3A_495, %mul3A_496 : i32
      %get3A_498 = arith.index_cast %mul3A_497 : i32 to index
      %get3A_499 = tpu.vector_load %arg7[%get3A_498] {strides = array<i32>} : memref<640xf32, #tpu.memory_space<vmem>>, vector<16xf32>,
      %mul3A_500 = arith.constant 16 : i32
      %mul3A_501 = arith.muli %scan3A_495, %mul3A_500 : i32
      %add3A_502 = arith.constant 0 : i32
      %add3A_503 = arith.addi %mul3A_501, %add3A_502 : i32
      %broadcast_in_dim3A_504 = arith.constant 0 : i32
      %broadcast_in_dim3A_505 = vector.broadcast %broadcast_in_dim3A_504 : i32 to vector<16xi32>
      %lt3A_506 = arith.constant 0 : i32
      %lt3A_507 = vector.broadcast %lt3A_506 : i32 to vector<16xi32>
      %lt3A_508 = arith.cmpi slt, %broadcast_in_dim3A_505, %lt3A_507 : vector<16xi32>
      %add3A_509 = arith.constant 16 : i32
      %add3A_510 = vector.broadcast %add3A_509 : i32 to vector<16xi32>
      %add3A_511 = arith.addi %broadcast_in_dim3A_505, %add3A_510 : vector<16xi32>
      %select_n3A = arith.select %lt3A_508, %add3A_511, %broadcast_in_dim3A_505 : vector<16xi1>, vector<16xi32>
      %broadcast_in_dim3A_512 = vector.shape_cast %select_n3A : vector<16xi32> to vector<16x1xi32>
      %gather3A = vector.shape_cast %broadcast_in_dim3A_512 : vector<16x1xi32> to vector<16xi32>
      %gather3A_513 = tpu.dynamic_gather %get3A_499[%gather3A] in [0] : vector<16xf32>, vector<16xi32> -> vector<16xf32>
      %get3A_514 = arith.index_cast %add3A_503 : i32 to index
      %get3A_515 = arith.constant 0 : index
      %get3A_516 = tpu.vector_load %arg9[%get3A_514, %get3A_515] {strides = array<i32>} : memref<640x16xf32, #tpu.memory_space<vmem>>, vector<16xf32>,
      %get3A_517 = arith.index_cast %add3A_503 : i32 to index
      %get3A_518 = arith.constant 0 : index
      %get3A_519 = tpu.vector_load %arg8[%get3A_517, %get3A_518] {strides = array<i32>} : memref<640x16xf32, #tpu.memory_space<vmem>>, vector<16xf32>,
      %add3A_520 = arith.addf %get3A_516, %get3A_519 : vector<16xf32>
      %mul3A_521 = arith.mulf %add3A_520, %gather3A_513 : vector<16xf32>
      %add3A_522 = arith.addf %mul3A_521, %get3A_277 : vector<16xf32>
      %max3A = arith.constant 0.000000e+00 : f32
      %max3A_523 = vector.broadcast %max3A : f32 to vector<16xf32>
      %max3A_524 = arith.maximumf %add3A_522, %max3A_523 : vector<16xf32>
      %mul3A_525 = arith.mulf %max3A_524, %gather3A_513 : vector<16xf32>
      %swap3A = arith.index_cast %add3A_503 : i32 to index
      %swap3A_526 = arith.constant 0 : index
      %swap3A_527 = tpu.vector_load %arg8[%swap3A, %swap3A_526] {strides = array<i32>} : memref<640x16xf32, #tpu.memory_space<vmem>>, vector<16xf32>,
      tpu.vector_store %arg8[%swap3A, %swap3A_526], %mul3A_525 {strides = array<i32>} : memref<640x16xf32, #tpu.memory_space<vmem>>, vector<16xf32>,
      %mul3A_528 = arith.constant 16 : i32
      %mul3A_529 = arith.muli %scan3A_495, %mul3A_528 : i32
      %add3A_530 = arith.constant 1 : i32
      %add3A_531 = arith.addi %mul3A_529, %add3A_530 : i32
      %broadcast_in_dim3A_532 = arith.constant 1 : i32
      %broadcast_in_dim3A_533 = vector.broadcast %broadcast_in_dim3A_532 : i32 to vector<16xi32>
      %lt3A_534 = arith.constant 0 : i32
      %lt3A_535 = vector.broadcast %lt3A_534 : i32 to vector<16xi32>
      %lt3A_536 = arith.cmpi slt, %broadcast_in_dim3A_533, %lt3A_535 : vector<16xi32>
      %add3A_537 = arith.constant 16 : i32
      %add3A_538 = vector.broadcast %add3A_537 : i32 to vector<16xi32>
      %add3A_539 = arith.addi %broadcast_in_dim3A_533, %add3A_538 : vector<16xi32>
      %select_n3A_540 = arith.select %lt3A_536, %add3A_539, %broadcast_in_dim3A_533 : vector<16xi1>, vector<16xi32>
      %broadcast_in_dim3A_541 = vector.shape_cast %select_n3A_540 : vector<16xi32> to vector<16x1xi32>
      %gather3A_542 = vector.shape_cast %broadcast_in_dim3A_541 : vector<16x1xi32> to vector<16xi32>
      %gather3A_543 = tpu.dynamic_gather %get3A_499[%gather3A_542] in [0] : vector<16xf32>, vector<16xi32> -> vector<16xf32>
      %get3A_544 = arith.index_cast %add3A_531 : i32 to index
      %get3A_545 = arith.constant 0 : index
      %get3A_546 = tpu.vector_load %arg9[%get3A_544, %get3A_545] {strides = array<i32>} : memref<640x16xf32, #tpu.memory_space<vmem>>, vector<16xf32>,
      %get3A_547 = arith.index_cast %add3A_531 : i32 to index
      %get3A_548 = arith.constant 0 : index
      %get3A_549 = tpu.vector_load %arg8[%get3A_547, %get3A_548] {strides = array<i32>} : memref<640x16xf32, #tpu.memory_space<vmem>>, vector<16xf32>,
      %add3A_550 = arith.addf %get3A_546, %get3A_549 : vector<16xf32>
      %mul3A_551 = arith.mulf %add3A_550, %gather3A_543 : vector<16xf32>
      %add3A_552 = arith.addf %mul3A_551, %get3A_277 : vector<16xf32>
      %max3A_553 = arith.constant 0.000000e+00 : f32
      %max3A_554 = vector.broadcast %max3A_553 : f32 to vector<16xf32>
      %max3A_555 = arith.maximumf %add3A_552, %max3A_554 : vector<16xf32>
      %mul3A_556 = arith.mulf %max3A_555, %gather3A_543 : vector<16xf32>
      %swap3A_557 = arith.index_cast %add3A_531 : i32 to index
      %swap3A_558 = arith.constant 0 : index
      %swap3A_559 = tpu.vector_load %arg8[%swap3A_557, %swap3A_558] {strides = array<i32>} : memref<640x16xf32, #tpu.memory_space<vmem>>, vector<16xf32>,
      tpu.vector_store %arg8[%swap3A_557, %swap3A_558], %mul3A_556 {strides = array<i32>} : memref<640x16xf32, #tpu.memory_space<vmem>>, vector<16xf32>,
      %mul3A_560 = arith.constant 16 : i32
      %mul3A_561 = arith.muli %scan3A_495, %mul3A_560 : i32
      %add3A_562 = arith.constant 2 : i32
      %add3A_563 = arith.addi %mul3A_561, %add3A_562 : i32
      %broadcast_in_dim3A_564 = arith.constant 2 : i32
      %broadcast_in_dim3A_565 = vector.broadcast %broadcast_in_dim3A_564 : i32 to vector<16xi32>
      %lt3A_566 = arith.constant 0 : i32
      %lt3A_567 = vector.broadcast %lt3A_566 : i32 to vector<16xi32>
      %lt3A_568 = arith.cmpi slt, %broadcast_in_dim3A_565, %lt3A_567 : vector<16xi32>
      %add3A_569 = arith.constant 16 : i32
      %add3A_570 = vector.broadcast %add3A_569 : i32 to vector<16xi32>
      %add3A_571 = arith.addi %broadcast_in_dim3A_565, %add3A_570 : vector<16xi32>
      %select_n3A_572 = arith.select %lt3A_568, %add3A_571, %broadcast_in_dim3A_565 : vector<16xi1>, vector<16xi32>
      %broadcast_in_dim3A_573 = vector.shape_cast %select_n3A_572 : vector<16xi32> to vector<16x1xi32>
      %gather3A_574 = vector.shape_cast %broadcast_in_dim3A_573 : vector<16x1xi32> to vector<16xi32>
      %gather3A_575 = tpu.dynamic_gather %get3A_499[%gather3A_574] in [0] : vector<16xf32>, vector<16xi32> -> vector<16xf32>
      %get3A_576 = arith.index_cast %add3A_563 : i32 to index
      %get3A_577 = arith.constant 0 : index
      %get3A_578 = tpu.vector_load %arg9[%get3A_576, %get3A_577] {strides = array<i32>} : memref<640x16xf32, #tpu.memory_space<vmem>>, vector<16xf32>,
      %get3A_579 = arith.index_cast %add3A_563 : i32 to index
      %get3A_580 = arith.constant 0 : index
      %get3A_581 = tpu.vector_load %arg8[%get3A_579, %get3A_580] {strides = array<i32>} : memref<640x16xf32, #tpu.memory_space<vmem>>, vector<16xf32>,
      %add3A_582 = arith.addf %get3A_578, %get3A_581 : vector<16xf32>
      %mul3A_583 = arith.mulf %add3A_582, %gather3A_575 : vector<16xf32>
      %add3A_584 = arith.addf %mul3A_583, %get3A_277 : vector<16xf32>
      %max3A_585 = arith.constant 0.000000e+00 : f32
      %max3A_586 = vector.broadcast %max3A_585 : f32 to vector<16xf32>
      %max3A_587 = arith.maximumf %add3A_584, %max3A_586 : vector<16xf32>
      %mul3A_588 = arith.mulf %max3A_587, %gather3A_575 : vector<16xf32>
      %swap3A_589 = arith.index_cast %add3A_563 : i32 to index
      %swap3A_590 = arith.constant 0 : index
      %swap3A_591 = tpu.vector_load %arg8[%swap3A_589, %swap3A_590] {strides = array<i32>} : memref<640x16xf32, #tpu.memory_space<vmem>>, vector<16xf32>,
      tpu.vector_store %arg8[%swap3A_589, %swap3A_590], %mul3A_588 {strides = array<i32>} : memref<640x16xf32, #tpu.memory_space<vmem>>, vector<16xf32>,
      %mul3A_592 = arith.constant 16 : i32
      %mul3A_593 = arith.muli %scan3A_495, %mul3A_592 : i32
      %add3A_594 = arith.constant 3 : i32
      %add3A_595 = arith.addi %mul3A_593, %add3A_594 : i32
      %broadcast_in_dim3A_596 = arith.constant 3 : i32
      %broadcast_in_dim3A_597 = vector.broadcast %broadcast_in_dim3A_596 : i32 to vector<16xi32>
      %lt3A_598 = arith.constant 0 : i32
      %lt3A_599 = vector.broadcast %lt3A_598 : i32 to vector<16xi32>
      %lt3A_600 = arith.cmpi slt, %broadcast_in_dim3A_597, %lt3A_599 : vector<16xi32>
      %add3A_601 = arith.constant 16 : i32
      %add3A_602 = vector.broadcast %add3A_601 : i32 to vector<16xi32>
      %add3A_603 = arith.addi %broadcast_in_dim3A_597, %add3A_602 : vector<16xi32>
      %select_n3A_604 = arith.select %lt3A_600, %add3A_603, %broadcast_in_dim3A_597 : vector<16xi1>, vector<16xi32>
      %broadcast_in_dim3A_605 = vector.shape_cast %select_n3A_604 : vector<16xi32> to vector<16x1xi32>
      %gather3A_606 = vector.shape_cast %broadcast_in_dim3A_605 : vector<16x1xi32> to vector<16xi32>
      %gather3A_607 = tpu.dynamic_gather %get3A_499[%gather3A_606] in [0] : vector<16xf32>, vector<16xi32> -> vector<16xf32>
      %get3A_608 = arith.index_cast %add3A_595 : i32 to index
      %get3A_609 = arith.constant 0 : index
      %get3A_610 = tpu.vector_load %arg9[%get3A_608, %get3A_609] {strides = array<i32>} : memref<640x16xf32, #tpu.memory_space<vmem>>, vector<16xf32>,
      %get3A_611 = arith.index_cast %add3A_595 : i32 to index
      %get3A_612 = arith.constant 0 : index
      %get3A_613 = tpu.vector_load %arg8[%get3A_611, %get3A_612] {strides = array<i32>} : memref<640x16xf32, #tpu.memory_space<vmem>>, vector<16xf32>,
      %add3A_614 = arith.addf %get3A_610, %get3A_613 : vector<16xf32>
      %mul3A_615 = arith.mulf %add3A_614, %gather3A_607 : vector<16xf32>
      %add3A_616 = arith.addf %mul3A_615, %get3A_277 : vector<16xf32>
      %max3A_617 = arith.constant 0.000000e+00 : f32
      %max3A_618 = vector.broadcast %max3A_617 : f32 to vector<16xf32>
      %max3A_619 = arith.maximumf %add3A_616, %max3A_618 : vector<16xf32>
      %mul3A_620 = arith.mulf %max3A_619, %gather3A_607 : vector<16xf32>
      %swap3A_621 = arith.index_cast %add3A_595 : i32 to index
      %swap3A_622 = arith.constant 0 : index
      %swap3A_623 = tpu.vector_load %arg8[%swap3A_621, %swap3A_622] {strides = array<i32>} : memref<640x16xf32, #tpu.memory_space<vmem>>, vector<16xf32>,
      tpu.vector_store %arg8[%swap3A_621, %swap3A_622], %mul3A_620 {strides = array<i32>} : memref<640x16xf32, #tpu.memory_space<vmem>>, vector<16xf32>,
      %mul3A_624 = arith.constant 16 : i32
      %mul3A_625 = arith.muli %scan3A_495, %mul3A_624 : i32
      %add3A_626 = arith.constant 4 : i32
      %add3A_627 = arith.addi %mul3A_625, %add3A_626 : i32
      %broadcast_in_dim3A_628 = arith.constant 4 : i32
      %broadcast_in_dim3A_629 = vector.broadcast %broadcast_in_dim3A_628 : i32 to vector<16xi32>
      %lt3A_630 = arith.constant 0 : i32
      %lt3A_631 = vector.broadcast %lt3A_630 : i32 to vector<16xi32>
      %lt3A_632 = arith.cmpi slt, %broadcast_in_dim3A_629, %lt3A_631 : vector<16xi32>
      %add3A_633 = arith.constant 16 : i32
      %add3A_634 = vector.broadcast %add3A_633 : i32 to vector<16xi32>
      %add3A_635 = arith.addi %broadcast_in_dim3A_629, %add3A_634 : vector<16xi32>
      %select_n3A_636 = arith.select %lt3A_632, %add3A_635, %broadcast_in_dim3A_629 : vector<16xi1>, vector<16xi32>
      %broadcast_in_dim3A_637 = vector.shape_cast %select_n3A_636 : vector<16xi32> to vector<16x1xi32>
      %gather3A_638 = vector.shape_cast %broadcast_in_dim3A_637 : vector<16x1xi32> to vector<16xi32>
      %gather3A_639 = tpu.dynamic_gather %get3A_499[%gather3A_638] in [0] : vector<16xf32>, vector<16xi32> -> vector<16xf32>
      %get3A_640 = arith.index_cast %add3A_627 : i32 to index
      %get3A_641 = arith.constant 0 : index
      %get3A_642 = tpu.vector_load %arg9[%get3A_640, %get3A_641] {strides = array<i32>} : memref<640x16xf32, #tpu.memory_space<vmem>>, vector<16xf32>,
      %get3A_643 = arith.index_cast %add3A_627 : i32 to index
      %get3A_644 = arith.constant 0 : index
      %get3A_645 = tpu.vector_load %arg8[%get3A_643, %get3A_644] {strides = array<i32>} : memref<640x16xf32, #tpu.memory_space<vmem>>, vector<16xf32>,
      %add3A_646 = arith.addf %get3A_642, %get3A_645 : vector<16xf32>
      %mul3A_647 = arith.mulf %add3A_646, %gather3A_639 : vector<16xf32>
      %add3A_648 = arith.addf %mul3A_647, %get3A_277 : vector<16xf32>
      %max3A_649 = arith.constant 0.000000e+00 : f32
      %max3A_650 = vector.broadcast %max3A_649 : f32 to vector<16xf32>
      %max3A_651 = arith.maximumf %add3A_648, %max3A_650 : vector<16xf32>
      %mul3A_652 = arith.mulf %max3A_651, %gather3A_639 : vector<16xf32>
      %swap3A_653 = arith.index_cast %add3A_627 : i32 to index
      %swap3A_654 = arith.constant 0 : index
      %swap3A_655 = tpu.vector_load %arg8[%swap3A_653, %swap3A_654] {strides = array<i32>} : memref<640x16xf32, #tpu.memory_space<vmem>>, vector<16xf32>,
      tpu.vector_store %arg8[%swap3A_653, %swap3A_654], %mul3A_652 {strides = array<i32>} : memref<640x16xf32, #tpu.memory_space<vmem>>, vector<16xf32>,
      %mul3A_656 = arith.constant 16 : i32
      %mul3A_657 = arith.muli %scan3A_495, %mul3A_656 : i32
      %add3A_658 = arith.constant 5 : i32
      %add3A_659 = arith.addi %mul3A_657, %add3A_658 : i32
      %broadcast_in_dim3A_660 = arith.constant 5 : i32
      %broadcast_in_dim3A_661 = vector.broadcast %broadcast_in_dim3A_660 : i32 to vector<16xi32>
      %lt3A_662 = arith.constant 0 : i32
      %lt3A_663 = vector.broadcast %lt3A_662 : i32 to vector<16xi32>
      %lt3A_664 = arith.cmpi slt, %broadcast_in_dim3A_661, %lt3A_663 : vector<16xi32>
      %add3A_665 = arith.constant 16 : i32
      %add3A_666 = vector.broadcast %add3A_665 : i32 to vector<16xi32>
      %add3A_667 = arith.addi %broadcast_in_dim3A_661, %add3A_666 : vector<16xi32>
      %select_n3A_668 = arith.select %lt3A_664, %add3A_667, %broadcast_in_dim3A_661 : vector<16xi1>, vector<16xi32>
      %broadcast_in_dim3A_669 = vector.shape_cast %select_n3A_668 : vector<16xi32> to vector<16x1xi32>
      %gather3A_670 = vector.shape_cast %broadcast_in_dim3A_669 : vector<16x1xi32> to vector<16xi32>
      %gather3A_671 = tpu.dynamic_gather %get3A_499[%gather3A_670] in [0] : vector<16xf32>, vector<16xi32> -> vector<16xf32>
      %get3A_672 = arith.index_cast %add3A_659 : i32 to index
      %get3A_673 = arith.constant 0 : index
      %get3A_674 = tpu.vector_load %arg9[%get3A_672, %get3A_673] {strides = array<i32>} : memref<640x16xf32, #tpu.memory_space<vmem>>, vector<16xf32>,
      %get3A_675 = arith.index_cast %add3A_659 : i32 to index
      %get3A_676 = arith.constant 0 : index
      %get3A_677 = tpu.vector_load %arg8[%get3A_675, %get3A_676] {strides = array<i32>} : memref<640x16xf32, #tpu.memory_space<vmem>>, vector<16xf32>,
      %add3A_678 = arith.addf %get3A_674, %get3A_677 : vector<16xf32>
      %mul3A_679 = arith.mulf %add3A_678, %gather3A_671 : vector<16xf32>
      %add3A_680 = arith.addf %mul3A_679, %get3A_277 : vector<16xf32>
      %max3A_681 = arith.constant 0.000000e+00 : f32
      %max3A_682 = vector.broadcast %max3A_681 : f32 to vector<16xf32>
      %max3A_683 = arith.maximumf %add3A_680, %max3A_682 : vector<16xf32>
      %mul3A_684 = arith.mulf %max3A_683, %gather3A_671 : vector<16xf32>
      %swap3A_685 = arith.index_cast %add3A_659 : i32 to index
      %swap3A_686 = arith.constant 0 : index
      %swap3A_687 = tpu.vector_load %arg8[%swap3A_685, %swap3A_686] {strides = array<i32>} : memref<640x16xf32, #tpu.memory_space<vmem>>, vector<16xf32>,
      tpu.vector_store %arg8[%swap3A_685, %swap3A_686], %mul3A_684 {strides = array<i32>} : memref<640x16xf32, #tpu.memory_space<vmem>>, vector<16xf32>,
      %mul3A_688 = arith.constant 16 : i32
      %mul3A_689 = arith.muli %scan3A_495, %mul3A_688 : i32
      %add3A_690 = arith.constant 6 : i32
      %add3A_691 = arith.addi %mul3A_689, %add3A_690 : i32
      %broadcast_in_dim3A_692 = arith.constant 6 : i32
      %broadcast_in_dim3A_693 = vector.broadcast %broadcast_in_dim3A_692 : i32 to vector<16xi32>
      %lt3A_694 = arith.constant 0 : i32
      %lt3A_695 = vector.broadcast %lt3A_694 : i32 to vector<16xi32>
      %lt3A_696 = arith.cmpi slt, %broadcast_in_dim3A_693, %lt3A_695 : vector<16xi32>
      %add3A_697 = arith.constant 16 : i32
      %add3A_698 = vector.broadcast %add3A_697 : i32 to vector<16xi32>
      %add3A_699 = arith.addi %broadcast_in_dim3A_693, %add3A_698 : vector<16xi32>
      %select_n3A_700 = arith.select %lt3A_696, %add3A_699, %broadcast_in_dim3A_693 : vector<16xi1>, vector<16xi32>
      %broadcast_in_dim3A_701 = vector.shape_cast %select_n3A_700 : vector<16xi32> to vector<16x1xi32>
      %gather3A_702 = vector.shape_cast %broadcast_in_dim3A_701 : vector<16x1xi32> to vector<16xi32>
      %gather3A_703 = tpu.dynamic_gather %get3A_499[%gather3A_702] in [0] : vector<16xf32>, vector<16xi32> -> vector<16xf32>
      %get3A_704 = arith.index_cast %add3A_691 : i32 to index
      %get3A_705 = arith.constant 0 : index
      %get3A_706 = tpu.vector_load %arg9[%get3A_704, %get3A_705] {strides = array<i32>} : memref<640x16xf32, #tpu.memory_space<vmem>>, vector<16xf32>,
      %get3A_707 = arith.index_cast %add3A_691 : i32 to index
      %get3A_708 = arith.constant 0 : index
      %get3A_709 = tpu.vector_load %arg8[%get3A_707, %get3A_708] {strides = array<i32>} : memref<640x16xf32, #tpu.memory_space<vmem>>, vector<16xf32>,
      %add3A_710 = arith.addf %get3A_706, %get3A_709 : vector<16xf32>
      %mul3A_711 = arith.mulf %add3A_710, %gather3A_703 : vector<16xf32>
      %add3A_712 = arith.addf %mul3A_711, %get3A_277 : vector<16xf32>
      %max3A_713 = arith.constant 0.000000e+00 : f32
      %max3A_714 = vector.broadcast %max3A_713 : f32 to vector<16xf32>
      %max3A_715 = arith.maximumf %add3A_712, %max3A_714 : vector<16xf32>
      %mul3A_716 = arith.mulf %max3A_715, %gather3A_703 : vector<16xf32>
      %swap3A_717 = arith.index_cast %add3A_691 : i32 to index
      %swap3A_718 = arith.constant 0 : index
      %swap3A_719 = tpu.vector_load %arg8[%swap3A_717, %swap3A_718] {strides = array<i32>} : memref<640x16xf32, #tpu.memory_space<vmem>>, vector<16xf32>,
      tpu.vector_store %arg8[%swap3A_717, %swap3A_718], %mul3A_716 {strides = array<i32>} : memref<640x16xf32, #tpu.memory_space<vmem>>, vector<16xf32>,
      %mul3A_720 = arith.constant 16 : i32
      %mul3A_721 = arith.muli %scan3A_495, %mul3A_720 : i32
      %add3A_722 = arith.constant 7 : i32
      %add3A_723 = arith.addi %mul3A_721, %add3A_722 : i32
      %broadcast_in_dim3A_724 = arith.constant 7 : i32
      %broadcast_in_dim3A_725 = vector.broadcast %broadcast_in_dim3A_724 : i32 to vector<16xi32>
      %lt3A_726 = arith.constant 0 : i32
      %lt3A_727 = vector.broadcast %lt3A_726 : i32 to vector<16xi32>
      %lt3A_728 = arith.cmpi slt, %broadcast_in_dim3A_725, %lt3A_727 : vector<16xi32>
      %add3A_729 = arith.constant 16 : i32
      %add3A_730 = vector.broadcast %add3A_729 : i32 to vector<16xi32>
      %add3A_731 = arith.addi %broadcast_in_dim3A_725, %add3A_730 : vector<16xi32>
      %select_n3A_732 = arith.select %lt3A_728, %add3A_731, %broadcast_in_dim3A_725 : vector<16xi1>, vector<16xi32>
      %broadcast_in_dim3A_733 = vector.shape_cast %select_n3A_732 : vector<16xi32> to vector<16x1xi32>
      %gather3A_734 = vector.shape_cast %broadcast_in_dim3A_733 : vector<16x1xi32> to vector<16xi32>
      %gather3A_735 = tpu.dynamic_gather %get3A_499[%gather3A_734] in [0] : vector<16xf32>, vector<16xi32> -> vector<16xf32>
      %get3A_736 = arith.index_cast %add3A_723 : i32 to index
      %get3A_737 = arith.constant 0 : index
      %get3A_738 = tpu.vector_load %arg9[%get3A_736, %get3A_737] {strides = array<i32>} : memref<640x16xf32, #tpu.memory_space<vmem>>, vector<16xf32>,
      %get3A_739 = arith.index_cast %add3A_723 : i32 to index
      %get3A_740 = arith.constant 0 : index
      %get3A_741 = tpu.vector_load %arg8[%get3A_739, %get3A_740] {strides = array<i32>} : memref<640x16xf32, #tpu.memory_space<vmem>>, vector<16xf32>,
      %add3A_742 = arith.addf %get3A_738, %get3A_741 : vector<16xf32>
      %mul3A_743 = arith.mulf %add3A_742, %gather3A_735 : vector<16xf32>
      %add3A_744 = arith.addf %mul3A_743, %get3A_277 : vector<16xf32>
      %max3A_745 = arith.constant 0.000000e+00 : f32
      %max3A_746 = vector.broadcast %max3A_745 : f32 to vector<16xf32>
      %max3A_747 = arith.maximumf %add3A_744, %max3A_746 : vector<16xf32>
      %mul3A_748 = arith.mulf %max3A_747, %gather3A_735 : vector<16xf32>
      %swap3A_749 = arith.index_cast %add3A_723 : i32 to index
      %swap3A_750 = arith.constant 0 : index
      %swap3A_751 = tpu.vector_load %arg8[%swap3A_749, %swap3A_750] {strides = array<i32>} : memref<640x16xf32, #tpu.memory_space<vmem>>, vector<16xf32>,
      tpu.vector_store %arg8[%swap3A_749, %swap3A_750], %mul3A_748 {strides = array<i32>} : memref<640x16xf32, #tpu.memory_space<vmem>>, vector<16xf32>,
      %mul3A_752 = arith.constant 16 : i32
      %mul3A_753 = arith.muli %scan3A_495, %mul3A_752 : i32
      %add3A_754 = arith.constant 8 : i32
      %add3A_755 = arith.addi %mul3A_753, %add3A_754 : i32
      %broadcast_in_dim3A_756 = arith.constant 8 : i32
      %broadcast_in_dim3A_757 = vector.broadcast %broadcast_in_dim3A_756 : i32 to vector<16xi32>
      %lt3A_758 = arith.constant 0 : i32
      %lt3A_759 = vector.broadcast %lt3A_758 : i32 to vector<16xi32>
      %lt3A_760 = arith.cmpi slt, %broadcast_in_dim3A_757, %lt3A_759 : vector<16xi32>
      %add3A_761 = arith.constant 16 : i32
      %add3A_762 = vector.broadcast %add3A_761 : i32 to vector<16xi32>
      %add3A_763 = arith.addi %broadcast_in_dim3A_757, %add3A_762 : vector<16xi32>
      %select_n3A_764 = arith.select %lt3A_760, %add3A_763, %broadcast_in_dim3A_757 : vector<16xi1>, vector<16xi32>
      %broadcast_in_dim3A_765 = vector.shape_cast %select_n3A_764 : vector<16xi32> to vector<16x1xi32>
      %gather3A_766 = vector.shape_cast %broadcast_in_dim3A_765 : vector<16x1xi32> to vector<16xi32>
      %gather3A_767 = tpu.dynamic_gather %get3A_499[%gather3A_766] in [0] : vector<16xf32>, vector<16xi32> -> vector<16xf32>
      %get3A_768 = arith.index_cast %add3A_755 : i32 to index
      %get3A_769 = arith.constant 0 : index
      %get3A_770 = tpu.vector_load %arg9[%get3A_768, %get3A_769] {strides = array<i32>} : memref<640x16xf32, #tpu.memory_space<vmem>>, vector<16xf32>,
      %get3A_771 = arith.index_cast %add3A_755 : i32 to index
      %get3A_772 = arith.constant 0 : index
      %get3A_773 = tpu.vector_load %arg8[%get3A_771, %get3A_772] {strides = array<i32>} : memref<640x16xf32, #tpu.memory_space<vmem>>, vector<16xf32>,
      %add3A_774 = arith.addf %get3A_770, %get3A_773 : vector<16xf32>
      %mul3A_775 = arith.mulf %add3A_774, %gather3A_767 : vector<16xf32>
      %add3A_776 = arith.addf %mul3A_775, %get3A_277 : vector<16xf32>
      %max3A_777 = arith.constant 0.000000e+00 : f32
      %max3A_778 = vector.broadcast %max3A_777 : f32 to vector<16xf32>
      %max3A_779 = arith.maximumf %add3A_776, %max3A_778 : vector<16xf32>
      %mul3A_780 = arith.mulf %max3A_779, %gather3A_767 : vector<16xf32>
      %swap3A_781 = arith.index_cast %add3A_755 : i32 to index
      %swap3A_782 = arith.constant 0 : index
      %swap3A_783 = tpu.vector_load %arg8[%swap3A_781, %swap3A_782] {strides = array<i32>} : memref<640x16xf32, #tpu.memory_space<vmem>>, vector<16xf32>,
      tpu.vector_store %arg8[%swap3A_781, %swap3A_782], %mul3A_780 {strides = array<i32>} : memref<640x16xf32, #tpu.memory_space<vmem>>, vector<16xf32>,
      %mul3A_784 = arith.constant 16 : i32
      %mul3A_785 = arith.muli %scan3A_495, %mul3A_784 : i32
      %add3A_786 = arith.constant 9 : i32
      %add3A_787 = arith.addi %mul3A_785, %add3A_786 : i32
      %broadcast_in_dim3A_788 = arith.constant 9 : i32
      %broadcast_in_dim3A_789 = vector.broadcast %broadcast_in_dim3A_788 : i32 to vector<16xi32>
      %lt3A_790 = arith.constant 0 : i32
      %lt3A_791 = vector.broadcast %lt3A_790 : i32 to vector<16xi32>
      %lt3A_792 = arith.cmpi slt, %broadcast_in_dim3A_789, %lt3A_791 : vector<16xi32>
      %add3A_793 = arith.constant 16 : i32
      %add3A_794 = vector.broadcast %add3A_793 : i32 to vector<16xi32>
      %add3A_795 = arith.addi %broadcast_in_dim3A_789, %add3A_794 : vector<16xi32>
      %select_n3A_796 = arith.select %lt3A_792, %add3A_795, %broadcast_in_dim3A_789 : vector<16xi1>, vector<16xi32>
      %broadcast_in_dim3A_797 = vector.shape_cast %select_n3A_796 : vector<16xi32> to vector<16x1xi32>
      %gather3A_798 = vector.shape_cast %broadcast_in_dim3A_797 : vector<16x1xi32> to vector<16xi32>
      %gather3A_799 = tpu.dynamic_gather %get3A_499[%gather3A_798] in [0] : vector<16xf32>, vector<16xi32> -> vector<16xf32>
      %get3A_800 = arith.index_cast %add3A_787 : i32 to index
      %get3A_801 = arith.constant 0 : index
      %get3A_802 = tpu.vector_load %arg9[%get3A_800, %get3A_801] {strides = array<i32>} : memref<640x16xf32, #tpu.memory_space<vmem>>, vector<16xf32>,
      %get3A_803 = arith.index_cast %add3A_787 : i32 to index
      %get3A_804 = arith.constant 0 : index
      %get3A_805 = tpu.vector_load %arg8[%get3A_803, %get3A_804] {strides = array<i32>} : memref<640x16xf32, #tpu.memory_space<vmem>>, vector<16xf32>,
      %add3A_806 = arith.addf %get3A_802, %get3A_805 : vector<16xf32>
      %mul3A_807 = arith.mulf %add3A_806, %gather3A_799 : vector<16xf32>
      %add3A_808 = arith.addf %mul3A_807, %get3A_277 : vector<16xf32>
      %max3A_809 = arith.constant 0.000000e+00 : f32
      %max3A_810 = vector.broadcast %max3A_809 : f32 to vector<16xf32>
      %max3A_811 = arith.maximumf %add3A_808, %max3A_810 : vector<16xf32>
      %mul3A_812 = arith.mulf %max3A_811, %gather3A_799 : vector<16xf32>
      %swap3A_813 = arith.index_cast %add3A_787 : i32 to index
      %swap3A_814 = arith.constant 0 : index
      %swap3A_815 = tpu.vector_load %arg8[%swap3A_813, %swap3A_814] {strides = array<i32>} : memref<640x16xf32, #tpu.memory_space<vmem>>, vector<16xf32>,
      tpu.vector_store %arg8[%swap3A_813, %swap3A_814], %mul3A_812 {strides = array<i32>} : memref<640x16xf32, #tpu.memory_space<vmem>>, vector<16xf32>,
      %mul3A_816 = arith.constant 16 : i32
      %mul3A_817 = arith.muli %scan3A_495, %mul3A_816 : i32
      %add3A_818 = arith.constant 10 : i32
      %add3A_819 = arith.addi %mul3A_817, %add3A_818 : i32
      %broadcast_in_dim3A_820 = arith.constant 10 : i32
      %broadcast_in_dim3A_821 = vector.broadcast %broadcast_in_dim3A_820 : i32 to vector<16xi32>
      %lt3A_822 = arith.constant 0 : i32
      %lt3A_823 = vector.broadcast %lt3A_822 : i32 to vector<16xi32>
      %lt3A_824 = arith.cmpi slt, %broadcast_in_dim3A_821, %lt3A_823 : vector<16xi32>
      %add3A_825 = arith.constant 16 : i32
      %add3A_826 = vector.broadcast %add3A_825 : i32 to vector<16xi32>
      %add3A_827 = arith.addi %broadcast_in_dim3A_821, %add3A_826 : vector<16xi32>
      %select_n3A_828 = arith.select %lt3A_824, %add3A_827, %broadcast_in_dim3A_821 : vector<16xi1>, vector<16xi32>
      %broadcast_in_dim3A_829 = vector.shape_cast %select_n3A_828 : vector<16xi32> to vector<16x1xi32>
      %gather3A_830 = vector.shape_cast %broadcast_in_dim3A_829 : vector<16x1xi32> to vector<16xi32>
      %gather3A_831 = tpu.dynamic_gather %get3A_499[%gather3A_830] in [0] : vector<16xf32>, vector<16xi32> -> vector<16xf32>
      %get3A_832 = arith.index_cast %add3A_819 : i32 to index
      %get3A_833 = arith.constant 0 : index
      %get3A_834 = tpu.vector_load %arg9[%get3A_832, %get3A_833] {strides = array<i32>} : memref<640x16xf32, #tpu.memory_space<vmem>>, vector<16xf32>,
      %get3A_835 = arith.index_cast %add3A_819 : i32 to index
      %get3A_836 = arith.constant 0 : index
      %get3A_837 = tpu.vector_load %arg8[%get3A_835, %get3A_836] {strides = array<i32>} : memref<640x16xf32, #tpu.memory_space<vmem>>, vector<16xf32>,
      %add3A_838 = arith.addf %get3A_834, %get3A_837 : vector<16xf32>
      %mul3A_839 = arith.mulf %add3A_838, %gather3A_831 : vector<16xf32>
      %add3A_840 = arith.addf %mul3A_839, %get3A_277 : vector<16xf32>
      %max3A_841 = arith.constant 0.000000e+00 : f32
      %max3A_842 = vector.broadcast %max3A_841 : f32 to vector<16xf32>
      %max3A_843 = arith.maximumf %add3A_840, %max3A_842 : vector<16xf32>
      %mul3A_844 = arith.mulf %max3A_843, %gather3A_831 : vector<16xf32>
      %swap3A_845 = arith.index_cast %add3A_819 : i32 to index
      %swap3A_846 = arith.constant 0 : index
      %swap3A_847 = tpu.vector_load %arg8[%swap3A_845, %swap3A_846] {strides = array<i32>} : memref<640x16xf32, #tpu.memory_space<vmem>>, vector<16xf32>,
      tpu.vector_store %arg8[%swap3A_845, %swap3A_846], %mul3A_844 {strides = array<i32>} : memref<640x16xf32, #tpu.memory_space<vmem>>, vector<16xf32>,
      %mul3A_848 = arith.constant 16 : i32
      %mul3A_849 = arith.muli %scan3A_495, %mul3A_848 : i32
      %add3A_850 = arith.constant 11 : i32
      %add3A_851 = arith.addi %mul3A_849, %add3A_850 : i32
      %broadcast_in_dim3A_852 = arith.constant 11 : i32
      %broadcast_in_dim3A_853 = vector.broadcast %broadcast_in_dim3A_852 : i32 to vector<16xi32>
      %lt3A_854 = arith.constant 0 : i32
      %lt3A_855 = vector.broadcast %lt3A_854 : i32 to vector<16xi32>
      %lt3A_856 = arith.cmpi slt, %broadcast_in_dim3A_853, %lt3A_855 : vector<16xi32>
      %add3A_857 = arith.constant 16 : i32
      %add3A_858 = vector.broadcast %add3A_857 : i32 to vector<16xi32>
      %add3A_859 = arith.addi %broadcast_in_dim3A_853, %add3A_858 : vector<16xi32>
      %select_n3A_860 = arith.select %lt3A_856, %add3A_859, %broadcast_in_dim3A_853 : vector<16xi1>, vector<16xi32>
      %broadcast_in_dim3A_861 = vector.shape_cast %select_n3A_860 : vector<16xi32> to vector<16x1xi32>
      %gather3A_862 = vector.shape_cast %broadcast_in_dim3A_861 : vector<16x1xi32> to vector<16xi32>
      %gather3A_863 = tpu.dynamic_gather %get3A_499[%gather3A_862] in [0] : vector<16xf32>, vector<16xi32> -> vector<16xf32>
      %get3A_864 = arith.index_cast %add3A_851 : i32 to index
      %get3A_865 = arith.constant 0 : index
      %get3A_866 = tpu.vector_load %arg9[%get3A_864, %get3A_865] {strides = array<i32>} : memref<640x16xf32, #tpu.memory_space<vmem>>, vector<16xf32>,
      %get3A_867 = arith.index_cast %add3A_851 : i32 to index
      %get3A_868 = arith.constant 0 : index
      %get3A_869 = tpu.vector_load %arg8[%get3A_867, %get3A_868] {strides = array<i32>} : memref<640x16xf32, #tpu.memory_space<vmem>>, vector<16xf32>,
      %add3A_870 = arith.addf %get3A_866, %get3A_869 : vector<16xf32>
      %mul3A_871 = arith.mulf %add3A_870, %gather3A_863 : vector<16xf32>
      %add3A_872 = arith.addf %mul3A_871, %get3A_277 : vector<16xf32>
      %max3A_873 = arith.constant 0.000000e+00 : f32
      %max3A_874 = vector.broadcast %max3A_873 : f32 to vector<16xf32>
      %max3A_875 = arith.maximumf %add3A_872, %max3A_874 : vector<16xf32>
      %mul3A_876 = arith.mulf %max3A_875, %gather3A_863 : vector<16xf32>
      %swap3A_877 = arith.index_cast %add3A_851 : i32 to index
      %swap3A_878 = arith.constant 0 : index
      %swap3A_879 = tpu.vector_load %arg8[%swap3A_877, %swap3A_878] {strides = array<i32>} : memref<640x16xf32, #tpu.memory_space<vmem>>, vector<16xf32>,
      tpu.vector_store %arg8[%swap3A_877, %swap3A_878], %mul3A_876 {strides = array<i32>} : memref<640x16xf32, #tpu.memory_space<vmem>>, vector<16xf32>,
      %mul3A_880 = arith.constant 16 : i32
      %mul3A_881 = arith.muli %scan3A_495, %mul3A_880 : i32
      %add3A_882 = arith.constant 12 : i32
      %add3A_883 = arith.addi %mul3A_881, %add3A_882 : i32
      %broadcast_in_dim3A_884 = arith.constant 12 : i32
      %broadcast_in_dim3A_885 = vector.broadcast %broadcast_in_dim3A_884 : i32 to vector<16xi32>
      %lt3A_886 = arith.constant 0 : i32
      %lt3A_887 = vector.broadcast %lt3A_886 : i32 to vector<16xi32>
      %lt3A_888 = arith.cmpi slt, %broadcast_in_dim3A_885, %lt3A_887 : vector<16xi32>
      %add3A_889 = arith.constant 16 : i32
      %add3A_890 = vector.broadcast %add3A_889 : i32 to vector<16xi32>
      %add3A_891 = arith.addi %broadcast_in_dim3A_885, %add3A_890 : vector<16xi32>
      %select_n3A_892 = arith.select %lt3A_888, %add3A_891, %broadcast_in_dim3A_885 : vector<16xi1>, vector<16xi32>
      %broadcast_in_dim3A_893 = vector.shape_cast %select_n3A_892 : vector<16xi32> to vector<16x1xi32>
      %gather3A_894 = vector.shape_cast %broadcast_in_dim3A_893 : vector<16x1xi32> to vector<16xi32>
      %gather3A_895 = tpu.dynamic_gather %get3A_499[%gather3A_894] in [0] : vector<16xf32>, vector<16xi32> -> vector<16xf32>
      %get3A_896 = arith.index_cast %add3A_883 : i32 to index
      %get3A_897 = arith.constant 0 : index
      %get3A_898 = tpu.vector_load %arg9[%get3A_896, %get3A_897] {strides = array<i32>} : memref<640x16xf32, #tpu.memory_space<vmem>>, vector<16xf32>,
      %get3A_899 = arith.index_cast %add3A_883 : i32 to index
      %get3A_900 = arith.constant 0 : index
      %get3A_901 = tpu.vector_load %arg8[%get3A_899, %get3A_900] {strides = array<i32>} : memref<640x16xf32, #tpu.memory_space<vmem>>, vector<16xf32>,
      %add3A_902 = arith.addf %get3A_898, %get3A_901 : vector<16xf32>
      %mul3A_903 = arith.mulf %add3A_902, %gather3A_895 : vector<16xf32>
      %add3A_904 = arith.addf %mul3A_903, %get3A_277 : vector<16xf32>
      %max3A_905 = arith.constant 0.000000e+00 : f32
      %max3A_906 = vector.broadcast %max3A_905 : f32 to vector<16xf32>
      %max3A_907 = arith.maximumf %add3A_904, %max3A_906 : vector<16xf32>
      %mul3A_908 = arith.mulf %max3A_907, %gather3A_895 : vector<16xf32>
      %swap3A_909 = arith.index_cast %add3A_883 : i32 to index
      %swap3A_910 = arith.constant 0 : index
      %swap3A_911 = tpu.vector_load %arg8[%swap3A_909, %swap3A_910] {strides = array<i32>} : memref<640x16xf32, #tpu.memory_space<vmem>>, vector<16xf32>,
      tpu.vector_store %arg8[%swap3A_909, %swap3A_910], %mul3A_908 {strides = array<i32>} : memref<640x16xf32, #tpu.memory_space<vmem>>, vector<16xf32>,
      %mul3A_912 = arith.constant 16 : i32
      %mul3A_913 = arith.muli %scan3A_495, %mul3A_912 : i32
      %add3A_914 = arith.constant 13 : i32
      %add3A_915 = arith.addi %mul3A_913, %add3A_914 : i32
      %broadcast_in_dim3A_916 = arith.constant 13 : i32
      %broadcast_in_dim3A_917 = vector.broadcast %broadcast_in_dim3A_916 : i32 to vector<16xi32>
      %lt3A_918 = arith.constant 0 : i32
      %lt3A_919 = vector.broadcast %lt3A_918 : i32 to vector<16xi32>
      %lt3A_920 = arith.cmpi slt, %broadcast_in_dim3A_917, %lt3A_919 : vector<16xi32>
      %add3A_921 = arith.constant 16 : i32
      %add3A_922 = vector.broadcast %add3A_921 : i32 to vector<16xi32>
      %add3A_923 = arith.addi %broadcast_in_dim3A_917, %add3A_922 : vector<16xi32>
      %select_n3A_924 = arith.select %lt3A_920, %add3A_923, %broadcast_in_dim3A_917 : vector<16xi1>, vector<16xi32>
      %broadcast_in_dim3A_925 = vector.shape_cast %select_n3A_924 : vector<16xi32> to vector<16x1xi32>
      %gather3A_926 = vector.shape_cast %broadcast_in_dim3A_925 : vector<16x1xi32> to vector<16xi32>
      %gather3A_927 = tpu.dynamic_gather %get3A_499[%gather3A_926] in [0] : vector<16xf32>, vector<16xi32> -> vector<16xf32>
      %get3A_928 = arith.index_cast %add3A_915 : i32 to index
      %get3A_929 = arith.constant 0 : index
      %get3A_930 = tpu.vector_load %arg9[%get3A_928, %get3A_929] {strides = array<i32>} : memref<640x16xf32, #tpu.memory_space<vmem>>, vector<16xf32>,
      %get3A_931 = arith.index_cast %add3A_915 : i32 to index
      %get3A_932 = arith.constant 0 : index
      %get3A_933 = tpu.vector_load %arg8[%get3A_931, %get3A_932] {strides = array<i32>} : memref<640x16xf32, #tpu.memory_space<vmem>>, vector<16xf32>,
      %add3A_934 = arith.addf %get3A_930, %get3A_933 : vector<16xf32>
      %mul3A_935 = arith.mulf %add3A_934, %gather3A_927 : vector<16xf32>
      %add3A_936 = arith.addf %mul3A_935, %get3A_277 : vector<16xf32>
      %max3A_937 = arith.constant 0.000000e+00 : f32
      %max3A_938 = vector.broadcast %max3A_937 : f32 to vector<16xf32>
      %max3A_939 = arith.maximumf %add3A_936, %max3A_938 : vector<16xf32>
      %mul3A_940 = arith.mulf %max3A_939, %gather3A_927 : vector<16xf32>
      %swap3A_941 = arith.index_cast %add3A_915 : i32 to index
      %swap3A_942 = arith.constant 0 : index
      %swap3A_943 = tpu.vector_load %arg8[%swap3A_941, %swap3A_942] {strides = array<i32>} : memref<640x16xf32, #tpu.memory_space<vmem>>, vector<16xf32>,
      tpu.vector_store %arg8[%swap3A_941, %swap3A_942], %mul3A_940 {strides = array<i32>} : memref<640x16xf32, #tpu.memory_space<vmem>>, vector<16xf32>,
      %mul3A_944 = arith.constant 16 : i32
      %mul3A_945 = arith.muli %scan3A_495, %mul3A_944 : i32
      %add3A_946 = arith.constant 14 : i32
      %add3A_947 = arith.addi %mul3A_945, %add3A_946 : i32
      %broadcast_in_dim3A_948 = arith.constant 14 : i32
      %broadcast_in_dim3A_949 = vector.broadcast %broadcast_in_dim3A_948 : i32 to vector<16xi32>
      %lt3A_950 = arith.constant 0 : i32
      %lt3A_951 = vector.broadcast %lt3A_950 : i32 to vector<16xi32>
      %lt3A_952 = arith.cmpi slt, %broadcast_in_dim3A_949, %lt3A_951 : vector<16xi32>
      %add3A_953 = arith.constant 16 : i32
      %add3A_954 = vector.broadcast %add3A_953 : i32 to vector<16xi32>
      %add3A_955 = arith.addi %broadcast_in_dim3A_949, %add3A_954 : vector<16xi32>
      %select_n3A_956 = arith.select %lt3A_952, %add3A_955, %broadcast_in_dim3A_949 : vector<16xi1>, vector<16xi32>
      %broadcast_in_dim3A_957 = vector.shape_cast %select_n3A_956 : vector<16xi32> to vector<16x1xi32>
      %gather3A_958 = vector.shape_cast %broadcast_in_dim3A_957 : vector<16x1xi32> to vector<16xi32>
      %gather3A_959 = tpu.dynamic_gather %get3A_499[%gather3A_958] in [0] : vector<16xf32>, vector<16xi32> -> vector<16xf32>
      %get3A_960 = arith.index_cast %add3A_947 : i32 to index
      %get3A_961 = arith.constant 0 : index
      %get3A_962 = tpu.vector_load %arg9[%get3A_960, %get3A_961] {strides = array<i32>} : memref<640x16xf32, #tpu.memory_space<vmem>>, vector<16xf32>,
      %get3A_963 = arith.index_cast %add3A_947 : i32 to index
      %get3A_964 = arith.constant 0 : index
      %get3A_965 = tpu.vector_load %arg8[%get3A_963, %get3A_964] {strides = array<i32>} : memref<640x16xf32, #tpu.memory_space<vmem>>, vector<16xf32>,
      %add3A_966 = arith.addf %get3A_962, %get3A_965 : vector<16xf32>
      %mul3A_967 = arith.mulf %add3A_966, %gather3A_959 : vector<16xf32>
      %add3A_968 = arith.addf %mul3A_967, %get3A_277 : vector<16xf32>
      %max3A_969 = arith.constant 0.000000e+00 : f32
      %max3A_970 = vector.broadcast %max3A_969 : f32 to vector<16xf32>
      %max3A_971 = arith.maximumf %add3A_968, %max3A_970 : vector<16xf32>
      %mul3A_972 = arith.mulf %max3A_971, %gather3A_959 : vector<16xf32>
      %swap3A_973 = arith.index_cast %add3A_947 : i32 to index
      %swap3A_974 = arith.constant 0 : index
      %swap3A_975 = tpu.vector_load %arg8[%swap3A_973, %swap3A_974] {strides = array<i32>} : memref<640x16xf32, #tpu.memory_space<vmem>>, vector<16xf32>,
      tpu.vector_store %arg8[%swap3A_973, %swap3A_974], %mul3A_972 {strides = array<i32>} : memref<640x16xf32, #tpu.memory_space<vmem>>, vector<16xf32>,
      %mul3A_976 = arith.constant 16 : i32
      %mul3A_977 = arith.muli %scan3A_495, %mul3A_976 : i32
      %add3A_978 = arith.constant 15 : i32
      %add3A_979 = arith.addi %mul3A_977, %add3A_978 : i32
      %broadcast_in_dim3A_980 = arith.constant 15 : i32
      %broadcast_in_dim3A_981 = vector.broadcast %broadcast_in_dim3A_980 : i32 to vector<16xi32>
      %lt3A_982 = arith.constant 0 : i32
      %lt3A_983 = vector.broadcast %lt3A_982 : i32 to vector<16xi32>
      %lt3A_984 = arith.cmpi slt, %broadcast_in_dim3A_981, %lt3A_983 : vector<16xi32>
      %add3A_985 = arith.constant 16 : i32
      %add3A_986 = vector.broadcast %add3A_985 : i32 to vector<16xi32>
      %add3A_987 = arith.addi %broadcast_in_dim3A_981, %add3A_986 : vector<16xi32>
      %select_n3A_988 = arith.select %lt3A_984, %add3A_987, %broadcast_in_dim3A_981 : vector<16xi1>, vector<16xi32>
      %broadcast_in_dim3A_989 = vector.shape_cast %select_n3A_988 : vector<16xi32> to vector<16x1xi32>
      %gather3A_990 = vector.shape_cast %broadcast_in_dim3A_989 : vector<16x1xi32> to vector<16xi32>
      %gather3A_991 = tpu.dynamic_gather %get3A_499[%gather3A_990] in [0] : vector<16xf32>, vector<16xi32> -> vector<16xf32>
      %get3A_992 = arith.index_cast %add3A_979 : i32 to index
      %get3A_993 = arith.constant 0 : index
      %get3A_994 = tpu.vector_load %arg9[%get3A_992, %get3A_993] {strides = array<i32>} : memref<640x16xf32, #tpu.memory_space<vmem>>, vector<16xf32>,
      %get3A_995 = arith.index_cast %add3A_979 : i32 to index
      %get3A_996 = arith.constant 0 : index
      %get3A_997 = tpu.vector_load %arg8[%get3A_995, %get3A_996] {strides = array<i32>} : memref<640x16xf32, #tpu.memory_space<vmem>>, vector<16xf32>,
      %add3A_998 = arith.addf %get3A_994, %get3A_997 : vector<16xf32>
      %mul3A_999 = arith.mulf %add3A_998, %gather3A_991 : vector<16xf32>
      %add3A_1000 = arith.addf %mul3A_999, %get3A_277 : vector<16xf32>
      %max3A_1001 = arith.constant 0.000000e+00 : f32
      %max3A_1002 = vector.broadcast %max3A_1001 : f32 to vector<16xf32>
      %max3A_1003 = arith.maximumf %add3A_1000, %max3A_1002 : vector<16xf32>
      %mul3A_1004 = arith.mulf %max3A_1003, %gather3A_991 : vector<16xf32>
      %swap3A_1005 = arith.index_cast %add3A_979 : i32 to index
      %swap3A_1006 = arith.constant 0 : index
      %swap3A_1007 = tpu.vector_load %arg8[%swap3A_1005, %swap3A_1006] {strides = array<i32>} : memref<640x16xf32, #tpu.memory_space<vmem>>, vector<16xf32>,
      tpu.vector_store %arg8[%swap3A_1005, %swap3A_1006], %mul3A_1004 {strides = array<i32>} : memref<640x16xf32, #tpu.memory_space<vmem>>, vector<16xf32>,
    }
    %scan3A_283 = arith.constant 40 : i32
    "tpu.region"() ({
      %run_scoped3A = tpu.sem_alloc : memref<!tpu.dma_semaphore, #tpu.memory_space<semaphore_mem>>
      %dma_start3A = arith.constant 0 : i32
      %dma_start3A_495 = tpu.memref_slice %arg18[%min3A_1, %dma_start3A] : memref<10000x16xf32, #tpu.memory_space<vmem_shared>> -> memref<640x16xf32, #tpu.memory_space<vmem_shared>>
      %dma_start3A_496 = arith.constant 0 : i32
      %dma_start3A_497 = tpu.memref_slice %arg18[%min3A_1, %dma_start3A_496] : memref<10000x16xf32, #tpu.memory_space<vmem_shared>> -> memref<640x16xf32, #tpu.memory_space<vmem_shared>>
      tpu.enqueue_dma source(%arg8 : memref<640x16xf32, #tpu.memory_space<vmem>>) target(%dma_start3A_497 : memref<640x16xf32, #tpu.memory_space<vmem_shared>>) target_semaphore(%run_scoped3A : memref<!tpu.dma_semaphore, #tpu.memory_space<semaphore_mem>>)
      %dma_wait3A_498 = arith.constant 0 : i32
      %dma_wait3A_499 = tpu.memref_slice %arg18[%min3A_1, %dma_wait3A_498] : memref<10000x16xf32, #tpu.memory_space<vmem_shared>> -> memref<640x16xf32, #tpu.memory_space<vmem_shared>>
      %dma_wait3A_500 = arith.constant 0 : i32
      %dma_wait3A_501 = tpu.memref_slice %arg18[%min3A_1, %dma_wait3A_500] : memref<10000x16xf32, #tpu.memory_space<vmem_shared>> -> memref<640x16xf32, #tpu.memory_space<vmem_shared>>
      tpu.wait_dma2 semaphore(%run_scoped3A : memref<!tpu.dma_semaphore, #tpu.memory_space<semaphore_mem>>) src(%arg8 : memref<640x16xf32, #tpu.memory_space<vmem>>) dst(%dma_wait3A_501 : memref<640x16xf32, #tpu.memory_space<vmem_shared>>)
      tpu.yield
    }) : () -> ()
    %barrier3A_284 = arith.constant 0 : index
    tpu.barrier barrier_id(%barrier3A_284)
    %scan3A_285 = arith.constant 0 : i32
    %scan3A_286 = arith.constant 0 : i32
    %scan3A_287 = arith.constant 13 : i32
    %scan3A_288 = arith.addi %scan3A_286, %scan3A_287 : i32
    %scan3A_289 = arith.constant 1 : i32
    scf.for %scan3A_495 = %scan3A_286 to %scan3A_288 step %scan3A_289  : i32 {
      %mul3A_496 = arith.constant 2 : i32
      %mul3A_497 = arith.muli %scan3A_495, %mul3A_496 : i32
      %add3A_498 = arith.constant 0 : i32
      %add3A_499 = arith.addi %mul3A_497, %add3A_498 : i32
      %ge3A_500 = arith.constant 2 : i32
      %ge3A_501 = arith.cmpi sge, %add3A_499, %ge3A_500 : i32
      %convert_element_type3A_502 = arith.extui %ge3A_501 : i1 to i32
      %cond3A_503 = arith.constant 0 : i32
      %cond3A_504 = arith.constant 0 : i32
      %cond3A_505 = arith.cmpi ne, %convert_element_type3A_502, %cond3A_504 : i32
      scf.if %cond3A_505 {
        %dma_wait3A_1199 = arith.constant 0 : i32
        %dma_wait3A_1200 = arith.constant 0 : i32
        %dma_wait3A_1201 = arith.constant 0 : i32
        %dma_wait3A_1202 = arith.constant 0 : i32
        %dma_wait3A_1203 = tpu.memref_slice %arg12[%cond3A_503, %dma_wait3A_1200, %dma_wait3A_1201, %dma_wait3A_1202] : memref<2x6x128x16xf32, #tpu.memory_space<vmem>> -> memref<1x6x128x16xf32, #tpu.memory_space<vmem>>
        %dma_wait3A_1204 = tpu.memref_squeeze %dma_wait3A_1203 : memref<1x6x128x16xf32, #tpu.memory_space<vmem>> -> memref<6x128x16xf32, #tpu.memory_space<vmem>>
        %dma_wait3A_1205 = arith.constant 0 : i32
        %dma_wait3A_1206 = arith.constant 0 : i32
        %dma_wait3A_1207 = tpu.memref_slice %dma_wait3A_1204[%dma_wait3A_1199, %dma_wait3A_1205, %dma_wait3A_1206] : memref<6x128x16xf32, #tpu.memory_space<vmem>> -> memref<1x128x16xf32, #tpu.memory_space<vmem>>
        %dma_wait3A_1208 = tpu.memref_squeeze %dma_wait3A_1207 : memref<1x128x16xf32, #tpu.memory_space<vmem>> -> memref<128x16xf32, #tpu.memory_space<vmem>>
        %dma_wait3A_1209 = arith.constant 0 : i32
        %dma_wait3A_1210 = tpu.memref_slice %arg11[%dma_wait3A_1209] : memref<20096xi32, #tpu.memory_space<vmem>> -> memref<128xi32, #tpu.memory_space<vmem>>
        %dma_wait3A_1211 = arith.constant 0 : i32
        %dma_wait3A_1212 = arith.constant 0 : i32
        %dma_wait3A_1213 = tpu.memref_slice %arg20[%dma_wait3A_1211, %dma_wait3A_1212] : memref<10000x16xf32, #tpu.memory_space<vmem_shared>> -> memref<10000x16xf32, #tpu.memory_space<vmem_shared>>
        tpu.wait_indirect_dma semaphore(%arg15 : memref<!tpu.dma_semaphore, #tpu.memory_space<semaphore_mem>>) src(%dma_wait3A_1208 : memref<128x16xf32, #tpu.memory_space<vmem>>) dst(%dma_wait3A_1213 : memref<10000x16xf32, #tpu.memory_space<vmem_shared>>)
        %dma_wait3A_1214 = arith.constant 1 : i32
        %dma_wait3A_1215 = arith.constant 0 : i32
        %dma_wait3A_1216 = arith.constant 0 : i32
        %dma_wait3A_1217 = arith.constant 0 : i32
        %dma_wait3A_1218 = tpu.memref_slice %arg12[%cond3A_503, %dma_wait3A_1215, %dma_wait3A_1216, %dma_wait3A_1217] : memref<2x6x128x16xf32, #tpu.memory_space<vmem>> -> memref<1x6x128x16xf32, #tpu.memory_space<vmem>>
        %dma_wait3A_1219 = tpu.memref_squeeze %dma_wait3A_1218 : memref<1x6x128x16xf32, #tpu.memory_space<vmem>> -> memref<6x128x16xf32, #tpu.memory_space<vmem>>
        %dma_wait3A_1220 = arith.constant 0 : i32
        %dma_wait3A_1221 = arith.constant 0 : i32
        %dma_wait3A_1222 = tpu.memref_slice %dma_wait3A_1219[%dma_wait3A_1214, %dma_wait3A_1220, %dma_wait3A_1221] : memref<6x128x16xf32, #tpu.memory_space<vmem>> -> memref<1x128x16xf32, #tpu.memory_space<vmem>>
        %dma_wait3A_1223 = tpu.memref_squeeze %dma_wait3A_1222 : memref<1x128x16xf32, #tpu.memory_space<vmem>> -> memref<128x16xf32, #tpu.memory_space<vmem>>
        %dma_wait3A_1224 = arith.constant 0 : i32
        %dma_wait3A_1225 = tpu.memref_slice %arg11[%dma_wait3A_1224] : memref<20096xi32, #tpu.memory_space<vmem>> -> memref<128xi32, #tpu.memory_space<vmem>>
        %dma_wait3A_1226 = arith.constant 0 : i32
        %dma_wait3A_1227 = arith.constant 0 : i32
        %dma_wait3A_1228 = tpu.memref_slice %arg20[%dma_wait3A_1226, %dma_wait3A_1227] : memref<10000x16xf32, #tpu.memory_space<vmem_shared>> -> memref<10000x16xf32, #tpu.memory_space<vmem_shared>>
        tpu.wait_indirect_dma semaphore(%arg15 : memref<!tpu.dma_semaphore, #tpu.memory_space<semaphore_mem>>) src(%dma_wait3A_1223 : memref<128x16xf32, #tpu.memory_space<vmem>>) dst(%dma_wait3A_1228 : memref<10000x16xf32, #tpu.memory_space<vmem_shared>>)
        %dma_wait3A_1229 = arith.constant 2 : i32
        %dma_wait3A_1230 = arith.constant 0 : i32
        %dma_wait3A_1231 = arith.constant 0 : i32
        %dma_wait3A_1232 = arith.constant 0 : i32
        %dma_wait3A_1233 = tpu.memref_slice %arg12[%cond3A_503, %dma_wait3A_1230, %dma_wait3A_1231, %dma_wait3A_1232] : memref<2x6x128x16xf32, #tpu.memory_space<vmem>> -> memref<1x6x128x16xf32, #tpu.memory_space<vmem>>
        %dma_wait3A_1234 = tpu.memref_squeeze %dma_wait3A_1233 : memref<1x6x128x16xf32, #tpu.memory_space<vmem>> -> memref<6x128x16xf32, #tpu.memory_space<vmem>>
        %dma_wait3A_1235 = arith.constant 0 : i32
        %dma_wait3A_1236 = arith.constant 0 : i32
        %dma_wait3A_1237 = tpu.memref_slice %dma_wait3A_1234[%dma_wait3A_1229, %dma_wait3A_1235, %dma_wait3A_1236] : memref<6x128x16xf32, #tpu.memory_space<vmem>> -> memref<1x128x16xf32, #tpu.memory_space<vmem>>
        %dma_wait3A_1238 = tpu.memref_squeeze %dma_wait3A_1237 : memref<1x128x16xf32, #tpu.memory_space<vmem>> -> memref<128x16xf32, #tpu.memory_space<vmem>>
        %dma_wait3A_1239 = arith.constant 0 : i32
        %dma_wait3A_1240 = tpu.memref_slice %arg11[%dma_wait3A_1239] : memref<20096xi32, #tpu.memory_space<vmem>> -> memref<128xi32, #tpu.memory_space<vmem>>
        %dma_wait3A_1241 = arith.constant 0 : i32
        %dma_wait3A_1242 = arith.constant 0 : i32
        %dma_wait3A_1243 = tpu.memref_slice %arg20[%dma_wait3A_1241, %dma_wait3A_1242] : memref<10000x16xf32, #tpu.memory_space<vmem_shared>> -> memref<10000x16xf32, #tpu.memory_space<vmem_shared>>
        tpu.wait_indirect_dma semaphore(%arg15 : memref<!tpu.dma_semaphore, #tpu.memory_space<semaphore_mem>>) src(%dma_wait3A_1238 : memref<128x16xf32, #tpu.memory_space<vmem>>) dst(%dma_wait3A_1243 : memref<10000x16xf32, #tpu.memory_space<vmem_shared>>)
        %dma_wait3A_1244 = arith.constant 3 : i32
        %dma_wait3A_1245 = arith.constant 0 : i32
        %dma_wait3A_1246 = arith.constant 0 : i32
        %dma_wait3A_1247 = arith.constant 0 : i32
        %dma_wait3A_1248 = tpu.memref_slice %arg12[%cond3A_503, %dma_wait3A_1245, %dma_wait3A_1246, %dma_wait3A_1247] : memref<2x6x128x16xf32, #tpu.memory_space<vmem>> -> memref<1x6x128x16xf32, #tpu.memory_space<vmem>>
        %dma_wait3A_1249 = tpu.memref_squeeze %dma_wait3A_1248 : memref<1x6x128x16xf32, #tpu.memory_space<vmem>> -> memref<6x128x16xf32, #tpu.memory_space<vmem>>
        %dma_wait3A_1250 = arith.constant 0 : i32
        %dma_wait3A_1251 = arith.constant 0 : i32
        %dma_wait3A_1252 = tpu.memref_slice %dma_wait3A_1249[%dma_wait3A_1244, %dma_wait3A_1250, %dma_wait3A_1251] : memref<6x128x16xf32, #tpu.memory_space<vmem>> -> memref<1x128x16xf32, #tpu.memory_space<vmem>>
        %dma_wait3A_1253 = tpu.memref_squeeze %dma_wait3A_1252 : memref<1x128x16xf32, #tpu.memory_space<vmem>> -> memref<128x16xf32, #tpu.memory_space<vmem>>
        %dma_wait3A_1254 = arith.constant 0 : i32
        %dma_wait3A_1255 = tpu.memref_slice %arg11[%dma_wait3A_1254] : memref<20096xi32, #tpu.memory_space<vmem>> -> memref<128xi32, #tpu.memory_space<vmem>>
        %dma_wait3A_1256 = arith.constant 0 : i32
        %dma_wait3A_1257 = arith.constant 0 : i32
        %dma_wait3A_1258 = tpu.memref_slice %arg20[%dma_wait3A_1256, %dma_wait3A_1257] : memref<10000x16xf32, #tpu.memory_space<vmem_shared>> -> memref<10000x16xf32, #tpu.memory_space<vmem_shared>>
        tpu.wait_indirect_dma semaphore(%arg15 : memref<!tpu.dma_semaphore, #tpu.memory_space<semaphore_mem>>) src(%dma_wait3A_1253 : memref<128x16xf32, #tpu.memory_space<vmem>>) dst(%dma_wait3A_1258 : memref<10000x16xf32, #tpu.memory_space<vmem_shared>>)
        %dma_wait3A_1259 = arith.constant 4 : i32
        %dma_wait3A_1260 = arith.constant 0 : i32
        %dma_wait3A_1261 = arith.constant 0 : i32
        %dma_wait3A_1262 = arith.constant 0 : i32
        %dma_wait3A_1263 = tpu.memref_slice %arg12[%cond3A_503, %dma_wait3A_1260, %dma_wait3A_1261, %dma_wait3A_1262] : memref<2x6x128x16xf32, #tpu.memory_space<vmem>> -> memref<1x6x128x16xf32, #tpu.memory_space<vmem>>
        %dma_wait3A_1264 = tpu.memref_squeeze %dma_wait3A_1263 : memref<1x6x128x16xf32, #tpu.memory_space<vmem>> -> memref<6x128x16xf32, #tpu.memory_space<vmem>>
        %dma_wait3A_1265 = arith.constant 0 : i32
        %dma_wait3A_1266 = arith.constant 0 : i32
        %dma_wait3A_1267 = tpu.memref_slice %dma_wait3A_1264[%dma_wait3A_1259, %dma_wait3A_1265, %dma_wait3A_1266] : memref<6x128x16xf32, #tpu.memory_space<vmem>> -> memref<1x128x16xf32, #tpu.memory_space<vmem>>
        %dma_wait3A_1268 = tpu.memref_squeeze %dma_wait3A_1267 : memref<1x128x16xf32, #tpu.memory_space<vmem>> -> memref<128x16xf32, #tpu.memory_space<vmem>>
        %dma_wait3A_1269 = arith.constant 0 : i32
        %dma_wait3A_1270 = tpu.memref_slice %arg11[%dma_wait3A_1269] : memref<20096xi32, #tpu.memory_space<vmem>> -> memref<128xi32, #tpu.memory_space<vmem>>
        %dma_wait3A_1271 = arith.constant 0 : i32
        %dma_wait3A_1272 = arith.constant 0 : i32
        %dma_wait3A_1273 = tpu.memref_slice %arg20[%dma_wait3A_1271, %dma_wait3A_1272] : memref<10000x16xf32, #tpu.memory_space<vmem_shared>> -> memref<10000x16xf32, #tpu.memory_space<vmem_shared>>
        tpu.wait_indirect_dma semaphore(%arg15 : memref<!tpu.dma_semaphore, #tpu.memory_space<semaphore_mem>>) src(%dma_wait3A_1268 : memref<128x16xf32, #tpu.memory_space<vmem>>) dst(%dma_wait3A_1273 : memref<10000x16xf32, #tpu.memory_space<vmem_shared>>)
        %dma_wait3A_1274 = arith.constant 5 : i32
        %dma_wait3A_1275 = arith.constant 0 : i32
        %dma_wait3A_1276 = arith.constant 0 : i32
        %dma_wait3A_1277 = arith.constant 0 : i32
        %dma_wait3A_1278 = tpu.memref_slice %arg12[%cond3A_503, %dma_wait3A_1275, %dma_wait3A_1276, %dma_wait3A_1277] : memref<2x6x128x16xf32, #tpu.memory_space<vmem>> -> memref<1x6x128x16xf32, #tpu.memory_space<vmem>>
        %dma_wait3A_1279 = tpu.memref_squeeze %dma_wait3A_1278 : memref<1x6x128x16xf32, #tpu.memory_space<vmem>> -> memref<6x128x16xf32, #tpu.memory_space<vmem>>
        %dma_wait3A_1280 = arith.constant 0 : i32
        %dma_wait3A_1281 = arith.constant 0 : i32
        %dma_wait3A_1282 = tpu.memref_slice %dma_wait3A_1279[%dma_wait3A_1274, %dma_wait3A_1280, %dma_wait3A_1281] : memref<6x128x16xf32, #tpu.memory_space<vmem>> -> memref<1x128x16xf32, #tpu.memory_space<vmem>>
        %dma_wait3A_1283 = tpu.memref_squeeze %dma_wait3A_1282 : memref<1x128x16xf32, #tpu.memory_space<vmem>> -> memref<128x16xf32, #tpu.memory_space<vmem>>
        %dma_wait3A_1284 = arith.constant 0 : i32
        %dma_wait3A_1285 = tpu.memref_slice %arg11[%dma_wait3A_1284] : memref<20096xi32, #tpu.memory_space<vmem>> -> memref<128xi32, #tpu.memory_space<vmem>>
        %dma_wait3A_1286 = arith.constant 0 : i32
        %dma_wait3A_1287 = arith.constant 0 : i32
        %dma_wait3A_1288 = tpu.memref_slice %arg20[%dma_wait3A_1286, %dma_wait3A_1287] : memref<10000x16xf32, #tpu.memory_space<vmem_shared>> -> memref<10000x16xf32, #tpu.memory_space<vmem_shared>>
        tpu.wait_indirect_dma semaphore(%arg15 : memref<!tpu.dma_semaphore, #tpu.memory_space<semaphore_mem>>) src(%dma_wait3A_1283 : memref<128x16xf32, #tpu.memory_space<vmem>>) dst(%dma_wait3A_1288 : memref<10000x16xf32, #tpu.memory_space<vmem_shared>>)
      } else {
      }
      %mul3A_506 = arith.constant 6 : i32
      %mul3A_507 = arith.muli %add3A_499, %mul3A_506 : i32
      %add3A_508 = arith.constant 0 : i32
      %add3A_509 = arith.addi %mul3A_507, %add3A_508 : i32
      %mul3A_510 = arith.constant 128 : i32
      %mul3A_511 = arith.muli %add3A_509, %mul3A_510 : i32
      %dma_start3A = arith.constant 0 : i32
      %dma_start3A_512 = arith.constant 0 : i32
      %dma_start3A_513 = arith.constant 0 : i32
      %dma_start3A_514 = arith.constant 0 : i32
      %dma_start3A_515 = arith.constant 0 : i32
      %dma_start3A_516 = tpu.memref_slice %arg12[%dma_start3A, %dma_start3A_513, %dma_start3A_514, %dma_start3A_515] : memref<2x6x128x16xf32, #tpu.memory_space<vmem>> -> memref<1x6x128x16xf32, #tpu.memory_space<vmem>>
      %dma_start3A_517 = tpu.memref_squeeze %dma_start3A_516 : memref<1x6x128x16xf32, #tpu.memory_space<vmem>> -> memref<6x128x16xf32, #tpu.memory_space<vmem>>
      %dma_start3A_518 = arith.constant 0 : i32
      %dma_start3A_519 = arith.constant 0 : i32
      %dma_start3A_520 = tpu.memref_slice %dma_start3A_517[%dma_start3A_512, %dma_start3A_518, %dma_start3A_519] : memref<6x128x16xf32, #tpu.memory_space<vmem>> -> memref<1x128x16xf32, #tpu.memory_space<vmem>>
      %dma_start3A_521 = tpu.memref_squeeze %dma_start3A_520 : memref<1x128x16xf32, #tpu.memory_space<vmem>> -> memref<128x16xf32, #tpu.memory_space<vmem>>
      %dma_start3A_522 = tpu.memref_slice %arg10[%mul3A_511] : memref<20096xi32, #tpu.memory_space<vmem>> -> memref<128xi32, #tpu.memory_space<vmem>>
      %dma_start3A_523 = arith.constant 0 : i32
      %dma_start3A_524 = arith.constant 0 : i32
      %dma_start3A_525 = tpu.memref_slice %arg18[%dma_start3A_523, %dma_start3A_524] : memref<10000x16xf32, #tpu.memory_space<vmem_shared>> -> memref<10000x16xf32, #tpu.memory_space<vmem_shared>>
      tpu.enqueue_indirect_dma source(%dma_start3A_525 : memref<10000x16xf32, #tpu.memory_space<vmem_shared>>) target(%dma_start3A_521 : memref<128x16xf32, #tpu.memory_space<vmem>>) offsets(%dma_start3A_522 : memref<128xi32, #tpu.memory_space<vmem>>) semaphore(%arg14 : memref<!tpu.dma_semaphore, #tpu.memory_space<semaphore_mem>>)
      %mul3A_526 = arith.constant 6 : i32
      %mul3A_527 = arith.muli %add3A_499, %mul3A_526 : i32
      %add3A_528 = arith.constant 1 : i32
      %add3A_529 = arith.addi %mul3A_527, %add3A_528 : i32
      %mul3A_530 = arith.constant 128 : i32
      %mul3A_531 = arith.muli %add3A_529, %mul3A_530 : i32
      %dma_start3A_532 = arith.constant 0 : i32
      %dma_start3A_533 = arith.constant 1 : i32
      %dma_start3A_534 = arith.constant 0 : i32
      %dma_start3A_535 = arith.constant 0 : i32
      %dma_start3A_536 = arith.constant 0 : i32
      %dma_start3A_537 = tpu.memref_slice %arg12[%dma_start3A_532, %dma_start3A_534, %dma_start3A_535, %dma_start3A_536] : memref<2x6x128x16xf32, #tpu.memory_space<vmem>> -> memref<1x6x128x16xf32, #tpu.memory_space<vmem>>
      %dma_start3A_538 = tpu.memref_squeeze %dma_start3A_537 : memref<1x6x128x16xf32, #tpu.memory_space<vmem>> -> memref<6x128x16xf32, #tpu.memory_space<vmem>>
      %dma_start3A_539 = arith.constant 0 : i32
      %dma_start3A_540 = arith.constant 0 : i32
      %dma_start3A_541 = tpu.memref_slice %dma_start3A_538[%dma_start3A_533, %dma_start3A_539, %dma_start3A_540] : memref<6x128x16xf32, #tpu.memory_space<vmem>> -> memref<1x128x16xf32, #tpu.memory_space<vmem>>
      %dma_start3A_542 = tpu.memref_squeeze %dma_start3A_541 : memref<1x128x16xf32, #tpu.memory_space<vmem>> -> memref<128x16xf32, #tpu.memory_space<vmem>>
      %dma_start3A_543 = tpu.memref_slice %arg10[%mul3A_531] : memref<20096xi32, #tpu.memory_space<vmem>> -> memref<128xi32, #tpu.memory_space<vmem>>
      %dma_start3A_544 = arith.constant 0 : i32
      %dma_start3A_545 = arith.constant 0 : i32
      %dma_start3A_546 = tpu.memref_slice %arg18[%dma_start3A_544, %dma_start3A_545] : memref<10000x16xf32, #tpu.memory_space<vmem_shared>> -> memref<10000x16xf32, #tpu.memory_space<vmem_shared>>
      tpu.enqueue_indirect_dma source(%dma_start3A_546 : memref<10000x16xf32, #tpu.memory_space<vmem_shared>>) target(%dma_start3A_542 : memref<128x16xf32, #tpu.memory_space<vmem>>) offsets(%dma_start3A_543 : memref<128xi32, #tpu.memory_space<vmem>>) semaphore(%arg14 : memref<!tpu.dma_semaphore, #tpu.memory_space<semaphore_mem>>)
      %mul3A_547 = arith.constant 6 : i32
      %mul3A_548 = arith.muli %add3A_499, %mul3A_547 : i32
      %add3A_549 = arith.constant 2 : i32
      %add3A_550 = arith.addi %mul3A_548, %add3A_549 : i32
      %mul3A_551 = arith.constant 128 : i32
      %mul3A_552 = arith.muli %add3A_550, %mul3A_551 : i32
      %dma_start3A_553 = arith.constant 0 : i32
      %dma_start3A_554 = arith.constant 2 : i32
      %dma_start3A_555 = arith.constant 0 : i32
      %dma_start3A_556 = arith.constant 0 : i32
      %dma_start3A_557 = arith.constant 0 : i32
      %dma_start3A_558 = tpu.memref_slice %arg12[%dma_start3A_553, %dma_start3A_555, %dma_start3A_556, %dma_start3A_557] : memref<2x6x128x16xf32, #tpu.memory_space<vmem>> -> memref<1x6x128x16xf32, #tpu.memory_space<vmem>>
      %dma_start3A_559 = tpu.memref_squeeze %dma_start3A_558 : memref<1x6x128x16xf32, #tpu.memory_space<vmem>> -> memref<6x128x16xf32, #tpu.memory_space<vmem>>
      %dma_start3A_560 = arith.constant 0 : i32
      %dma_start3A_561 = arith.constant 0 : i32
      %dma_start3A_562 = tpu.memref_slice %dma_start3A_559[%dma_start3A_554, %dma_start3A_560, %dma_start3A_561] : memref<6x128x16xf32, #tpu.memory_space<vmem>> -> memref<1x128x16xf32, #tpu.memory_space<vmem>>
      %dma_start3A_563 = tpu.memref_squeeze %dma_start3A_562 : memref<1x128x16xf32, #tpu.memory_space<vmem>> -> memref<128x16xf32, #tpu.memory_space<vmem>>
      %dma_start3A_564 = tpu.memref_slice %arg10[%mul3A_552] : memref<20096xi32, #tpu.memory_space<vmem>> -> memref<128xi32, #tpu.memory_space<vmem>>
      %dma_start3A_565 = arith.constant 0 : i32
      %dma_start3A_566 = arith.constant 0 : i32
      %dma_start3A_567 = tpu.memref_slice %arg18[%dma_start3A_565, %dma_start3A_566] : memref<10000x16xf32, #tpu.memory_space<vmem_shared>> -> memref<10000x16xf32, #tpu.memory_space<vmem_shared>>
      tpu.enqueue_indirect_dma source(%dma_start3A_567 : memref<10000x16xf32, #tpu.memory_space<vmem_shared>>) target(%dma_start3A_563 : memref<128x16xf32, #tpu.memory_space<vmem>>) offsets(%dma_start3A_564 : memref<128xi32, #tpu.memory_space<vmem>>) semaphore(%arg14 : memref<!tpu.dma_semaphore, #tpu.memory_space<semaphore_mem>>)
      %mul3A_568 = arith.constant 6 : i32
      %mul3A_569 = arith.muli %add3A_499, %mul3A_568 : i32
      %add3A_570 = arith.constant 3 : i32
      %add3A_571 = arith.addi %mul3A_569, %add3A_570 : i32
      %mul3A_572 = arith.constant 128 : i32
      %mul3A_573 = arith.muli %add3A_571, %mul3A_572 : i32
      %dma_start3A_574 = arith.constant 0 : i32
      %dma_start3A_575 = arith.constant 3 : i32
      %dma_start3A_576 = arith.constant 0 : i32
      %dma_start3A_577 = arith.constant 0 : i32
      %dma_start3A_578 = arith.constant 0 : i32
      %dma_start3A_579 = tpu.memref_slice %arg12[%dma_start3A_574, %dma_start3A_576, %dma_start3A_577, %dma_start3A_578] : memref<2x6x128x16xf32, #tpu.memory_space<vmem>> -> memref<1x6x128x16xf32, #tpu.memory_space<vmem>>
      %dma_start3A_580 = tpu.memref_squeeze %dma_start3A_579 : memref<1x6x128x16xf32, #tpu.memory_space<vmem>> -> memref<6x128x16xf32, #tpu.memory_space<vmem>>
      %dma_start3A_581 = arith.constant 0 : i32
      %dma_start3A_582 = arith.constant 0 : i32
      %dma_start3A_583 = tpu.memref_slice %dma_start3A_580[%dma_start3A_575, %dma_start3A_581, %dma_start3A_582] : memref<6x128x16xf32, #tpu.memory_space<vmem>> -> memref<1x128x16xf32, #tpu.memory_space<vmem>>
      %dma_start3A_584 = tpu.memref_squeeze %dma_start3A_583 : memref<1x128x16xf32, #tpu.memory_space<vmem>> -> memref<128x16xf32, #tpu.memory_space<vmem>>
      %dma_start3A_585 = tpu.memref_slice %arg10[%mul3A_573] : memref<20096xi32, #tpu.memory_space<vmem>> -> memref<128xi32, #tpu.memory_space<vmem>>
      %dma_start3A_586 = arith.constant 0 : i32
      %dma_start3A_587 = arith.constant 0 : i32
      %dma_start3A_588 = tpu.memref_slice %arg18[%dma_start3A_586, %dma_start3A_587] : memref<10000x16xf32, #tpu.memory_space<vmem_shared>> -> memref<10000x16xf32, #tpu.memory_space<vmem_shared>>
      tpu.enqueue_indirect_dma source(%dma_start3A_588 : memref<10000x16xf32, #tpu.memory_space<vmem_shared>>) target(%dma_start3A_584 : memref<128x16xf32, #tpu.memory_space<vmem>>) offsets(%dma_start3A_585 : memref<128xi32, #tpu.memory_space<vmem>>) semaphore(%arg14 : memref<!tpu.dma_semaphore, #tpu.memory_space<semaphore_mem>>)
      %mul3A_589 = arith.constant 6 : i32
      %mul3A_590 = arith.muli %add3A_499, %mul3A_589 : i32
      %add3A_591 = arith.constant 4 : i32
      %add3A_592 = arith.addi %mul3A_590, %add3A_591 : i32
      %mul3A_593 = arith.constant 128 : i32
      %mul3A_594 = arith.muli %add3A_592, %mul3A_593 : i32
      %dma_start3A_595 = arith.constant 0 : i32
      %dma_start3A_596 = arith.constant 4 : i32
      %dma_start3A_597 = arith.constant 0 : i32
      %dma_start3A_598 = arith.constant 0 : i32
      %dma_start3A_599 = arith.constant 0 : i32
      %dma_start3A_600 = tpu.memref_slice %arg12[%dma_start3A_595, %dma_start3A_597, %dma_start3A_598, %dma_start3A_599] : memref<2x6x128x16xf32, #tpu.memory_space<vmem>> -> memref<1x6x128x16xf32, #tpu.memory_space<vmem>>
      %dma_start3A_601 = tpu.memref_squeeze %dma_start3A_600 : memref<1x6x128x16xf32, #tpu.memory_space<vmem>> -> memref<6x128x16xf32, #tpu.memory_space<vmem>>
      %dma_start3A_602 = arith.constant 0 : i32
      %dma_start3A_603 = arith.constant 0 : i32
      %dma_start3A_604 = tpu.memref_slice %dma_start3A_601[%dma_start3A_596, %dma_start3A_602, %dma_start3A_603] : memref<6x128x16xf32, #tpu.memory_space<vmem>> -> memref<1x128x16xf32, #tpu.memory_space<vmem>>
      %dma_start3A_605 = tpu.memref_squeeze %dma_start3A_604 : memref<1x128x16xf32, #tpu.memory_space<vmem>> -> memref<128x16xf32, #tpu.memory_space<vmem>>
      %dma_start3A_606 = tpu.memref_slice %arg10[%mul3A_594] : memref<20096xi32, #tpu.memory_space<vmem>> -> memref<128xi32, #tpu.memory_space<vmem>>
      %dma_start3A_607 = arith.constant 0 : i32
      %dma_start3A_608 = arith.constant 0 : i32
      %dma_start3A_609 = tpu.memref_slice %arg18[%dma_start3A_607, %dma_start3A_608] : memref<10000x16xf32, #tpu.memory_space<vmem_shared>> -> memref<10000x16xf32, #tpu.memory_space<vmem_shared>>
      tpu.enqueue_indirect_dma source(%dma_start3A_609 : memref<10000x16xf32, #tpu.memory_space<vmem_shared>>) target(%dma_start3A_605 : memref<128x16xf32, #tpu.memory_space<vmem>>) offsets(%dma_start3A_606 : memref<128xi32, #tpu.memory_space<vmem>>) semaphore(%arg14 : memref<!tpu.dma_semaphore, #tpu.memory_space<semaphore_mem>>)
      %mul3A_610 = arith.constant 6 : i32
      %mul3A_611 = arith.muli %add3A_499, %mul3A_610 : i32
      %add3A_612 = arith.constant 5 : i32
      %add3A_613 = arith.addi %mul3A_611, %add3A_612 : i32
      %mul3A_614 = arith.constant 128 : i32
      %mul3A_615 = arith.muli %add3A_613, %mul3A_614 : i32
      %dma_start3A_616 = arith.constant 0 : i32
      %dma_start3A_617 = arith.constant 5 : i32
      %dma_start3A_618 = arith.constant 0 : i32
      %dma_start3A_619 = arith.constant 0 : i32
      %dma_start3A_620 = arith.constant 0 : i32
      %dma_start3A_621 = tpu.memref_slice %arg12[%dma_start3A_616, %dma_start3A_618, %dma_start3A_619, %dma_start3A_620] : memref<2x6x128x16xf32, #tpu.memory_space<vmem>> -> memref<1x6x128x16xf32, #tpu.memory_space<vmem>>
      %dma_start3A_622 = tpu.memref_squeeze %dma_start3A_621 : memref<1x6x128x16xf32, #tpu.memory_space<vmem>> -> memref<6x128x16xf32, #tpu.memory_space<vmem>>
      %dma_start3A_623 = arith.constant 0 : i32
      %dma_start3A_624 = arith.constant 0 : i32
      %dma_start3A_625 = tpu.memref_slice %dma_start3A_622[%dma_start3A_617, %dma_start3A_623, %dma_start3A_624] : memref<6x128x16xf32, #tpu.memory_space<vmem>> -> memref<1x128x16xf32, #tpu.memory_space<vmem>>
      %dma_start3A_626 = tpu.memref_squeeze %dma_start3A_625 : memref<1x128x16xf32, #tpu.memory_space<vmem>> -> memref<128x16xf32, #tpu.memory_space<vmem>>
      %dma_start3A_627 = tpu.memref_slice %arg10[%mul3A_615] : memref<20096xi32, #tpu.memory_space<vmem>> -> memref<128xi32, #tpu.memory_space<vmem>>
      %dma_start3A_628 = arith.constant 0 : i32
      %dma_start3A_629 = arith.constant 0 : i32
      %dma_start3A_630 = tpu.memref_slice %arg18[%dma_start3A_628, %dma_start3A_629] : memref<10000x16xf32, #tpu.memory_space<vmem_shared>> -> memref<10000x16xf32, #tpu.memory_space<vmem_shared>>
      tpu.enqueue_indirect_dma source(%dma_start3A_630 : memref<10000x16xf32, #tpu.memory_space<vmem_shared>>) target(%dma_start3A_626 : memref<128x16xf32, #tpu.memory_space<vmem>>) offsets(%dma_start3A_627 : memref<128xi32, #tpu.memory_space<vmem>>) semaphore(%arg14 : memref<!tpu.dma_semaphore, #tpu.memory_space<semaphore_mem>>)
      %mul3A_631 = arith.constant 6 : i32
      %mul3A_632 = arith.muli %add3A_499, %mul3A_631 : i32
      %add3A_633 = arith.constant 0 : i32
      %add3A_634 = arith.addi %mul3A_632, %add3A_633 : i32
      %dma_wait3A_635 = arith.constant 0 : i32
      %dma_wait3A_636 = arith.constant 0 : i32
      %dma_wait3A_637 = arith.constant 0 : i32
      %dma_wait3A_638 = arith.constant 0 : i32
      %dma_wait3A_639 = arith.constant 0 : i32
      %dma_wait3A_640 = tpu.memref_slice %arg12[%dma_wait3A_635, %dma_wait3A_637, %dma_wait3A_638, %dma_wait3A_639] : memref<2x6x128x16xf32, #tpu.memory_space<vmem>> -> memref<1x6x128x16xf32, #tpu.memory_space<vmem>>
      %dma_wait3A_641 = tpu.memref_squeeze %dma_wait3A_640 : memref<1x6x128x16xf32, #tpu.memory_space<vmem>> -> memref<6x128x16xf32, #tpu.memory_space<vmem>>
      %dma_wait3A_642 = arith.constant 0 : i32
      %dma_wait3A_643 = arith.constant 0 : i32
      %dma_wait3A_644 = tpu.memref_slice %dma_wait3A_641[%dma_wait3A_636, %dma_wait3A_642, %dma_wait3A_643] : memref<6x128x16xf32, #tpu.memory_space<vmem>> -> memref<1x128x16xf32, #tpu.memory_space<vmem>>
      %dma_wait3A_645 = tpu.memref_squeeze %dma_wait3A_644 : memref<1x128x16xf32, #tpu.memory_space<vmem>> -> memref<128x16xf32, #tpu.memory_space<vmem>>
      %dma_wait3A_646 = tpu.memref_slice %arg10[%mul3A_511] : memref<20096xi32, #tpu.memory_space<vmem>> -> memref<128xi32, #tpu.memory_space<vmem>>
      %dma_wait3A_647 = arith.constant 0 : i32
      %dma_wait3A_648 = arith.constant 0 : i32
      %dma_wait3A_649 = tpu.memref_slice %arg18[%dma_wait3A_647, %dma_wait3A_648] : memref<10000x16xf32, #tpu.memory_space<vmem_shared>> -> memref<10000x16xf32, #tpu.memory_space<vmem_shared>>
      tpu.wait_indirect_dma semaphore(%arg14 : memref<!tpu.dma_semaphore, #tpu.memory_space<semaphore_mem>>) src(%dma_wait3A_649 : memref<10000x16xf32, #tpu.memory_space<vmem_shared>>) dst(%dma_wait3A_645 : memref<128x16xf32, #tpu.memory_space<vmem>>)
      %mul3A_650 = arith.constant 128 : i32
      %mul3A_651 = arith.muli %add3A_634, %mul3A_650 : i32
      %dma_start3A_652 = arith.constant 0 : i32
      %dma_start3A_653 = arith.constant 0 : i32
      %dma_start3A_654 = arith.constant 0 : i32
      %dma_start3A_655 = arith.constant 0 : i32
      %dma_start3A_656 = arith.constant 0 : i32
      %dma_start3A_657 = tpu.memref_slice %arg12[%dma_start3A_652, %dma_start3A_654, %dma_start3A_655, %dma_start3A_656] : memref<2x6x128x16xf32, #tpu.memory_space<vmem>> -> memref<1x6x128x16xf32, #tpu.memory_space<vmem>>
      %dma_start3A_658 = tpu.memref_squeeze %dma_start3A_657 : memref<1x6x128x16xf32, #tpu.memory_space<vmem>> -> memref<6x128x16xf32, #tpu.memory_space<vmem>>
      %dma_start3A_659 = arith.constant 0 : i32
      %dma_start3A_660 = arith.constant 0 : i32
      %dma_start3A_661 = tpu.memref_slice %dma_start3A_658[%dma_start3A_653, %dma_start3A_659, %dma_start3A_660] : memref<6x128x16xf32, #tpu.memory_space<vmem>> -> memref<1x128x16xf32, #tpu.memory_space<vmem>>
      %dma_start3A_662 = tpu.memref_squeeze %dma_start3A_661 : memref<1x128x16xf32, #tpu.memory_space<vmem>> -> memref<128x16xf32, #tpu.memory_space<vmem>>
      %dma_start3A_663 = tpu.memref_slice %arg11[%mul3A_651] : memref<20096xi32, #tpu.memory_space<vmem>> -> memref<128xi32, #tpu.memory_space<vmem>>
      %dma_start3A_664 = arith.constant 0 : i32
      %dma_start3A_665 = arith.constant 0 : i32
      %dma_start3A_666 = tpu.memref_slice %arg20[%dma_start3A_664, %dma_start3A_665] : memref<10000x16xf32, #tpu.memory_space<vmem_shared>> -> memref<10000x16xf32, #tpu.memory_space<vmem_shared>>
      tpu.enqueue_indirect_dma source(%dma_start3A_662 : memref<128x16xf32, #tpu.memory_space<vmem>>) target(%dma_start3A_666 : memref<10000x16xf32, #tpu.memory_space<vmem_shared>>) offsets(%dma_start3A_663 : memref<128xi32, #tpu.memory_space<vmem>>) semaphore(%arg15 : memref<!tpu.dma_semaphore, #tpu.memory_space<semaphore_mem>>) {add = true}
      %mul3A_667 = arith.constant 6 : i32
      %mul3A_668 = arith.muli %add3A_499, %mul3A_667 : i32
      %add3A_669 = arith.constant 1 : i32
      %add3A_670 = arith.addi %mul3A_668, %add3A_669 : i32
      %dma_wait3A_671 = arith.constant 0 : i32
      %dma_wait3A_672 = arith.constant 1 : i32
      %dma_wait3A_673 = arith.constant 0 : i32
      %dma_wait3A_674 = arith.constant 0 : i32
      %dma_wait3A_675 = arith.constant 0 : i32
      %dma_wait3A_676 = tpu.memref_slice %arg12[%dma_wait3A_671, %dma_wait3A_673, %dma_wait3A_674, %dma_wait3A_675] : memref<2x6x128x16xf32, #tpu.memory_space<vmem>> -> memref<1x6x128x16xf32, #tpu.memory_space<vmem>>
      %dma_wait3A_677 = tpu.memref_squeeze %dma_wait3A_676 : memref<1x6x128x16xf32, #tpu.memory_space<vmem>> -> memref<6x128x16xf32, #tpu.memory_space<vmem>>
      %dma_wait3A_678 = arith.constant 0 : i32
      %dma_wait3A_679 = arith.constant 0 : i32
      %dma_wait3A_680 = tpu.memref_slice %dma_wait3A_677[%dma_wait3A_672, %dma_wait3A_678, %dma_wait3A_679] : memref<6x128x16xf32, #tpu.memory_space<vmem>> -> memref<1x128x16xf32, #tpu.memory_space<vmem>>
      %dma_wait3A_681 = tpu.memref_squeeze %dma_wait3A_680 : memref<1x128x16xf32, #tpu.memory_space<vmem>> -> memref<128x16xf32, #tpu.memory_space<vmem>>
      %dma_wait3A_682 = tpu.memref_slice %arg10[%mul3A_531] : memref<20096xi32, #tpu.memory_space<vmem>> -> memref<128xi32, #tpu.memory_space<vmem>>
      %dma_wait3A_683 = arith.constant 0 : i32
      %dma_wait3A_684 = arith.constant 0 : i32
      %dma_wait3A_685 = tpu.memref_slice %arg18[%dma_wait3A_683, %dma_wait3A_684] : memref<10000x16xf32, #tpu.memory_space<vmem_shared>> -> memref<10000x16xf32, #tpu.memory_space<vmem_shared>>
      tpu.wait_indirect_dma semaphore(%arg14 : memref<!tpu.dma_semaphore, #tpu.memory_space<semaphore_mem>>) src(%dma_wait3A_685 : memref<10000x16xf32, #tpu.memory_space<vmem_shared>>) dst(%dma_wait3A_681 : memref<128x16xf32, #tpu.memory_space<vmem>>)
      %mul3A_686 = arith.constant 128 : i32
      %mul3A_687 = arith.muli %add3A_670, %mul3A_686 : i32
      %dma_start3A_688 = arith.constant 0 : i32
      %dma_start3A_689 = arith.constant 1 : i32
      %dma_start3A_690 = arith.constant 0 : i32
      %dma_start3A_691 = arith.constant 0 : i32
      %dma_start3A_692 = arith.constant 0 : i32
      %dma_start3A_693 = tpu.memref_slice %arg12[%dma_start3A_688, %dma_start3A_690, %dma_start3A_691, %dma_start3A_692] : memref<2x6x128x16xf32, #tpu.memory_space<vmem>> -> memref<1x6x128x16xf32, #tpu.memory_space<vmem>>
      %dma_start3A_694 = tpu.memref_squeeze %dma_start3A_693 : memref<1x6x128x16xf32, #tpu.memory_space<vmem>> -> memref<6x128x16xf32, #tpu.memory_space<vmem>>
      %dma_start3A_695 = arith.constant 0 : i32
      %dma_start3A_696 = arith.constant 0 : i32
      %dma_start3A_697 = tpu.memref_slice %dma_start3A_694[%dma_start3A_689, %dma_start3A_695, %dma_start3A_696] : memref<6x128x16xf32, #tpu.memory_space<vmem>> -> memref<1x128x16xf32, #tpu.memory_space<vmem>>
      %dma_start3A_698 = tpu.memref_squeeze %dma_start3A_697 : memref<1x128x16xf32, #tpu.memory_space<vmem>> -> memref<128x16xf32, #tpu.memory_space<vmem>>
      %dma_start3A_699 = tpu.memref_slice %arg11[%mul3A_687] : memref<20096xi32, #tpu.memory_space<vmem>> -> memref<128xi32, #tpu.memory_space<vmem>>
      %dma_start3A_700 = arith.constant 0 : i32
      %dma_start3A_701 = arith.constant 0 : i32
      %dma_start3A_702 = tpu.memref_slice %arg20[%dma_start3A_700, %dma_start3A_701] : memref<10000x16xf32, #tpu.memory_space<vmem_shared>> -> memref<10000x16xf32, #tpu.memory_space<vmem_shared>>
      tpu.enqueue_indirect_dma source(%dma_start3A_698 : memref<128x16xf32, #tpu.memory_space<vmem>>) target(%dma_start3A_702 : memref<10000x16xf32, #tpu.memory_space<vmem_shared>>) offsets(%dma_start3A_699 : memref<128xi32, #tpu.memory_space<vmem>>) semaphore(%arg15 : memref<!tpu.dma_semaphore, #tpu.memory_space<semaphore_mem>>) {add = true}
      %mul3A_703 = arith.constant 6 : i32
      %mul3A_704 = arith.muli %add3A_499, %mul3A_703 : i32
      %add3A_705 = arith.constant 2 : i32
      %add3A_706 = arith.addi %mul3A_704, %add3A_705 : i32
      %dma_wait3A_707 = arith.constant 0 : i32
      %dma_wait3A_708 = arith.constant 2 : i32
      %dma_wait3A_709 = arith.constant 0 : i32
      %dma_wait3A_710 = arith.constant 0 : i32
      %dma_wait3A_711 = arith.constant 0 : i32
      %dma_wait3A_712 = tpu.memref_slice %arg12[%dma_wait3A_707, %dma_wait3A_709, %dma_wait3A_710, %dma_wait3A_711] : memref<2x6x128x16xf32, #tpu.memory_space<vmem>> -> memref<1x6x128x16xf32, #tpu.memory_space<vmem>>
      %dma_wait3A_713 = tpu.memref_squeeze %dma_wait3A_712 : memref<1x6x128x16xf32, #tpu.memory_space<vmem>> -> memref<6x128x16xf32, #tpu.memory_space<vmem>>
      %dma_wait3A_714 = arith.constant 0 : i32
      %dma_wait3A_715 = arith.constant 0 : i32
      %dma_wait3A_716 = tpu.memref_slice %dma_wait3A_713[%dma_wait3A_708, %dma_wait3A_714, %dma_wait3A_715] : memref<6x128x16xf32, #tpu.memory_space<vmem>> -> memref<1x128x16xf32, #tpu.memory_space<vmem>>
      %dma_wait3A_717 = tpu.memref_squeeze %dma_wait3A_716 : memref<1x128x16xf32, #tpu.memory_space<vmem>> -> memref<128x16xf32, #tpu.memory_space<vmem>>
      %dma_wait3A_718 = tpu.memref_slice %arg10[%mul3A_552] : memref<20096xi32, #tpu.memory_space<vmem>> -> memref<128xi32, #tpu.memory_space<vmem>>
      %dma_wait3A_719 = arith.constant 0 : i32
      %dma_wait3A_720 = arith.constant 0 : i32
      %dma_wait3A_721 = tpu.memref_slice %arg18[%dma_wait3A_719, %dma_wait3A_720] : memref<10000x16xf32, #tpu.memory_space<vmem_shared>> -> memref<10000x16xf32, #tpu.memory_space<vmem_shared>>
      tpu.wait_indirect_dma semaphore(%arg14 : memref<!tpu.dma_semaphore, #tpu.memory_space<semaphore_mem>>) src(%dma_wait3A_721 : memref<10000x16xf32, #tpu.memory_space<vmem_shared>>) dst(%dma_wait3A_717 : memref<128x16xf32, #tpu.memory_space<vmem>>)
      %mul3A_722 = arith.constant 128 : i32
      %mul3A_723 = arith.muli %add3A_706, %mul3A_722 : i32
      %dma_start3A_724 = arith.constant 0 : i32
      %dma_start3A_725 = arith.constant 2 : i32
      %dma_start3A_726 = arith.constant 0 : i32
      %dma_start3A_727 = arith.constant 0 : i32
      %dma_start3A_728 = arith.constant 0 : i32
      %dma_start3A_729 = tpu.memref_slice %arg12[%dma_start3A_724, %dma_start3A_726, %dma_start3A_727, %dma_start3A_728] : memref<2x6x128x16xf32, #tpu.memory_space<vmem>> -> memref<1x6x128x16xf32, #tpu.memory_space<vmem>>
      %dma_start3A_730 = tpu.memref_squeeze %dma_start3A_729 : memref<1x6x128x16xf32, #tpu.memory_space<vmem>> -> memref<6x128x16xf32, #tpu.memory_space<vmem>>
      %dma_start3A_731 = arith.constant 0 : i32
      %dma_start3A_732 = arith.constant 0 : i32
      %dma_start3A_733 = tpu.memref_slice %dma_start3A_730[%dma_start3A_725, %dma_start3A_731, %dma_start3A_732] : memref<6x128x16xf32, #tpu.memory_space<vmem>> -> memref<1x128x16xf32, #tpu.memory_space<vmem>>
      %dma_start3A_734 = tpu.memref_squeeze %dma_start3A_733 : memref<1x128x16xf32, #tpu.memory_space<vmem>> -> memref<128x16xf32, #tpu.memory_space<vmem>>
      %dma_start3A_735 = tpu.memref_slice %arg11[%mul3A_723] : memref<20096xi32, #tpu.memory_space<vmem>> -> memref<128xi32, #tpu.memory_space<vmem>>
      %dma_start3A_736 = arith.constant 0 : i32
      %dma_start3A_737 = arith.constant 0 : i32
      %dma_start3A_738 = tpu.memref_slice %arg20[%dma_start3A_736, %dma_start3A_737] : memref<10000x16xf32, #tpu.memory_space<vmem_shared>> -> memref<10000x16xf32, #tpu.memory_space<vmem_shared>>
      tpu.enqueue_indirect_dma source(%dma_start3A_734 : memref<128x16xf32, #tpu.memory_space<vmem>>) target(%dma_start3A_738 : memref<10000x16xf32, #tpu.memory_space<vmem_shared>>) offsets(%dma_start3A_735 : memref<128xi32, #tpu.memory_space<vmem>>) semaphore(%arg15 : memref<!tpu.dma_semaphore, #tpu.memory_space<semaphore_mem>>) {add = true}
      %mul3A_739 = arith.constant 6 : i32
      %mul3A_740 = arith.muli %add3A_499, %mul3A_739 : i32
      %add3A_741 = arith.constant 3 : i32
      %add3A_742 = arith.addi %mul3A_740, %add3A_741 : i32
      %dma_wait3A_743 = arith.constant 0 : i32
      %dma_wait3A_744 = arith.constant 3 : i32
      %dma_wait3A_745 = arith.constant 0 : i32
      %dma_wait3A_746 = arith.constant 0 : i32
      %dma_wait3A_747 = arith.constant 0 : i32
      %dma_wait3A_748 = tpu.memref_slice %arg12[%dma_wait3A_743, %dma_wait3A_745, %dma_wait3A_746, %dma_wait3A_747] : memref<2x6x128x16xf32, #tpu.memory_space<vmem>> -> memref<1x6x128x16xf32, #tpu.memory_space<vmem>>
      %dma_wait3A_749 = tpu.memref_squeeze %dma_wait3A_748 : memref<1x6x128x16xf32, #tpu.memory_space<vmem>> -> memref<6x128x16xf32, #tpu.memory_space<vmem>>
      %dma_wait3A_750 = arith.constant 0 : i32
      %dma_wait3A_751 = arith.constant 0 : i32
      %dma_wait3A_752 = tpu.memref_slice %dma_wait3A_749[%dma_wait3A_744, %dma_wait3A_750, %dma_wait3A_751] : memref<6x128x16xf32, #tpu.memory_space<vmem>> -> memref<1x128x16xf32, #tpu.memory_space<vmem>>
      %dma_wait3A_753 = tpu.memref_squeeze %dma_wait3A_752 : memref<1x128x16xf32, #tpu.memory_space<vmem>> -> memref<128x16xf32, #tpu.memory_space<vmem>>
      %dma_wait3A_754 = tpu.memref_slice %arg10[%mul3A_573] : memref<20096xi32, #tpu.memory_space<vmem>> -> memref<128xi32, #tpu.memory_space<vmem>>
      %dma_wait3A_755 = arith.constant 0 : i32
      %dma_wait3A_756 = arith.constant 0 : i32
      %dma_wait3A_757 = tpu.memref_slice %arg18[%dma_wait3A_755, %dma_wait3A_756] : memref<10000x16xf32, #tpu.memory_space<vmem_shared>> -> memref<10000x16xf32, #tpu.memory_space<vmem_shared>>
      tpu.wait_indirect_dma semaphore(%arg14 : memref<!tpu.dma_semaphore, #tpu.memory_space<semaphore_mem>>) src(%dma_wait3A_757 : memref<10000x16xf32, #tpu.memory_space<vmem_shared>>) dst(%dma_wait3A_753 : memref<128x16xf32, #tpu.memory_space<vmem>>)
      %mul3A_758 = arith.constant 128 : i32
      %mul3A_759 = arith.muli %add3A_742, %mul3A_758 : i32
      %dma_start3A_760 = arith.constant 0 : i32
      %dma_start3A_761 = arith.constant 3 : i32
      %dma_start3A_762 = arith.constant 0 : i32
      %dma_start3A_763 = arith.constant 0 : i32
      %dma_start3A_764 = arith.constant 0 : i32
      %dma_start3A_765 = tpu.memref_slice %arg12[%dma_start3A_760, %dma_start3A_762, %dma_start3A_763, %dma_start3A_764] : memref<2x6x128x16xf32, #tpu.memory_space<vmem>> -> memref<1x6x128x16xf32, #tpu.memory_space<vmem>>
      %dma_start3A_766 = tpu.memref_squeeze %dma_start3A_765 : memref<1x6x128x16xf32, #tpu.memory_space<vmem>> -> memref<6x128x16xf32, #tpu.memory_space<vmem>>
      %dma_start3A_767 = arith.constant 0 : i32
      %dma_start3A_768 = arith.constant 0 : i32
      %dma_start3A_769 = tpu.memref_slice %dma_start3A_766[%dma_start3A_761, %dma_start3A_767, %dma_start3A_768] : memref<6x128x16xf32, #tpu.memory_space<vmem>> -> memref<1x128x16xf32, #tpu.memory_space<vmem>>
      %dma_start3A_770 = tpu.memref_squeeze %dma_start3A_769 : memref<1x128x16xf32, #tpu.memory_space<vmem>> -> memref<128x16xf32, #tpu.memory_space<vmem>>
      %dma_start3A_771 = tpu.memref_slice %arg11[%mul3A_759] : memref<20096xi32, #tpu.memory_space<vmem>> -> memref<128xi32, #tpu.memory_space<vmem>>
      %dma_start3A_772 = arith.constant 0 : i32
      %dma_start3A_773 = arith.constant 0 : i32
      %dma_start3A_774 = tpu.memref_slice %arg20[%dma_start3A_772, %dma_start3A_773] : memref<10000x16xf32, #tpu.memory_space<vmem_shared>> -> memref<10000x16xf32, #tpu.memory_space<vmem_shared>>
      tpu.enqueue_indirect_dma source(%dma_start3A_770 : memref<128x16xf32, #tpu.memory_space<vmem>>) target(%dma_start3A_774 : memref<10000x16xf32, #tpu.memory_space<vmem_shared>>) offsets(%dma_start3A_771 : memref<128xi32, #tpu.memory_space<vmem>>) semaphore(%arg15 : memref<!tpu.dma_semaphore, #tpu.memory_space<semaphore_mem>>) {add = true}
      %mul3A_775 = arith.constant 6 : i32
      %mul3A_776 = arith.muli %add3A_499, %mul3A_775 : i32
      %add3A_777 = arith.constant 4 : i32
      %add3A_778 = arith.addi %mul3A_776, %add3A_777 : i32
      %dma_wait3A_779 = arith.constant 0 : i32
      %dma_wait3A_780 = arith.constant 4 : i32
      %dma_wait3A_781 = arith.constant 0 : i32
      %dma_wait3A_782 = arith.constant 0 : i32
      %dma_wait3A_783 = arith.constant 0 : i32
      %dma_wait3A_784 = tpu.memref_slice %arg12[%dma_wait3A_779, %dma_wait3A_781, %dma_wait3A_782, %dma_wait3A_783] : memref<2x6x128x16xf32, #tpu.memory_space<vmem>> -> memref<1x6x128x16xf32, #tpu.memory_space<vmem>>
      %dma_wait3A_785 = tpu.memref_squeeze %dma_wait3A_784 : memref<1x6x128x16xf32, #tpu.memory_space<vmem>> -> memref<6x128x16xf32, #tpu.memory_space<vmem>>
      %dma_wait3A_786 = arith.constant 0 : i32
      %dma_wait3A_787 = arith.constant 0 : i32
      %dma_wait3A_788 = tpu.memref_slice %dma_wait3A_785[%dma_wait3A_780, %dma_wait3A_786, %dma_wait3A_787] : memref<6x128x16xf32, #tpu.memory_space<vmem>> -> memref<1x128x16xf32, #tpu.memory_space<vmem>>
      %dma_wait3A_789 = tpu.memref_squeeze %dma_wait3A_788 : memref<1x128x16xf32, #tpu.memory_space<vmem>> -> memref<128x16xf32, #tpu.memory_space<vmem>>
      %dma_wait3A_790 = tpu.memref_slice %arg10[%mul3A_594] : memref<20096xi32, #tpu.memory_space<vmem>> -> memref<128xi32, #tpu.memory_space<vmem>>
      %dma_wait3A_791 = arith.constant 0 : i32
      %dma_wait3A_792 = arith.constant 0 : i32
      %dma_wait3A_793 = tpu.memref_slice %arg18[%dma_wait3A_791, %dma_wait3A_792] : memref<10000x16xf32, #tpu.memory_space<vmem_shared>> -> memref<10000x16xf32, #tpu.memory_space<vmem_shared>>
      tpu.wait_indirect_dma semaphore(%arg14 : memref<!tpu.dma_semaphore, #tpu.memory_space<semaphore_mem>>) src(%dma_wait3A_793 : memref<10000x16xf32, #tpu.memory_space<vmem_shared>>) dst(%dma_wait3A_789 : memref<128x16xf32, #tpu.memory_space<vmem>>)
      %mul3A_794 = arith.constant 128 : i32
      %mul3A_795 = arith.muli %add3A_778, %mul3A_794 : i32
      %dma_start3A_796 = arith.constant 0 : i32
      %dma_start3A_797 = arith.constant 4 : i32
      %dma_start3A_798 = arith.constant 0 : i32
      %dma_start3A_799 = arith.constant 0 : i32
      %dma_start3A_800 = arith.constant 0 : i32
      %dma_start3A_801 = tpu.memref_slice %arg12[%dma_start3A_796, %dma_start3A_798, %dma_start3A_799, %dma_start3A_800] : memref<2x6x128x16xf32, #tpu.memory_space<vmem>> -> memref<1x6x128x16xf32, #tpu.memory_space<vmem>>
      %dma_start3A_802 = tpu.memref_squeeze %dma_start3A_801 : memref<1x6x128x16xf32, #tpu.memory_space<vmem>> -> memref<6x128x16xf32, #tpu.memory_space<vmem>>
      %dma_start3A_803 = arith.constant 0 : i32
      %dma_start3A_804 = arith.constant 0 : i32
      %dma_start3A_805 = tpu.memref_slice %dma_start3A_802[%dma_start3A_797, %dma_start3A_803, %dma_start3A_804] : memref<6x128x16xf32, #tpu.memory_space<vmem>> -> memref<1x128x16xf32, #tpu.memory_space<vmem>>
      %dma_start3A_806 = tpu.memref_squeeze %dma_start3A_805 : memref<1x128x16xf32, #tpu.memory_space<vmem>> -> memref<128x16xf32, #tpu.memory_space<vmem>>
      %dma_start3A_807 = tpu.memref_slice %arg11[%mul3A_795] : memref<20096xi32, #tpu.memory_space<vmem>> -> memref<128xi32, #tpu.memory_space<vmem>>
      %dma_start3A_808 = arith.constant 0 : i32
      %dma_start3A_809 = arith.constant 0 : i32
      %dma_start3A_810 = tpu.memref_slice %arg20[%dma_start3A_808, %dma_start3A_809] : memref<10000x16xf32, #tpu.memory_space<vmem_shared>> -> memref<10000x16xf32, #tpu.memory_space<vmem_shared>>
      tpu.enqueue_indirect_dma source(%dma_start3A_806 : memref<128x16xf32, #tpu.memory_space<vmem>>) target(%dma_start3A_810 : memref<10000x16xf32, #tpu.memory_space<vmem_shared>>) offsets(%dma_start3A_807 : memref<128xi32, #tpu.memory_space<vmem>>) semaphore(%arg15 : memref<!tpu.dma_semaphore, #tpu.memory_space<semaphore_mem>>) {add = true}
      %mul3A_811 = arith.constant 6 : i32
      %mul3A_812 = arith.muli %add3A_499, %mul3A_811 : i32
      %add3A_813 = arith.constant 5 : i32
      %add3A_814 = arith.addi %mul3A_812, %add3A_813 : i32
      %dma_wait3A_815 = arith.constant 0 : i32
      %dma_wait3A_816 = arith.constant 5 : i32
      %dma_wait3A_817 = arith.constant 0 : i32
      %dma_wait3A_818 = arith.constant 0 : i32
      %dma_wait3A_819 = arith.constant 0 : i32
      %dma_wait3A_820 = tpu.memref_slice %arg12[%dma_wait3A_815, %dma_wait3A_817, %dma_wait3A_818, %dma_wait3A_819] : memref<2x6x128x16xf32, #tpu.memory_space<vmem>> -> memref<1x6x128x16xf32, #tpu.memory_space<vmem>>
      %dma_wait3A_821 = tpu.memref_squeeze %dma_wait3A_820 : memref<1x6x128x16xf32, #tpu.memory_space<vmem>> -> memref<6x128x16xf32, #tpu.memory_space<vmem>>
      %dma_wait3A_822 = arith.constant 0 : i32
      %dma_wait3A_823 = arith.constant 0 : i32
      %dma_wait3A_824 = tpu.memref_slice %dma_wait3A_821[%dma_wait3A_816, %dma_wait3A_822, %dma_wait3A_823] : memref<6x128x16xf32, #tpu.memory_space<vmem>> -> memref<1x128x16xf32, #tpu.memory_space<vmem>>
      %dma_wait3A_825 = tpu.memref_squeeze %dma_wait3A_824 : memref<1x128x16xf32, #tpu.memory_space<vmem>> -> memref<128x16xf32, #tpu.memory_space<vmem>>
      %dma_wait3A_826 = tpu.memref_slice %arg10[%mul3A_615] : memref<20096xi32, #tpu.memory_space<vmem>> -> memref<128xi32, #tpu.memory_space<vmem>>
      %dma_wait3A_827 = arith.constant 0 : i32
      %dma_wait3A_828 = arith.constant 0 : i32
      %dma_wait3A_829 = tpu.memref_slice %arg18[%dma_wait3A_827, %dma_wait3A_828] : memref<10000x16xf32, #tpu.memory_space<vmem_shared>> -> memref<10000x16xf32, #tpu.memory_space<vmem_shared>>
      tpu.wait_indirect_dma semaphore(%arg14 : memref<!tpu.dma_semaphore, #tpu.memory_space<semaphore_mem>>) src(%dma_wait3A_829 : memref<10000x16xf32, #tpu.memory_space<vmem_shared>>) dst(%dma_wait3A_825 : memref<128x16xf32, #tpu.memory_space<vmem>>)
      %mul3A_830 = arith.constant 128 : i32
      %mul3A_831 = arith.muli %add3A_814, %mul3A_830 : i32
      %dma_start3A_832 = arith.constant 0 : i32
      %dma_start3A_833 = arith.constant 5 : i32
      %dma_start3A_834 = arith.constant 0 : i32
      %dma_start3A_835 = arith.constant 0 : i32
      %dma_start3A_836 = arith.constant 0 : i32
      %dma_start3A_837 = tpu.memref_slice %arg12[%dma_start3A_832, %dma_start3A_834, %dma_start3A_835, %dma_start3A_836] : memref<2x6x128x16xf32, #tpu.memory_space<vmem>> -> memref<1x6x128x16xf32, #tpu.memory_space<vmem>>
      %dma_start3A_838 = tpu.memref_squeeze %dma_start3A_837 : memref<1x6x128x16xf32, #tpu.memory_space<vmem>> -> memref<6x128x16xf32, #tpu.memory_space<vmem>>
      %dma_start3A_839 = arith.constant 0 : i32
      %dma_start3A_840 = arith.constant 0 : i32
      %dma_start3A_841 = tpu.memref_slice %dma_start3A_838[%dma_start3A_833, %dma_start3A_839, %dma_start3A_840] : memref<6x128x16xf32, #tpu.memory_space<vmem>> -> memref<1x128x16xf32, #tpu.memory_space<vmem>>
      %dma_start3A_842 = tpu.memref_squeeze %dma_start3A_841 : memref<1x128x16xf32, #tpu.memory_space<vmem>> -> memref<128x16xf32, #tpu.memory_space<vmem>>
      %dma_start3A_843 = tpu.memref_slice %arg11[%mul3A_831] : memref<20096xi32, #tpu.memory_space<vmem>> -> memref<128xi32, #tpu.memory_space<vmem>>
      %dma_start3A_844 = arith.constant 0 : i32
      %dma_start3A_845 = arith.constant 0 : i32
      %dma_start3A_846 = tpu.memref_slice %arg20[%dma_start3A_844, %dma_start3A_845] : memref<10000x16xf32, #tpu.memory_space<vmem_shared>> -> memref<10000x16xf32, #tpu.memory_space<vmem_shared>>
      tpu.enqueue_indirect_dma source(%dma_start3A_842 : memref<128x16xf32, #tpu.memory_space<vmem>>) target(%dma_start3A_846 : memref<10000x16xf32, #tpu.memory_space<vmem_shared>>) offsets(%dma_start3A_843 : memref<128xi32, #tpu.memory_space<vmem>>) semaphore(%arg15 : memref<!tpu.dma_semaphore, #tpu.memory_space<semaphore_mem>>) {add = true}
      %mul3A_847 = arith.constant 2 : i32
      %mul3A_848 = arith.muli %scan3A_495, %mul3A_847 : i32
      %add3A_849 = arith.constant 1 : i32
      %add3A_850 = arith.addi %mul3A_848, %add3A_849 : i32
      %ge3A_851 = arith.constant 2 : i32
      %ge3A_852 = arith.cmpi sge, %add3A_850, %ge3A_851 : i32
      %convert_element_type3A_853 = arith.extui %ge3A_852 : i1 to i32
      %cond3A_854 = arith.constant 1 : i32
      %cond3A_855 = arith.constant 0 : i32
      %cond3A_856 = arith.cmpi ne, %convert_element_type3A_853, %cond3A_855 : i32
      scf.if %cond3A_856 {
        %dma_wait3A_1199 = arith.constant 0 : i32
        %dma_wait3A_1200 = arith.constant 0 : i32
        %dma_wait3A_1201 = arith.constant 0 : i32
        %dma_wait3A_1202 = arith.constant 0 : i32
        %dma_wait3A_1203 = tpu.memref_slice %arg12[%cond3A_854, %dma_wait3A_1200, %dma_wait3A_1201, %dma_wait3A_1202] : memref<2x6x128x16xf32, #tpu.memory_space<vmem>> -> memref<1x6x128x16xf32, #tpu.memory_space<vmem>>
        %dma_wait3A_1204 = tpu.memref_squeeze %dma_wait3A_1203 : memref<1x6x128x16xf32, #tpu.memory_space<vmem>> -> memref<6x128x16xf32, #tpu.memory_space<vmem>>
        %dma_wait3A_1205 = arith.constant 0 : i32
        %dma_wait3A_1206 = arith.constant 0 : i32
        %dma_wait3A_1207 = tpu.memref_slice %dma_wait3A_1204[%dma_wait3A_1199, %dma_wait3A_1205, %dma_wait3A_1206] : memref<6x128x16xf32, #tpu.memory_space<vmem>> -> memref<1x128x16xf32, #tpu.memory_space<vmem>>
        %dma_wait3A_1208 = tpu.memref_squeeze %dma_wait3A_1207 : memref<1x128x16xf32, #tpu.memory_space<vmem>> -> memref<128x16xf32, #tpu.memory_space<vmem>>
        %dma_wait3A_1209 = arith.constant 0 : i32
        %dma_wait3A_1210 = tpu.memref_slice %arg11[%dma_wait3A_1209] : memref<20096xi32, #tpu.memory_space<vmem>> -> memref<128xi32, #tpu.memory_space<vmem>>
        %dma_wait3A_1211 = arith.constant 0 : i32
        %dma_wait3A_1212 = arith.constant 0 : i32
        %dma_wait3A_1213 = tpu.memref_slice %arg20[%dma_wait3A_1211, %dma_wait3A_1212] : memref<10000x16xf32, #tpu.memory_space<vmem_shared>> -> memref<10000x16xf32, #tpu.memory_space<vmem_shared>>
        tpu.wait_indirect_dma semaphore(%arg16 : memref<!tpu.dma_semaphore, #tpu.memory_space<semaphore_mem>>) src(%dma_wait3A_1208 : memref<128x16xf32, #tpu.memory_space<vmem>>) dst(%dma_wait3A_1213 : memref<10000x16xf32, #tpu.memory_space<vmem_shared>>)
        %dma_wait3A_1214 = arith.constant 1 : i32
        %dma_wait3A_1215 = arith.constant 0 : i32
        %dma_wait3A_1216 = arith.constant 0 : i32
        %dma_wait3A_1217 = arith.constant 0 : i32
        %dma_wait3A_1218 = tpu.memref_slice %arg12[%cond3A_854, %dma_wait3A_1215, %dma_wait3A_1216, %dma_wait3A_1217] : memref<2x6x128x16xf32, #tpu.memory_space<vmem>> -> memref<1x6x128x16xf32, #tpu.memory_space<vmem>>
        %dma_wait3A_1219 = tpu.memref_squeeze %dma_wait3A_1218 : memref<1x6x128x16xf32, #tpu.memory_space<vmem>> -> memref<6x128x16xf32, #tpu.memory_space<vmem>>
        %dma_wait3A_1220 = arith.constant 0 : i32
        %dma_wait3A_1221 = arith.constant 0 : i32
        %dma_wait3A_1222 = tpu.memref_slice %dma_wait3A_1219[%dma_wait3A_1214, %dma_wait3A_1220, %dma_wait3A_1221] : memref<6x128x16xf32, #tpu.memory_space<vmem>> -> memref<1x128x16xf32, #tpu.memory_space<vmem>>
        %dma_wait3A_1223 = tpu.memref_squeeze %dma_wait3A_1222 : memref<1x128x16xf32, #tpu.memory_space<vmem>> -> memref<128x16xf32, #tpu.memory_space<vmem>>
        %dma_wait3A_1224 = arith.constant 0 : i32
        %dma_wait3A_1225 = tpu.memref_slice %arg11[%dma_wait3A_1224] : memref<20096xi32, #tpu.memory_space<vmem>> -> memref<128xi32, #tpu.memory_space<vmem>>
        %dma_wait3A_1226 = arith.constant 0 : i32
        %dma_wait3A_1227 = arith.constant 0 : i32
        %dma_wait3A_1228 = tpu.memref_slice %arg20[%dma_wait3A_1226, %dma_wait3A_1227] : memref<10000x16xf32, #tpu.memory_space<vmem_shared>> -> memref<10000x16xf32, #tpu.memory_space<vmem_shared>>
        tpu.wait_indirect_dma semaphore(%arg16 : memref<!tpu.dma_semaphore, #tpu.memory_space<semaphore_mem>>) src(%dma_wait3A_1223 : memref<128x16xf32, #tpu.memory_space<vmem>>) dst(%dma_wait3A_1228 : memref<10000x16xf32, #tpu.memory_space<vmem_shared>>)
        %dma_wait3A_1229 = arith.constant 2 : i32
        %dma_wait3A_1230 = arith.constant 0 : i32
        %dma_wait3A_1231 = arith.constant 0 : i32
        %dma_wait3A_1232 = arith.constant 0 : i32
        %dma_wait3A_1233 = tpu.memref_slice %arg12[%cond3A_854, %dma_wait3A_1230, %dma_wait3A_1231, %dma_wait3A_1232] : memref<2x6x128x16xf32, #tpu.memory_space<vmem>> -> memref<1x6x128x16xf32, #tpu.memory_space<vmem>>
        %dma_wait3A_1234 = tpu.memref_squeeze %dma_wait3A_1233 : memref<1x6x128x16xf32, #tpu.memory_space<vmem>> -> memref<6x128x16xf32, #tpu.memory_space<vmem>>
        %dma_wait3A_1235 = arith.constant 0 : i32
        %dma_wait3A_1236 = arith.constant 0 : i32
        %dma_wait3A_1237 = tpu.memref_slice %dma_wait3A_1234[%dma_wait3A_1229, %dma_wait3A_1235, %dma_wait3A_1236] : memref<6x128x16xf32, #tpu.memory_space<vmem>> -> memref<1x128x16xf32, #tpu.memory_space<vmem>>
        %dma_wait3A_1238 = tpu.memref_squeeze %dma_wait3A_1237 : memref<1x128x16xf32, #tpu.memory_space<vmem>> -> memref<128x16xf32, #tpu.memory_space<vmem>>
        %dma_wait3A_1239 = arith.constant 0 : i32
        %dma_wait3A_1240 = tpu.memref_slice %arg11[%dma_wait3A_1239] : memref<20096xi32, #tpu.memory_space<vmem>> -> memref<128xi32, #tpu.memory_space<vmem>>
        %dma_wait3A_1241 = arith.constant 0 : i32
        %dma_wait3A_1242 = arith.constant 0 : i32
        %dma_wait3A_1243 = tpu.memref_slice %arg20[%dma_wait3A_1241, %dma_wait3A_1242] : memref<10000x16xf32, #tpu.memory_space<vmem_shared>> -> memref<10000x16xf32, #tpu.memory_space<vmem_shared>>
        tpu.wait_indirect_dma semaphore(%arg16 : memref<!tpu.dma_semaphore, #tpu.memory_space<semaphore_mem>>) src(%dma_wait3A_1238 : memref<128x16xf32, #tpu.memory_space<vmem>>) dst(%dma_wait3A_1243 : memref<10000x16xf32, #tpu.memory_space<vmem_shared>>)
        %dma_wait3A_1244 = arith.constant 3 : i32
        %dma_wait3A_1245 = arith.constant 0 : i32
        %dma_wait3A_1246 = arith.constant 0 : i32
        %dma_wait3A_1247 = arith.constant 0 : i32
        %dma_wait3A_1248 = tpu.memref_slice %arg12[%cond3A_854, %dma_wait3A_1245, %dma_wait3A_1246, %dma_wait3A_1247] : memref<2x6x128x16xf32, #tpu.memory_space<vmem>> -> memref<1x6x128x16xf32, #tpu.memory_space<vmem>>
        %dma_wait3A_1249 = tpu.memref_squeeze %dma_wait3A_1248 : memref<1x6x128x16xf32, #tpu.memory_space<vmem>> -> memref<6x128x16xf32, #tpu.memory_space<vmem>>
        %dma_wait3A_1250 = arith.constant 0 : i32
        %dma_wait3A_1251 = arith.constant 0 : i32
        %dma_wait3A_1252 = tpu.memref_slice %dma_wait3A_1249[%dma_wait3A_1244, %dma_wait3A_1250, %dma_wait3A_1251] : memref<6x128x16xf32, #tpu.memory_space<vmem>> -> memref<1x128x16xf32, #tpu.memory_space<vmem>>
        %dma_wait3A_1253 = tpu.memref_squeeze %dma_wait3A_1252 : memref<1x128x16xf32, #tpu.memory_space<vmem>> -> memref<128x16xf32, #tpu.memory_space<vmem>>
        %dma_wait3A_1254 = arith.constant 0 : i32
        %dma_wait3A_1255 = tpu.memref_slice %arg11[%dma_wait3A_1254] : memref<20096xi32, #tpu.memory_space<vmem>> -> memref<128xi32, #tpu.memory_space<vmem>>
        %dma_wait3A_1256 = arith.constant 0 : i32
        %dma_wait3A_1257 = arith.constant 0 : i32
        %dma_wait3A_1258 = tpu.memref_slice %arg20[%dma_wait3A_1256, %dma_wait3A_1257] : memref<10000x16xf32, #tpu.memory_space<vmem_shared>> -> memref<10000x16xf32, #tpu.memory_space<vmem_shared>>
        tpu.wait_indirect_dma semaphore(%arg16 : memref<!tpu.dma_semaphore, #tpu.memory_space<semaphore_mem>>) src(%dma_wait3A_1253 : memref<128x16xf32, #tpu.memory_space<vmem>>) dst(%dma_wait3A_1258 : memref<10000x16xf32, #tpu.memory_space<vmem_shared>>)
        %dma_wait3A_1259 = arith.constant 4 : i32
        %dma_wait3A_1260 = arith.constant 0 : i32
        %dma_wait3A_1261 = arith.constant 0 : i32
        %dma_wait3A_1262 = arith.constant 0 : i32
        %dma_wait3A_1263 = tpu.memref_slice %arg12[%cond3A_854, %dma_wait3A_1260, %dma_wait3A_1261, %dma_wait3A_1262] : memref<2x6x128x16xf32, #tpu.memory_space<vmem>> -> memref<1x6x128x16xf32, #tpu.memory_space<vmem>>
        %dma_wait3A_1264 = tpu.memref_squeeze %dma_wait3A_1263 : memref<1x6x128x16xf32, #tpu.memory_space<vmem>> -> memref<6x128x16xf32, #tpu.memory_space<vmem>>
        %dma_wait3A_1265 = arith.constant 0 : i32
        %dma_wait3A_1266 = arith.constant 0 : i32
        %dma_wait3A_1267 = tpu.memref_slice %dma_wait3A_1264[%dma_wait3A_1259, %dma_wait3A_1265, %dma_wait3A_1266] : memref<6x128x16xf32, #tpu.memory_space<vmem>> -> memref<1x128x16xf32, #tpu.memory_space<vmem>>
        %dma_wait3A_1268 = tpu.memref_squeeze %dma_wait3A_1267 : memref<1x128x16xf32, #tpu.memory_space<vmem>> -> memref<128x16xf32, #tpu.memory_space<vmem>>
        %dma_wait3A_1269 = arith.constant 0 : i32
        %dma_wait3A_1270 = tpu.memref_slice %arg11[%dma_wait3A_1269] : memref<20096xi32, #tpu.memory_space<vmem>> -> memref<128xi32, #tpu.memory_space<vmem>>
        %dma_wait3A_1271 = arith.constant 0 : i32
        %dma_wait3A_1272 = arith.constant 0 : i32
        %dma_wait3A_1273 = tpu.memref_slice %arg20[%dma_wait3A_1271, %dma_wait3A_1272] : memref<10000x16xf32, #tpu.memory_space<vmem_shared>> -> memref<10000x16xf32, #tpu.memory_space<vmem_shared>>
        tpu.wait_indirect_dma semaphore(%arg16 : memref<!tpu.dma_semaphore, #tpu.memory_space<semaphore_mem>>) src(%dma_wait3A_1268 : memref<128x16xf32, #tpu.memory_space<vmem>>) dst(%dma_wait3A_1273 : memref<10000x16xf32, #tpu.memory_space<vmem_shared>>)
        %dma_wait3A_1274 = arith.constant 5 : i32
        %dma_wait3A_1275 = arith.constant 0 : i32
        %dma_wait3A_1276 = arith.constant 0 : i32
        %dma_wait3A_1277 = arith.constant 0 : i32
        %dma_wait3A_1278 = tpu.memref_slice %arg12[%cond3A_854, %dma_wait3A_1275, %dma_wait3A_1276, %dma_wait3A_1277] : memref<2x6x128x16xf32, #tpu.memory_space<vmem>> -> memref<1x6x128x16xf32, #tpu.memory_space<vmem>>
        %dma_wait3A_1279 = tpu.memref_squeeze %dma_wait3A_1278 : memref<1x6x128x16xf32, #tpu.memory_space<vmem>> -> memref<6x128x16xf32, #tpu.memory_space<vmem>>
        %dma_wait3A_1280 = arith.constant 0 : i32
        %dma_wait3A_1281 = arith.constant 0 : i32
        %dma_wait3A_1282 = tpu.memref_slice %dma_wait3A_1279[%dma_wait3A_1274, %dma_wait3A_1280, %dma_wait3A_1281] : memref<6x128x16xf32, #tpu.memory_space<vmem>> -> memref<1x128x16xf32, #tpu.memory_space<vmem>>
        %dma_wait3A_1283 = tpu.memref_squeeze %dma_wait3A_1282 : memref<1x128x16xf32, #tpu.memory_space<vmem>> -> memref<128x16xf32, #tpu.memory_space<vmem>>
        %dma_wait3A_1284 = arith.constant 0 : i32
        %dma_wait3A_1285 = tpu.memref_slice %arg11[%dma_wait3A_1284] : memref<20096xi32, #tpu.memory_space<vmem>> -> memref<128xi32, #tpu.memory_space<vmem>>
        %dma_wait3A_1286 = arith.constant 0 : i32
        %dma_wait3A_1287 = arith.constant 0 : i32
        %dma_wait3A_1288 = tpu.memref_slice %arg20[%dma_wait3A_1286, %dma_wait3A_1287] : memref<10000x16xf32, #tpu.memory_space<vmem_shared>> -> memref<10000x16xf32, #tpu.memory_space<vmem_shared>>
        tpu.wait_indirect_dma semaphore(%arg16 : memref<!tpu.dma_semaphore, #tpu.memory_space<semaphore_mem>>) src(%dma_wait3A_1283 : memref<128x16xf32, #tpu.memory_space<vmem>>) dst(%dma_wait3A_1288 : memref<10000x16xf32, #tpu.memory_space<vmem_shared>>)
      } else {
      }
      %mul3A_857 = arith.constant 6 : i32
      %mul3A_858 = arith.muli %add3A_850, %mul3A_857 : i32
      %add3A_859 = arith.constant 0 : i32
      %add3A_860 = arith.addi %mul3A_858, %add3A_859 : i32
      %mul3A_861 = arith.constant 128 : i32
      %mul3A_862 = arith.muli %add3A_860, %mul3A_861 : i32
      %dma_start3A_863 = arith.constant 1 : i32
      %dma_start3A_864 = arith.constant 0 : i32
      %dma_start3A_865 = arith.constant 0 : i32
      %dma_start3A_866 = arith.constant 0 : i32
      %dma_start3A_867 = arith.constant 0 : i32
      %dma_start3A_868 = tpu.memref_slice %arg12[%dma_start3A_863, %dma_start3A_865, %dma_start3A_866, %dma_start3A_867] : memref<2x6x128x16xf32, #tpu.memory_space<vmem>> -> memref<1x6x128x16xf32, #tpu.memory_space<vmem>>
      %dma_start3A_869 = tpu.memref_squeeze %dma_start3A_868 : memref<1x6x128x16xf32, #tpu.memory_space<vmem>> -> memref<6x128x16xf32, #tpu.memory_space<vmem>>
      %dma_start3A_870 = arith.constant 0 : i32
      %dma_start3A_871 = arith.constant 0 : i32
      %dma_start3A_872 = tpu.memref_slice %dma_start3A_869[%dma_start3A_864, %dma_start3A_870, %dma_start3A_871] : memref<6x128x16xf32, #tpu.memory_space<vmem>> -> memref<1x128x16xf32, #tpu.memory_space<vmem>>
      %dma_start3A_873 = tpu.memref_squeeze %dma_start3A_872 : memref<1x128x16xf32, #tpu.memory_space<vmem>> -> memref<128x16xf32, #tpu.memory_space<vmem>>
      %dma_start3A_874 = tpu.memref_slice %arg10[%mul3A_862] : memref<20096xi32, #tpu.memory_space<vmem>> -> memref<128xi32, #tpu.memory_space<vmem>>
      %dma_start3A_875 = arith.constant 0 : i32
      %dma_start3A_876 = arith.constant 0 : i32
      %dma_start3A_877 = tpu.memref_slice %arg18[%dma_start3A_875, %dma_start3A_876] : memref<10000x16xf32, #tpu.memory_space<vmem_shared>> -> memref<10000x16xf32, #tpu.memory_space<vmem_shared>>
      tpu.enqueue_indirect_dma source(%dma_start3A_877 : memref<10000x16xf32, #tpu.memory_space<vmem_shared>>) target(%dma_start3A_873 : memref<128x16xf32, #tpu.memory_space<vmem>>) offsets(%dma_start3A_874 : memref<128xi32, #tpu.memory_space<vmem>>) semaphore(%arg14 : memref<!tpu.dma_semaphore, #tpu.memory_space<semaphore_mem>>)
      %mul3A_878 = arith.constant 6 : i32
      %mul3A_879 = arith.muli %add3A_850, %mul3A_878 : i32
      %add3A_880 = arith.constant 1 : i32
      %add3A_881 = arith.addi %mul3A_879, %add3A_880 : i32
      %mul3A_882 = arith.constant 128 : i32
      %mul3A_883 = arith.muli %add3A_881, %mul3A_882 : i32
      %dma_start3A_884 = arith.constant 1 : i32
      %dma_start3A_885 = arith.constant 1 : i32
      %dma_start3A_886 = arith.constant 0 : i32
      %dma_start3A_887 = arith.constant 0 : i32
      %dma_start3A_888 = arith.constant 0 : i32
      %dma_start3A_889 = tpu.memref_slice %arg12[%dma_start3A_884, %dma_start3A_886, %dma_start3A_887, %dma_start3A_888] : memref<2x6x128x16xf32, #tpu.memory_space<vmem>> -> memref<1x6x128x16xf32, #tpu.memory_space<vmem>>
      %dma_start3A_890 = tpu.memref_squeeze %dma_start3A_889 : memref<1x6x128x16xf32, #tpu.memory_space<vmem>> -> memref<6x128x16xf32, #tpu.memory_space<vmem>>
      %dma_start3A_891 = arith.constant 0 : i32
      %dma_start3A_892 = arith.constant 0 : i32
      %dma_start3A_893 = tpu.memref_slice %dma_start3A_890[%dma_start3A_885, %dma_start3A_891, %dma_start3A_892] : memref<6x128x16xf32, #tpu.memory_space<vmem>> -> memref<1x128x16xf32, #tpu.memory_space<vmem>>
      %dma_start3A_894 = tpu.memref_squeeze %dma_start3A_893 : memref<1x128x16xf32, #tpu.memory_space<vmem>> -> memref<128x16xf32, #tpu.memory_space<vmem>>
      %dma_start3A_895 = tpu.memref_slice %arg10[%mul3A_883] : memref<20096xi32, #tpu.memory_space<vmem>> -> memref<128xi32, #tpu.memory_space<vmem>>
      %dma_start3A_896 = arith.constant 0 : i32
      %dma_start3A_897 = arith.constant 0 : i32
      %dma_start3A_898 = tpu.memref_slice %arg18[%dma_start3A_896, %dma_start3A_897] : memref<10000x16xf32, #tpu.memory_space<vmem_shared>> -> memref<10000x16xf32, #tpu.memory_space<vmem_shared>>
      tpu.enqueue_indirect_dma source(%dma_start3A_898 : memref<10000x16xf32, #tpu.memory_space<vmem_shared>>) target(%dma_start3A_894 : memref<128x16xf32, #tpu.memory_space<vmem>>) offsets(%dma_start3A_895 : memref<128xi32, #tpu.memory_space<vmem>>) semaphore(%arg14 : memref<!tpu.dma_semaphore, #tpu.memory_space<semaphore_mem>>)
      %mul3A_899 = arith.constant 6 : i32
      %mul3A_900 = arith.muli %add3A_850, %mul3A_899 : i32
      %add3A_901 = arith.constant 2 : i32
      %add3A_902 = arith.addi %mul3A_900, %add3A_901 : i32
      %mul3A_903 = arith.constant 128 : i32
      %mul3A_904 = arith.muli %add3A_902, %mul3A_903 : i32
      %dma_start3A_905 = arith.constant 1 : i32
      %dma_start3A_906 = arith.constant 2 : i32
      %dma_start3A_907 = arith.constant 0 : i32
      %dma_start3A_908 = arith.constant 0 : i32
      %dma_start3A_909 = arith.constant 0 : i32
      %dma_start3A_910 = tpu.memref_slice %arg12[%dma_start3A_905, %dma_start3A_907, %dma_start3A_908, %dma_start3A_909] : memref<2x6x128x16xf32, #tpu.memory_space<vmem>> -> memref<1x6x128x16xf32, #tpu.memory_space<vmem>>
      %dma_start3A_911 = tpu.memref_squeeze %dma_start3A_910 : memref<1x6x128x16xf32, #tpu.memory_space<vmem>> -> memref<6x128x16xf32, #tpu.memory_space<vmem>>
      %dma_start3A_912 = arith.constant 0 : i32
      %dma_start3A_913 = arith.constant 0 : i32
      %dma_start3A_914 = tpu.memref_slice %dma_start3A_911[%dma_start3A_906, %dma_start3A_912, %dma_start3A_913] : memref<6x128x16xf32, #tpu.memory_space<vmem>> -> memref<1x128x16xf32, #tpu.memory_space<vmem>>
      %dma_start3A_915 = tpu.memref_squeeze %dma_start3A_914 : memref<1x128x16xf32, #tpu.memory_space<vmem>> -> memref<128x16xf32, #tpu.memory_space<vmem>>
      %dma_start3A_916 = tpu.memref_slice %arg10[%mul3A_904] : memref<20096xi32, #tpu.memory_space<vmem>> -> memref<128xi32, #tpu.memory_space<vmem>>
      %dma_start3A_917 = arith.constant 0 : i32
      %dma_start3A_918 = arith.constant 0 : i32
      %dma_start3A_919 = tpu.memref_slice %arg18[%dma_start3A_917, %dma_start3A_918] : memref<10000x16xf32, #tpu.memory_space<vmem_shared>> -> memref<10000x16xf32, #tpu.memory_space<vmem_shared>>
      tpu.enqueue_indirect_dma source(%dma_start3A_919 : memref<10000x16xf32, #tpu.memory_space<vmem_shared>>) target(%dma_start3A_915 : memref<128x16xf32, #tpu.memory_space<vmem>>) offsets(%dma_start3A_916 : memref<128xi32, #tpu.memory_space<vmem>>) semaphore(%arg14 : memref<!tpu.dma_semaphore, #tpu.memory_space<semaphore_mem>>)
      %mul3A_920 = arith.constant 6 : i32
      %mul3A_921 = arith.muli %add3A_850, %mul3A_920 : i32
      %add3A_922 = arith.constant 3 : i32
      %add3A_923 = arith.addi %mul3A_921, %add3A_922 : i32
      %mul3A_924 = arith.constant 128 : i32
      %mul3A_925 = arith.muli %add3A_923, %mul3A_924 : i32
      %dma_start3A_926 = arith.constant 1 : i32
      %dma_start3A_927 = arith.constant 3 : i32
      %dma_start3A_928 = arith.constant 0 : i32
      %dma_start3A_929 = arith.constant 0 : i32
      %dma_start3A_930 = arith.constant 0 : i32
      %dma_start3A_931 = tpu.memref_slice %arg12[%dma_start3A_926, %dma_start3A_928, %dma_start3A_929, %dma_start3A_930] : memref<2x6x128x16xf32, #tpu.memory_space<vmem>> -> memref<1x6x128x16xf32, #tpu.memory_space<vmem>>
      %dma_start3A_932 = tpu.memref_squeeze %dma_start3A_931 : memref<1x6x128x16xf32, #tpu.memory_space<vmem>> -> memref<6x128x16xf32, #tpu.memory_space<vmem>>
      %dma_start3A_933 = arith.constant 0 : i32
      %dma_start3A_934 = arith.constant 0 : i32
      %dma_start3A_935 = tpu.memref_slice %dma_start3A_932[%dma_start3A_927, %dma_start3A_933, %dma_start3A_934] : memref<6x128x16xf32, #tpu.memory_space<vmem>> -> memref<1x128x16xf32, #tpu.memory_space<vmem>>
      %dma_start3A_936 = tpu.memref_squeeze %dma_start3A_935 : memref<1x128x16xf32, #tpu.memory_space<vmem>> -> memref<128x16xf32, #tpu.memory_space<vmem>>
      %dma_start3A_937 = tpu.memref_slice %arg10[%mul3A_925] : memref<20096xi32, #tpu.memory_space<vmem>> -> memref<128xi32, #tpu.memory_space<vmem>>
      %dma_start3A_938 = arith.constant 0 : i32
      %dma_start3A_939 = arith.constant 0 : i32
      %dma_start3A_940 = tpu.memref_slice %arg18[%dma_start3A_938, %dma_start3A_939] : memref<10000x16xf32, #tpu.memory_space<vmem_shared>> -> memref<10000x16xf32, #tpu.memory_space<vmem_shared>>
      tpu.enqueue_indirect_dma source(%dma_start3A_940 : memref<10000x16xf32, #tpu.memory_space<vmem_shared>>) target(%dma_start3A_936 : memref<128x16xf32, #tpu.memory_space<vmem>>) offsets(%dma_start3A_937 : memref<128xi32, #tpu.memory_space<vmem>>) semaphore(%arg14 : memref<!tpu.dma_semaphore, #tpu.memory_space<semaphore_mem>>)
      %mul3A_941 = arith.constant 6 : i32
      %mul3A_942 = arith.muli %add3A_850, %mul3A_941 : i32
      %add3A_943 = arith.constant 4 : i32
      %add3A_944 = arith.addi %mul3A_942, %add3A_943 : i32
      %mul3A_945 = arith.constant 128 : i32
      %mul3A_946 = arith.muli %add3A_944, %mul3A_945 : i32
      %dma_start3A_947 = arith.constant 1 : i32
      %dma_start3A_948 = arith.constant 4 : i32
      %dma_start3A_949 = arith.constant 0 : i32
      %dma_start3A_950 = arith.constant 0 : i32
      %dma_start3A_951 = arith.constant 0 : i32
      %dma_start3A_952 = tpu.memref_slice %arg12[%dma_start3A_947, %dma_start3A_949, %dma_start3A_950, %dma_start3A_951] : memref<2x6x128x16xf32, #tpu.memory_space<vmem>> -> memref<1x6x128x16xf32, #tpu.memory_space<vmem>>
      %dma_start3A_953 = tpu.memref_squeeze %dma_start3A_952 : memref<1x6x128x16xf32, #tpu.memory_space<vmem>> -> memref<6x128x16xf32, #tpu.memory_space<vmem>>
      %dma_start3A_954 = arith.constant 0 : i32
      %dma_start3A_955 = arith.constant 0 : i32
      %dma_start3A_956 = tpu.memref_slice %dma_start3A_953[%dma_start3A_948, %dma_start3A_954, %dma_start3A_955] : memref<6x128x16xf32, #tpu.memory_space<vmem>> -> memref<1x128x16xf32, #tpu.memory_space<vmem>>
      %dma_start3A_957 = tpu.memref_squeeze %dma_start3A_956 : memref<1x128x16xf32, #tpu.memory_space<vmem>> -> memref<128x16xf32, #tpu.memory_space<vmem>>
      %dma_start3A_958 = tpu.memref_slice %arg10[%mul3A_946] : memref<20096xi32, #tpu.memory_space<vmem>> -> memref<128xi32, #tpu.memory_space<vmem>>
      %dma_start3A_959 = arith.constant 0 : i32
      %dma_start3A_960 = arith.constant 0 : i32
      %dma_start3A_961 = tpu.memref_slice %arg18[%dma_start3A_959, %dma_start3A_960] : memref<10000x16xf32, #tpu.memory_space<vmem_shared>> -> memref<10000x16xf32, #tpu.memory_space<vmem_shared>>
      tpu.enqueue_indirect_dma source(%dma_start3A_961 : memref<10000x16xf32, #tpu.memory_space<vmem_shared>>) target(%dma_start3A_957 : memref<128x16xf32, #tpu.memory_space<vmem>>) offsets(%dma_start3A_958 : memref<128xi32, #tpu.memory_space<vmem>>) semaphore(%arg14 : memref<!tpu.dma_semaphore, #tpu.memory_space<semaphore_mem>>)
      %mul3A_962 = arith.constant 6 : i32
      %mul3A_963 = arith.muli %add3A_850, %mul3A_962 : i32
      %add3A_964 = arith.constant 5 : i32
      %add3A_965 = arith.addi %mul3A_963, %add3A_964 : i32
      %mul3A_966 = arith.constant 128 : i32
      %mul3A_967 = arith.muli %add3A_965, %mul3A_966 : i32
      %dma_start3A_968 = arith.constant 1 : i32
      %dma_start3A_969 = arith.constant 5 : i32
      %dma_start3A_970 = arith.constant 0 : i32
      %dma_start3A_971 = arith.constant 0 : i32
      %dma_start3A_972 = arith.constant 0 : i32
      %dma_start3A_973 = tpu.memref_slice %arg12[%dma_start3A_968, %dma_start3A_970, %dma_start3A_971, %dma_start3A_972] : memref<2x6x128x16xf32, #tpu.memory_space<vmem>> -> memref<1x6x128x16xf32, #tpu.memory_space<vmem>>
      %dma_start3A_974 = tpu.memref_squeeze %dma_start3A_973 : memref<1x6x128x16xf32, #tpu.memory_space<vmem>> -> memref<6x128x16xf32, #tpu.memory_space<vmem>>
      %dma_start3A_975 = arith.constant 0 : i32
      %dma_start3A_976 = arith.constant 0 : i32
      %dma_start3A_977 = tpu.memref_slice %dma_start3A_974[%dma_start3A_969, %dma_start3A_975, %dma_start3A_976] : memref<6x128x16xf32, #tpu.memory_space<vmem>> -> memref<1x128x16xf32, #tpu.memory_space<vmem>>
      %dma_start3A_978 = tpu.memref_squeeze %dma_start3A_977 : memref<1x128x16xf32, #tpu.memory_space<vmem>> -> memref<128x16xf32, #tpu.memory_space<vmem>>
      %dma_start3A_979 = tpu.memref_slice %arg10[%mul3A_967] : memref<20096xi32, #tpu.memory_space<vmem>> -> memref<128xi32, #tpu.memory_space<vmem>>
      %dma_start3A_980 = arith.constant 0 : i32
      %dma_start3A_981 = arith.constant 0 : i32
      %dma_start3A_982 = tpu.memref_slice %arg18[%dma_start3A_980, %dma_start3A_981] : memref<10000x16xf32, #tpu.memory_space<vmem_shared>> -> memref<10000x16xf32, #tpu.memory_space<vmem_shared>>
      tpu.enqueue_indirect_dma source(%dma_start3A_982 : memref<10000x16xf32, #tpu.memory_space<vmem_shared>>) target(%dma_start3A_978 : memref<128x16xf32, #tpu.memory_space<vmem>>) offsets(%dma_start3A_979 : memref<128xi32, #tpu.memory_space<vmem>>) semaphore(%arg14 : memref<!tpu.dma_semaphore, #tpu.memory_space<semaphore_mem>>)
      %mul3A_983 = arith.constant 6 : i32
      %mul3A_984 = arith.muli %add3A_850, %mul3A_983 : i32
      %add3A_985 = arith.constant 0 : i32
      %add3A_986 = arith.addi %mul3A_984, %add3A_985 : i32
      %dma_wait3A_987 = arith.constant 1 : i32
      %dma_wait3A_988 = arith.constant 0 : i32
      %dma_wait3A_989 = arith.constant 0 : i32
      %dma_wait3A_990 = arith.constant 0 : i32
      %dma_wait3A_991 = arith.constant 0 : i32
      %dma_wait3A_992 = tpu.memref_slice %arg12[%dma_wait3A_987, %dma_wait3A_989, %dma_wait3A_990, %dma_wait3A_991] : memref<2x6x128x16xf32, #tpu.memory_space<vmem>> -> memref<1x6x128x16xf32, #tpu.memory_space<vmem>>
      %dma_wait3A_993 = tpu.memref_squeeze %dma_wait3A_992 : memref<1x6x128x16xf32, #tpu.memory_space<vmem>> -> memref<6x128x16xf32, #tpu.memory_space<vmem>>
      %dma_wait3A_994 = arith.constant 0 : i32
      %dma_wait3A_995 = arith.constant 0 : i32
      %dma_wait3A_996 = tpu.memref_slice %dma_wait3A_993[%dma_wait3A_988, %dma_wait3A_994, %dma_wait3A_995] : memref<6x128x16xf32, #tpu.memory_space<vmem>> -> memref<1x128x16xf32, #tpu.memory_space<vmem>>
      %dma_wait3A_997 = tpu.memref_squeeze %dma_wait3A_996 : memref<1x128x16xf32, #tpu.memory_space<vmem>> -> memref<128x16xf32, #tpu.memory_space<vmem>>
      %dma_wait3A_998 = tpu.memref_slice %arg10[%mul3A_862] : memref<20096xi32, #tpu.memory_space<vmem>> -> memref<128xi32, #tpu.memory_space<vmem>>
      %dma_wait3A_999 = arith.constant 0 : i32
      %dma_wait3A_1000 = arith.constant 0 : i32
      %dma_wait3A_1001 = tpu.memref_slice %arg18[%dma_wait3A_999, %dma_wait3A_1000] : memref<10000x16xf32, #tpu.memory_space<vmem_shared>> -> memref<10000x16xf32, #tpu.memory_space<vmem_shared>>
      tpu.wait_indirect_dma semaphore(%arg14 : memref<!tpu.dma_semaphore, #tpu.memory_space<semaphore_mem>>) src(%dma_wait3A_1001 : memref<10000x16xf32, #tpu.memory_space<vmem_shared>>) dst(%dma_wait3A_997 : memref<128x16xf32, #tpu.memory_space<vmem>>)
      %mul3A_1002 = arith.constant 128 : i32
      %mul3A_1003 = arith.muli %add3A_986, %mul3A_1002 : i32
      %dma_start3A_1004 = arith.constant 1 : i32
      %dma_start3A_1005 = arith.constant 0 : i32
      %dma_start3A_1006 = arith.constant 0 : i32
      %dma_start3A_1007 = arith.constant 0 : i32
      %dma_start3A_1008 = arith.constant 0 : i32
      %dma_start3A_1009 = tpu.memref_slice %arg12[%dma_start3A_1004, %dma_start3A_1006, %dma_start3A_1007, %dma_start3A_1008] : memref<2x6x128x16xf32, #tpu.memory_space<vmem>> -> memref<1x6x128x16xf32, #tpu.memory_space<vmem>>
      %dma_start3A_1010 = tpu.memref_squeeze %dma_start3A_1009 : memref<1x6x128x16xf32, #tpu.memory_space<vmem>> -> memref<6x128x16xf32, #tpu.memory_space<vmem>>
      %dma_start3A_1011 = arith.constant 0 : i32
      %dma_start3A_1012 = arith.constant 0 : i32
      %dma_start3A_1013 = tpu.memref_slice %dma_start3A_1010[%dma_start3A_1005, %dma_start3A_1011, %dma_start3A_1012] : memref<6x128x16xf32, #tpu.memory_space<vmem>> -> memref<1x128x16xf32, #tpu.memory_space<vmem>>
      %dma_start3A_1014 = tpu.memref_squeeze %dma_start3A_1013 : memref<1x128x16xf32, #tpu.memory_space<vmem>> -> memref<128x16xf32, #tpu.memory_space<vmem>>
      %dma_start3A_1015 = tpu.memref_slice %arg11[%mul3A_1003] : memref<20096xi32, #tpu.memory_space<vmem>> -> memref<128xi32, #tpu.memory_space<vmem>>
      %dma_start3A_1016 = arith.constant 0 : i32
      %dma_start3A_1017 = arith.constant 0 : i32
      %dma_start3A_1018 = tpu.memref_slice %arg20[%dma_start3A_1016, %dma_start3A_1017] : memref<10000x16xf32, #tpu.memory_space<vmem_shared>> -> memref<10000x16xf32, #tpu.memory_space<vmem_shared>>
      tpu.enqueue_indirect_dma source(%dma_start3A_1014 : memref<128x16xf32, #tpu.memory_space<vmem>>) target(%dma_start3A_1018 : memref<10000x16xf32, #tpu.memory_space<vmem_shared>>) offsets(%dma_start3A_1015 : memref<128xi32, #tpu.memory_space<vmem>>) semaphore(%arg16 : memref<!tpu.dma_semaphore, #tpu.memory_space<semaphore_mem>>) {add = true}
      %mul3A_1019 = arith.constant 6 : i32
      %mul3A_1020 = arith.muli %add3A_850, %mul3A_1019 : i32
      %add3A_1021 = arith.constant 1 : i32
      %add3A_1022 = arith.addi %mul3A_1020, %add3A_1021 : i32
      %dma_wait3A_1023 = arith.constant 1 : i32
      %dma_wait3A_1024 = arith.constant 1 : i32
      %dma_wait3A_1025 = arith.constant 0 : i32
      %dma_wait3A_1026 = arith.constant 0 : i32
      %dma_wait3A_1027 = arith.constant 0 : i32
      %dma_wait3A_1028 = tpu.memref_slice %arg12[%dma_wait3A_1023, %dma_wait3A_1025, %dma_wait3A_1026, %dma_wait3A_1027] : memref<2x6x128x16xf32, #tpu.memory_space<vmem>> -> memref<1x6x128x16xf32, #tpu.memory_space<vmem>>
      %dma_wait3A_1029 = tpu.memref_squeeze %dma_wait3A_1028 : memref<1x6x128x16xf32, #tpu.memory_space<vmem>> -> memref<6x128x16xf32, #tpu.memory_space<vmem>>
      %dma_wait3A_1030 = arith.constant 0 : i32
      %dma_wait3A_1031 = arith.constant 0 : i32
      %dma_wait3A_1032 = tpu.memref_slice %dma_wait3A_1029[%dma_wait3A_1024, %dma_wait3A_1030, %dma_wait3A_1031] : memref<6x128x16xf32, #tpu.memory_space<vmem>> -> memref<1x128x16xf32, #tpu.memory_space<vmem>>
      %dma_wait3A_1033 = tpu.memref_squeeze %dma_wait3A_1032 : memref<1x128x16xf32, #tpu.memory_space<vmem>> -> memref<128x16xf32, #tpu.memory_space<vmem>>
      %dma_wait3A_1034 = tpu.memref_slice %arg10[%mul3A_883] : memref<20096xi32, #tpu.memory_space<vmem>> -> memref<128xi32, #tpu.memory_space<vmem>>
      %dma_wait3A_1035 = arith.constant 0 : i32
      %dma_wait3A_1036 = arith.constant 0 : i32
      %dma_wait3A_1037 = tpu.memref_slice %arg18[%dma_wait3A_1035, %dma_wait3A_1036] : memref<10000x16xf32, #tpu.memory_space<vmem_shared>> -> memref<10000x16xf32, #tpu.memory_space<vmem_shared>>
      tpu.wait_indirect_dma semaphore(%arg14 : memref<!tpu.dma_semaphore, #tpu.memory_space<semaphore_mem>>) src(%dma_wait3A_1037 : memref<10000x16xf32, #tpu.memory_space<vmem_shared>>) dst(%dma_wait3A_1033 : memref<128x16xf32, #tpu.memory_space<vmem>>)
      %mul3A_1038 = arith.constant 128 : i32
      %mul3A_1039 = arith.muli %add3A_1022, %mul3A_1038 : i32
      %dma_start3A_1040 = arith.constant 1 : i32
      %dma_start3A_1041 = arith.constant 1 : i32
      %dma_start3A_1042 = arith.constant 0 : i32
      %dma_start3A_1043 = arith.constant 0 : i32
      %dma_start3A_1044 = arith.constant 0 : i32
      %dma_start3A_1045 = tpu.memref_slice %arg12[%dma_start3A_1040, %dma_start3A_1042, %dma_start3A_1043, %dma_start3A_1044] : memref<2x6x128x16xf32, #tpu.memory_space<vmem>> -> memref<1x6x128x16xf32, #tpu.memory_space<vmem>>
      %dma_start3A_1046 = tpu.memref_squeeze %dma_start3A_1045 : memref<1x6x128x16xf32, #tpu.memory_space<vmem>> -> memref<6x128x16xf32, #tpu.memory_space<vmem>>
      %dma_start3A_1047 = arith.constant 0 : i32
      %dma_start3A_1048 = arith.constant 0 : i32
      %dma_start3A_1049 = tpu.memref_slice %dma_start3A_1046[%dma_start3A_1041, %dma_start3A_1047, %dma_start3A_1048] : memref<6x128x16xf32, #tpu.memory_space<vmem>> -> memref<1x128x16xf32, #tpu.memory_space<vmem>>
      %dma_start3A_1050 = tpu.memref_squeeze %dma_start3A_1049 : memref<1x128x16xf32, #tpu.memory_space<vmem>> -> memref<128x16xf32, #tpu.memory_space<vmem>>
      %dma_start3A_1051 = tpu.memref_slice %arg11[%mul3A_1039] : memref<20096xi32, #tpu.memory_space<vmem>> -> memref<128xi32, #tpu.memory_space<vmem>>
      %dma_start3A_1052 = arith.constant 0 : i32
      %dma_start3A_1053 = arith.constant 0 : i32
      %dma_start3A_1054 = tpu.memref_slice %arg20[%dma_start3A_1052, %dma_start3A_1053] : memref<10000x16xf32, #tpu.memory_space<vmem_shared>> -> memref<10000x16xf32, #tpu.memory_space<vmem_shared>>
      tpu.enqueue_indirect_dma source(%dma_start3A_1050 : memref<128x16xf32, #tpu.memory_space<vmem>>) target(%dma_start3A_1054 : memref<10000x16xf32, #tpu.memory_space<vmem_shared>>) offsets(%dma_start3A_1051 : memref<128xi32, #tpu.memory_space<vmem>>) semaphore(%arg16 : memref<!tpu.dma_semaphore, #tpu.memory_space<semaphore_mem>>) {add = true}
      %mul3A_1055 = arith.constant 6 : i32
      %mul3A_1056 = arith.muli %add3A_850, %mul3A_1055 : i32
      %add3A_1057 = arith.constant 2 : i32
      %add3A_1058 = arith.addi %mul3A_1056, %add3A_1057 : i32
      %dma_wait3A_1059 = arith.constant 1 : i32
      %dma_wait3A_1060 = arith.constant 2 : i32
      %dma_wait3A_1061 = arith.constant 0 : i32
      %dma_wait3A_1062 = arith.constant 0 : i32
      %dma_wait3A_1063 = arith.constant 0 : i32
      %dma_wait3A_1064 = tpu.memref_slice %arg12[%dma_wait3A_1059, %dma_wait3A_1061, %dma_wait3A_1062, %dma_wait3A_1063] : memref<2x6x128x16xf32, #tpu.memory_space<vmem>> -> memref<1x6x128x16xf32, #tpu.memory_space<vmem>>
      %dma_wait3A_1065 = tpu.memref_squeeze %dma_wait3A_1064 : memref<1x6x128x16xf32, #tpu.memory_space<vmem>> -> memref<6x128x16xf32, #tpu.memory_space<vmem>>
      %dma_wait3A_1066 = arith.constant 0 : i32
      %dma_wait3A_1067 = arith.constant 0 : i32
      %dma_wait3A_1068 = tpu.memref_slice %dma_wait3A_1065[%dma_wait3A_1060, %dma_wait3A_1066, %dma_wait3A_1067] : memref<6x128x16xf32, #tpu.memory_space<vmem>> -> memref<1x128x16xf32, #tpu.memory_space<vmem>>
      %dma_wait3A_1069 = tpu.memref_squeeze %dma_wait3A_1068 : memref<1x128x16xf32, #tpu.memory_space<vmem>> -> memref<128x16xf32, #tpu.memory_space<vmem>>
      %dma_wait3A_1070 = tpu.memref_slice %arg10[%mul3A_904] : memref<20096xi32, #tpu.memory_space<vmem>> -> memref<128xi32, #tpu.memory_space<vmem>>
      %dma_wait3A_1071 = arith.constant 0 : i32
      %dma_wait3A_1072 = arith.constant 0 : i32
      %dma_wait3A_1073 = tpu.memref_slice %arg18[%dma_wait3A_1071, %dma_wait3A_1072] : memref<10000x16xf32, #tpu.memory_space<vmem_shared>> -> memref<10000x16xf32, #tpu.memory_space<vmem_shared>>
      tpu.wait_indirect_dma semaphore(%arg14 : memref<!tpu.dma_semaphore, #tpu.memory_space<semaphore_mem>>) src(%dma_wait3A_1073 : memref<10000x16xf32, #tpu.memory_space<vmem_shared>>) dst(%dma_wait3A_1069 : memref<128x16xf32, #tpu.memory_space<vmem>>)
      %mul3A_1074 = arith.constant 128 : i32
      %mul3A_1075 = arith.muli %add3A_1058, %mul3A_1074 : i32
      %dma_start3A_1076 = arith.constant 1 : i32
      %dma_start3A_1077 = arith.constant 2 : i32
      %dma_start3A_1078 = arith.constant 0 : i32
      %dma_start3A_1079 = arith.constant 0 : i32
      %dma_start3A_1080 = arith.constant 0 : i32
      %dma_start3A_1081 = tpu.memref_slice %arg12[%dma_start3A_1076, %dma_start3A_1078, %dma_start3A_1079, %dma_start3A_1080] : memref<2x6x128x16xf32, #tpu.memory_space<vmem>> -> memref<1x6x128x16xf32, #tpu.memory_space<vmem>>
      %dma_start3A_1082 = tpu.memref_squeeze %dma_start3A_1081 : memref<1x6x128x16xf32, #tpu.memory_space<vmem>> -> memref<6x128x16xf32, #tpu.memory_space<vmem>>
      %dma_start3A_1083 = arith.constant 0 : i32
      %dma_start3A_1084 = arith.constant 0 : i32
      %dma_start3A_1085 = tpu.memref_slice %dma_start3A_1082[%dma_start3A_1077, %dma_start3A_1083, %dma_start3A_1084] : memref<6x128x16xf32, #tpu.memory_space<vmem>> -> memref<1x128x16xf32, #tpu.memory_space<vmem>>
      %dma_start3A_1086 = tpu.memref_squeeze %dma_start3A_1085 : memref<1x128x16xf32, #tpu.memory_space<vmem>> -> memref<128x16xf32, #tpu.memory_space<vmem>>
      %dma_start3A_1087 = tpu.memref_slice %arg11[%mul3A_1075] : memref<20096xi32, #tpu.memory_space<vmem>> -> memref<128xi32, #tpu.memory_space<vmem>>
      %dma_start3A_1088 = arith.constant 0 : i32
      %dma_start3A_1089 = arith.constant 0 : i32
      %dma_start3A_1090 = tpu.memref_slice %arg20[%dma_start3A_1088, %dma_start3A_1089] : memref<10000x16xf32, #tpu.memory_space<vmem_shared>> -> memref<10000x16xf32, #tpu.memory_space<vmem_shared>>
      tpu.enqueue_indirect_dma source(%dma_start3A_1086 : memref<128x16xf32, #tpu.memory_space<vmem>>) target(%dma_start3A_1090 : memref<10000x16xf32, #tpu.memory_space<vmem_shared>>) offsets(%dma_start3A_1087 : memref<128xi32, #tpu.memory_space<vmem>>) semaphore(%arg16 : memref<!tpu.dma_semaphore, #tpu.memory_space<semaphore_mem>>) {add = true}
      %mul3A_1091 = arith.constant 6 : i32
      %mul3A_1092 = arith.muli %add3A_850, %mul3A_1091 : i32
      %add3A_1093 = arith.constant 3 : i32
      %add3A_1094 = arith.addi %mul3A_1092, %add3A_1093 : i32
      %dma_wait3A_1095 = arith.constant 1 : i32
      %dma_wait3A_1096 = arith.constant 3 : i32
      %dma_wait3A_1097 = arith.constant 0 : i32
      %dma_wait3A_1098 = arith.constant 0 : i32
      %dma_wait3A_1099 = arith.constant 0 : i32
      %dma_wait3A_1100 = tpu.memref_slice %arg12[%dma_wait3A_1095, %dma_wait3A_1097, %dma_wait3A_1098, %dma_wait3A_1099] : memref<2x6x128x16xf32, #tpu.memory_space<vmem>> -> memref<1x6x128x16xf32, #tpu.memory_space<vmem>>
      %dma_wait3A_1101 = tpu.memref_squeeze %dma_wait3A_1100 : memref<1x6x128x16xf32, #tpu.memory_space<vmem>> -> memref<6x128x16xf32, #tpu.memory_space<vmem>>
      %dma_wait3A_1102 = arith.constant 0 : i32
      %dma_wait3A_1103 = arith.constant 0 : i32
      %dma_wait3A_1104 = tpu.memref_slice %dma_wait3A_1101[%dma_wait3A_1096, %dma_wait3A_1102, %dma_wait3A_1103] : memref<6x128x16xf32, #tpu.memory_space<vmem>> -> memref<1x128x16xf32, #tpu.memory_space<vmem>>
      %dma_wait3A_1105 = tpu.memref_squeeze %dma_wait3A_1104 : memref<1x128x16xf32, #tpu.memory_space<vmem>> -> memref<128x16xf32, #tpu.memory_space<vmem>>
      %dma_wait3A_1106 = tpu.memref_slice %arg10[%mul3A_925] : memref<20096xi32, #tpu.memory_space<vmem>> -> memref<128xi32, #tpu.memory_space<vmem>>
      %dma_wait3A_1107 = arith.constant 0 : i32
      %dma_wait3A_1108 = arith.constant 0 : i32
      %dma_wait3A_1109 = tpu.memref_slice %arg18[%dma_wait3A_1107, %dma_wait3A_1108] : memref<10000x16xf32, #tpu.memory_space<vmem_shared>> -> memref<10000x16xf32, #tpu.memory_space<vmem_shared>>
      tpu.wait_indirect_dma semaphore(%arg14 : memref<!tpu.dma_semaphore, #tpu.memory_space<semaphore_mem>>) src(%dma_wait3A_1109 : memref<10000x16xf32, #tpu.memory_space<vmem_shared>>) dst(%dma_wait3A_1105 : memref<128x16xf32, #tpu.memory_space<vmem>>)
      %mul3A_1110 = arith.constant 128 : i32
      %mul3A_1111 = arith.muli %add3A_1094, %mul3A_1110 : i32
      %dma_start3A_1112 = arith.constant 1 : i32
      %dma_start3A_1113 = arith.constant 3 : i32
      %dma_start3A_1114 = arith.constant 0 : i32
      %dma_start3A_1115 = arith.constant 0 : i32
      %dma_start3A_1116 = arith.constant 0 : i32
      %dma_start3A_1117 = tpu.memref_slice %arg12[%dma_start3A_1112, %dma_start3A_1114, %dma_start3A_1115, %dma_start3A_1116] : memref<2x6x128x16xf32, #tpu.memory_space<vmem>> -> memref<1x6x128x16xf32, #tpu.memory_space<vmem>>
      %dma_start3A_1118 = tpu.memref_squeeze %dma_start3A_1117 : memref<1x6x128x16xf32, #tpu.memory_space<vmem>> -> memref<6x128x16xf32, #tpu.memory_space<vmem>>
      %dma_start3A_1119 = arith.constant 0 : i32
      %dma_start3A_1120 = arith.constant 0 : i32
      %dma_start3A_1121 = tpu.memref_slice %dma_start3A_1118[%dma_start3A_1113, %dma_start3A_1119, %dma_start3A_1120] : memref<6x128x16xf32, #tpu.memory_space<vmem>> -> memref<1x128x16xf32, #tpu.memory_space<vmem>>
      %dma_start3A_1122 = tpu.memref_squeeze %dma_start3A_1121 : memref<1x128x16xf32, #tpu.memory_space<vmem>> -> memref<128x16xf32, #tpu.memory_space<vmem>>
      %dma_start3A_1123 = tpu.memref_slice %arg11[%mul3A_1111] : memref<20096xi32, #tpu.memory_space<vmem>> -> memref<128xi32, #tpu.memory_space<vmem>>
      %dma_start3A_1124 = arith.constant 0 : i32
      %dma_start3A_1125 = arith.constant 0 : i32
      %dma_start3A_1126 = tpu.memref_slice %arg20[%dma_start3A_1124, %dma_start3A_1125] : memref<10000x16xf32, #tpu.memory_space<vmem_shared>> -> memref<10000x16xf32, #tpu.memory_space<vmem_shared>>
      tpu.enqueue_indirect_dma source(%dma_start3A_1122 : memref<128x16xf32, #tpu.memory_space<vmem>>) target(%dma_start3A_1126 : memref<10000x16xf32, #tpu.memory_space<vmem_shared>>) offsets(%dma_start3A_1123 : memref<128xi32, #tpu.memory_space<vmem>>) semaphore(%arg16 : memref<!tpu.dma_semaphore, #tpu.memory_space<semaphore_mem>>) {add = true}
      %mul3A_1127 = arith.constant 6 : i32
      %mul3A_1128 = arith.muli %add3A_850, %mul3A_1127 : i32
      %add3A_1129 = arith.constant 4 : i32
      %add3A_1130 = arith.addi %mul3A_1128, %add3A_1129 : i32
      %dma_wait3A_1131 = arith.constant 1 : i32
      %dma_wait3A_1132 = arith.constant 4 : i32
      %dma_wait3A_1133 = arith.constant 0 : i32
      %dma_wait3A_1134 = arith.constant 0 : i32
      %dma_wait3A_1135 = arith.constant 0 : i32
      %dma_wait3A_1136 = tpu.memref_slice %arg12[%dma_wait3A_1131, %dma_wait3A_1133, %dma_wait3A_1134, %dma_wait3A_1135] : memref<2x6x128x16xf32, #tpu.memory_space<vmem>> -> memref<1x6x128x16xf32, #tpu.memory_space<vmem>>
      %dma_wait3A_1137 = tpu.memref_squeeze %dma_wait3A_1136 : memref<1x6x128x16xf32, #tpu.memory_space<vmem>> -> memref<6x128x16xf32, #tpu.memory_space<vmem>>
      %dma_wait3A_1138 = arith.constant 0 : i32
      %dma_wait3A_1139 = arith.constant 0 : i32
      %dma_wait3A_1140 = tpu.memref_slice %dma_wait3A_1137[%dma_wait3A_1132, %dma_wait3A_1138, %dma_wait3A_1139] : memref<6x128x16xf32, #tpu.memory_space<vmem>> -> memref<1x128x16xf32, #tpu.memory_space<vmem>>
      %dma_wait3A_1141 = tpu.memref_squeeze %dma_wait3A_1140 : memref<1x128x16xf32, #tpu.memory_space<vmem>> -> memref<128x16xf32, #tpu.memory_space<vmem>>
      %dma_wait3A_1142 = tpu.memref_slice %arg10[%mul3A_946] : memref<20096xi32, #tpu.memory_space<vmem>> -> memref<128xi32, #tpu.memory_space<vmem>>
      %dma_wait3A_1143 = arith.constant 0 : i32
      %dma_wait3A_1144 = arith.constant 0 : i32
      %dma_wait3A_1145 = tpu.memref_slice %arg18[%dma_wait3A_1143, %dma_wait3A_1144] : memref<10000x16xf32, #tpu.memory_space<vmem_shared>> -> memref<10000x16xf32, #tpu.memory_space<vmem_shared>>
      tpu.wait_indirect_dma semaphore(%arg14 : memref<!tpu.dma_semaphore, #tpu.memory_space<semaphore_mem>>) src(%dma_wait3A_1145 : memref<10000x16xf32, #tpu.memory_space<vmem_shared>>) dst(%dma_wait3A_1141 : memref<128x16xf32, #tpu.memory_space<vmem>>)
      %mul3A_1146 = arith.constant 128 : i32
      %mul3A_1147 = arith.muli %add3A_1130, %mul3A_1146 : i32
      %dma_start3A_1148 = arith.constant 1 : i32
      %dma_start3A_1149 = arith.constant 4 : i32
      %dma_start3A_1150 = arith.constant 0 : i32
      %dma_start3A_1151 = arith.constant 0 : i32
      %dma_start3A_1152 = arith.constant 0 : i32
      %dma_start3A_1153 = tpu.memref_slice %arg12[%dma_start3A_1148, %dma_start3A_1150, %dma_start3A_1151, %dma_start3A_1152] : memref<2x6x128x16xf32, #tpu.memory_space<vmem>> -> memref<1x6x128x16xf32, #tpu.memory_space<vmem>>
      %dma_start3A_1154 = tpu.memref_squeeze %dma_start3A_1153 : memref<1x6x128x16xf32, #tpu.memory_space<vmem>> -> memref<6x128x16xf32, #tpu.memory_space<vmem>>
      %dma_start3A_1155 = arith.constant 0 : i32
      %dma_start3A_1156 = arith.constant 0 : i32
      %dma_start3A_1157 = tpu.memref_slice %dma_start3A_1154[%dma_start3A_1149, %dma_start3A_1155, %dma_start3A_1156] : memref<6x128x16xf32, #tpu.memory_space<vmem>> -> memref<1x128x16xf32, #tpu.memory_space<vmem>>
      %dma_start3A_1158 = tpu.memref_squeeze %dma_start3A_1157 : memref<1x128x16xf32, #tpu.memory_space<vmem>> -> memref<128x16xf32, #tpu.memory_space<vmem>>
      %dma_start3A_1159 = tpu.memref_slice %arg11[%mul3A_1147] : memref<20096xi32, #tpu.memory_space<vmem>> -> memref<128xi32, #tpu.memory_space<vmem>>
      %dma_start3A_1160 = arith.constant 0 : i32
      %dma_start3A_1161 = arith.constant 0 : i32
      %dma_start3A_1162 = tpu.memref_slice %arg20[%dma_start3A_1160, %dma_start3A_1161] : memref<10000x16xf32, #tpu.memory_space<vmem_shared>> -> memref<10000x16xf32, #tpu.memory_space<vmem_shared>>
      tpu.enqueue_indirect_dma source(%dma_start3A_1158 : memref<128x16xf32, #tpu.memory_space<vmem>>) target(%dma_start3A_1162 : memref<10000x16xf32, #tpu.memory_space<vmem_shared>>) offsets(%dma_start3A_1159 : memref<128xi32, #tpu.memory_space<vmem>>) semaphore(%arg16 : memref<!tpu.dma_semaphore, #tpu.memory_space<semaphore_mem>>) {add = true}
      %mul3A_1163 = arith.constant 6 : i32
      %mul3A_1164 = arith.muli %add3A_850, %mul3A_1163 : i32
      %add3A_1165 = arith.constant 5 : i32
      %add3A_1166 = arith.addi %mul3A_1164, %add3A_1165 : i32
      %dma_wait3A_1167 = arith.constant 1 : i32
      %dma_wait3A_1168 = arith.constant 5 : i32
      %dma_wait3A_1169 = arith.constant 0 : i32
      %dma_wait3A_1170 = arith.constant 0 : i32
      %dma_wait3A_1171 = arith.constant 0 : i32
      %dma_wait3A_1172 = tpu.memref_slice %arg12[%dma_wait3A_1167, %dma_wait3A_1169, %dma_wait3A_1170, %dma_wait3A_1171] : memref<2x6x128x16xf32, #tpu.memory_space<vmem>> -> memref<1x6x128x16xf32, #tpu.memory_space<vmem>>
      %dma_wait3A_1173 = tpu.memref_squeeze %dma_wait3A_1172 : memref<1x6x128x16xf32, #tpu.memory_space<vmem>> -> memref<6x128x16xf32, #tpu.memory_space<vmem>>
      %dma_wait3A_1174 = arith.constant 0 : i32
      %dma_wait3A_1175 = arith.constant 0 : i32
      %dma_wait3A_1176 = tpu.memref_slice %dma_wait3A_1173[%dma_wait3A_1168, %dma_wait3A_1174, %dma_wait3A_1175] : memref<6x128x16xf32, #tpu.memory_space<vmem>> -> memref<1x128x16xf32, #tpu.memory_space<vmem>>
      %dma_wait3A_1177 = tpu.memref_squeeze %dma_wait3A_1176 : memref<1x128x16xf32, #tpu.memory_space<vmem>> -> memref<128x16xf32, #tpu.memory_space<vmem>>
      %dma_wait3A_1178 = tpu.memref_slice %arg10[%mul3A_967] : memref<20096xi32, #tpu.memory_space<vmem>> -> memref<128xi32, #tpu.memory_space<vmem>>
      %dma_wait3A_1179 = arith.constant 0 : i32
      %dma_wait3A_1180 = arith.constant 0 : i32
      %dma_wait3A_1181 = tpu.memref_slice %arg18[%dma_wait3A_1179, %dma_wait3A_1180] : memref<10000x16xf32, #tpu.memory_space<vmem_shared>> -> memref<10000x16xf32, #tpu.memory_space<vmem_shared>>
      tpu.wait_indirect_dma semaphore(%arg14 : memref<!tpu.dma_semaphore, #tpu.memory_space<semaphore_mem>>) src(%dma_wait3A_1181 : memref<10000x16xf32, #tpu.memory_space<vmem_shared>>) dst(%dma_wait3A_1177 : memref<128x16xf32, #tpu.memory_space<vmem>>)
      %mul3A_1182 = arith.constant 128 : i32
      %mul3A_1183 = arith.muli %add3A_1166, %mul3A_1182 : i32
      %dma_start3A_1184 = arith.constant 1 : i32
      %dma_start3A_1185 = arith.constant 5 : i32
      %dma_start3A_1186 = arith.constant 0 : i32
      %dma_start3A_1187 = arith.constant 0 : i32
      %dma_start3A_1188 = arith.constant 0 : i32
      %dma_start3A_1189 = tpu.memref_slice %arg12[%dma_start3A_1184, %dma_start3A_1186, %dma_start3A_1187, %dma_start3A_1188] : memref<2x6x128x16xf32, #tpu.memory_space<vmem>> -> memref<1x6x128x16xf32, #tpu.memory_space<vmem>>
      %dma_start3A_1190 = tpu.memref_squeeze %dma_start3A_1189 : memref<1x6x128x16xf32, #tpu.memory_space<vmem>> -> memref<6x128x16xf32, #tpu.memory_space<vmem>>
      %dma_start3A_1191 = arith.constant 0 : i32
      %dma_start3A_1192 = arith.constant 0 : i32
      %dma_start3A_1193 = tpu.memref_slice %dma_start3A_1190[%dma_start3A_1185, %dma_start3A_1191, %dma_start3A_1192] : memref<6x128x16xf32, #tpu.memory_space<vmem>> -> memref<1x128x16xf32, #tpu.memory_space<vmem>>
      %dma_start3A_1194 = tpu.memref_squeeze %dma_start3A_1193 : memref<1x128x16xf32, #tpu.memory_space<vmem>> -> memref<128x16xf32, #tpu.memory_space<vmem>>
      %dma_start3A_1195 = tpu.memref_slice %arg11[%mul3A_1183] : memref<20096xi32, #tpu.memory_space<vmem>> -> memref<128xi32, #tpu.memory_space<vmem>>
      %dma_start3A_1196 = arith.constant 0 : i32
      %dma_start3A_1197 = arith.constant 0 : i32
      %dma_start3A_1198 = tpu.memref_slice %arg20[%dma_start3A_1196, %dma_start3A_1197] : memref<10000x16xf32, #tpu.memory_space<vmem_shared>> -> memref<10000x16xf32, #tpu.memory_space<vmem_shared>>
      tpu.enqueue_indirect_dma source(%dma_start3A_1194 : memref<128x16xf32, #tpu.memory_space<vmem>>) target(%dma_start3A_1198 : memref<10000x16xf32, #tpu.memory_space<vmem_shared>>) offsets(%dma_start3A_1195 : memref<128xi32, #tpu.memory_space<vmem>>) semaphore(%arg16 : memref<!tpu.dma_semaphore, #tpu.memory_space<semaphore_mem>>) {add = true}
    }
    %scan3A_290 = arith.constant 13 : i32
    %dma_wait3A_291 = arith.constant 1 : i32
    %dma_wait3A_292 = arith.constant 0 : i32
    %dma_wait3A_293 = arith.constant 0 : i32
    %dma_wait3A_294 = arith.constant 0 : i32
    %dma_wait3A_295 = arith.constant 0 : i32
    %dma_wait3A_296 = tpu.memref_slice %arg12[%dma_wait3A_291, %dma_wait3A_293, %dma_wait3A_294, %dma_wait3A_295] : memref<2x6x128x16xf32, #tpu.memory_space<vmem>> -> memref<1x6x128x16xf32, #tpu.memory_space<vmem>>
    %dma_wait3A_297 = tpu.memref_squeeze %dma_wait3A_296 : memref<1x6x128x16xf32, #tpu.memory_space<vmem>> -> memref<6x128x16xf32, #tpu.memory_space<vmem>>
    %dma_wait3A_298 = arith.constant 0 : i32
    %dma_wait3A_299 = arith.constant 0 : i32
    %dma_wait3A_300 = tpu.memref_slice %dma_wait3A_297[%dma_wait3A_292, %dma_wait3A_298, %dma_wait3A_299] : memref<6x128x16xf32, #tpu.memory_space<vmem>> -> memref<1x128x16xf32, #tpu.memory_space<vmem>>
    %dma_wait3A_301 = tpu.memref_squeeze %dma_wait3A_300 : memref<1x128x16xf32, #tpu.memory_space<vmem>> -> memref<128x16xf32, #tpu.memory_space<vmem>>
    %dma_wait3A_302 = arith.constant 0 : i32
    %dma_wait3A_303 = tpu.memref_slice %arg11[%dma_wait3A_302] : memref<20096xi32, #tpu.memory_space<vmem>> -> memref<128xi32, #tpu.memory_space<vmem>>
    %dma_wait3A_304 = arith.constant 0 : i32
    %dma_wait3A_305 = arith.constant 0 : i32
    %dma_wait3A_306 = tpu.memref_slice %arg20[%dma_wait3A_304, %dma_wait3A_305] : memref<10000x16xf32, #tpu.memory_space<vmem_shared>> -> memref<10000x16xf32, #tpu.memory_space<vmem_shared>>
    tpu.wait_indirect_dma semaphore(%arg16 : memref<!tpu.dma_semaphore, #tpu.memory_space<semaphore_mem>>) src(%dma_wait3A_301 : memref<128x16xf32, #tpu.memory_space<vmem>>) dst(%dma_wait3A_306 : memref<10000x16xf32, #tpu.memory_space<vmem_shared>>)
    %dma_wait3A_307 = arith.constant 1 : i32
    %dma_wait3A_308 = arith.constant 1 : i32
    %dma_wait3A_309 = arith.constant 0 : i32
    %dma_wait3A_310 = arith.constant 0 : i32
    %dma_wait3A_311 = arith.constant 0 : i32
    %dma_wait3A_312 = tpu.memref_slice %arg12[%dma_wait3A_307, %dma_wait3A_309, %dma_wait3A_310, %dma_wait3A_311] : memref<2x6x128x16xf32, #tpu.memory_space<vmem>> -> memref<1x6x128x16xf32, #tpu.memory_space<vmem>>
    %dma_wait3A_313 = tpu.memref_squeeze %dma_wait3A_312 : memref<1x6x128x16xf32, #tpu.memory_space<vmem>> -> memref<6x128x16xf32, #tpu.memory_space<vmem>>
    %dma_wait3A_314 = arith.constant 0 : i32
    %dma_wait3A_315 = arith.constant 0 : i32
    %dma_wait3A_316 = tpu.memref_slice %dma_wait3A_313[%dma_wait3A_308, %dma_wait3A_314, %dma_wait3A_315] : memref<6x128x16xf32, #tpu.memory_space<vmem>> -> memref<1x128x16xf32, #tpu.memory_space<vmem>>
    %dma_wait3A_317 = tpu.memref_squeeze %dma_wait3A_316 : memref<1x128x16xf32, #tpu.memory_space<vmem>> -> memref<128x16xf32, #tpu.memory_space<vmem>>
    %dma_wait3A_318 = arith.constant 0 : i32
    %dma_wait3A_319 = tpu.memref_slice %arg11[%dma_wait3A_318] : memref<20096xi32, #tpu.memory_space<vmem>> -> memref<128xi32, #tpu.memory_space<vmem>>
    %dma_wait3A_320 = arith.constant 0 : i32
    %dma_wait3A_321 = arith.constant 0 : i32
    %dma_wait3A_322 = tpu.memref_slice %arg20[%dma_wait3A_320, %dma_wait3A_321] : memref<10000x16xf32, #tpu.memory_space<vmem_shared>> -> memref<10000x16xf32, #tpu.memory_space<vmem_shared>>
    tpu.wait_indirect_dma semaphore(%arg16 : memref<!tpu.dma_semaphore, #tpu.memory_space<semaphore_mem>>) src(%dma_wait3A_317 : memref<128x16xf32, #tpu.memory_space<vmem>>) dst(%dma_wait3A_322 : memref<10000x16xf32, #tpu.memory_space<vmem_shared>>)
    %dma_wait3A_323 = arith.constant 1 : i32
    %dma_wait3A_324 = arith.constant 2 : i32
    %dma_wait3A_325 = arith.constant 0 : i32
    %dma_wait3A_326 = arith.constant 0 : i32
    %dma_wait3A_327 = arith.constant 0 : i32
    %dma_wait3A_328 = tpu.memref_slice %arg12[%dma_wait3A_323, %dma_wait3A_325, %dma_wait3A_326, %dma_wait3A_327] : memref<2x6x128x16xf32, #tpu.memory_space<vmem>> -> memref<1x6x128x16xf32, #tpu.memory_space<vmem>>
    %dma_wait3A_329 = tpu.memref_squeeze %dma_wait3A_328 : memref<1x6x128x16xf32, #tpu.memory_space<vmem>> -> memref<6x128x16xf32, #tpu.memory_space<vmem>>
    %dma_wait3A_330 = arith.constant 0 : i32
    %dma_wait3A_331 = arith.constant 0 : i32
    %dma_wait3A_332 = tpu.memref_slice %dma_wait3A_329[%dma_wait3A_324, %dma_wait3A_330, %dma_wait3A_331] : memref<6x128x16xf32, #tpu.memory_space<vmem>> -> memref<1x128x16xf32, #tpu.memory_space<vmem>>
    %dma_wait3A_333 = tpu.memref_squeeze %dma_wait3A_332 : memref<1x128x16xf32, #tpu.memory_space<vmem>> -> memref<128x16xf32, #tpu.memory_space<vmem>>
    %dma_wait3A_334 = arith.constant 0 : i32
    %dma_wait3A_335 = tpu.memref_slice %arg11[%dma_wait3A_334] : memref<20096xi32, #tpu.memory_space<vmem>> -> memref<128xi32, #tpu.memory_space<vmem>>
    %dma_wait3A_336 = arith.constant 0 : i32
    %dma_wait3A_337 = arith.constant 0 : i32
    %dma_wait3A_338 = tpu.memref_slice %arg20[%dma_wait3A_336, %dma_wait3A_337] : memref<10000x16xf32, #tpu.memory_space<vmem_shared>> -> memref<10000x16xf32, #tpu.memory_space<vmem_shared>>
    tpu.wait_indirect_dma semaphore(%arg16 : memref<!tpu.dma_semaphore, #tpu.memory_space<semaphore_mem>>) src(%dma_wait3A_333 : memref<128x16xf32, #tpu.memory_space<vmem>>) dst(%dma_wait3A_338 : memref<10000x16xf32, #tpu.memory_space<vmem_shared>>)
    %dma_wait3A_339 = arith.constant 1 : i32
    %dma_wait3A_340 = arith.constant 3 : i32
    %dma_wait3A_341 = arith.constant 0 : i32
    %dma_wait3A_342 = arith.constant 0 : i32
    %dma_wait3A_343 = arith.constant 0 : i32
    %dma_wait3A_344 = tpu.memref_slice %arg12[%dma_wait3A_339, %dma_wait3A_341, %dma_wait3A_342, %dma_wait3A_343] : memref<2x6x128x16xf32, #tpu.memory_space<vmem>> -> memref<1x6x128x16xf32, #tpu.memory_space<vmem>>
    %dma_wait3A_345 = tpu.memref_squeeze %dma_wait3A_344 : memref<1x6x128x16xf32, #tpu.memory_space<vmem>> -> memref<6x128x16xf32, #tpu.memory_space<vmem>>
    %dma_wait3A_346 = arith.constant 0 : i32
    %dma_wait3A_347 = arith.constant 0 : i32
    %dma_wait3A_348 = tpu.memref_slice %dma_wait3A_345[%dma_wait3A_340, %dma_wait3A_346, %dma_wait3A_347] : memref<6x128x16xf32, #tpu.memory_space<vmem>> -> memref<1x128x16xf32, #tpu.memory_space<vmem>>
    %dma_wait3A_349 = tpu.memref_squeeze %dma_wait3A_348 : memref<1x128x16xf32, #tpu.memory_space<vmem>> -> memref<128x16xf32, #tpu.memory_space<vmem>>
    %dma_wait3A_350 = arith.constant 0 : i32
    %dma_wait3A_351 = tpu.memref_slice %arg11[%dma_wait3A_350] : memref<20096xi32, #tpu.memory_space<vmem>> -> memref<128xi32, #tpu.memory_space<vmem>>
    %dma_wait3A_352 = arith.constant 0 : i32
    %dma_wait3A_353 = arith.constant 0 : i32
    %dma_wait3A_354 = tpu.memref_slice %arg20[%dma_wait3A_352, %dma_wait3A_353] : memref<10000x16xf32, #tpu.memory_space<vmem_shared>> -> memref<10000x16xf32, #tpu.memory_space<vmem_shared>>
    tpu.wait_indirect_dma semaphore(%arg16 : memref<!tpu.dma_semaphore, #tpu.memory_space<semaphore_mem>>) src(%dma_wait3A_349 : memref<128x16xf32, #tpu.memory_space<vmem>>) dst(%dma_wait3A_354 : memref<10000x16xf32, #tpu.memory_space<vmem_shared>>)
    %dma_wait3A_355 = arith.constant 1 : i32
    %dma_wait3A_356 = arith.constant 4 : i32
    %dma_wait3A_357 = arith.constant 0 : i32
    %dma_wait3A_358 = arith.constant 0 : i32
    %dma_wait3A_359 = arith.constant 0 : i32
    %dma_wait3A_360 = tpu.memref_slice %arg12[%dma_wait3A_355, %dma_wait3A_357, %dma_wait3A_358, %dma_wait3A_359] : memref<2x6x128x16xf32, #tpu.memory_space<vmem>> -> memref<1x6x128x16xf32, #tpu.memory_space<vmem>>
    %dma_wait3A_361 = tpu.memref_squeeze %dma_wait3A_360 : memref<1x6x128x16xf32, #tpu.memory_space<vmem>> -> memref<6x128x16xf32, #tpu.memory_space<vmem>>
    %dma_wait3A_362 = arith.constant 0 : i32
    %dma_wait3A_363 = arith.constant 0 : i32
    %dma_wait3A_364 = tpu.memref_slice %dma_wait3A_361[%dma_wait3A_356, %dma_wait3A_362, %dma_wait3A_363] : memref<6x128x16xf32, #tpu.memory_space<vmem>> -> memref<1x128x16xf32, #tpu.memory_space<vmem>>
    %dma_wait3A_365 = tpu.memref_squeeze %dma_wait3A_364 : memref<1x128x16xf32, #tpu.memory_space<vmem>> -> memref<128x16xf32, #tpu.memory_space<vmem>>
    %dma_wait3A_366 = arith.constant 0 : i32
    %dma_wait3A_367 = tpu.memref_slice %arg11[%dma_wait3A_366] : memref<20096xi32, #tpu.memory_space<vmem>> -> memref<128xi32, #tpu.memory_space<vmem>>
    %dma_wait3A_368 = arith.constant 0 : i32
    %dma_wait3A_369 = arith.constant 0 : i32
    %dma_wait3A_370 = tpu.memref_slice %arg20[%dma_wait3A_368, %dma_wait3A_369] : memref<10000x16xf32, #tpu.memory_space<vmem_shared>> -> memref<10000x16xf32, #tpu.memory_space<vmem_shared>>
    tpu.wait_indirect_dma semaphore(%arg16 : memref<!tpu.dma_semaphore, #tpu.memory_space<semaphore_mem>>) src(%dma_wait3A_365 : memref<128x16xf32, #tpu.memory_space<vmem>>) dst(%dma_wait3A_370 : memref<10000x16xf32, #tpu.memory_space<vmem_shared>>)
    %dma_wait3A_371 = arith.constant 1 : i32
    %dma_wait3A_372 = arith.constant 5 : i32
    %dma_wait3A_373 = arith.constant 0 : i32
    %dma_wait3A_374 = arith.constant 0 : i32
    %dma_wait3A_375 = arith.constant 0 : i32
    %dma_wait3A_376 = tpu.memref_slice %arg12[%dma_wait3A_371, %dma_wait3A_373, %dma_wait3A_374, %dma_wait3A_375] : memref<2x6x128x16xf32, #tpu.memory_space<vmem>> -> memref<1x6x128x16xf32, #tpu.memory_space<vmem>>
    %dma_wait3A_377 = tpu.memref_squeeze %dma_wait3A_376 : memref<1x6x128x16xf32, #tpu.memory_space<vmem>> -> memref<6x128x16xf32, #tpu.memory_space<vmem>>
    %dma_wait3A_378 = arith.constant 0 : i32
    %dma_wait3A_379 = arith.constant 0 : i32
    %dma_wait3A_380 = tpu.memref_slice %dma_wait3A_377[%dma_wait3A_372, %dma_wait3A_378, %dma_wait3A_379] : memref<6x128x16xf32, #tpu.memory_space<vmem>> -> memref<1x128x16xf32, #tpu.memory_space<vmem>>
    %dma_wait3A_381 = tpu.memref_squeeze %dma_wait3A_380 : memref<1x128x16xf32, #tpu.memory_space<vmem>> -> memref<128x16xf32, #tpu.memory_space<vmem>>
    %dma_wait3A_382 = arith.constant 0 : i32
    %dma_wait3A_383 = tpu.memref_slice %arg11[%dma_wait3A_382] : memref<20096xi32, #tpu.memory_space<vmem>> -> memref<128xi32, #tpu.memory_space<vmem>>
    %dma_wait3A_384 = arith.constant 0 : i32
    %dma_wait3A_385 = arith.constant 0 : i32
    %dma_wait3A_386 = tpu.memref_slice %arg20[%dma_wait3A_384, %dma_wait3A_385] : memref<10000x16xf32, #tpu.memory_space<vmem_shared>> -> memref<10000x16xf32, #tpu.memory_space<vmem_shared>>
    tpu.wait_indirect_dma semaphore(%arg16 : memref<!tpu.dma_semaphore, #tpu.memory_space<semaphore_mem>>) src(%dma_wait3A_381 : memref<128x16xf32, #tpu.memory_space<vmem>>) dst(%dma_wait3A_386 : memref<10000x16xf32, #tpu.memory_space<vmem_shared>>)
    %lt3A_387 = arith.constant 4 : i32
    %lt3A_388 = arith.cmpi slt, %arg1, %lt3A_387 : i32
    %convert_element_type3A_389 = arith.extui %lt3A_388 : i1 to i32
    %cond3A_390 = arith.constant 0 : i32
    %cond3A_391 = arith.cmpi ne, %convert_element_type3A_389, %cond3A_390 : i32
    scf.if %cond3A_391 {
      %run_scoped3A = arith.constant 1 : i32
      %run_scoped3A_495 = arith.constant 0 : i32
      "tpu.region"() ({
        %run_scoped3A_498 = tpu.sem_alloc : memref<!tpu.dma_semaphore, #tpu.memory_space<semaphore_mem>>
        %dma_start3A = arith.constant 0 : i32
        %dma_start3A_499 = arith.constant 0 : i32
        %dma_start3A_500 = arith.constant 0 : i32
        %dma_start3A_501 = tpu.memref_slice %arg12[%run_scoped3A, %dma_start3A, %dma_start3A_499, %dma_start3A_500] : memref<2x6x128x16xf32, #tpu.memory_space<vmem>> -> memref<1x6x128x16xf32, #tpu.memory_space<vmem>>
        %dma_start3A_502 = tpu.memref_squeeze %dma_start3A_501 : memref<1x6x128x16xf32, #tpu.memory_space<vmem>> -> memref<6x128x16xf32, #tpu.memory_space<vmem>>
        %dma_start3A_503 = arith.constant 0 : i32
        %dma_start3A_504 = arith.constant 0 : i32
        %dma_start3A_505 = tpu.memref_slice %dma_start3A_502[%run_scoped3A_495, %dma_start3A_503, %dma_start3A_504] : memref<6x128x16xf32, #tpu.memory_space<vmem>> -> memref<1x128x16xf32, #tpu.memory_space<vmem>>
        %dma_start3A_506 = tpu.memref_squeeze %dma_start3A_505 : memref<1x128x16xf32, #tpu.memory_space<vmem>> -> memref<128x16xf32, #tpu.memory_space<vmem>>
        %dma_start3A_507 = arith.constant 19968 : i32
        %dma_start3A_508 = tpu.memref_slice %arg10[%dma_start3A_507] : memref<20096xi32, #tpu.memory_space<vmem>> -> memref<128xi32, #tpu.memory_space<vmem>>
        %dma_start3A_509 = arith.constant 0 : i32
        %dma_start3A_510 = arith.constant 0 : i32
        %dma_start3A_511 = tpu.memref_slice %arg18[%dma_start3A_509, %dma_start3A_510] : memref<10000x16xf32, #tpu.memory_space<vmem_shared>> -> memref<10000x16xf32, #tpu.memory_space<vmem_shared>>
        tpu.enqueue_indirect_dma source(%dma_start3A_511 : memref<10000x16xf32, #tpu.memory_space<vmem_shared>>) target(%dma_start3A_506 : memref<128x16xf32, #tpu.memory_space<vmem>>) offsets(%dma_start3A_508 : memref<128xi32, #tpu.memory_space<vmem>>) semaphore(%run_scoped3A_498 : memref<!tpu.dma_semaphore, #tpu.memory_space<semaphore_mem>>)
        %dma_wait3A_512 = arith.constant 0 : i32
        %dma_wait3A_513 = arith.constant 0 : i32
        %dma_wait3A_514 = arith.constant 0 : i32
        %dma_wait3A_515 = tpu.memref_slice %arg12[%run_scoped3A, %dma_wait3A_512, %dma_wait3A_513, %dma_wait3A_514] : memref<2x6x128x16xf32, #tpu.memory_space<vmem>> -> memref<1x6x128x16xf32, #tpu.memory_space<vmem>>
        %dma_wait3A_516 = tpu.memref_squeeze %dma_wait3A_515 : memref<1x6x128x16xf32, #tpu.memory_space<vmem>> -> memref<6x128x16xf32, #tpu.memory_space<vmem>>
        %dma_wait3A_517 = arith.constant 0 : i32
        %dma_wait3A_518 = arith.constant 0 : i32
        %dma_wait3A_519 = tpu.memref_slice %dma_wait3A_516[%run_scoped3A_495, %dma_wait3A_517, %dma_wait3A_518] : memref<6x128x16xf32, #tpu.memory_space<vmem>> -> memref<1x128x16xf32, #tpu.memory_space<vmem>>
        %dma_wait3A_520 = tpu.memref_squeeze %dma_wait3A_519 : memref<1x128x16xf32, #tpu.memory_space<vmem>> -> memref<128x16xf32, #tpu.memory_space<vmem>>
        %dma_wait3A_521 = arith.constant 19968 : i32
        %dma_wait3A_522 = tpu.memref_slice %arg10[%dma_wait3A_521] : memref<20096xi32, #tpu.memory_space<vmem>> -> memref<128xi32, #tpu.memory_space<vmem>>
        %dma_wait3A_523 = arith.constant 0 : i32
        %dma_wait3A_524 = arith.constant 0 : i32
        %dma_wait3A_525 = tpu.memref_slice %arg18[%dma_wait3A_523, %dma_wait3A_524] : memref<10000x16xf32, #tpu.memory_space<vmem_shared>> -> memref<10000x16xf32, #tpu.memory_space<vmem_shared>>
        tpu.wait_indirect_dma semaphore(%run_scoped3A_498 : memref<!tpu.dma_semaphore, #tpu.memory_space<semaphore_mem>>) src(%dma_wait3A_525 : memref<10000x16xf32, #tpu.memory_space<vmem_shared>>) dst(%dma_wait3A_520 : memref<128x16xf32, #tpu.memory_space<vmem>>)
        tpu.yield
      }) : () -> ()
      %run_scoped3A_496 = arith.constant 1 : i32
      %run_scoped3A_497 = arith.constant 0 : i32
      "tpu.region"() ({
        %run_scoped3A_498 = tpu.sem_alloc : memref<!tpu.dma_semaphore, #tpu.memory_space<semaphore_mem>>
        %dma_start3A = arith.constant 0 : i32
        %dma_start3A_499 = arith.constant 0 : i32
        %dma_start3A_500 = arith.constant 0 : i32
        %dma_start3A_501 = tpu.memref_slice %arg12[%run_scoped3A_496, %dma_start3A, %dma_start3A_499, %dma_start3A_500] : memref<2x6x128x16xf32, #tpu.memory_space<vmem>> -> memref<1x6x128x16xf32, #tpu.memory_space<vmem>>
        %dma_start3A_502 = tpu.memref_squeeze %dma_start3A_501 : memref<1x6x128x16xf32, #tpu.memory_space<vmem>> -> memref<6x128x16xf32, #tpu.memory_space<vmem>>
        %dma_start3A_503 = arith.constant 0 : i32
        %dma_start3A_504 = arith.constant 0 : i32
        %dma_start3A_505 = tpu.memref_slice %dma_start3A_502[%run_scoped3A_497, %dma_start3A_503, %dma_start3A_504] : memref<6x128x16xf32, #tpu.memory_space<vmem>> -> memref<1x128x16xf32, #tpu.memory_space<vmem>>
        %dma_start3A_506 = tpu.memref_squeeze %dma_start3A_505 : memref<1x128x16xf32, #tpu.memory_space<vmem>> -> memref<128x16xf32, #tpu.memory_space<vmem>>
        %dma_start3A_507 = arith.constant 19968 : i32
        %dma_start3A_508 = tpu.memref_slice %arg11[%dma_start3A_507] : memref<20096xi32, #tpu.memory_space<vmem>> -> memref<128xi32, #tpu.memory_space<vmem>>
        %dma_start3A_509 = arith.constant 0 : i32
        %dma_start3A_510 = arith.constant 0 : i32
        %dma_start3A_511 = tpu.memref_slice %arg20[%dma_start3A_509, %dma_start3A_510] : memref<10000x16xf32, #tpu.memory_space<vmem_shared>> -> memref<10000x16xf32, #tpu.memory_space<vmem_shared>>
        tpu.enqueue_indirect_dma source(%dma_start3A_506 : memref<128x16xf32, #tpu.memory_space<vmem>>) target(%dma_start3A_511 : memref<10000x16xf32, #tpu.memory_space<vmem_shared>>) offsets(%dma_start3A_508 : memref<128xi32, #tpu.memory_space<vmem>>) semaphore(%run_scoped3A_498 : memref<!tpu.dma_semaphore, #tpu.memory_space<semaphore_mem>>) {add = true}
        %dma_wait3A_512 = arith.constant 0 : i32
        %dma_wait3A_513 = arith.constant 0 : i32
        %dma_wait3A_514 = arith.constant 0 : i32
        %dma_wait3A_515 = tpu.memref_slice %arg12[%run_scoped3A_496, %dma_wait3A_512, %dma_wait3A_513, %dma_wait3A_514] : memref<2x6x128x16xf32, #tpu.memory_space<vmem>> -> memref<1x6x128x16xf32, #tpu.memory_space<vmem>>
        %dma_wait3A_516 = tpu.memref_squeeze %dma_wait3A_515 : memref<1x6x128x16xf32, #tpu.memory_space<vmem>> -> memref<6x128x16xf32, #tpu.memory_space<vmem>>
        %dma_wait3A_517 = arith.constant 0 : i32
        %dma_wait3A_518 = arith.constant 0 : i32
        %dma_wait3A_519 = tpu.memref_slice %dma_wait3A_516[%run_scoped3A_497, %dma_wait3A_517, %dma_wait3A_518] : memref<6x128x16xf32, #tpu.memory_space<vmem>> -> memref<1x128x16xf32, #tpu.memory_space<vmem>>
        %dma_wait3A_520 = tpu.memref_squeeze %dma_wait3A_519 : memref<1x128x16xf32, #tpu.memory_space<vmem>> -> memref<128x16xf32, #tpu.memory_space<vmem>>
        %dma_wait3A_521 = arith.constant 19968 : i32
        %dma_wait3A_522 = tpu.memref_slice %arg11[%dma_wait3A_521] : memref<20096xi32, #tpu.memory_space<vmem>> -> memref<128xi32, #tpu.memory_space<vmem>>
        %dma_wait3A_523 = arith.constant 0 : i32
        %dma_wait3A_524 = arith.constant 0 : i32
        %dma_wait3A_525 = tpu.memref_slice %arg20[%dma_wait3A_523, %dma_wait3A_524] : memref<10000x16xf32, #tpu.memory_space<vmem_shared>> -> memref<10000x16xf32, #tpu.memory_space<vmem_shared>>
        tpu.wait_indirect_dma semaphore(%run_scoped3A_498 : memref<!tpu.dma_semaphore, #tpu.memory_space<semaphore_mem>>) src(%dma_wait3A_520 : memref<128x16xf32, #tpu.memory_space<vmem>>) dst(%dma_wait3A_525 : memref<10000x16xf32, #tpu.memory_space<vmem_shared>>)
        tpu.yield
      }) : () -> ()
    } else {
    }
    %dma_wait3A_392 = arith.constant 0 : i32
    %dma_wait3A_393 = arith.constant 0 : i32
    %dma_wait3A_394 = arith.constant 0 : i32
    %dma_wait3A_395 = arith.constant 0 : i32
    %dma_wait3A_396 = arith.constant 0 : i32
    %dma_wait3A_397 = tpu.memref_slice %arg12[%dma_wait3A_392, %dma_wait3A_394, %dma_wait3A_395, %dma_wait3A_396] : memref<2x6x128x16xf32, #tpu.memory_space<vmem>> -> memref<1x6x128x16xf32, #tpu.memory_space<vmem>>
    %dma_wait3A_398 = tpu.memref_squeeze %dma_wait3A_397 : memref<1x6x128x16xf32, #tpu.memory_space<vmem>> -> memref<6x128x16xf32, #tpu.memory_space<vmem>>
    %dma_wait3A_399 = arith.constant 0 : i32
    %dma_wait3A_400 = arith.constant 0 : i32
    %dma_wait3A_401 = tpu.memref_slice %dma_wait3A_398[%dma_wait3A_393, %dma_wait3A_399, %dma_wait3A_400] : memref<6x128x16xf32, #tpu.memory_space<vmem>> -> memref<1x128x16xf32, #tpu.memory_space<vmem>>
    %dma_wait3A_402 = tpu.memref_squeeze %dma_wait3A_401 : memref<1x128x16xf32, #tpu.memory_space<vmem>> -> memref<128x16xf32, #tpu.memory_space<vmem>>
    %dma_wait3A_403 = arith.constant 0 : i32
    %dma_wait3A_404 = tpu.memref_slice %arg11[%dma_wait3A_403] : memref<20096xi32, #tpu.memory_space<vmem>> -> memref<128xi32, #tpu.memory_space<vmem>>
    %dma_wait3A_405 = arith.constant 0 : i32
    %dma_wait3A_406 = arith.constant 0 : i32
    %dma_wait3A_407 = tpu.memref_slice %arg20[%dma_wait3A_405, %dma_wait3A_406] : memref<10000x16xf32, #tpu.memory_space<vmem_shared>> -> memref<10000x16xf32, #tpu.memory_space<vmem_shared>>
    tpu.wait_indirect_dma semaphore(%arg15 : memref<!tpu.dma_semaphore, #tpu.memory_space<semaphore_mem>>) src(%dma_wait3A_402 : memref<128x16xf32, #tpu.memory_space<vmem>>) dst(%dma_wait3A_407 : memref<10000x16xf32, #tpu.memory_space<vmem_shared>>)
    %dma_wait3A_408 = arith.constant 0 : i32
    %dma_wait3A_409 = arith.constant 1 : i32
    %dma_wait3A_410 = arith.constant 0 : i32
    %dma_wait3A_411 = arith.constant 0 : i32
    %dma_wait3A_412 = arith.constant 0 : i32
    %dma_wait3A_413 = tpu.memref_slice %arg12[%dma_wait3A_408, %dma_wait3A_410, %dma_wait3A_411, %dma_wait3A_412] : memref<2x6x128x16xf32, #tpu.memory_space<vmem>> -> memref<1x6x128x16xf32, #tpu.memory_space<vmem>>
    %dma_wait3A_414 = tpu.memref_squeeze %dma_wait3A_413 : memref<1x6x128x16xf32, #tpu.memory_space<vmem>> -> memref<6x128x16xf32, #tpu.memory_space<vmem>>
    %dma_wait3A_415 = arith.constant 0 : i32
    %dma_wait3A_416 = arith.constant 0 : i32
    %dma_wait3A_417 = tpu.memref_slice %dma_wait3A_414[%dma_wait3A_409, %dma_wait3A_415, %dma_wait3A_416] : memref<6x128x16xf32, #tpu.memory_space<vmem>> -> memref<1x128x16xf32, #tpu.memory_space<vmem>>
    %dma_wait3A_418 = tpu.memref_squeeze %dma_wait3A_417 : memref<1x128x16xf32, #tpu.memory_space<vmem>> -> memref<128x16xf32, #tpu.memory_space<vmem>>
    %dma_wait3A_419 = arith.constant 0 : i32
    %dma_wait3A_420 = tpu.memref_slice %arg11[%dma_wait3A_419] : memref<20096xi32, #tpu.memory_space<vmem>> -> memref<128xi32, #tpu.memory_space<vmem>>
    %dma_wait3A_421 = arith.constant 0 : i32
    %dma_wait3A_422 = arith.constant 0 : i32
    %dma_wait3A_423 = tpu.memref_slice %arg20[%dma_wait3A_421, %dma_wait3A_422] : memref<10000x16xf32, #tpu.memory_space<vmem_shared>> -> memref<10000x16xf32, #tpu.memory_space<vmem_shared>>
    tpu.wait_indirect_dma semaphore(%arg15 : memref<!tpu.dma_semaphore, #tpu.memory_space<semaphore_mem>>) src(%dma_wait3A_418 : memref<128x16xf32, #tpu.memory_space<vmem>>) dst(%dma_wait3A_423 : memref<10000x16xf32, #tpu.memory_space<vmem_shared>>)
    %dma_wait3A_424 = arith.constant 0 : i32
    %dma_wait3A_425 = arith.constant 2 : i32
    %dma_wait3A_426 = arith.constant 0 : i32
    %dma_wait3A_427 = arith.constant 0 : i32
    %dma_wait3A_428 = arith.constant 0 : i32
    %dma_wait3A_429 = tpu.memref_slice %arg12[%dma_wait3A_424, %dma_wait3A_426, %dma_wait3A_427, %dma_wait3A_428] : memref<2x6x128x16xf32, #tpu.memory_space<vmem>> -> memref<1x6x128x16xf32, #tpu.memory_space<vmem>>
    %dma_wait3A_430 = tpu.memref_squeeze %dma_wait3A_429 : memref<1x6x128x16xf32, #tpu.memory_space<vmem>> -> memref<6x128x16xf32, #tpu.memory_space<vmem>>
    %dma_wait3A_431 = arith.constant 0 : i32
    %dma_wait3A_432 = arith.constant 0 : i32
    %dma_wait3A_433 = tpu.memref_slice %dma_wait3A_430[%dma_wait3A_425, %dma_wait3A_431, %dma_wait3A_432] : memref<6x128x16xf32, #tpu.memory_space<vmem>> -> memref<1x128x16xf32, #tpu.memory_space<vmem>>
    %dma_wait3A_434 = tpu.memref_squeeze %dma_wait3A_433 : memref<1x128x16xf32, #tpu.memory_space<vmem>> -> memref<128x16xf32, #tpu.memory_space<vmem>>
    %dma_wait3A_435 = arith.constant 0 : i32
    %dma_wait3A_436 = tpu.memref_slice %arg11[%dma_wait3A_435] : memref<20096xi32, #tpu.memory_space<vmem>> -> memref<128xi32, #tpu.memory_space<vmem>>
    %dma_wait3A_437 = arith.constant 0 : i32
    %dma_wait3A_438 = arith.constant 0 : i32
    %dma_wait3A_439 = tpu.memref_slice %arg20[%dma_wait3A_437, %dma_wait3A_438] : memref<10000x16xf32, #tpu.memory_space<vmem_shared>> -> memref<10000x16xf32, #tpu.memory_space<vmem_shared>>
    tpu.wait_indirect_dma semaphore(%arg15 : memref<!tpu.dma_semaphore, #tpu.memory_space<semaphore_mem>>) src(%dma_wait3A_434 : memref<128x16xf32, #tpu.memory_space<vmem>>) dst(%dma_wait3A_439 : memref<10000x16xf32, #tpu.memory_space<vmem_shared>>)
    %dma_wait3A_440 = arith.constant 0 : i32
    %dma_wait3A_441 = arith.constant 3 : i32
    %dma_wait3A_442 = arith.constant 0 : i32
    %dma_wait3A_443 = arith.constant 0 : i32
    %dma_wait3A_444 = arith.constant 0 : i32
    %dma_wait3A_445 = tpu.memref_slice %arg12[%dma_wait3A_440, %dma_wait3A_442, %dma_wait3A_443, %dma_wait3A_444] : memref<2x6x128x16xf32, #tpu.memory_space<vmem>> -> memref<1x6x128x16xf32, #tpu.memory_space<vmem>>
    %dma_wait3A_446 = tpu.memref_squeeze %dma_wait3A_445 : memref<1x6x128x16xf32, #tpu.memory_space<vmem>> -> memref<6x128x16xf32, #tpu.memory_space<vmem>>
    %dma_wait3A_447 = arith.constant 0 : i32
    %dma_wait3A_448 = arith.constant 0 : i32
    %dma_wait3A_449 = tpu.memref_slice %dma_wait3A_446[%dma_wait3A_441, %dma_wait3A_447, %dma_wait3A_448] : memref<6x128x16xf32, #tpu.memory_space<vmem>> -> memref<1x128x16xf32, #tpu.memory_space<vmem>>
    %dma_wait3A_450 = tpu.memref_squeeze %dma_wait3A_449 : memref<1x128x16xf32, #tpu.memory_space<vmem>> -> memref<128x16xf32, #tpu.memory_space<vmem>>
    %dma_wait3A_451 = arith.constant 0 : i32
    %dma_wait3A_452 = tpu.memref_slice %arg11[%dma_wait3A_451] : memref<20096xi32, #tpu.memory_space<vmem>> -> memref<128xi32, #tpu.memory_space<vmem>>
    %dma_wait3A_453 = arith.constant 0 : i32
    %dma_wait3A_454 = arith.constant 0 : i32
    %dma_wait3A_455 = tpu.memref_slice %arg20[%dma_wait3A_453, %dma_wait3A_454] : memref<10000x16xf32, #tpu.memory_space<vmem_shared>> -> memref<10000x16xf32, #tpu.memory_space<vmem_shared>>
    tpu.wait_indirect_dma semaphore(%arg15 : memref<!tpu.dma_semaphore, #tpu.memory_space<semaphore_mem>>) src(%dma_wait3A_450 : memref<128x16xf32, #tpu.memory_space<vmem>>) dst(%dma_wait3A_455 : memref<10000x16xf32, #tpu.memory_space<vmem_shared>>)
    %dma_wait3A_456 = arith.constant 0 : i32
    %dma_wait3A_457 = arith.constant 4 : i32
    %dma_wait3A_458 = arith.constant 0 : i32
    %dma_wait3A_459 = arith.constant 0 : i32
    %dma_wait3A_460 = arith.constant 0 : i32
    %dma_wait3A_461 = tpu.memref_slice %arg12[%dma_wait3A_456, %dma_wait3A_458, %dma_wait3A_459, %dma_wait3A_460] : memref<2x6x128x16xf32, #tpu.memory_space<vmem>> -> memref<1x6x128x16xf32, #tpu.memory_space<vmem>>
    %dma_wait3A_462 = tpu.memref_squeeze %dma_wait3A_461 : memref<1x6x128x16xf32, #tpu.memory_space<vmem>> -> memref<6x128x16xf32, #tpu.memory_space<vmem>>
    %dma_wait3A_463 = arith.constant 0 : i32
    %dma_wait3A_464 = arith.constant 0 : i32
    %dma_wait3A_465 = tpu.memref_slice %dma_wait3A_462[%dma_wait3A_457, %dma_wait3A_463, %dma_wait3A_464] : memref<6x128x16xf32, #tpu.memory_space<vmem>> -> memref<1x128x16xf32, #tpu.memory_space<vmem>>
    %dma_wait3A_466 = tpu.memref_squeeze %dma_wait3A_465 : memref<1x128x16xf32, #tpu.memory_space<vmem>> -> memref<128x16xf32, #tpu.memory_space<vmem>>
    %dma_wait3A_467 = arith.constant 0 : i32
    %dma_wait3A_468 = tpu.memref_slice %arg11[%dma_wait3A_467] : memref<20096xi32, #tpu.memory_space<vmem>> -> memref<128xi32, #tpu.memory_space<vmem>>
    %dma_wait3A_469 = arith.constant 0 : i32
    %dma_wait3A_470 = arith.constant 0 : i32
    %dma_wait3A_471 = tpu.memref_slice %arg20[%dma_wait3A_469, %dma_wait3A_470] : memref<10000x16xf32, #tpu.memory_space<vmem_shared>> -> memref<10000x16xf32, #tpu.memory_space<vmem_shared>>
    tpu.wait_indirect_dma semaphore(%arg15 : memref<!tpu.dma_semaphore, #tpu.memory_space<semaphore_mem>>) src(%dma_wait3A_466 : memref<128x16xf32, #tpu.memory_space<vmem>>) dst(%dma_wait3A_471 : memref<10000x16xf32, #tpu.memory_space<vmem_shared>>)
    %dma_wait3A_472 = arith.constant 0 : i32
    %dma_wait3A_473 = arith.constant 5 : i32
    %dma_wait3A_474 = arith.constant 0 : i32
    %dma_wait3A_475 = arith.constant 0 : i32
    %dma_wait3A_476 = arith.constant 0 : i32
    %dma_wait3A_477 = tpu.memref_slice %arg12[%dma_wait3A_472, %dma_wait3A_474, %dma_wait3A_475, %dma_wait3A_476] : memref<2x6x128x16xf32, #tpu.memory_space<vmem>> -> memref<1x6x128x16xf32, #tpu.memory_space<vmem>>
    %dma_wait3A_478 = tpu.memref_squeeze %dma_wait3A_477 : memref<1x6x128x16xf32, #tpu.memory_space<vmem>> -> memref<6x128x16xf32, #tpu.memory_space<vmem>>
    %dma_wait3A_479 = arith.constant 0 : i32
    %dma_wait3A_480 = arith.constant 0 : i32
    %dma_wait3A_481 = tpu.memref_slice %dma_wait3A_478[%dma_wait3A_473, %dma_wait3A_479, %dma_wait3A_480] : memref<6x128x16xf32, #tpu.memory_space<vmem>> -> memref<1x128x16xf32, #tpu.memory_space<vmem>>
    %dma_wait3A_482 = tpu.memref_squeeze %dma_wait3A_481 : memref<1x128x16xf32, #tpu.memory_space<vmem>> -> memref<128x16xf32, #tpu.memory_space<vmem>>
    %dma_wait3A_483 = arith.constant 0 : i32
    %dma_wait3A_484 = tpu.memref_slice %arg11[%dma_wait3A_483] : memref<20096xi32, #tpu.memory_space<vmem>> -> memref<128xi32, #tpu.memory_space<vmem>>
    %dma_wait3A_485 = arith.constant 0 : i32
    %dma_wait3A_486 = arith.constant 0 : i32
    %dma_wait3A_487 = tpu.memref_slice %arg20[%dma_wait3A_485, %dma_wait3A_486] : memref<10000x16xf32, #tpu.memory_space<vmem_shared>> -> memref<10000x16xf32, #tpu.memory_space<vmem_shared>>
    tpu.wait_indirect_dma semaphore(%arg15 : memref<!tpu.dma_semaphore, #tpu.memory_space<semaphore_mem>>) src(%dma_wait3A_482 : memref<128x16xf32, #tpu.memory_space<vmem>>) dst(%dma_wait3A_487 : memref<10000x16xf32, #tpu.memory_space<vmem_shared>>)
    %barrier3A_488 = arith.constant 0 : index
    tpu.barrier barrier_id(%barrier3A_488)
    "tpu.region"() ({
      %run_scoped3A = tpu.sem_alloc : memref<!tpu.dma_semaphore, #tpu.memory_space<semaphore_mem>>
      %dma_start3A = arith.constant 0 : i32
      %dma_start3A_495 = tpu.memref_slice %arg20[%min3A_1, %dma_start3A] : memref<10000x16xf32, #tpu.memory_space<vmem_shared>> -> memref<640x16xf32, #tpu.memory_space<vmem_shared>>
      %dma_start3A_496 = arith.constant 0 : i32
      %dma_start3A_497 = tpu.memref_slice %arg20[%min3A_1, %dma_start3A_496] : memref<10000x16xf32, #tpu.memory_space<vmem_shared>> -> memref<640x16xf32, #tpu.memory_space<vmem_shared>>
      tpu.enqueue_dma source(%dma_start3A_497 : memref<640x16xf32, #tpu.memory_space<vmem_shared>>) target(%arg9 : memref<640x16xf32, #tpu.memory_space<vmem>>) target_semaphore(%run_scoped3A : memref<!tpu.dma_semaphore, #tpu.memory_space<semaphore_mem>>)
      %dma_wait3A_498 = arith.constant 0 : i32
      %dma_wait3A_499 = tpu.memref_slice %arg20[%min3A_1, %dma_wait3A_498] : memref<10000x16xf32, #tpu.memory_space<vmem_shared>> -> memref<640x16xf32, #tpu.memory_space<vmem_shared>>
      %dma_wait3A_500 = arith.constant 0 : i32
      %dma_wait3A_501 = tpu.memref_slice %arg20[%min3A_1, %dma_wait3A_500] : memref<10000x16xf32, #tpu.memory_space<vmem_shared>> -> memref<640x16xf32, #tpu.memory_space<vmem_shared>>
      tpu.wait_dma2 semaphore(%run_scoped3A : memref<!tpu.dma_semaphore, #tpu.memory_space<semaphore_mem>>) src(%dma_wait3A_501 : memref<640x16xf32, #tpu.memory_space<vmem_shared>>) dst(%arg9 : memref<640x16xf32, #tpu.memory_space<vmem>>)
      tpu.yield
    }) : () -> ()
    %scan3A_489 = arith.constant 0 : i32
    %scan3A_490 = arith.constant 0 : i32
    %scan3A_491 = arith.constant 40 : i32
    %scan3A_492 = arith.addi %scan3A_490, %scan3A_491 : i32
    %scan3A_493 = arith.constant 1 : i32
    scf.for %scan3A_495 = %scan3A_490 to %scan3A_492 step %scan3A_493  : i32 {
      %mul3A_496 = arith.constant 16 : i32
      %mul3A_497 = arith.muli %scan3A_495, %mul3A_496 : i32
      %get3A_498 = arith.index_cast %mul3A_497 : i32 to index
      %get3A_499 = tpu.vector_load %arg7[%get3A_498] {strides = array<i32>} : memref<640xf32, #tpu.memory_space<vmem>>, vector<16xf32>,
      %mul3A_500 = arith.constant 16 : i32
      %mul3A_501 = arith.muli %scan3A_495, %mul3A_500 : i32
      %add3A_502 = arith.constant 0 : i32
      %add3A_503 = arith.addi %mul3A_501, %add3A_502 : i32
      %get3A_504 = arith.index_cast %add3A_503 : i32 to index
      %get3A_505 = arith.constant 0 : index
      %get3A_506 = tpu.vector_load %arg9[%get3A_504, %get3A_505] {strides = array<i32>} : memref<640x16xf32, #tpu.memory_space<vmem>>, vector<16xf32>,
      %get3A_507 = arith.index_cast %add3A_503 : i32 to index
      %get3A_508 = arith.constant 0 : index
      %get3A_509 = tpu.vector_load %arg8[%get3A_507, %get3A_508] {strides = array<i32>} : memref<640x16xf32, #tpu.memory_space<vmem>>, vector<16xf32>,
      %add3A_510 = arith.addf %get3A_506, %get3A_509 : vector<16xf32>
      %broadcast_in_dim3A_511 = arith.constant 0 : i32
      %broadcast_in_dim3A_512 = vector.broadcast %broadcast_in_dim3A_511 : i32 to vector<16xi32>
      %lt3A_513 = arith.constant 0 : i32
      %lt3A_514 = vector.broadcast %lt3A_513 : i32 to vector<16xi32>
      %lt3A_515 = arith.cmpi slt, %broadcast_in_dim3A_512, %lt3A_514 : vector<16xi32>
      %add3A_516 = arith.constant 16 : i32
      %add3A_517 = vector.broadcast %add3A_516 : i32 to vector<16xi32>
      %add3A_518 = arith.addi %broadcast_in_dim3A_512, %add3A_517 : vector<16xi32>
      %select_n3A = arith.select %lt3A_515, %add3A_518, %broadcast_in_dim3A_512 : vector<16xi1>, vector<16xi32>
      %broadcast_in_dim3A_519 = vector.shape_cast %select_n3A : vector<16xi32> to vector<16x1xi32>
      %gather3A = vector.shape_cast %broadcast_in_dim3A_519 : vector<16x1xi32> to vector<16xi32>
      %gather3A_520 = tpu.dynamic_gather %get3A_499[%gather3A] in [0] : vector<16xf32>, vector<16xi32> -> vector<16xf32>
      %mul3A_521 = arith.mulf %add3A_510, %gather3A_520 : vector<16xf32>
      %swap3A = arith.index_cast %add3A_503 : i32 to index
      %swap3A_522 = arith.constant 0 : index
      %swap3A_523 = tpu.vector_load %arg9[%swap3A, %swap3A_522] {strides = array<i32>} : memref<640x16xf32, #tpu.memory_space<vmem>>, vector<16xf32>,
      tpu.vector_store %arg9[%swap3A, %swap3A_522], %mul3A_521 {strides = array<i32>} : memref<640x16xf32, #tpu.memory_space<vmem>>, vector<16xf32>,
      %mul3A_524 = arith.constant 16 : i32
      %mul3A_525 = arith.muli %scan3A_495, %mul3A_524 : i32
      %add3A_526 = arith.constant 1 : i32
      %add3A_527 = arith.addi %mul3A_525, %add3A_526 : i32
      %get3A_528 = arith.index_cast %add3A_527 : i32 to index
      %get3A_529 = arith.constant 0 : index
      %get3A_530 = tpu.vector_load %arg9[%get3A_528, %get3A_529] {strides = array<i32>} : memref<640x16xf32, #tpu.memory_space<vmem>>, vector<16xf32>,
      %get3A_531 = arith.index_cast %add3A_527 : i32 to index
      %get3A_532 = arith.constant 0 : index
      %get3A_533 = tpu.vector_load %arg8[%get3A_531, %get3A_532] {strides = array<i32>} : memref<640x16xf32, #tpu.memory_space<vmem>>, vector<16xf32>,
      %add3A_534 = arith.addf %get3A_530, %get3A_533 : vector<16xf32>
      %broadcast_in_dim3A_535 = arith.constant 1 : i32
      %broadcast_in_dim3A_536 = vector.broadcast %broadcast_in_dim3A_535 : i32 to vector<16xi32>
      %lt3A_537 = arith.constant 0 : i32
      %lt3A_538 = vector.broadcast %lt3A_537 : i32 to vector<16xi32>
      %lt3A_539 = arith.cmpi slt, %broadcast_in_dim3A_536, %lt3A_538 : vector<16xi32>
      %add3A_540 = arith.constant 16 : i32
      %add3A_541 = vector.broadcast %add3A_540 : i32 to vector<16xi32>
      %add3A_542 = arith.addi %broadcast_in_dim3A_536, %add3A_541 : vector<16xi32>
      %select_n3A_543 = arith.select %lt3A_539, %add3A_542, %broadcast_in_dim3A_536 : vector<16xi1>, vector<16xi32>
      %broadcast_in_dim3A_544 = vector.shape_cast %select_n3A_543 : vector<16xi32> to vector<16x1xi32>
      %gather3A_545 = vector.shape_cast %broadcast_in_dim3A_544 : vector<16x1xi32> to vector<16xi32>
      %gather3A_546 = tpu.dynamic_gather %get3A_499[%gather3A_545] in [0] : vector<16xf32>, vector<16xi32> -> vector<16xf32>
      %mul3A_547 = arith.mulf %add3A_534, %gather3A_546 : vector<16xf32>
      %swap3A_548 = arith.index_cast %add3A_527 : i32 to index
      %swap3A_549 = arith.constant 0 : index
      %swap3A_550 = tpu.vector_load %arg9[%swap3A_548, %swap3A_549] {strides = array<i32>} : memref<640x16xf32, #tpu.memory_space<vmem>>, vector<16xf32>,
      tpu.vector_store %arg9[%swap3A_548, %swap3A_549], %mul3A_547 {strides = array<i32>} : memref<640x16xf32, #tpu.memory_space<vmem>>, vector<16xf32>,
      %mul3A_551 = arith.constant 16 : i32
      %mul3A_552 = arith.muli %scan3A_495, %mul3A_551 : i32
      %add3A_553 = arith.constant 2 : i32
      %add3A_554 = arith.addi %mul3A_552, %add3A_553 : i32
      %get3A_555 = arith.index_cast %add3A_554 : i32 to index
      %get3A_556 = arith.constant 0 : index
      %get3A_557 = tpu.vector_load %arg9[%get3A_555, %get3A_556] {strides = array<i32>} : memref<640x16xf32, #tpu.memory_space<vmem>>, vector<16xf32>,
      %get3A_558 = arith.index_cast %add3A_554 : i32 to index
      %get3A_559 = arith.constant 0 : index
      %get3A_560 = tpu.vector_load %arg8[%get3A_558, %get3A_559] {strides = array<i32>} : memref<640x16xf32, #tpu.memory_space<vmem>>, vector<16xf32>,
      %add3A_561 = arith.addf %get3A_557, %get3A_560 : vector<16xf32>
      %broadcast_in_dim3A_562 = arith.constant 2 : i32
      %broadcast_in_dim3A_563 = vector.broadcast %broadcast_in_dim3A_562 : i32 to vector<16xi32>
      %lt3A_564 = arith.constant 0 : i32
      %lt3A_565 = vector.broadcast %lt3A_564 : i32 to vector<16xi32>
      %lt3A_566 = arith.cmpi slt, %broadcast_in_dim3A_563, %lt3A_565 : vector<16xi32>
      %add3A_567 = arith.constant 16 : i32
      %add3A_568 = vector.broadcast %add3A_567 : i32 to vector<16xi32>
      %add3A_569 = arith.addi %broadcast_in_dim3A_563, %add3A_568 : vector<16xi32>
      %select_n3A_570 = arith.select %lt3A_566, %add3A_569, %broadcast_in_dim3A_563 : vector<16xi1>, vector<16xi32>
      %broadcast_in_dim3A_571 = vector.shape_cast %select_n3A_570 : vector<16xi32> to vector<16x1xi32>
      %gather3A_572 = vector.shape_cast %broadcast_in_dim3A_571 : vector<16x1xi32> to vector<16xi32>
      %gather3A_573 = tpu.dynamic_gather %get3A_499[%gather3A_572] in [0] : vector<16xf32>, vector<16xi32> -> vector<16xf32>
      %mul3A_574 = arith.mulf %add3A_561, %gather3A_573 : vector<16xf32>
      %swap3A_575 = arith.index_cast %add3A_554 : i32 to index
      %swap3A_576 = arith.constant 0 : index
      %swap3A_577 = tpu.vector_load %arg9[%swap3A_575, %swap3A_576] {strides = array<i32>} : memref<640x16xf32, #tpu.memory_space<vmem>>, vector<16xf32>,
      tpu.vector_store %arg9[%swap3A_575, %swap3A_576], %mul3A_574 {strides = array<i32>} : memref<640x16xf32, #tpu.memory_space<vmem>>, vector<16xf32>,
      %mul3A_578 = arith.constant 16 : i32
      %mul3A_579 = arith.muli %scan3A_495, %mul3A_578 : i32
      %add3A_580 = arith.constant 3 : i32
      %add3A_581 = arith.addi %mul3A_579, %add3A_580 : i32
      %get3A_582 = arith.index_cast %add3A_581 : i32 to index
      %get3A_583 = arith.constant 0 : index
      %get3A_584 = tpu.vector_load %arg9[%get3A_582, %get3A_583] {strides = array<i32>} : memref<640x16xf32, #tpu.memory_space<vmem>>, vector<16xf32>,
      %get3A_585 = arith.index_cast %add3A_581 : i32 to index
      %get3A_586 = arith.constant 0 : index
      %get3A_587 = tpu.vector_load %arg8[%get3A_585, %get3A_586] {strides = array<i32>} : memref<640x16xf32, #tpu.memory_space<vmem>>, vector<16xf32>,
      %add3A_588 = arith.addf %get3A_584, %get3A_587 : vector<16xf32>
      %broadcast_in_dim3A_589 = arith.constant 3 : i32
      %broadcast_in_dim3A_590 = vector.broadcast %broadcast_in_dim3A_589 : i32 to vector<16xi32>
      %lt3A_591 = arith.constant 0 : i32
      %lt3A_592 = vector.broadcast %lt3A_591 : i32 to vector<16xi32>
      %lt3A_593 = arith.cmpi slt, %broadcast_in_dim3A_590, %lt3A_592 : vector<16xi32>
      %add3A_594 = arith.constant 16 : i32
      %add3A_595 = vector.broadcast %add3A_594 : i32 to vector<16xi32>
      %add3A_596 = arith.addi %broadcast_in_dim3A_590, %add3A_595 : vector<16xi32>
      %select_n3A_597 = arith.select %lt3A_593, %add3A_596, %broadcast_in_dim3A_590 : vector<16xi1>, vector<16xi32>
      %broadcast_in_dim3A_598 = vector.shape_cast %select_n3A_597 : vector<16xi32> to vector<16x1xi32>
      %gather3A_599 = vector.shape_cast %broadcast_in_dim3A_598 : vector<16x1xi32> to vector<16xi32>
      %gather3A_600 = tpu.dynamic_gather %get3A_499[%gather3A_599] in [0] : vector<16xf32>, vector<16xi32> -> vector<16xf32>
      %mul3A_601 = arith.mulf %add3A_588, %gather3A_600 : vector<16xf32>
      %swap3A_602 = arith.index_cast %add3A_581 : i32 to index
      %swap3A_603 = arith.constant 0 : index
      %swap3A_604 = tpu.vector_load %arg9[%swap3A_602, %swap3A_603] {strides = array<i32>} : memref<640x16xf32, #tpu.memory_space<vmem>>, vector<16xf32>,
      tpu.vector_store %arg9[%swap3A_602, %swap3A_603], %mul3A_601 {strides = array<i32>} : memref<640x16xf32, #tpu.memory_space<vmem>>, vector<16xf32>,
      %mul3A_605 = arith.constant 16 : i32
      %mul3A_606 = arith.muli %scan3A_495, %mul3A_605 : i32
      %add3A_607 = arith.constant 4 : i32
      %add3A_608 = arith.addi %mul3A_606, %add3A_607 : i32
      %get3A_609 = arith.index_cast %add3A_608 : i32 to index
      %get3A_610 = arith.constant 0 : index
      %get3A_611 = tpu.vector_load %arg9[%get3A_609, %get3A_610] {strides = array<i32>} : memref<640x16xf32, #tpu.memory_space<vmem>>, vector<16xf32>,
      %get3A_612 = arith.index_cast %add3A_608 : i32 to index
      %get3A_613 = arith.constant 0 : index
      %get3A_614 = tpu.vector_load %arg8[%get3A_612, %get3A_613] {strides = array<i32>} : memref<640x16xf32, #tpu.memory_space<vmem>>, vector<16xf32>,
      %add3A_615 = arith.addf %get3A_611, %get3A_614 : vector<16xf32>
      %broadcast_in_dim3A_616 = arith.constant 4 : i32
      %broadcast_in_dim3A_617 = vector.broadcast %broadcast_in_dim3A_616 : i32 to vector<16xi32>
      %lt3A_618 = arith.constant 0 : i32
      %lt3A_619 = vector.broadcast %lt3A_618 : i32 to vector<16xi32>
      %lt3A_620 = arith.cmpi slt, %broadcast_in_dim3A_617, %lt3A_619 : vector<16xi32>
      %add3A_621 = arith.constant 16 : i32
      %add3A_622 = vector.broadcast %add3A_621 : i32 to vector<16xi32>
      %add3A_623 = arith.addi %broadcast_in_dim3A_617, %add3A_622 : vector<16xi32>
      %select_n3A_624 = arith.select %lt3A_620, %add3A_623, %broadcast_in_dim3A_617 : vector<16xi1>, vector<16xi32>
      %broadcast_in_dim3A_625 = vector.shape_cast %select_n3A_624 : vector<16xi32> to vector<16x1xi32>
      %gather3A_626 = vector.shape_cast %broadcast_in_dim3A_625 : vector<16x1xi32> to vector<16xi32>
      %gather3A_627 = tpu.dynamic_gather %get3A_499[%gather3A_626] in [0] : vector<16xf32>, vector<16xi32> -> vector<16xf32>
      %mul3A_628 = arith.mulf %add3A_615, %gather3A_627 : vector<16xf32>
      %swap3A_629 = arith.index_cast %add3A_608 : i32 to index
      %swap3A_630 = arith.constant 0 : index
      %swap3A_631 = tpu.vector_load %arg9[%swap3A_629, %swap3A_630] {strides = array<i32>} : memref<640x16xf32, #tpu.memory_space<vmem>>, vector<16xf32>,
      tpu.vector_store %arg9[%swap3A_629, %swap3A_630], %mul3A_628 {strides = array<i32>} : memref<640x16xf32, #tpu.memory_space<vmem>>, vector<16xf32>,
      %mul3A_632 = arith.constant 16 : i32
      %mul3A_633 = arith.muli %scan3A_495, %mul3A_632 : i32
      %add3A_634 = arith.constant 5 : i32
      %add3A_635 = arith.addi %mul3A_633, %add3A_634 : i32
      %get3A_636 = arith.index_cast %add3A_635 : i32 to index
      %get3A_637 = arith.constant 0 : index
      %get3A_638 = tpu.vector_load %arg9[%get3A_636, %get3A_637] {strides = array<i32>} : memref<640x16xf32, #tpu.memory_space<vmem>>, vector<16xf32>,
      %get3A_639 = arith.index_cast %add3A_635 : i32 to index
      %get3A_640 = arith.constant 0 : index
      %get3A_641 = tpu.vector_load %arg8[%get3A_639, %get3A_640] {strides = array<i32>} : memref<640x16xf32, #tpu.memory_space<vmem>>, vector<16xf32>,
      %add3A_642 = arith.addf %get3A_638, %get3A_641 : vector<16xf32>
      %broadcast_in_dim3A_643 = arith.constant 5 : i32
      %broadcast_in_dim3A_644 = vector.broadcast %broadcast_in_dim3A_643 : i32 to vector<16xi32>
      %lt3A_645 = arith.constant 0 : i32
      %lt3A_646 = vector.broadcast %lt3A_645 : i32 to vector<16xi32>
      %lt3A_647 = arith.cmpi slt, %broadcast_in_dim3A_644, %lt3A_646 : vector<16xi32>
      %add3A_648 = arith.constant 16 : i32
      %add3A_649 = vector.broadcast %add3A_648 : i32 to vector<16xi32>
      %add3A_650 = arith.addi %broadcast_in_dim3A_644, %add3A_649 : vector<16xi32>
      %select_n3A_651 = arith.select %lt3A_647, %add3A_650, %broadcast_in_dim3A_644 : vector<16xi1>, vector<16xi32>
      %broadcast_in_dim3A_652 = vector.shape_cast %select_n3A_651 : vector<16xi32> to vector<16x1xi32>
      %gather3A_653 = vector.shape_cast %broadcast_in_dim3A_652 : vector<16x1xi32> to vector<16xi32>
      %gather3A_654 = tpu.dynamic_gather %get3A_499[%gather3A_653] in [0] : vector<16xf32>, vector<16xi32> -> vector<16xf32>
      %mul3A_655 = arith.mulf %add3A_642, %gather3A_654 : vector<16xf32>
      %swap3A_656 = arith.index_cast %add3A_635 : i32 to index
      %swap3A_657 = arith.constant 0 : index
      %swap3A_658 = tpu.vector_load %arg9[%swap3A_656, %swap3A_657] {strides = array<i32>} : memref<640x16xf32, #tpu.memory_space<vmem>>, vector<16xf32>,
      tpu.vector_store %arg9[%swap3A_656, %swap3A_657], %mul3A_655 {strides = array<i32>} : memref<640x16xf32, #tpu.memory_space<vmem>>, vector<16xf32>,
      %mul3A_659 = arith.constant 16 : i32
      %mul3A_660 = arith.muli %scan3A_495, %mul3A_659 : i32
      %add3A_661 = arith.constant 6 : i32
      %add3A_662 = arith.addi %mul3A_660, %add3A_661 : i32
      %get3A_663 = arith.index_cast %add3A_662 : i32 to index
      %get3A_664 = arith.constant 0 : index
      %get3A_665 = tpu.vector_load %arg9[%get3A_663, %get3A_664] {strides = array<i32>} : memref<640x16xf32, #tpu.memory_space<vmem>>, vector<16xf32>,
      %get3A_666 = arith.index_cast %add3A_662 : i32 to index
      %get3A_667 = arith.constant 0 : index
      %get3A_668 = tpu.vector_load %arg8[%get3A_666, %get3A_667] {strides = array<i32>} : memref<640x16xf32, #tpu.memory_space<vmem>>, vector<16xf32>,
      %add3A_669 = arith.addf %get3A_665, %get3A_668 : vector<16xf32>
      %broadcast_in_dim3A_670 = arith.constant 6 : i32
      %broadcast_in_dim3A_671 = vector.broadcast %broadcast_in_dim3A_670 : i32 to vector<16xi32>
      %lt3A_672 = arith.constant 0 : i32
      %lt3A_673 = vector.broadcast %lt3A_672 : i32 to vector<16xi32>
      %lt3A_674 = arith.cmpi slt, %broadcast_in_dim3A_671, %lt3A_673 : vector<16xi32>
      %add3A_675 = arith.constant 16 : i32
      %add3A_676 = vector.broadcast %add3A_675 : i32 to vector<16xi32>
      %add3A_677 = arith.addi %broadcast_in_dim3A_671, %add3A_676 : vector<16xi32>
      %select_n3A_678 = arith.select %lt3A_674, %add3A_677, %broadcast_in_dim3A_671 : vector<16xi1>, vector<16xi32>
      %broadcast_in_dim3A_679 = vector.shape_cast %select_n3A_678 : vector<16xi32> to vector<16x1xi32>
      %gather3A_680 = vector.shape_cast %broadcast_in_dim3A_679 : vector<16x1xi32> to vector<16xi32>
      %gather3A_681 = tpu.dynamic_gather %get3A_499[%gather3A_680] in [0] : vector<16xf32>, vector<16xi32> -> vector<16xf32>
      %mul3A_682 = arith.mulf %add3A_669, %gather3A_681 : vector<16xf32>
      %swap3A_683 = arith.index_cast %add3A_662 : i32 to index
      %swap3A_684 = arith.constant 0 : index
      %swap3A_685 = tpu.vector_load %arg9[%swap3A_683, %swap3A_684] {strides = array<i32>} : memref<640x16xf32, #tpu.memory_space<vmem>>, vector<16xf32>,
      tpu.vector_store %arg9[%swap3A_683, %swap3A_684], %mul3A_682 {strides = array<i32>} : memref<640x16xf32, #tpu.memory_space<vmem>>, vector<16xf32>,
      %mul3A_686 = arith.constant 16 : i32
      %mul3A_687 = arith.muli %scan3A_495, %mul3A_686 : i32
      %add3A_688 = arith.constant 7 : i32
      %add3A_689 = arith.addi %mul3A_687, %add3A_688 : i32
      %get3A_690 = arith.index_cast %add3A_689 : i32 to index
      %get3A_691 = arith.constant 0 : index
      %get3A_692 = tpu.vector_load %arg9[%get3A_690, %get3A_691] {strides = array<i32>} : memref<640x16xf32, #tpu.memory_space<vmem>>, vector<16xf32>,
      %get3A_693 = arith.index_cast %add3A_689 : i32 to index
      %get3A_694 = arith.constant 0 : index
      %get3A_695 = tpu.vector_load %arg8[%get3A_693, %get3A_694] {strides = array<i32>} : memref<640x16xf32, #tpu.memory_space<vmem>>, vector<16xf32>,
      %add3A_696 = arith.addf %get3A_692, %get3A_695 : vector<16xf32>
      %broadcast_in_dim3A_697 = arith.constant 7 : i32
      %broadcast_in_dim3A_698 = vector.broadcast %broadcast_in_dim3A_697 : i32 to vector<16xi32>
      %lt3A_699 = arith.constant 0 : i32
      %lt3A_700 = vector.broadcast %lt3A_699 : i32 to vector<16xi32>
      %lt3A_701 = arith.cmpi slt, %broadcast_in_dim3A_698, %lt3A_700 : vector<16xi32>
      %add3A_702 = arith.constant 16 : i32
      %add3A_703 = vector.broadcast %add3A_702 : i32 to vector<16xi32>
      %add3A_704 = arith.addi %broadcast_in_dim3A_698, %add3A_703 : vector<16xi32>
      %select_n3A_705 = arith.select %lt3A_701, %add3A_704, %broadcast_in_dim3A_698 : vector<16xi1>, vector<16xi32>
      %broadcast_in_dim3A_706 = vector.shape_cast %select_n3A_705 : vector<16xi32> to vector<16x1xi32>
      %gather3A_707 = vector.shape_cast %broadcast_in_dim3A_706 : vector<16x1xi32> to vector<16xi32>
      %gather3A_708 = tpu.dynamic_gather %get3A_499[%gather3A_707] in [0] : vector<16xf32>, vector<16xi32> -> vector<16xf32>
      %mul3A_709 = arith.mulf %add3A_696, %gather3A_708 : vector<16xf32>
      %swap3A_710 = arith.index_cast %add3A_689 : i32 to index
      %swap3A_711 = arith.constant 0 : index
      %swap3A_712 = tpu.vector_load %arg9[%swap3A_710, %swap3A_711] {strides = array<i32>} : memref<640x16xf32, #tpu.memory_space<vmem>>, vector<16xf32>,
      tpu.vector_store %arg9[%swap3A_710, %swap3A_711], %mul3A_709 {strides = array<i32>} : memref<640x16xf32, #tpu.memory_space<vmem>>, vector<16xf32>,
      %mul3A_713 = arith.constant 16 : i32
      %mul3A_714 = arith.muli %scan3A_495, %mul3A_713 : i32
      %add3A_715 = arith.constant 8 : i32
      %add3A_716 = arith.addi %mul3A_714, %add3A_715 : i32
      %get3A_717 = arith.index_cast %add3A_716 : i32 to index
      %get3A_718 = arith.constant 0 : index
      %get3A_719 = tpu.vector_load %arg9[%get3A_717, %get3A_718] {strides = array<i32>} : memref<640x16xf32, #tpu.memory_space<vmem>>, vector<16xf32>,
      %get3A_720 = arith.index_cast %add3A_716 : i32 to index
      %get3A_721 = arith.constant 0 : index
      %get3A_722 = tpu.vector_load %arg8[%get3A_720, %get3A_721] {strides = array<i32>} : memref<640x16xf32, #tpu.memory_space<vmem>>, vector<16xf32>,
      %add3A_723 = arith.addf %get3A_719, %get3A_722 : vector<16xf32>
      %broadcast_in_dim3A_724 = arith.constant 8 : i32
      %broadcast_in_dim3A_725 = vector.broadcast %broadcast_in_dim3A_724 : i32 to vector<16xi32>
      %lt3A_726 = arith.constant 0 : i32
      %lt3A_727 = vector.broadcast %lt3A_726 : i32 to vector<16xi32>
      %lt3A_728 = arith.cmpi slt, %broadcast_in_dim3A_725, %lt3A_727 : vector<16xi32>
      %add3A_729 = arith.constant 16 : i32
      %add3A_730 = vector.broadcast %add3A_729 : i32 to vector<16xi32>
      %add3A_731 = arith.addi %broadcast_in_dim3A_725, %add3A_730 : vector<16xi32>
      %select_n3A_732 = arith.select %lt3A_728, %add3A_731, %broadcast_in_dim3A_725 : vector<16xi1>, vector<16xi32>
      %broadcast_in_dim3A_733 = vector.shape_cast %select_n3A_732 : vector<16xi32> to vector<16x1xi32>
      %gather3A_734 = vector.shape_cast %broadcast_in_dim3A_733 : vector<16x1xi32> to vector<16xi32>
      %gather3A_735 = tpu.dynamic_gather %get3A_499[%gather3A_734] in [0] : vector<16xf32>, vector<16xi32> -> vector<16xf32>
      %mul3A_736 = arith.mulf %add3A_723, %gather3A_735 : vector<16xf32>
      %swap3A_737 = arith.index_cast %add3A_716 : i32 to index
      %swap3A_738 = arith.constant 0 : index
      %swap3A_739 = tpu.vector_load %arg9[%swap3A_737, %swap3A_738] {strides = array<i32>} : memref<640x16xf32, #tpu.memory_space<vmem>>, vector<16xf32>,
      tpu.vector_store %arg9[%swap3A_737, %swap3A_738], %mul3A_736 {strides = array<i32>} : memref<640x16xf32, #tpu.memory_space<vmem>>, vector<16xf32>,
      %mul3A_740 = arith.constant 16 : i32
      %mul3A_741 = arith.muli %scan3A_495, %mul3A_740 : i32
      %add3A_742 = arith.constant 9 : i32
      %add3A_743 = arith.addi %mul3A_741, %add3A_742 : i32
      %get3A_744 = arith.index_cast %add3A_743 : i32 to index
      %get3A_745 = arith.constant 0 : index
      %get3A_746 = tpu.vector_load %arg9[%get3A_744, %get3A_745] {strides = array<i32>} : memref<640x16xf32, #tpu.memory_space<vmem>>, vector<16xf32>,
      %get3A_747 = arith.index_cast %add3A_743 : i32 to index
      %get3A_748 = arith.constant 0 : index
      %get3A_749 = tpu.vector_load %arg8[%get3A_747, %get3A_748] {strides = array<i32>} : memref<640x16xf32, #tpu.memory_space<vmem>>, vector<16xf32>,
      %add3A_750 = arith.addf %get3A_746, %get3A_749 : vector<16xf32>
      %broadcast_in_dim3A_751 = arith.constant 9 : i32
      %broadcast_in_dim3A_752 = vector.broadcast %broadcast_in_dim3A_751 : i32 to vector<16xi32>
      %lt3A_753 = arith.constant 0 : i32
      %lt3A_754 = vector.broadcast %lt3A_753 : i32 to vector<16xi32>
      %lt3A_755 = arith.cmpi slt, %broadcast_in_dim3A_752, %lt3A_754 : vector<16xi32>
      %add3A_756 = arith.constant 16 : i32
      %add3A_757 = vector.broadcast %add3A_756 : i32 to vector<16xi32>
      %add3A_758 = arith.addi %broadcast_in_dim3A_752, %add3A_757 : vector<16xi32>
      %select_n3A_759 = arith.select %lt3A_755, %add3A_758, %broadcast_in_dim3A_752 : vector<16xi1>, vector<16xi32>
      %broadcast_in_dim3A_760 = vector.shape_cast %select_n3A_759 : vector<16xi32> to vector<16x1xi32>
      %gather3A_761 = vector.shape_cast %broadcast_in_dim3A_760 : vector<16x1xi32> to vector<16xi32>
      %gather3A_762 = tpu.dynamic_gather %get3A_499[%gather3A_761] in [0] : vector<16xf32>, vector<16xi32> -> vector<16xf32>
      %mul3A_763 = arith.mulf %add3A_750, %gather3A_762 : vector<16xf32>
      %swap3A_764 = arith.index_cast %add3A_743 : i32 to index
      %swap3A_765 = arith.constant 0 : index
      %swap3A_766 = tpu.vector_load %arg9[%swap3A_764, %swap3A_765] {strides = array<i32>} : memref<640x16xf32, #tpu.memory_space<vmem>>, vector<16xf32>,
      tpu.vector_store %arg9[%swap3A_764, %swap3A_765], %mul3A_763 {strides = array<i32>} : memref<640x16xf32, #tpu.memory_space<vmem>>, vector<16xf32>,
      %mul3A_767 = arith.constant 16 : i32
      %mul3A_768 = arith.muli %scan3A_495, %mul3A_767 : i32
      %add3A_769 = arith.constant 10 : i32
      %add3A_770 = arith.addi %mul3A_768, %add3A_769 : i32
      %get3A_771 = arith.index_cast %add3A_770 : i32 to index
      %get3A_772 = arith.constant 0 : index
      %get3A_773 = tpu.vector_load %arg9[%get3A_771, %get3A_772] {strides = array<i32>} : memref<640x16xf32, #tpu.memory_space<vmem>>, vector<16xf32>,
      %get3A_774 = arith.index_cast %add3A_770 : i32 to index
      %get3A_775 = arith.constant 0 : index
      %get3A_776 = tpu.vector_load %arg8[%get3A_774, %get3A_775] {strides = array<i32>} : memref<640x16xf32, #tpu.memory_space<vmem>>, vector<16xf32>,
      %add3A_777 = arith.addf %get3A_773, %get3A_776 : vector<16xf32>
      %broadcast_in_dim3A_778 = arith.constant 10 : i32
      %broadcast_in_dim3A_779 = vector.broadcast %broadcast_in_dim3A_778 : i32 to vector<16xi32>
      %lt3A_780 = arith.constant 0 : i32
      %lt3A_781 = vector.broadcast %lt3A_780 : i32 to vector<16xi32>
      %lt3A_782 = arith.cmpi slt, %broadcast_in_dim3A_779, %lt3A_781 : vector<16xi32>
      %add3A_783 = arith.constant 16 : i32
      %add3A_784 = vector.broadcast %add3A_783 : i32 to vector<16xi32>
      %add3A_785 = arith.addi %broadcast_in_dim3A_779, %add3A_784 : vector<16xi32>
      %select_n3A_786 = arith.select %lt3A_782, %add3A_785, %broadcast_in_dim3A_779 : vector<16xi1>, vector<16xi32>
      %broadcast_in_dim3A_787 = vector.shape_cast %select_n3A_786 : vector<16xi32> to vector<16x1xi32>
      %gather3A_788 = vector.shape_cast %broadcast_in_dim3A_787 : vector<16x1xi32> to vector<16xi32>
      %gather3A_789 = tpu.dynamic_gather %get3A_499[%gather3A_788] in [0] : vector<16xf32>, vector<16xi32> -> vector<16xf32>
      %mul3A_790 = arith.mulf %add3A_777, %gather3A_789 : vector<16xf32>
      %swap3A_791 = arith.index_cast %add3A_770 : i32 to index
      %swap3A_792 = arith.constant 0 : index
      %swap3A_793 = tpu.vector_load %arg9[%swap3A_791, %swap3A_792] {strides = array<i32>} : memref<640x16xf32, #tpu.memory_space<vmem>>, vector<16xf32>,
      tpu.vector_store %arg9[%swap3A_791, %swap3A_792], %mul3A_790 {strides = array<i32>} : memref<640x16xf32, #tpu.memory_space<vmem>>, vector<16xf32>,
      %mul3A_794 = arith.constant 16 : i32
      %mul3A_795 = arith.muli %scan3A_495, %mul3A_794 : i32
      %add3A_796 = arith.constant 11 : i32
      %add3A_797 = arith.addi %mul3A_795, %add3A_796 : i32
      %get3A_798 = arith.index_cast %add3A_797 : i32 to index
      %get3A_799 = arith.constant 0 : index
      %get3A_800 = tpu.vector_load %arg9[%get3A_798, %get3A_799] {strides = array<i32>} : memref<640x16xf32, #tpu.memory_space<vmem>>, vector<16xf32>,
      %get3A_801 = arith.index_cast %add3A_797 : i32 to index
      %get3A_802 = arith.constant 0 : index
      %get3A_803 = tpu.vector_load %arg8[%get3A_801, %get3A_802] {strides = array<i32>} : memref<640x16xf32, #tpu.memory_space<vmem>>, vector<16xf32>,
      %add3A_804 = arith.addf %get3A_800, %get3A_803 : vector<16xf32>
      %broadcast_in_dim3A_805 = arith.constant 11 : i32
      %broadcast_in_dim3A_806 = vector.broadcast %broadcast_in_dim3A_805 : i32 to vector<16xi32>
      %lt3A_807 = arith.constant 0 : i32
      %lt3A_808 = vector.broadcast %lt3A_807 : i32 to vector<16xi32>
      %lt3A_809 = arith.cmpi slt, %broadcast_in_dim3A_806, %lt3A_808 : vector<16xi32>
      %add3A_810 = arith.constant 16 : i32
      %add3A_811 = vector.broadcast %add3A_810 : i32 to vector<16xi32>
      %add3A_812 = arith.addi %broadcast_in_dim3A_806, %add3A_811 : vector<16xi32>
      %select_n3A_813 = arith.select %lt3A_809, %add3A_812, %broadcast_in_dim3A_806 : vector<16xi1>, vector<16xi32>
      %broadcast_in_dim3A_814 = vector.shape_cast %select_n3A_813 : vector<16xi32> to vector<16x1xi32>
      %gather3A_815 = vector.shape_cast %broadcast_in_dim3A_814 : vector<16x1xi32> to vector<16xi32>
      %gather3A_816 = tpu.dynamic_gather %get3A_499[%gather3A_815] in [0] : vector<16xf32>, vector<16xi32> -> vector<16xf32>
      %mul3A_817 = arith.mulf %add3A_804, %gather3A_816 : vector<16xf32>
      %swap3A_818 = arith.index_cast %add3A_797 : i32 to index
      %swap3A_819 = arith.constant 0 : index
      %swap3A_820 = tpu.vector_load %arg9[%swap3A_818, %swap3A_819] {strides = array<i32>} : memref<640x16xf32, #tpu.memory_space<vmem>>, vector<16xf32>,
      tpu.vector_store %arg9[%swap3A_818, %swap3A_819], %mul3A_817 {strides = array<i32>} : memref<640x16xf32, #tpu.memory_space<vmem>>, vector<16xf32>,
      %mul3A_821 = arith.constant 16 : i32
      %mul3A_822 = arith.muli %scan3A_495, %mul3A_821 : i32
      %add3A_823 = arith.constant 12 : i32
      %add3A_824 = arith.addi %mul3A_822, %add3A_823 : i32
      %get3A_825 = arith.index_cast %add3A_824 : i32 to index
      %get3A_826 = arith.constant 0 : index
      %get3A_827 = tpu.vector_load %arg9[%get3A_825, %get3A_826] {strides = array<i32>} : memref<640x16xf32, #tpu.memory_space<vmem>>, vector<16xf32>,
      %get3A_828 = arith.index_cast %add3A_824 : i32 to index
      %get3A_829 = arith.constant 0 : index
      %get3A_830 = tpu.vector_load %arg8[%get3A_828, %get3A_829] {strides = array<i32>} : memref<640x16xf32, #tpu.memory_space<vmem>>, vector<16xf32>,
      %add3A_831 = arith.addf %get3A_827, %get3A_830 : vector<16xf32>
      %broadcast_in_dim3A_832 = arith.constant 12 : i32
      %broadcast_in_dim3A_833 = vector.broadcast %broadcast_in_dim3A_832 : i32 to vector<16xi32>
      %lt3A_834 = arith.constant 0 : i32
      %lt3A_835 = vector.broadcast %lt3A_834 : i32 to vector<16xi32>
      %lt3A_836 = arith.cmpi slt, %broadcast_in_dim3A_833, %lt3A_835 : vector<16xi32>
      %add3A_837 = arith.constant 16 : i32
      %add3A_838 = vector.broadcast %add3A_837 : i32 to vector<16xi32>
      %add3A_839 = arith.addi %broadcast_in_dim3A_833, %add3A_838 : vector<16xi32>
      %select_n3A_840 = arith.select %lt3A_836, %add3A_839, %broadcast_in_dim3A_833 : vector<16xi1>, vector<16xi32>
      %broadcast_in_dim3A_841 = vector.shape_cast %select_n3A_840 : vector<16xi32> to vector<16x1xi32>
      %gather3A_842 = vector.shape_cast %broadcast_in_dim3A_841 : vector<16x1xi32> to vector<16xi32>
      %gather3A_843 = tpu.dynamic_gather %get3A_499[%gather3A_842] in [0] : vector<16xf32>, vector<16xi32> -> vector<16xf32>
      %mul3A_844 = arith.mulf %add3A_831, %gather3A_843 : vector<16xf32>
      %swap3A_845 = arith.index_cast %add3A_824 : i32 to index
      %swap3A_846 = arith.constant 0 : index
      %swap3A_847 = tpu.vector_load %arg9[%swap3A_845, %swap3A_846] {strides = array<i32>} : memref<640x16xf32, #tpu.memory_space<vmem>>, vector<16xf32>,
      tpu.vector_store %arg9[%swap3A_845, %swap3A_846], %mul3A_844 {strides = array<i32>} : memref<640x16xf32, #tpu.memory_space<vmem>>, vector<16xf32>,
      %mul3A_848 = arith.constant 16 : i32
      %mul3A_849 = arith.muli %scan3A_495, %mul3A_848 : i32
      %add3A_850 = arith.constant 13 : i32
      %add3A_851 = arith.addi %mul3A_849, %add3A_850 : i32
      %get3A_852 = arith.index_cast %add3A_851 : i32 to index
      %get3A_853 = arith.constant 0 : index
      %get3A_854 = tpu.vector_load %arg9[%get3A_852, %get3A_853] {strides = array<i32>} : memref<640x16xf32, #tpu.memory_space<vmem>>, vector<16xf32>,
      %get3A_855 = arith.index_cast %add3A_851 : i32 to index
      %get3A_856 = arith.constant 0 : index
      %get3A_857 = tpu.vector_load %arg8[%get3A_855, %get3A_856] {strides = array<i32>} : memref<640x16xf32, #tpu.memory_space<vmem>>, vector<16xf32>,
      %add3A_858 = arith.addf %get3A_854, %get3A_857 : vector<16xf32>
      %broadcast_in_dim3A_859 = arith.constant 13 : i32
      %broadcast_in_dim3A_860 = vector.broadcast %broadcast_in_dim3A_859 : i32 to vector<16xi32>
      %lt3A_861 = arith.constant 0 : i32
      %lt3A_862 = vector.broadcast %lt3A_861 : i32 to vector<16xi32>
      %lt3A_863 = arith.cmpi slt, %broadcast_in_dim3A_860, %lt3A_862 : vector<16xi32>
      %add3A_864 = arith.constant 16 : i32
      %add3A_865 = vector.broadcast %add3A_864 : i32 to vector<16xi32>
      %add3A_866 = arith.addi %broadcast_in_dim3A_860, %add3A_865 : vector<16xi32>
      %select_n3A_867 = arith.select %lt3A_863, %add3A_866, %broadcast_in_dim3A_860 : vector<16xi1>, vector<16xi32>
      %broadcast_in_dim3A_868 = vector.shape_cast %select_n3A_867 : vector<16xi32> to vector<16x1xi32>
      %gather3A_869 = vector.shape_cast %broadcast_in_dim3A_868 : vector<16x1xi32> to vector<16xi32>
      %gather3A_870 = tpu.dynamic_gather %get3A_499[%gather3A_869] in [0] : vector<16xf32>, vector<16xi32> -> vector<16xf32>
      %mul3A_871 = arith.mulf %add3A_858, %gather3A_870 : vector<16xf32>
      %swap3A_872 = arith.index_cast %add3A_851 : i32 to index
      %swap3A_873 = arith.constant 0 : index
      %swap3A_874 = tpu.vector_load %arg9[%swap3A_872, %swap3A_873] {strides = array<i32>} : memref<640x16xf32, #tpu.memory_space<vmem>>, vector<16xf32>,
      tpu.vector_store %arg9[%swap3A_872, %swap3A_873], %mul3A_871 {strides = array<i32>} : memref<640x16xf32, #tpu.memory_space<vmem>>, vector<16xf32>,
      %mul3A_875 = arith.constant 16 : i32
      %mul3A_876 = arith.muli %scan3A_495, %mul3A_875 : i32
      %add3A_877 = arith.constant 14 : i32
      %add3A_878 = arith.addi %mul3A_876, %add3A_877 : i32
      %get3A_879 = arith.index_cast %add3A_878 : i32 to index
      %get3A_880 = arith.constant 0 : index
      %get3A_881 = tpu.vector_load %arg9[%get3A_879, %get3A_880] {strides = array<i32>} : memref<640x16xf32, #tpu.memory_space<vmem>>, vector<16xf32>,
      %get3A_882 = arith.index_cast %add3A_878 : i32 to index
      %get3A_883 = arith.constant 0 : index
      %get3A_884 = tpu.vector_load %arg8[%get3A_882, %get3A_883] {strides = array<i32>} : memref<640x16xf32, #tpu.memory_space<vmem>>, vector<16xf32>,
      %add3A_885 = arith.addf %get3A_881, %get3A_884 : vector<16xf32>
      %broadcast_in_dim3A_886 = arith.constant 14 : i32
      %broadcast_in_dim3A_887 = vector.broadcast %broadcast_in_dim3A_886 : i32 to vector<16xi32>
      %lt3A_888 = arith.constant 0 : i32
      %lt3A_889 = vector.broadcast %lt3A_888 : i32 to vector<16xi32>
      %lt3A_890 = arith.cmpi slt, %broadcast_in_dim3A_887, %lt3A_889 : vector<16xi32>
      %add3A_891 = arith.constant 16 : i32
      %add3A_892 = vector.broadcast %add3A_891 : i32 to vector<16xi32>
      %add3A_893 = arith.addi %broadcast_in_dim3A_887, %add3A_892 : vector<16xi32>
      %select_n3A_894 = arith.select %lt3A_890, %add3A_893, %broadcast_in_dim3A_887 : vector<16xi1>, vector<16xi32>
      %broadcast_in_dim3A_895 = vector.shape_cast %select_n3A_894 : vector<16xi32> to vector<16x1xi32>
      %gather3A_896 = vector.shape_cast %broadcast_in_dim3A_895 : vector<16x1xi32> to vector<16xi32>
      %gather3A_897 = tpu.dynamic_gather %get3A_499[%gather3A_896] in [0] : vector<16xf32>, vector<16xi32> -> vector<16xf32>
      %mul3A_898 = arith.mulf %add3A_885, %gather3A_897 : vector<16xf32>
      %swap3A_899 = arith.index_cast %add3A_878 : i32 to index
      %swap3A_900 = arith.constant 0 : index
      %swap3A_901 = tpu.vector_load %arg9[%swap3A_899, %swap3A_900] {strides = array<i32>} : memref<640x16xf32, #tpu.memory_space<vmem>>, vector<16xf32>,
      tpu.vector_store %arg9[%swap3A_899, %swap3A_900], %mul3A_898 {strides = array<i32>} : memref<640x16xf32, #tpu.memory_space<vmem>>, vector<16xf32>,
      %mul3A_902 = arith.constant 16 : i32
      %mul3A_903 = arith.muli %scan3A_495, %mul3A_902 : i32
      %add3A_904 = arith.constant 15 : i32
      %add3A_905 = arith.addi %mul3A_903, %add3A_904 : i32
      %get3A_906 = arith.index_cast %add3A_905 : i32 to index
      %get3A_907 = arith.constant 0 : index
      %get3A_908 = tpu.vector_load %arg9[%get3A_906, %get3A_907] {strides = array<i32>} : memref<640x16xf32, #tpu.memory_space<vmem>>, vector<16xf32>,
      %get3A_909 = arith.index_cast %add3A_905 : i32 to index
      %get3A_910 = arith.constant 0 : index
      %get3A_911 = tpu.vector_load %arg8[%get3A_909, %get3A_910] {strides = array<i32>} : memref<640x16xf32, #tpu.memory_space<vmem>>, vector<16xf32>,
      %add3A_912 = arith.addf %get3A_908, %get3A_911 : vector<16xf32>
      %broadcast_in_dim3A_913 = arith.constant 15 : i32
      %broadcast_in_dim3A_914 = vector.broadcast %broadcast_in_dim3A_913 : i32 to vector<16xi32>
      %lt3A_915 = arith.constant 0 : i32
      %lt3A_916 = vector.broadcast %lt3A_915 : i32 to vector<16xi32>
      %lt3A_917 = arith.cmpi slt, %broadcast_in_dim3A_914, %lt3A_916 : vector<16xi32>
      %add3A_918 = arith.constant 16 : i32
      %add3A_919 = vector.broadcast %add3A_918 : i32 to vector<16xi32>
      %add3A_920 = arith.addi %broadcast_in_dim3A_914, %add3A_919 : vector<16xi32>
      %select_n3A_921 = arith.select %lt3A_917, %add3A_920, %broadcast_in_dim3A_914 : vector<16xi1>, vector<16xi32>
      %broadcast_in_dim3A_922 = vector.shape_cast %select_n3A_921 : vector<16xi32> to vector<16x1xi32>
      %gather3A_923 = vector.shape_cast %broadcast_in_dim3A_922 : vector<16x1xi32> to vector<16xi32>
      %gather3A_924 = tpu.dynamic_gather %get3A_499[%gather3A_923] in [0] : vector<16xf32>, vector<16xi32> -> vector<16xf32>
      %mul3A_925 = arith.mulf %add3A_912, %gather3A_924 : vector<16xf32>
      %swap3A_926 = arith.index_cast %add3A_905 : i32 to index
      %swap3A_927 = arith.constant 0 : index
      %swap3A_928 = tpu.vector_load %arg9[%swap3A_926, %swap3A_927] {strides = array<i32>} : memref<640x16xf32, #tpu.memory_space<vmem>>, vector<16xf32>,
      tpu.vector_store %arg9[%swap3A_926, %swap3A_927], %mul3A_925 {strides = array<i32>} : memref<640x16xf32, #tpu.memory_space<vmem>>, vector<16xf32>,
    }
    %scan3A_494 = arith.constant 40 : i32
    "tpu.region"() ({
      %run_scoped3A = tpu.sem_alloc : memref<!tpu.dma_semaphore, #tpu.memory_space<semaphore_mem>>
      %dma_start3A = arith.constant 0 : i32
      %dma_start3A_495 = tpu.memref_slice %arg5[%min3A_1, %dma_start3A] : memref<10000x16xf32, #tpu.memory_space<hbm>> -> memref<640x16xf32, #tpu.memory_space<hbm>>
      %dma_start3A_496 = arith.constant 0 : i32
      %dma_start3A_497 = tpu.memref_slice %arg5[%min3A_1, %dma_start3A_496] : memref<10000x16xf32, #tpu.memory_space<hbm>> -> memref<640x16xf32, #tpu.memory_space<hbm>>
      tpu.enqueue_dma source(%arg9 : memref<640x16xf32, #tpu.memory_space<vmem>>) target(%dma_start3A_497 : memref<640x16xf32, #tpu.memory_space<hbm>>) target_semaphore(%run_scoped3A : memref<!tpu.dma_semaphore, #tpu.memory_space<semaphore_mem>>)
      %dma_wait3A_498 = arith.constant 0 : i32
      %dma_wait3A_499 = tpu.memref_slice %arg5[%min3A_1, %dma_wait3A_498] : memref<10000x16xf32, #tpu.memory_space<hbm>> -> memref<640x16xf32, #tpu.memory_space<hbm>>
      %dma_wait3A_500 = arith.constant 0 : i32
      %dma_wait3A_501 = tpu.memref_slice %arg5[%min3A_1, %dma_wait3A_500] : memref<10000x16xf32, #tpu.memory_space<hbm>> -> memref<640x16xf32, #tpu.memory_space<hbm>>
      tpu.wait_dma2 semaphore(%run_scoped3A : memref<!tpu.dma_semaphore, #tpu.memory_space<semaphore_mem>>) src(%arg9 : memref<640x16xf32, #tpu.memory_space<vmem>>) dst(%dma_wait3A_501 : memref<640x16xf32, #tpu.memory_space<hbm>>)
      tpu.yield
    }) : () -> ()
    return
  }
}

module attributes {stable_mosaic.version = 14 : i64} {
  func.func @_mm1_body(%arg0: i32, %arg1: memref<2000x128xf32, #tpu.memory_space<vmem>>, %arg2: memref<128x16xf32, #tpu.memory_space<vmem>>, %arg3: memref<2000x16xf32, #tpu.memory_space<vmem>>) attributes {dimension_semantics = [#tpu.dimension_semantics<arbitrary>], iteration_bounds = array<i64: 5>, scalar_prefetch = 0 : i64, scratch_operands = 0 : i64, tpu.core_type = #tpu.core_type<tc>, window_params = [{transform_indices = @transform_0, window_bounds = array<i64: 2000, 128>}, {pipeline_mode = #tpu.pipeline_mode<synchronous>, transform_indices = @transform_1, window_bounds = array<i64: 128, 16>}, {transform_indices = @transform_2, window_bounds = array<i64: 2000, 16>}]} {
    %get3A = arith.constant 0 : index
    %get3A_0 = arith.constant 0 : index
    %get3A_1 = vector.load %arg1[%get3A, %get3A_0] : memref<2000x128xf32, #tpu.memory_space<vmem>>, vector<2000x128xf32>
    %get3A_2 = arith.constant 0 : index
    %get3A_3 = arith.constant 0 : index
    %get3A_4 = vector.load %arg2[%get3A_2, %get3A_3] : memref<128x16xf32, #tpu.memory_space<vmem>>, vector<128x16xf32>
    %dot_general3A = arith.constant dense<0.000000e+00> : vector<2000x16xf32>
    %dot_general3A_5 = tpu.matmul %get3A_1, %get3A_4, %dot_general3A {dimension_numbers = #tpu.dot_dimension_numbers<[1], [0], [0], [1], [0, 0, 1, 1], [], []>, transpose_lhs_hint = false} : vector<2000x128xf32>, vector<128x16xf32>, vector<2000x16xf32> -> vector<2000x16xf32>
    %swap3A = arith.constant 0 : index
    %swap3A_6 = arith.constant 0 : index
    %swap3A_7 = vector.load %arg3[%swap3A, %swap3A_6] : memref<2000x16xf32, #tpu.memory_space<vmem>>, vector<2000x16xf32>
    tpu.vector_store %arg3[%swap3A, %swap3A_6], %dot_general3A_5 {strides = array<i32>} : memref<2000x16xf32, #tpu.memory_space<vmem>>, vector<2000x16xf32>,
    return
  }
  func.func @transform_0(%arg0: i32) -> (i32, i32) {
    %c0_i32 = arith.constant 0 : i32
    %c0_i32_0 = arith.constant 0 : i32
    return %arg0, %c0_i32 : i32, i32
  }
  func.func @transform_1(%arg0: i32) -> (i32, i32) {
    %c0_i32 = arith.constant 0 : i32
    %c0_i32_0 = arith.constant 0 : i32
    %c0_i32_1 = arith.constant 0 : i32
    return %c0_i32, %c0_i32_0 : i32, i32
  }
  func.func @transform_2(%arg0: i32) -> (i32, i32) {
    %c0_i32 = arith.constant 0 : i32
    %c0_i32_0 = arith.constant 0 : i32
    return %arg0, %c0_i32 : i32, i32
  }
}

module attributes {stable_mosaic.version = 14 : i64} {
  func.func @_mm2_body(%arg0: i32, %arg1: memref<2000x16xf32, #tpu.memory_space<vmem>>, %arg2: memref<16x128xf32, #tpu.memory_space<vmem>>, %arg3: memref<1x128xf32, #tpu.memory_space<vmem>>, %arg4: memref<2000x128xf32, #tpu.memory_space<vmem>>) attributes {dimension_semantics = [#tpu.dimension_semantics<arbitrary>], iteration_bounds = array<i64: 5>, scalar_prefetch = 0 : i64, scratch_operands = 0 : i64, tpu.core_type = #tpu.core_type<tc>, window_params = [{transform_indices = @transform_0, window_bounds = array<i64: 2000, 16>}, {pipeline_mode = #tpu.pipeline_mode<synchronous>, transform_indices = @transform_1, window_bounds = array<i64: 16, 128>}, {pipeline_mode = #tpu.pipeline_mode<synchronous>, transform_indices = @transform_2, window_bounds = array<i64: 1, 128>}, {transform_indices = @transform_3, window_bounds = array<i64: 2000, 128>}]} {
    %get3A = arith.constant 0 : index
    %get3A_0 = arith.constant 0 : index
    %get3A_1 = vector.load %arg1[%get3A, %get3A_0] : memref<2000x16xf32, #tpu.memory_space<vmem>>, vector<2000x16xf32>
    %get3A_2 = arith.constant 0 : index
    %get3A_3 = arith.constant 0 : index
    %get3A_4 = vector.load %arg2[%get3A_2, %get3A_3] : memref<16x128xf32, #tpu.memory_space<vmem>>, vector<16x128xf32>
    %dot_general3A = arith.constant dense<0.000000e+00> : vector<2000x128xf32>
    %dot_general3A_5 = tpu.matmul %get3A_1, %get3A_4, %dot_general3A {dimension_numbers = #tpu.dot_dimension_numbers<[1], [0], [0], [1], [0, 0, 1, 1], [], []>, transpose_lhs_hint = false} : vector<2000x16xf32>, vector<16x128xf32>, vector<2000x128xf32> -> vector<2000x128xf32>
    %get3A_6 = arith.constant 0 : index
    %get3A_7 = arith.constant 0 : index
    %get3A_8 = vector.load %arg3[%get3A_6, %get3A_7] : memref<1x128xf32, #tpu.memory_space<vmem>>, vector<1x128xf32>
    %add3A = vector.broadcast %get3A_8 : vector<1x128xf32> to vector<2000x128xf32>
    %add3A_9 = arith.addf %dot_general3A_5, %add3A : vector<2000x128xf32>
    %swap3A = arith.constant 0 : index
    %swap3A_10 = arith.constant 0 : index
    %swap3A_11 = vector.load %arg4[%swap3A, %swap3A_10] : memref<2000x128xf32, #tpu.memory_space<vmem>>, vector<2000x128xf32>
    tpu.vector_store %arg4[%swap3A, %swap3A_10], %add3A_9 {strides = array<i32>} : memref<2000x128xf32, #tpu.memory_space<vmem>>, vector<2000x128xf32>,
    return
  }
  func.func @transform_0(%arg0: i32) -> (i32, i32) {
    %c0_i32 = arith.constant 0 : i32
    %c0_i32_0 = arith.constant 0 : i32
    return %arg0, %c0_i32 : i32, i32
  }
  func.func @transform_1(%arg0: i32) -> (i32, i32) {
    %c0_i32 = arith.constant 0 : i32
    %c0_i32_0 = arith.constant 0 : i32
    %c0_i32_1 = arith.constant 0 : i32
    return %c0_i32, %c0_i32_0 : i32, i32
  }
  func.func @transform_2(%arg0: i32) -> (i32, i32) {
    %c0_i32 = arith.constant 0 : i32
    %c0_i32_0 = arith.constant 0 : i32
    %c0_i32_1 = arith.constant 0 : i32
    return %c0_i32, %c0_i32_0 : i32, i32
  }
  func.func @transform_3(%arg0: i32) -> (i32, i32) {
    %c0_i32 = arith.constant 0 : i32
    %c0_i32_0 = arith.constant 0 : i32
    return %arg0, %c0_i32 : i32, i32
  }
}

</mosaic_0001>

<sc_bundles>
// kernel: kernel.5.cloned.1.call-start
scs
__scs_entry_jumppad:
0x0: {  	(pc) =	sbr.rel $0x88, $3  }
0x1: {  	(tag) =	ssettag $0x0;
	lr =	simm.s32 $0x1  }
0x2: {  	[smem:$0x3F9B] =	sst lr;
	_ =	strace $0xD0000000  }
0x3: {  	_ = 	snop  }
0x4: {  	_ = 	snop  }
0x5: {  	_ = 	snop  }
0x6: {  	_ = 	snop  }
0x7: {  	_ = 	snop  }
__scs_overlays_trampoline_lowered:
0x8: {  	[smem:$0x3FAA] =	sst s0  }
0x9: {  	[smem:$0x3FAB] =	sst s1  }
0xa: {  	[smem:$0x3FAC] =	sst s2  }
0xb: {  	[smem:$0x3FAD] =	sst s3  }
0xc: {  	[smem:$0x3FAE] =	sst s4  }
0xd: {  	[smem:$0x3FAF] =	sst s5  }
0xe: {  	[smem:$0x3FB0] =	sst s6  }
0xf: {  	[smem:$0x3FB1] =	sst s7  }
0x10: {  	[smem:$0x3FB2] =	sst s8  }
0x11: {  	[smem:$0x3FB3] =	sst s9;
	s0 =	simm.s32 @!p0 $0x0  }
0x12: {  	s1 =	sld [smem:$0x3F99];
	s0 =	simm.s32 @p0 $0x1  }
0x13: {  	[smem:$0x3FB4] =	sst s0;
	s0 =	simm.s32 @!p1 $0x0  }
0x14: {  	s2 =	sld [smem:$0x3F98];
	s0 =	simm.s32 @p1 $0x1  }
0x15: {  	[smem:$0x3FB5] =	sst s0;
	s0 =	simm.s32 @!p2 $0x0  }
0x16: {  	s3 =	sld [smem:$0x3FDB];
	s0 =	simm.s32 @p2 $0x1  }
0x17: {  	s4 =	simm.s32 $0x1BF5;
	[smem:$0x3FB7] =	sst s0  }
0x18: {  	s0 =	sld [smem:$0x3F9A];
	_ =	swait.ge [sflag:s4], $0x0  }
0x19: {  	s7 =	sld [smem:$0x3F9B]  }
0x1a: {  	s8 =	sadd.s32 $0xFFFFE003, lr  }
0x1b: {  	s9 =	sadd.s32 $0xFFFFFEF7, lr;
	s5 =	simm.s32 $0xFFFFFFFF;
	p2 =	slt.u32 s8, $0xFFFFF086  }
0x1c: {  	p1 =	slt.u32 s9, $0xF7A;
	s5 =	simm.s32 @!p2 $0x0  }
0x1d: {  	s5 =	simm.s32 @p1 $0x1;
	p0 =	seq.s32 s7, s2  }
0x1e: {  	s7 =	smul.u32 @!p0 $0xF7A, s2;
	p2 =	seq.s32 @!p0 s5, $0x0  }
0x1f: {  	s9 =	smul.u32 $0xF7A, s1;
	s8 =	simm.s32 @!p0 $0x1BF5;
	p2 =	por !p2, p0  }
0x20: {  	[sflag:s8] =	ssyncset.s32 @!p0 $0xFFFFF086;
	s6 =	sadd.s32 @!p0 s3, s7;
	s7 =	simm.s32 @!p0 $0x108  }
0x21: {  	s3 =	sadd.s32 s3, s9;
	s6 =	sadd.s32 @!p0 $0x88, s6;
	s7 =	simm.s32 @p2 $0x1082  }
0x22: {  	[simem:s7], [sflag:s8] =	dma.local @!p0 [hbm:s6], $0xF7A  }
0x23: {  	s9 =	sor.u32 $0xD0000000, s2;
	s6 =	simm.s32 $0x108;
	_ =	swait.ge @!p0 [sflag:s8], $0x0  }
0x24: {  	s3 =	sadd.s32 $0x88, s3;
	s6 =	simm.s32 @!p1 $0x1082;
	[sflag:s4] =	ssyncset.s32 $0xFFFFF086  }
0x25: {  	[simem:s6], [sflag:s4] =	dma.local [hbm:s3], $0xF7A  }
0x26: {  	[smem:$0x3F9B] =	sst s1;
	(tag) =	ssettag s2;
	_ =	strace s9  }
0x27: {  	s1 =	sld [smem:$0x3FAB]  }
0x28: {  	s2 =	sld [smem:$0x3FAC]  }
0x29: {  	s4 =	sld [smem:$0x3FAE]  }
0x2a: {  	p0 =	seq.s32 s5, $0x0;
	s5 =	sld [smem:$0x3FAF]  }
0x2b: {  	s6 =	sld [smem:$0x3FB0]  }
0x2c: {  	s7 =	sld [smem:$0x3FB1]  }
0x2d: {  	s3 =	simm.s32 $0x108;
	s8 =	sld [smem:$0x3FB2]  }
0x2e: {  	s3 =	simm.s32 @!p0 $0x1082;
	s9 =	sld [smem:$0x3FB3]  }
0x2f: {  	lr =	sadd.s32 s0, s3;
	s0 =	sld [smem:$0x3FAA]  }
0x30: {  	s3 =	sld [smem:$0x3FAD]  }
0x31: {  	[smem:$0x3FB6] =	sst s10  }
0x32: {  	s10 =	sld [smem:$0x3FB4];
	_ =	sdelay $0x3  }
0x33: {  	p0 =	seq.s32 s10, $0x1;
	s10 =	sld [smem:$0x3FB6];
	_ =	sdelay $0x3  }
0x34: {  	[smem:$0x3FB6] =	sst s10  }
0x35: {  	s10 =	sld [smem:$0x3FB5];
	_ =	sdelay $0x3  }
0x36: {  	p1 =	seq.s32 s10, $0x1;
	s10 =	sld [smem:$0x3FB6];
	_ =	sdelay $0x3  }
0x37: {  	[smem:$0x3FB6] =	sst s10  }
0x38: {  	s10 =	sld [smem:$0x3FB7]  }
0x39: {  	_ = 	snop;
	(pc) =	sbr.ind lr, $3  }
0x3a: {  	_ = 	snop  }
0x3b: {  	_ = 	snop  }
0x3c: {  	p2 =	seq.s32 s10, $0x1;
	s10 =	sld [smem:$0x3FB6]  }
0x3d: {  	_ =	shalt  }
0x3e: {  	_ =	shalt  }
0x3f: {  	_ =	shalt  }
0x40: {  	_ =	shalt  }
0x41: {  	_ =	shalt  }
0x42: {  	_ =	shalt  }
0x43: {  	_ =	shalt  }
0x44: {  	_ =	shalt  }
0x45: {  	_ =	shalt  }
0x46: {  	_ =	shalt  }
0x47: {  	_ =	shalt  }
0x48: {  	_ =	shalt  }
0x49: {  	_ =	shalt  }
0x4a: {  	_ =	shalt  }
0x4b: {  	_ =	shalt  }
0x4c: {  	_ =	shalt  }
0x4d: {  	_ =	shalt  }
0x4e: {  	_ =	shalt  }
0x4f: {  	_ =	shalt  }
0x50: {  	_ =	shalt  }
0x51: {  	_ =	shalt  }
0x52: {  	_ =	shalt  }
0x53: {  	_ =	shalt  }
0x54: {  	_ =	shalt  }
0x55: {  	_ =	shalt  }
0x56: {  	_ =	shalt  }
0x57: {  	_ =	shalt  }
0x58: {  	_ =	shalt  }
0x59: {  	_ =	shalt  }
0x5a: {  	_ =	shalt  }
0x5b: {  	_ =	shalt  }
0x5c: {  	_ =	shalt  }
0x5d: {  	_ =	shalt  }
0x5e: {  	_ =	shalt  }
0x5f: {  	_ =	shalt  }
0x60: {  	_ =	shalt  }
0x61: {  	_ =	shalt  }
0x62: {  	_ =	shalt  }
0x63: {  	_ =	shalt  }
0x64: {  	_ =	shalt  }
0x65: {  	_ =	shalt  }
0x66: {  	_ =	shalt  }
0x67: {  	_ =	shalt  }
0x68: {  	_ =	shalt  }
0x69: {  	_ =	shalt  }
0x6a: {  	_ =	shalt  }
0x6b: {  	_ =	shalt  }
0x6c: {  	_ =	shalt  }
0x6d: {  	_ =	shalt  }
0x6e: {  	_ =	shalt  }
0x6f: {  	_ =	shalt  }
0x70: {  	_ =	shalt  }
0x71: {  	_ =	shalt  }
0x72: {  	_ =	shalt  }
0x73: {  	_ =	shalt  }
0x74: {  	_ =	shalt  }
0x75: {  	_ =	shalt  }
0x76: {  	_ =	shalt  }
0x77: {  	_ =	shalt  }
0x78: {  	_ =	shalt  }
0x79: {  	_ =	shalt  }
0x7a: {  	_ =	shalt  }
0x7b: {  	_ =	shalt  }
0x7c: {  	_ =	shalt  }
0x7d: {  	_ =	shalt  }
0x7e: {  	_ =	shalt  }
0x7f: {  	_ =	shalt  }
0x80: {  	_ =	shalt  }
0x81: {  	_ =	shalt  }
0x82: {  	_ =	shalt  }
0x83: {  	_ =	shalt  }
0x84: {  	_ =	shalt  }
0x85: {  	_ =	shalt  }
0x86: {  	_ =	shalt  }
0x87: {  	_ =	shalt  }
.Lfunc_end0:
.L_simem_size_0:
called_computation_lowered:
.L_overlay_start_0:
0x88: {  	s0 =	sld [smem:$0x3FD9]  }
0x89: {  	s1 =	sld [smem:$0x3FFE];
	_ =	sdelay $0x3  }
0x8a: {  	s0 =	sadd.s32 s1, s0  }
0x8b: {  	[smem:$0x3FC2] =	sst s0  }
0x8c: {  	_ = 	snop  }
0x8d: {  	s0 =	sld [smem:$0x3FC6]  }
0x8e: {  	s16 =	sld [smem:$0x3FD0];
	(tm) =	ssettm $0x1  }
0x8f: {  	s2 =	sld [smem:$0x3FFB];
	_ =	sdelay $0x3  }
0x90: {  	_ =	strace s2  }
0x91: {  	s2 =	sld [smem:$0x3FFC];
	_ =	sdelay $0x3  }
0x92: {  	_ =	strace s2  }
0x93: {  	s2 =	sld [smem:$0x3FFD];
	_ =	sdelay $0x3  }
0x94: {  	_ =	strace s2  }
0x95: {  	_ =	strace $0x8FFFFFFF  }
0x96: {  	s17 =	sld [smem:$0x3FDB];
	_ =	sdelay $0x1  }
0x97: {  	s3 =	simm.s32 $_scs_section_size  }
0x98: {  	s4 =	simm.s32 $_size__tile_overlayer_lowered;
	s5 =	simm.s32 $_tile_overlayer_lowered  }
0x99: {  	s20 =	simm.s32 $0x1BFF;
	s19 =	sshll.u32 s5, $0x1;
	s2 =	sadd.s32 s3, s17  }
0x9a: {  	s6 =	simm.s32 $0x0;
	s18 =	sshll.u32 s4, $0x1;
	s4 =	sadd.s32 s19, s2  }
0x9b: {  	[timem:s6], [sflag:s20] =	dma.local [hbm:s4], s18  }
0x9c: {  	_ =	swait.ge [sflag:s20], s18  }
0x9d: {  	s3 =	ssub.s32 $0x0, s18;
	[sflag:s20] =	ssyncset.done $0x0  }
0x9e: {  	[sflag:s20] =	ssyncadd.s32 s3;
	_ =	sdelay $0x1  }
0x9f: {  	s21 =	simm.s32 $0x1B8B  }
0xa0: {  	_ =	swait.ge [sflag:s21], $0x1  }
0xa1: {  	[sflag:s21] =	ssyncset.done $0x0  }
0xa2: {  	s23 =	simm.s32 $0x1B8E;
	s22 =	sld [smem:$0x3FFE];
	[sflag:s21] =	ssyncadd.s32 $0xFFFFFFFF  }
0xa3: {  	s24 =	simm.s32 $execute0_lowered;
	[smem:$0x3FD2] =	sst s23  }
0xa4: {  	s4 =	sshll.u32 s24, $0x1;
	_ =	strace $0x80000046;
	[dreg:$0x1] =	wrdreg $0xFFFFFFFF  }
0xa5: {  	s25 =	simm.s32 $_size_execute0_lowered;
	s2 =	sadd.s32 s2, s4;
	[dreg:$0x0] =	wrdreg $0x0  }
0xa6: {  	s4 =	sshll.u32 s25, $0x1;
	[dreg:$0x2] =	wrdreg s2  }
0xa7: {  	[dreg:$0x3] =	wrdreg s4  }
0xa8: {  	[dreg:$0x4] =	wrdreg $0xC0  }
0xa9: {  	_ =	task [dreg:s6], $0x5FFFF  }
0xaa: {  	[dreg:$0x1] =	wrdreg $0xFFFFFFFF  }
0xab: {  	[dreg:$0x0] =	wrdreg $0x60  }
0xac: {  	[dreg:$0x2] =	wrdreg s22  }
0xad: {  	[dreg:$0x3] =	wrdreg s16  }
0xae: {  	[dreg:$0x4] =	wrdreg s0  }
0xaf: {  	[dreg:$0x5] =	wrdreg $0x150100  }
0xb0: {  	[dreg:$0x6] =	wrdreg $0x179980  }
0xb1: {  	[dreg:$0x7] =	wrdreg $0x1A0A80  }
0xb2: {  	[dreg:$0x8] =	wrdreg $0x152880  }
0xb3: {  	[dreg:$0x9] =	wrdreg $0x9  }
0xb4: {  	_ =	task.clear_ibuf [dreg:s6], $0xAFFFF;
	_ =	strace $0x90000046  }
0xb5: {  	s26 =	simm.s32 $0x9;
	_ =	strace $0x80000048  }
0xb6: {  	_ =	swait.ge [sflag:s26], $0x1  }
0xb7: {  	[sflag:s26] =	ssyncadd.s32 $0xFFFFFFFF  }
0xb8: {  	_ =	strace $0x90000048  }
0xb9: {  	_ =	sfence  }
0xba: {  	s28 =	sld [smem:$0x0];
	_ =	sdelay $0x1  }
0xbb: {  	s29 =	srdreg.scid  }
0xbc: {  	s30 =	sshll.u32 s29, $0xD;
	s31 =	sshrl.u32 s29, $0x2  }
0xbd: {  	s1 =	sand.u32 $0x1, s29;
	s2 =	sand.u32 $0x4000, s30;
	s0 =	sadd.s32 s31, s28  }
0xbe: {  	s1 =	sor.u32 s2, s1;
	s0 =	sshll.u32 s0, $0x11  }
0xbf: {  	s0 =	sor.u32 s0, s1  }
0xc0: {  	s0 =	sadd.s32 $0x8F2B, s0  }
0xc1: {  	[sflag:s0] =	ssyncadd.remote.s32 $0x1  }
0xc2: {  	_ =	sfence.sel $0xFFFF  }
0xc3: {  	[dreg:$0x0] =	wrdreg $0xFFFFFFFF;
	(pc) =	sbr.abs _section_cstart, $3  }
0xc4: {  	[dreg:$0x1] =	wrdreg $0xFFFFFFFF  }
0xc5: {  	_ =	task.clear_ibuf [dreg:s6], $0x2FFFF;
	_ =	strace $0x9FFFFFFF  }
0xc6: {  	(tm) =	ssettm $0x7FFFFFFF  }
0xc7: {  	_ =	shalt  }
tec
execute0_lowered:
.L_overlay_start_1:
0x0: {  	(tag) =	ssettag $0x1  }
0x1: {  	s2 =	rddreg [dreg:$0x0]  }
0x2: {  	s5 =	rddreg [dreg:$0x1]  }
0x3: {  	s6 =	rddreg [dreg:$0x2]  }
0x4: {  	s9 =	rddreg [dreg:$0x3]  }
0x5: {  	s7 =	rddreg [dreg:$0x4]  }
0x6: {  	s3 =	rddreg [dreg:$0x5]  }
0x7: {  	s4 =	rddreg [dreg:$0x6]  }
0x8: {  	s0 =	rddreg [dreg:$0x7];
	s8 =	simm.s32 $0x0;
	s1 =	stileid.u32  }
0x9: {  	s10 =	simm.s32 $0x15000;
	s25 =	simm.s32 $0x4;
	[smem:$0x7FF] =	sst s8  }
0xa: {  	s24 =	smul.u32 $0x9C, s1;
	s26 =	smin.u32 s1, $0x4;
	_ =	strace $0x80000047  }
0xb: {  	[tilespmem:s10], [sflag:$0x4] =	stream.linear.gather [hbm4b:s6+s8], $0x10, $0x38;
	[tilespmem:$0x1C7B8] =	vst v63  }
0xc: {  	p0 =	sgt.u32 s1, $0x3;
	s6 =	sadd.s32 s26, s24;
	_ =	swait.ge [sflag:s25], $0x10  }
0xd: {  	s11 =	simm.s32 @p0 $0x0;
	s6 =	sshll.u32 s6, $0x4;
	[sflag:s25] =	ssyncset.done $0x0  }
0xe: {  	s12 =	simm.s32 @p0 $0x5300;
	s8 =	sadd.s32 s5, s6;
	[sflag:s25] =	ssyncadd.s32 $0xFFFFFFF0  }
0xf: {  	[tilespmem:s12], [sflag:$0x4] =	stream.linear.gather @p0 [hbm4b:s8+s11], $0x4E00, $0x38;
	[tilespmem:$0x1C7B8] =	vst v63  }
0x10: {  	s12 =	simm.s32 @p0 $0x4  }
0x11: {  	_ =	swait.ge @p0 [sflag:s12], $0x4E00  }
0x12: {  	s5 =	sadd.s32 $0x9C40, s5;
	[sflag:s12] =	ssyncset.done @p0 $0x0  }
0x13: {  	s14 =	simm.s32 @p0 $0xA180;
	s13 =	sadd.s32 @p0 s6, s5;
	[sflag:s12] =	ssyncadd.s32 @p0 $0xFFFFB200  }
0x14: {  	[tilespmem:s14], [sflag:$0x4] =	stream.linear.gather @p0 [hbm4b:s13+s11], $0x4E00, $0x38;
	[tilespmem:$0x1C7B8] =	vst v63  }
0x15: {  	_ =	swait.ge @p0 [sflag:s12], $0x4E00  }
0x16: {  	[sflag:s12] =	ssyncset.done @p0 $0x0  }
0x17: {  	s11 =	simm.s32 @!p0 $0x0;
	[sflag:s12] =	ssyncadd.s32 @p0 $0xFFFFB200;
	s12 =	simm.s32 @!p0 $0x5300  }
0x18: {  	[tilespmem:s12], [sflag:$0x4] =	stream.linear.gather @!p0 [hbm4b:s8+s11], $0x4E80, $0x38;
	[tilespmem:$0x1C7B8] =	vst v63  }
0x19: {  	s8 =	simm.s32 @!p0 $0x4  }
0x1a: {  	_ =	swait.ge @!p0 [sflag:s8], $0x4E80  }
0x1b: {  	[sflag:s8] =	ssyncset.done @!p0 $0x0  }
0x1c: {  	s5 =	sadd.s32 @!p0 s6, s5;
	s6 =	simm.s32 @!p0 $0xA180;
	[sflag:s8] =	ssyncadd.s32 @!p0 $0xFFFFB180  }
0x1d: {  	[tilespmem:s6], [sflag:$0x4] =	stream.linear.gather @!p0 [hbm4b:s5+s11], $0x4E80, $0x38;
	[tilespmem:$0x1C7B8] =	vst v63  }
0x1e: {  	_ =	swait.ge @!p0 [sflag:s8], $0x4E80  }
0x1f: {  	[sflag:s8] =	ssyncset.done @!p0 $0x0  }
0x20: {  	v1 =	vimm.f32 $1.000000000e+00;
	[sflag:s8] =	ssyncadd.s32 @!p0 $0xFFFFB180  }
0x21: {  	v0 =	vimm.f32 $0.0e+00;
	[tilespmem:$0x0] =	vst v1  }
0x22: {  	[tilespmem:$0x80] =	vst v0  }
0x23: {  	[tilespmem:$0x10] =	vst v1  }
0x24: {  	[tilespmem:$0x90] =	vst v0  }
0x25: {  	[tilespmem:$0x20] =	vst v1  }
0x26: {  	[tilespmem:$0xA0] =	vst v0  }
0x27: {  	[tilespmem:$0x30] =	vst v1  }
0x28: {  	[tilespmem:$0xB0] =	vst v0  }
0x29: {  	[tilespmem:$0x40] =	vst v1  }
0x2a: {  	[tilespmem:$0xC0] =	vst v0  }
0x2b: {  	[tilespmem:$0x50] =	vst v1  }
0x2c: {  	[tilespmem:$0xD0] =	vst v0  }
0x2d: {  	[tilespmem:$0x60] =	vst v1  }
0x2e: {  	[tilespmem:$0xE0] =	vst v0  }
0x2f: {  	[tilespmem:$0x70] =	vst v1  }
0x30: {  	[tilespmem:$0xF0] =	vst v0  }
0x31: {  	[tilespmem:$0x100] =	vst v0  }
0x32: {  	[tilespmem:$0x110] =	vst v0  }
0x33: {  	[tilespmem:$0x120] =	vst v0  }
0x34: {  	[tilespmem:$0x130] =	vst v0  }
0x35: {  	[tilespmem:$0x140] =	vst v0  }
0x36: {  	[tilespmem:$0x150] =	vst v0  }
0x37: {  	[tilespmem:$0x160] =	vst v0  }
0x38: {  	[tilespmem:$0x170] =	vst v0  }
0x39: {  	[tilespmem:$0x180] =	vst v0  }
0x3a: {  	[tilespmem:$0x190] =	vst v0  }
0x3b: {  	[tilespmem:$0x1A0] =	vst v0  }
0x3c: {  	[tilespmem:$0x1B0] =	vst v0  }
0x3d: {  	[tilespmem:$0x1C0] =	vst v0  }
0x3e: {  	[tilespmem:$0x1D0] =	vst v0  }
0x3f: {  	[tilespmem:$0x1E0] =	vst v0  }
0x40: {  	[tilespmem:$0x1F0] =	vst v0  }
0x41: {  	[tilespmem:$0x200] =	vst v0  }
0x42: {  	[tilespmem:$0x210] =	vst v0  }
0x43: {  	[tilespmem:$0x220] =	vst v0  }
0x44: {  	[tilespmem:$0x230] =	vst v0  }
0x45: {  	[tilespmem:$0x240] =	vst v0  }
0x46: {  	[tilespmem:$0x250] =	vst v0  }
0x47: {  	[tilespmem:$0x260] =	vst v0  }
0x48: {  	[tilespmem:$0x270] =	vst v0  }
0x49: {  	[tilespmem:$0x280] =	vst v0  }
0x4a: {  	[tilespmem:$0x290] =	vst v0  }
0x4b: {  	[tilespmem:$0x2A0] =	vst v0  }
0x4c: {  	[tilespmem:$0x2B0] =	vst v0  }
0x4d: {  	s31 =	simm.s32 $0x80;
	s28 =	smul.u32 $0x280, s1;
	[tilespmem:$0x2C0] =	vst v0  }
0x4e: {  	p1 =	slt.u32 s1, $0x4;
	s10 =	simm.s32 $0x40;
	s12 =	simm.s32 $0x9D;
	[tilespmem:$0x2D0] =	vst v0  }
0x4f: {  	s14 =	simm.s32 $0x0;
	s12 =	simm.s32 @!p1 $0x9C;
	s5 =	smin.u32 s28, $0x2490;
	[tilespmem:$0x2E0] =	vst v0  }
0x50: {  	s29 =	sshll.u32 s5, $0x1;
	s30 =	sshll.u32 s5, $0x4;
	s11 =	sadd.s32 s5, s9;
	[tilespmem:$0x2F0] =	vst v0  }
0x51: {  	[spmem:s11] =	stream.linear.scatter [tilespmem:s31], [sflag:$0x4], $0x280, $0x38;
	[tilespmem:$0x1C7B8] =	vst v63  }
0x52: {  	s2 =	sadd.s32 s29, s2;
	s5 =	sadd.s32 s30, s3;
	_ =	swait.ge [sflag:s25], $0x280  }
0x53: {  	s6 =	sadd.s32 s30, s4;
	s8 =	sadd.s32 s30, s7;
	[sflag:s25] =	ssyncset.done $0x0  }
0x54: {  	s13 =	sadd.s32 $0xA00, s2;
	s2 =	sadd.s32 $0x5A00, s2;
	[sflag:s25] =	ssyncadd.s32 $0xFFFFFD80  }
.LBB2_1:
0x55: {  	p1 =	sne.s32 s10, $0x9FC0;
	[tilespmem:s14+$0x2B00] =	vst v0;
	s14 =	smov.u32 s10;
	s10 =	sadd.s32 $0x40, s10  }
.Ltmp0:
0x56: {  	(pc) =	sbr.rel @p1 .LBB2_1-.Ltmp0, $2  }
0x57: {  	_ =	sdelay $0x2  }
0x58: {  	s14 =	sshra.s32 s14, $0x2  }
0x59: {  	[tilespmem:s14+$0x2B00] =	vst v0;
	s31 =	simm.s32 $0x2B00;
	s10 =	simm.s32 $0x4  }
0x5a: {  	[spmem:s8] =	stream.linear.scatter [tilespmem:s31], [sflag:$0x4], $0x2800, $0x38;
	[tilespmem:$0x1C7B8] =	vst v63  }
0x5b: {  	_ =	swait.ge [sflag:s10], $0x2800  }
0x5c: {  	[sflag:s10] =	ssyncset.done $0x0  }
0x5d: {  	p1 =	sne.s32 s12, $0x1;
	[sflag:s10] =	ssyncadd.s32 $0xFFFFD800  }
0x5e: {  	[spmem:s5] =	stream.linear.scatter [tilespmem:s31], [sflag:$0x4], $0x2800, $0x38;
	[tilespmem:$0x1C7B8] =	vst v63  }
.Ltmp1:
0x5f: {  	_ =	swait.ge [sflag:s10], $0x2800;
	(pc) =	sbr.rel @!p1 .LBB2_4-.Ltmp1, $4  }
0x60: {  	[sflag:s10] =	ssyncset.done $0x0  }
0x61: {  	s15 =	simm.s32 $0xA180;
	s16 =	simm.s32 $0x80;
	[sflag:s10] =	ssyncadd.s32 $0xFFFFD800  }
0x62: {  	s14 =	simm.s32 $0x0;
	s17 =	sadd.s32 $0xFFFFFFFF, s12;
	[bflag:$0x0] =	sbarrier.arrive $0xFFFF  }
0x63: {  	[spmem:s9] =	stream.indirect.scatter.add.f32 [tilespmem:s14], [sflag:$0x2], $0x1, s15, s16, $0xb8;
	[tilespmem:$0x1C7B8] =	vst v63  }
.LBB2_3:
0x64: {  	p2 =	sne.s32 s17, $0x1  }
.Ltmp2:
0x65: {  	_ = 	snop;
	(pc) =	sbr.rel @p2 .LBB2_3-.Ltmp2, $3  }
0x66: {  	_ = 	snop  }
0x67: {  	s17 =	sadd.s32 $0xFFFFFFFF, s17;
	s15 =	sadd.s32 $0x80, s15;
	_ =	sdelay $0x1  }
0x68: {  	[spmem:s9] =	stream.indirect.scatter.add.f32 [tilespmem:s14], [sflag:$0x2], $0x1, s15, s16, $0xb8;
	[tilespmem:$0x1C7B8] =	vst v63  }
.LBB2_4:
0x69: {  	s9 =	simm.s32 $0x300  }
0x6a: {  	[tilespmem:s9], [sflag:$0x4] =	stream.linear.gather [hbm4b:s13+s14], $0x2800, $0x38;
	[tilespmem:$0x1C7B8] =	vst v63  }
.Ltmp3:
0x6b: {  	_ =	swait.ge [sflag:s10], $0x2800;
	(pc) =	sbr.rel @!p1 .LBB2_6-.Ltmp3, $4  }
0x6c: {  	[sflag:s10] =	ssyncset.done $0x0  }
0x6d: {  	s9 =	simm.s32 $0x2;
	[sflag:s10] =	ssyncadd.s32 $0xFFFFD800  }
0x6e: {  	_ =	swait.ge [sflag:s9], $0x80  }
0x6f: {  	s10 =	sadd.s32 $0xFFFFFFFF, s12;
	[sflag:s9] =	ssyncset.done $0x0  }
.LBB2_5:
0x70: {  	p1 =	sne.s32 s10, $0x1;
	s10 =	sadd.s32 $0xFFFFFFFF, s10;
	[sflag:s9] =	ssyncadd.s32 $0xFFFFFF80  }
.Ltmp4:
0x71: {  	(pc) =	sbr.rel @p1 .LBB2_5-.Ltmp4, $3  }
0x72: {  	_ =	sdelay $0x1  }
0x73: {  	_ =	swait.ge [sflag:s9], $0x80  }
0x74: {  	[sflag:s9] =	ssyncset.done $0x0  }
.LBB2_6:
0x75: {  	[sflag:s9] =	ssyncadd.s32 $0xFFFFFF80  }
0x76: {  	s30 =	simm.s32 $0x80;
	s31 =	simm.s32 $0x4;
	[bflag:$0x0] =	sbarrier.arrive $0xFFFF  }
0x77: {  	[tilespmem:s30], [sflag:$0x4] =	stream.linear.gather [spmem:s11], $0x280, $0x38;
	[tilespmem:$0x1C7B8] =	vst v63  }
0x78: {  	_ =	swait.ge [sflag:s31], $0x280  }
0x79: {  	[sflag:s31] =	ssyncset.done $0x0  }
0x7a: {  	s9 =	simm.s32 $0x0;
	s10 =	simm.s32 $0x40;
	[sflag:s31] =	ssyncadd.s32 $0xFFFFFD80  }
.LBB2_7:
0x7b: {  	p1 =	sne.s32 s10, $0x9C0;
	v0 =	vld [tilespmem:s9+$0x80];
	_ =	sdelay $0x4  }
0x7c: {  	v0 =	vadd.f32 $1.000000000e+00, v0;
	_ =	sdelay $0x1  }
0x7d: {  	v1 =	vshrl.u32 v0, $0x1;
	v0 =	vmul.f32 $5.000000000e-01, v0  }
0x7e: {  	v1 =	vsub.s32 $0x5F3759DF, v1  }
0x7f: {  	v2 =	vmul.f32 v1, v0;
	_ =	sdelay $0x1  }
0x80: {  	v2 =	vmul.f32 v1, v2;
	_ =	sdelay $0x1  }
0x81: {  	v2 =	vsub.f32 $1.500000000e+00, v2;
	_ =	sdelay $0x1  }
0x82: {  	v1 =	vmul.f32 v1, v2;
	_ =	sdelay $0x1  }
0x83: {  	v2 =	vmul.f32 v1, v0;
	_ =	sdelay $0x1  }
0x84: {  	v2 =	vmul.f32 v2, v1;
	_ =	sdelay $0x1  }
0x85: {  	v2 =	vsub.f32 $1.500000000e+00, v2;
	_ =	sdelay $0x1  }
0x86: {  	v1 =	vmul.f32 v2, v1;
	_ =	sdelay $0x1  }
0x87: {  	v0 =	vmul.f32 v1, v0;
	_ =	sdelay $0x1  }
0x88: {  	v0 =	vmul.f32 v0, v1;
	_ =	sdelay $0x1  }
.Ltmp5:
0x89: {  	v0 =	vsub.f32 $1.500000000e+00, v0;
	(pc) =	sbr.rel @p1 .LBB2_7-.Ltmp5, $3  }
0x8a: {  	_ = 	snop  }
0x8b: {  	v0 =	vmul.f32 v0, v1;
	_ =	sdelay $0x1  }
0x8c: {  	[tilespmem:s9+$0x80] =	vst v0;
	s9 =	sshra.s32 s10, $0x2;
	s10 =	sadd.s32 $0x40, s10  }
0x8d: {  	v0 =	vld [tilespmem:s9+$0x80];
	_ =	sdelay $0x4  }
0x8e: {  	v0 =	vadd.f32 $1.000000000e+00, v0;
	_ =	sdelay $0x1  }
0x8f: {  	v1 =	vshrl.u32 v0, $0x1;
	v0 =	vmul.f32 $5.000000000e-01, v0  }
0x90: {  	v1 =	vsub.s32 $0x5F3759DF, v1  }
0x91: {  	v2 =	vmul.f32 v1, v0;
	_ =	sdelay $0x1  }
0x92: {  	v2 =	vmul.f32 v1, v2;
	_ =	sdelay $0x1  }
0x93: {  	v2 =	vsub.f32 $1.500000000e+00, v2;
	_ =	sdelay $0x1  }
0x94: {  	v1 =	vmul.f32 v1, v2;
	_ =	sdelay $0x1  }
0x95: {  	v2 =	vmul.f32 v1, v0;
	_ =	sdelay $0x1  }
0x96: {  	v2 =	vmul.f32 v2, v1;
	_ =	sdelay $0x1  }
0x97: {  	v2 =	vsub.f32 $1.500000000e+00, v2;
	_ =	sdelay $0x1  }
0x98: {  	v1 =	vmul.f32 v2, v1;
	_ =	sdelay $0x1  }
0x99: {  	v0 =	vmul.f32 v1, v0;
	_ =	sdelay $0x1  }
0x9a: {  	v0 =	vmul.f32 v0, v1;
	_ =	sdelay $0x1  }
0x9b: {  	v14 =	vimm.s32 $0x0;
	v15 =	vimm.s32 $0x1;
	v0 =	vsub.f32 $1.500000000e+00, v0  }
0x9c: {  	v13 =	vimm.s32 $0x2;
	v12 =	vimm.s32 $0x3;
	v11 =	vimm.s32 $0x4  }
0x9d: {  	v10 =	vimm.s32 $0x5;
	v9 =	vimm.s32 $0x6;
	v0 =	vmul.f32 v0, v1  }
0x9e: {  	v8 =	vimm.s32 $0x7;
	v7 =	vimm.s32 $0x8;
	v6 =	vimm.s32 $0x9  }
0x9f: {  	v5 =	vimm.s32 $0xA;
	v4 =	vimm.s32 $0xB;
	v3 =	vimm.s32 $0xC;
	[tilespmem:s9+$0x80] =	vst v0;
	s9 =	simm.s32 $0x380  }
0xa0: {  	s12 =	simm.s32 $0x0;
	s11 =	simm.s32 $0x40;
	s10 =	simm.s32 $0x380;
	v2 =	vimm.s32 $0xD;
	v1 =	vimm.s32 $0xE;
	v0 =	vimm.s32 $0xF;
	v16 =	vld [tilespmem:s9+$0xFFFFFFB0]  }
.LBB2_9:
0xa1: {  	p1 =	sne.s32 s11, $0x9C0;
	v17 =	vld [tilespmem:s12+$0x80]  }
0xa2: {  	v18 =	vld [tilespmem:s9+$0xFFFFFF90]  }
0xa3: {  	v19 =	vld [tilespmem:s9+$0xFFFFFF80]  }
0xa4: {  	v20 =	vld [tilespmem:s9+$0xFFFFFFA0]  }
0xa5: {  	v21 =	vld [tilespmem:s9+$0xFFFFFFF0]  }
0xa6: {  	v22 =	vperm.xlane v17, v14;
	v23 =	vperm.xlane v17, v15;
	v24 =	vld [tilespmem:s9+$0xFFFFFFD0]  }
0xa7: {  	v25 =	vperm.xlane v17, v13;
	v26 =	vperm.xlane v17, v12;
	v27 =	vld [tilespmem:s9+$0xFFFFFFC0]  }
0xa8: {  	v19 =	vmul.f32 v22, v19;
	v18 =	vmul.f32 v23, v18;
	v22 =	vld [tilespmem:s9+$0xFFFFFFE0]  }
0xa9: {  	v16 =	vmul.f32 v26, v16;
	v20 =	vmul.f32 v25, v20;
	v23 =	vld [tilespmem:s9+$0x30]  }
0xaa: {  	v25 =	vperm.xlane v17, v10;
	[tilespmem:s9+$0xFFFFFF80] =	vst v19;
	v19 =	vperm.xlane v17, v11;
	v26 =	vld [tilespmem:s9+$0x10]  }
0xab: {  	v28 =	vperm.xlane v17, v8;
	[tilespmem:s9+$0xFFFFFF90] =	vst v18;
	v18 =	vperm.xlane v17, v9;
	v29 =	vld [tilespmem:s9+$0x0]  }
0xac: {  	[tilespmem:s9+$0xFFFFFFA0] =	vst v20;
	v19 =	vmul.f32 v19, v27;
	v20 =	vmul.f32 v25, v24;
	v24 =	vld [tilespmem:s9+$0x20]  }
0xad: {  	[tilespmem:s9+$0xFFFFFFB0] =	vst v16;
	v16 =	vmul.f32 v18, v22;
	v18 =	vmul.f32 v28, v21;
	v21 =	vld [tilespmem:s9+$0x70]  }
0xae: {  	v22 =	vperm.xlane v17, v6;
	[tilespmem:s9+$0xFFFFFFC0] =	vst v19;
	v19 =	vperm.xlane v17, v7;
	v25 =	vld [tilespmem:s9+$0x50]  }
0xaf: {  	v27 =	vperm.xlane v17, v4;
	[tilespmem:s9+$0xFFFFFFD0] =	vst v20;
	v20 =	vperm.xlane v17, v5;
	v28 =	vld [tilespmem:s9+$0x40]  }
0xb0: {  	[tilespmem:s9+$0xFFFFFFE0] =	vst v16;
	v16 =	vmul.f32 v19, v29;
	v19 =	vmul.f32 v22, v26;
	v22 =	vld [tilespmem:s9+$0x60]  }
0xb1: {  	[tilespmem:s9+$0xFFFFFFF0] =	vst v18;
	v18 =	vmul.f32 v20, v24;
	v20 =	vmul.f32 v27, v23  }
0xb2: {  	v23 =	vperm.xlane v17, v2;
	[tilespmem:s9+$0x0] =	vst v16;
	v16 =	vperm.xlane v17, v3  }
0xb3: {  	[tilespmem:s9+$0x10] =	vst v19;
	v19 =	vperm.xlane v17, v1;
	v17 =	vperm.xlane v17, v0  }
0xb4: {  	[tilespmem:s9+$0x20] =	vst v18;
	v16 =	vmul.f32 v16, v28;
	v18 =	vmul.f32 v23, v25  }
.Ltmp6:
0xb5: {  	[tilespmem:s9+$0x30] =	vst v20;
	v19 =	vmul.f32 v19, v22;
	v17 =	vmul.f32 v17, v21;
	(pc) =	sbr.rel @p1 .LBB2_9-.Ltmp6, $4  }
0xb6: {  	[tilespmem:s9+$0x40] =	vst v16  }
0xb7: {  	[tilespmem:s9+$0x50] =	vst v18  }
0xb8: {  	s9 =	sadd.s32 $0x100, s9;
	[tilespmem:s10+$0x60] =	vst v19  }
0xb9: {  	s12 =	sshra.s32 s11, $0x2;
	s11 =	sadd.s32 $0x40, s11;
	v16 =	vld [tilespmem:s9+$0xFFFFFFB0];
	[tilespmem:s10+$0x70] =	vst v17;
	s10 =	smov.u32 s9  }
0xba: {  	v17 =	vld [tilespmem:s12+$0x80];
	_ =	sdelay $0x1  }
0xbb: {  	v18 =	vld [tilespmem:s9+$0xFFFFFF80]  }
0xbc: {  	v19 =	vld [tilespmem:s9+$0xFFFFFF90]  }
0xbd: {  	v20 =	vld [tilespmem:s9+$0xFFFFFFA0]  }
0xbe: {  	v14 =	vperm.xlane v17, v14  }
0xbf: {  	v21 =	vld [tilespmem:s9+$0xFFFFFFC0];
	v15 =	vperm.xlane v17, v15  }
0xc0: {  	v22 =	vld [tilespmem:s9+$0xFFFFFFD0];
	v13 =	vperm.xlane v17, v13;
	v14 =	vmul.f32 v14, v18  }
0xc1: {  	v54 =	vld [tilespmem:s9+$0xFFFFFFE0];
	v12 =	vperm.xlane v17, v12;
	v15 =	vmul.f32 v15, v19  }
0xc2: {  	v55 =	vld [tilespmem:s9+$0xFFFFFFF0];
	v11 =	vperm.xlane v17, v11;
	v13 =	vmul.f32 v13, v20;
	[tilespmem:s9+$0xFFFFFF80] =	vst v14  }
0xc3: {  	v56 =	vld [tilespmem:s9+$0x0];
	v10 =	vperm.xlane v17, v10;
	v12 =	vmul.f32 v12, v16;
	[tilespmem:s9+$0xFFFFFF90] =	vst v15  }
0xc4: {  	v57 =	vld [tilespmem:s9+$0x10];
	v9 =	vperm.xlane v17, v9;
	v11 =	vmul.f32 v11, v21;
	[tilespmem:s9+$0xFFFFFFA0] =	vst v13  }
0xc5: {  	v58 =	vld [tilespmem:s9+$0x20];
	v8 =	vperm.xlane v17, v8;
	v10 =	vmul.f32 v10, v22;
	[tilespmem:s9+$0xFFFFFFB0] =	vst v12  }
0xc6: {  	v59 =	vld [tilespmem:s9+$0x30];
	v7 =	vperm.xlane v17, v7;
	v9 =	vmul.f32 v9, v54;
	[tilespmem:s9+$0xFFFFFFC0] =	vst v11  }
0xc7: {  	v60 =	vld [tilespmem:s9+$0x40];
	v6 =	vperm.xlane v17, v6;
	v8 =	vmul.f32 v8, v55;
	[tilespmem:s9+$0xFFFFFFD0] =	vst v10  }
0xc8: {  	v61 =	vld [tilespmem:s9+$0x50];
	v5 =	vperm.xlane v17, v5;
	v7 =	vmul.f32 v7, v56;
	[tilespmem:s9+$0xFFFFFFE0] =	vst v9  }
0xc9: {  	v62 =	vld [tilespmem:s9+$0x60];
	v4 =	vperm.xlane v17, v4;
	v6 =	vmul.f32 v6, v57;
	[tilespmem:s9+$0xFFFFFFF0] =	vst v8  }
0xca: {  	v63 =	vld [tilespmem:s9+$0x70];
	v3 =	vperm.xlane v17, v3;
	v5 =	vmul.f32 v5, v58;
	[tilespmem:s9+$0x0] =	vst v7  }
0xcb: {  	v2 =	vperm.xlane v17, v2;
	v4 =	vmul.f32 v4, v59;
	[tilespmem:s9+$0x10] =	vst v6  }
0xcc: {  	v1 =	vperm.xlane v17, v1;
	v3 =	vmul.f32 v3, v60;
	[tilespmem:s9+$0x20] =	vst v5  }
0xcd: {  	v0 =	vperm.xlane v17, v0;
	v2 =	vmul.f32 v2, v61;
	[tilespmem:s9+$0x30] =	vst v4  }
0xce: {  	v1 =	vmul.f32 v1, v62;
	[tilespmem:s9+$0x40] =	vst v3  }
0xcf: {  	v0 =	vmul.f32 v0, v63;
	[tilespmem:s9+$0x50] =	vst v2  }
0xd0: {  	[tilespmem:s10+$0x60] =	vst v1  }
0xd1: {  	s18 =	simm.s32 $0x300;
	s19 =	simm.s32 $0x4;
	[tilespmem:s10+$0x70] =	vst v0  }
0xd2: {  	[spmem:s6] =	stream.linear.scatter [tilespmem:s18], [sflag:$0x4], $0x2800, $0x38;
	[tilespmem:$0x1C7B8] =	vst v63  }
0xd3: {  	_ =	swait.ge [sflag:s19], $0x2800  }
0xd4: {  	[sflag:s19] =	ssyncset.done $0x0  }
0xd5: {  	p1 =	por $0x1, $0x1;
	[sflag:s19] =	ssyncadd.s32 $0xFFFFD800  }
0xd6: {  	s10 =	simm.s32 @!p1 $0x2;
	[bflag:$0x0] =	sbarrier.arrive $0xFFFF  }
0xd7: {  	_ =	swait.ge @!p1 [sflag:s10], $0x800  }
0xd8: {  	[sflag:s10] =	ssyncset.done @!p1 $0x0  }
0xd9: {  	[sflag:s10] =	ssyncadd.s32 @!p1 $0xFFFFF800  }
0xda: {  	_ =	swait.ge @!p1 [sflag:s10], $0x800  }
0xdb: {  	[sflag:s10] =	ssyncset.done @!p1 $0x0  }
0xdc: {  	[sflag:s10] =	ssyncadd.s32 @!p1 $0xFFFFF800  }
0xdd: {  	_ =	swait.ge @!p1 [sflag:s10], $0x800  }
0xde: {  	[sflag:s10] =	ssyncset.done @!p1 $0x0  }
0xdf: {  	[sflag:s10] =	ssyncadd.s32 @!p1 $0xFFFFF800  }
0xe0: {  	_ =	swait.ge @!p1 [sflag:s10], $0x800  }
0xe1: {  	[sflag:s10] =	ssyncset.done @!p1 $0x0  }
0xe2: {  	[sflag:s10] =	ssyncadd.s32 @!p1 $0xFFFFF800  }
0xe3: {  	_ =	swait.ge @!p1 [sflag:s10], $0x800  }
0xe4: {  	[sflag:s10] =	ssyncset.done @!p1 $0x0  }
0xe5: {  	[sflag:s10] =	ssyncadd.s32 @!p1 $0xFFFFF800  }
0xe6: {  	_ =	swait.ge @!p1 [sflag:s10], $0x800  }
0xe7: {  	s17 =	simm.s32 $0xF000;
	[sflag:s10] =	ssyncset.done @!p1 $0x0  }
0xe8: {  	s20 =	simm.s32 $0x5300;
	s9 =	simm.s32 $0x80;
	[sflag:s10] =	ssyncadd.s32 @!p1 $0xFFFFF800  }
0xe9: {  	[tilespmem:s17], [sflag:$0x1] =	stream.indirect.gather [spmem:s4], $0x10, s20, s9, $0xb8;
	[tilespmem:$0x1C7B8] =	vst v63  }
0xea: {  	s16 =	simm.s32 $0xF800;
	s21 =	simm.s32 $0x5380  }
0xeb: {  	[tilespmem:s16], [sflag:$0x1] =	stream.indirect.gather [spmem:s4], $0x10, s21, s9, $0xb8;
	[tilespmem:$0x1C7B8] =	vst v63  }
0xec: {  	s14 =	simm.s32 $0x10000;
	s22 =	simm.s32 $0x5400  }
0xed: {  	[tilespmem:s14], [sflag:$0x1] =	stream.indirect.gather [spmem:s4], $0x10, s22, s9, $0xb8;
	[tilespmem:$0x1C7B8] =	vst v63  }
0xee: {  	s13 =	simm.s32 $0x10800;
	s23 =	simm.s32 $0x5480  }
0xef: {  	[tilespmem:s13], [sflag:$0x1] =	stream.indirect.gather [spmem:s4], $0x10, s23, s9, $0xb8;
	[tilespmem:$0x1C7B8] =	vst v63  }
0xf0: {  	s12 =	simm.s32 $0x11000;
	s24 =	simm.s32 $0x5500  }
0xf1: {  	[tilespmem:s12], [sflag:$0x1] =	stream.indirect.gather [spmem:s4], $0x10, s24, s9, $0xb8;
	[tilespmem:$0x1C7B8] =	vst v63  }
0xf2: {  	s11 =	simm.s32 $0x11800;
	s15 =	simm.s32 $0x5580;
	s10 =	simm.s32 $0x1  }
0xf3: {  	[tilespmem:s11], [sflag:$0x1] =	stream.indirect.gather [spmem:s4], $0x10, s15, s9, $0xb8;
	[tilespmem:$0x1C7B8] =	vst v63  }
0xf4: {  	_ =	swait.ge [sflag:s10], $0x800  }
0xf5: {  	[sflag:s10] =	ssyncset.done $0x0  }
0xf6: {  	s25 =	simm.s32 $0xA180;
	[sflag:s10] =	ssyncadd.s32 $0xFFFFF800  }
0xf7: {  	[spmem:s7] =	stream.indirect.scatter.add.f32 [tilespmem:s17], [sflag:$0x2], $0x10, s25, s9, $0xb8;
	[tilespmem:$0x1C7B8] =	vst v63  }
0xf8: {  	_ =	swait.ge [sflag:s10], $0x800  }
0xf9: {  	[sflag:s10] =	ssyncset.done $0x0  }
0xfa: {  	s26 =	simm.s32 $0xA200;
	[sflag:s10] =	ssyncadd.s32 $0xFFFFF800  }
0xfb: {  	[spmem:s7] =	stream.indirect.scatter.add.f32 [tilespmem:s16], [sflag:$0x2], $0x10, s26, s9, $0xb8;
	[tilespmem:$0x1C7B8] =	vst v63  }
0xfc: {  	_ =	swait.ge [sflag:s10], $0x800  }
0xfd: {  	[sflag:s10] =	ssyncset.done $0x0  }
0xfe: {  	s28 =	simm.s32 $0xA280;
	[sflag:s10] =	ssyncadd.s32 $0xFFFFF800  }
0xff: {  	[spmem:s7] =	stream.indirect.scatter.add.f32 [tilespmem:s14], [sflag:$0x2], $0x10, s28, s9, $0xb8;
	[tilespmem:$0x1C7B8] =	vst v63  }
0x100: {  	_ =	swait.ge [sflag:s10], $0x800  }
0x101: {  	[sflag:s10] =	ssyncset.done $0x0  }
0x102: {  	s29 =	simm.s32 $0xA300;
	[sflag:s10] =	ssyncadd.s32 $0xFFFFF800  }
0x103: {  	[spmem:s7] =	stream.indirect.scatter.add.f32 [tilespmem:s13], [sflag:$0x2], $0x10, s29, s9, $0xb8;
	[tilespmem:$0x1C7B8] =	vst v63  }
0x104: {  	_ =	swait.ge [sflag:s10], $0x800  }
0x105: {  	[sflag:s10] =	ssyncset.done $0x0  }
0x106: {  	s30 =	simm.s32 $0xA380;
	[sflag:s10] =	ssyncadd.s32 $0xFFFFF800  }
0x107: {  	[spmem:s7] =	stream.indirect.scatter.add.f32 [tilespmem:s12], [sflag:$0x2], $0x10, s30, s9, $0xb8;
	[tilespmem:$0x1C7B8] =	vst v63  }
0x108: {  	_ =	swait.ge [sflag:s10], $0x800  }
0x109: {  	[sflag:s10] =	ssyncset.done $0x0  }
0x10a: {  	s31 =	simm.s32 $0xA400;
	s18 =	simm.s32 @!p1 $0x3;
	[sflag:s10] =	ssyncadd.s32 $0xFFFFF800  }
0x10b: {  	[spmem:s7] =	stream.indirect.scatter.add.f32 [tilespmem:s11], [sflag:$0x2], $0x10, s31, s9, $0xb8;
	[tilespmem:$0x1C7B8] =	vst v63  }
0x10c: {  	_ =	swait.ge @!p1 [sflag:s18], $0x800  }
0x10d: {  	[sflag:s18] =	ssyncset.done @!p1 $0x0  }
0x10e: {  	[sflag:s18] =	ssyncadd.s32 @!p1 $0xFFFFF800  }
0x10f: {  	_ =	swait.ge @!p1 [sflag:s18], $0x800  }
0x110: {  	[sflag:s18] =	ssyncset.done @!p1 $0x0  }
0x111: {  	[sflag:s18] =	ssyncadd.s32 @!p1 $0xFFFFF800  }
0x112: {  	_ =	swait.ge @!p1 [sflag:s18], $0x800  }
0x113: {  	[sflag:s18] =	ssyncset.done @!p1 $0x0  }
0x114: {  	[sflag:s18] =	ssyncadd.s32 @!p1 $0xFFFFF800  }
0x115: {  	_ =	swait.ge @!p1 [sflag:s18], $0x800  }
0x116: {  	[sflag:s18] =	ssyncset.done @!p1 $0x0  }
0x117: {  	[sflag:s18] =	ssyncadd.s32 @!p1 $0xFFFFF800  }
0x118: {  	_ =	swait.ge @!p1 [sflag:s18], $0x800  }
0x119: {  	[sflag:s18] =	ssyncset.done @!p1 $0x0  }
0x11a: {  	[sflag:s18] =	ssyncadd.s32 @!p1 $0xFFFFF800  }
0x11b: {  	_ =	swait.ge @!p1 [sflag:s18], $0x800  }
0x11c: {  	[sflag:s18] =	ssyncset.done @!p1 $0x0  }
0x11d: {  	s19 =	simm.s32 $0x5600;
	s22 =	simm.s32 $0x12000;
	[sflag:s18] =	ssyncadd.s32 @!p1 $0xFFFFF800  }
0x11e: {  	[tilespmem:s22], [sflag:$0x1] =	stream.indirect.gather [spmem:s4], $0x10, s19, s9, $0xb8;
	[tilespmem:$0x1C7B8] =	vst v63  }
0x11f: {  	s20 =	simm.s32 $0x5680;
	s21 =	simm.s32 $0x12800  }
0x120: {  	[tilespmem:s21], [sflag:$0x1] =	stream.indirect.gather [spmem:s4], $0x10, s20, s9, $0xb8;
	[tilespmem:$0x1C7B8] =	vst v63  }
0x121: {  	s23 =	simm.s32 $0x5700;
	s20 =	simm.s32 $0x13000  }
0x122: {  	[tilespmem:s20], [sflag:$0x1] =	stream.indirect.gather [spmem:s4], $0x10, s23, s9, $0xb8;
	[tilespmem:$0x1C7B8] =	vst v63  }
0x123: {  	s24 =	simm.s32 $0x5780;
	s19 =	simm.s32 $0x13800  }
0x124: {  	[tilespmem:s19], [sflag:$0x1] =	stream.indirect.gather [spmem:s4], $0x10, s24, s9, $0xb8;
	[tilespmem:$0x1C7B8] =	vst v63  }
0x125: {  	s25 =	simm.s32 $0x5800;
	s18 =	simm.s32 $0x14000  }
0x126: {  	[tilespmem:s18], [sflag:$0x1] =	stream.indirect.gather [spmem:s4], $0x10, s25, s9, $0xb8;
	[tilespmem:$0x1C7B8] =	vst v63  }
0x127: {  	s15 =	simm.s32 $0x14800;
	s23 =	simm.s32 $0x5880  }
0x128: {  	[tilespmem:s15], [sflag:$0x1] =	stream.indirect.gather [spmem:s4], $0x10, s23, s9, $0xb8;
	[tilespmem:$0x1C7B8] =	vst v63  }
0x129: {  	_ =	swait.ge [sflag:s10], $0x800  }
0x12a: {  	[sflag:s10] =	ssyncset.done $0x0  }
0x12b: {  	s26 =	simm.s32 $0xA480;
	[sflag:s10] =	ssyncadd.s32 $0xFFFFF800  }
0x12c: {  	[spmem:s7] =	stream.indirect.scatter.add.f32 [tilespmem:s22], [sflag:$0x3], $0x10, s26, s9, $0xb8;
	[tilespmem:$0x1C7B8] =	vst v63  }
0x12d: {  	_ =	swait.ge [sflag:s10], $0x800  }
0x12e: {  	[sflag:s10] =	ssyncset.done $0x0  }
0x12f: {  	s28 =	simm.s32 $0xA500;
	[sflag:s10] =	ssyncadd.s32 $0xFFFFF800  }
0x130: {  	[spmem:s7] =	stream.indirect.scatter.add.f32 [tilespmem:s21], [sflag:$0x3], $0x10, s28, s9, $0xb8;
	[tilespmem:$0x1C7B8] =	vst v63  }
0x131: {  	_ =	swait.ge [sflag:s10], $0x800  }
0x132: {  	[sflag:s10] =	ssyncset.done $0x0  }
0x133: {  	s29 =	simm.s32 $0xA580;
	[sflag:s10] =	ssyncadd.s32 $0xFFFFF800  }
0x134: {  	[spmem:s7] =	stream.indirect.scatter.add.f32 [tilespmem:s20], [sflag:$0x3], $0x10, s29, s9, $0xb8;
	[tilespmem:$0x1C7B8] =	vst v63  }
0x135: {  	_ =	swait.ge [sflag:s10], $0x800  }
0x136: {  	[sflag:s10] =	ssyncset.done $0x0  }
0x137: {  	s30 =	simm.s32 $0xA600;
	[sflag:s10] =	ssyncadd.s32 $0xFFFFF800  }
0x138: {  	[spmem:s7] =	stream.indirect.scatter.add.f32 [tilespmem:s19], [sflag:$0x3], $0x10, s30, s9, $0xb8;
	[tilespmem:$0x1C7B8] =	vst v63  }
0x139: {  	_ =	swait.ge [sflag:s10], $0x800  }
0x13a: {  	[sflag:s10] =	ssyncset.done $0x0  }
0x13b: {  	s31 =	simm.s32 $0xA680;
	[sflag:s10] =	ssyncadd.s32 $0xFFFFF800  }
0x13c: {  	[spmem:s7] =	stream.indirect.scatter.add.f32 [tilespmem:s18], [sflag:$0x3], $0x10, s31, s9, $0xb8;
	[tilespmem:$0x1C7B8] =	vst v63  }
0x13d: {  	p1 =	por $0x0, $0x0;
	s24 =	simm.s32 $0x3000;
	_ =	swait.ge [sflag:s10], $0x800  }
0x13e: {  	s25 =	simm.s32 $0xA700;
	s23 =	simm.s32 $0x1800;
	[sflag:s10] =	ssyncset.done $0x0  }
.LBB2_11:
0x13f: {  	s26 =	simm.s32 @!p1 $0x2  }
0x140: {  	[sflag:s10] =	ssyncadd.s32 $0xFFFFF800;
	s28 =	smov.u32 s24;
	s24 =	sadd.s32 $0x1800, s24  }
0x141: {  	[spmem:s7] =	stream.indirect.scatter.add.f32 [tilespmem:s15], [sflag:$0x3], $0x10, s25, s9, $0xb8;
	[tilespmem:$0x1C7B8] =	vst v63  }
0x142: {  	p2 =	sne.s32 s24, $0x13800;
	_ =	swait.ge @!p1 [sflag:s26], $0x800  }
0x143: {  	[sflag:s26] =	ssyncset.done @!p1 $0x0  }
0x144: {  	[sflag:s26] =	ssyncadd.s32 @!p1 $0xFFFFF800  }
0x145: {  	_ =	swait.ge @!p1 [sflag:s26], $0x800  }
0x146: {  	[sflag:s26] =	ssyncset.done @!p1 $0x0  }
0x147: {  	[sflag:s26] =	ssyncadd.s32 @!p1 $0xFFFFF800  }
0x148: {  	_ =	swait.ge @!p1 [sflag:s26], $0x800  }
0x149: {  	[sflag:s26] =	ssyncset.done @!p1 $0x0  }
0x14a: {  	[sflag:s26] =	ssyncadd.s32 @!p1 $0xFFFFF800  }
0x14b: {  	_ =	swait.ge @!p1 [sflag:s26], $0x800  }
0x14c: {  	[sflag:s26] =	ssyncset.done @!p1 $0x0  }
0x14d: {  	[sflag:s26] =	ssyncadd.s32 @!p1 $0xFFFFF800  }
0x14e: {  	_ =	swait.ge @!p1 [sflag:s26], $0x800  }
0x14f: {  	[sflag:s26] =	ssyncset.done @!p1 $0x0  }
0x150: {  	[sflag:s26] =	ssyncadd.s32 @!p1 $0xFFFFF800  }
0x151: {  	_ =	swait.ge @!p1 [sflag:s26], $0x800  }
0x152: {  	s25 =	sshra.s32 s23, $0x2;
	s23 =	smov.u32 s28;
	[sflag:s26] =	ssyncset.done @!p1 $0x0  }
0x153: {  	[sflag:s26] =	ssyncadd.s32 @!p1 $0xFFFFF800;
	s26 =	sadd.s32 $0x5300, s25  }
0x154: {  	[tilespmem:s17], [sflag:$0x1] =	stream.indirect.gather [spmem:s4], $0x10, s26, s9, $0xb8;
	[tilespmem:$0x1C7B8] =	vst v63  }
0x155: {  	s26 =	sadd.s32 $0x5380, s25  }
0x156: {  	[tilespmem:s16], [sflag:$0x1] =	stream.indirect.gather [spmem:s4], $0x10, s26, s9, $0xb8;
	[tilespmem:$0x1C7B8] =	vst v63  }
0x157: {  	s26 =	sadd.s32 $0x5400, s25  }
0x158: {  	[tilespmem:s14], [sflag:$0x1] =	stream.indirect.gather [spmem:s4], $0x10, s26, s9, $0xb8;
	[tilespmem:$0x1C7B8] =	vst v63  }
0x159: {  	s26 =	sadd.s32 $0x5480, s25  }
0x15a: {  	[tilespmem:s13], [sflag:$0x1] =	stream.indirect.gather [spmem:s4], $0x10, s26, s9, $0xb8;
	[tilespmem:$0x1C7B8] =	vst v63  }
0x15b: {  	s26 =	sadd.s32 $0x5500, s25  }
0x15c: {  	[tilespmem:s12], [sflag:$0x1] =	stream.indirect.gather [spmem:s4], $0x10, s26, s9, $0xb8;
	[tilespmem:$0x1C7B8] =	vst v63  }
0x15d: {  	s26 =	sadd.s32 $0x5580, s25  }
0x15e: {  	[tilespmem:s11], [sflag:$0x1] =	stream.indirect.gather [spmem:s4], $0x10, s26, s9, $0xb8;
	[tilespmem:$0x1C7B8] =	vst v63  }
0x15f: {  	_ =	swait.ge [sflag:s10], $0x800  }
0x160: {  	[sflag:s10] =	ssyncset.done $0x0  }
0x161: {  	s26 =	sadd.s32 $0xA180, s25;
	[sflag:s10] =	ssyncadd.s32 $0xFFFFF800  }
0x162: {  	[spmem:s7] =	stream.indirect.scatter.add.f32 [tilespmem:s17], [sflag:$0x2], $0x10, s26, s9, $0xb8;
	[tilespmem:$0x1C7B8] =	vst v63  }
0x163: {  	_ =	swait.ge [sflag:s10], $0x800  }
0x164: {  	[sflag:s10] =	ssyncset.done $0x0  }
0x165: {  	s26 =	sadd.s32 $0xA200, s25;
	[sflag:s10] =	ssyncadd.s32 $0xFFFFF800  }
0x166: {  	[spmem:s7] =	stream.indirect.scatter.add.f32 [tilespmem:s16], [sflag:$0x2], $0x10, s26, s9, $0xb8;
	[tilespmem:$0x1C7B8] =	vst v63  }
0x167: {  	_ =	swait.ge [sflag:s10], $0x800  }
0x168: {  	[sflag:s10] =	ssyncset.done $0x0  }
0x169: {  	s26 =	sadd.s32 $0xA280, s25;
	[sflag:s10] =	ssyncadd.s32 $0xFFFFF800  }
0x16a: {  	[spmem:s7] =	stream.indirect.scatter.add.f32 [tilespmem:s14], [sflag:$0x2], $0x10, s26, s9, $0xb8;
	[tilespmem:$0x1C7B8] =	vst v63  }
0x16b: {  	_ =	swait.ge [sflag:s10], $0x800  }
0x16c: {  	[sflag:s10] =	ssyncset.done $0x0  }
0x16d: {  	s26 =	sadd.s32 $0xA300, s25;
	[sflag:s10] =	ssyncadd.s32 $0xFFFFF800  }
0x16e: {  	[spmem:s7] =	stream.indirect.scatter.add.f32 [tilespmem:s13], [sflag:$0x2], $0x10, s26, s9, $0xb8;
	[tilespmem:$0x1C7B8] =	vst v63  }
0x16f: {  	_ =	swait.ge [sflag:s10], $0x800  }
0x170: {  	[sflag:s10] =	ssyncset.done $0x0  }
0x171: {  	s26 =	sadd.s32 $0xA380, s25;
	[sflag:s10] =	ssyncadd.s32 $0xFFFFF800  }
0x172: {  	[spmem:s7] =	stream.indirect.scatter.add.f32 [tilespmem:s12], [sflag:$0x2], $0x10, s26, s9, $0xb8;
	[tilespmem:$0x1C7B8] =	vst v63  }
0x173: {  	_ =	swait.ge [sflag:s10], $0x800  }
0x174: {  	[sflag:s10] =	ssyncset.done $0x0  }
0x175: {  	s28 =	simm.s32 @!p1 $0x3;
	s26 =	sadd.s32 $0xA400, s25;
	[sflag:s10] =	ssyncadd.s32 $0xFFFFF800  }
0x176: {  	[spmem:s7] =	stream.indirect.scatter.add.f32 [tilespmem:s11], [sflag:$0x2], $0x10, s26, s9, $0xb8;
	[tilespmem:$0x1C7B8] =	vst v63  }
0x177: {  	_ =	swait.ge @!p1 [sflag:s28], $0x800  }
0x178: {  	[sflag:s28] =	ssyncset.done @!p1 $0x0  }
0x179: {  	[sflag:s28] =	ssyncadd.s32 @!p1 $0xFFFFF800  }
0x17a: {  	_ =	swait.ge @!p1 [sflag:s28], $0x800  }
0x17b: {  	[sflag:s28] =	ssyncset.done @!p1 $0x0  }
0x17c: {  	[sflag:s28] =	ssyncadd.s32 @!p1 $0xFFFFF800  }
0x17d: {  	_ =	swait.ge @!p1 [sflag:s28], $0x800  }
0x17e: {  	[sflag:s28] =	ssyncset.done @!p1 $0x0  }
0x17f: {  	[sflag:s28] =	ssyncadd.s32 @!p1 $0xFFFFF800  }
0x180: {  	_ =	swait.ge @!p1 [sflag:s28], $0x800  }
0x181: {  	[sflag:s28] =	ssyncset.done @!p1 $0x0  }
0x182: {  	[sflag:s28] =	ssyncadd.s32 @!p1 $0xFFFFF800  }
0x183: {  	_ =	swait.ge @!p1 [sflag:s28], $0x800  }
0x184: {  	[sflag:s28] =	ssyncset.done @!p1 $0x0  }
0x185: {  	[sflag:s28] =	ssyncadd.s32 @!p1 $0xFFFFF800  }
0x186: {  	_ =	swait.ge @!p1 [sflag:s28], $0x800  }
0x187: {  	[sflag:s28] =	ssyncset.done @!p1 $0x0  }
0x188: {  	s26 =	sadd.s32 $0x5600, s25;
	[sflag:s28] =	ssyncadd.s32 @!p1 $0xFFFFF800  }
0x189: {  	[tilespmem:s22], [sflag:$0x1] =	stream.indirect.gather [spmem:s4], $0x10, s26, s9, $0xb8;
	[tilespmem:$0x1C7B8] =	vst v63  }
0x18a: {  	s26 =	sadd.s32 $0x5680, s25  }
0x18b: {  	[tilespmem:s21], [sflag:$0x1] =	stream.indirect.gather [spmem:s4], $0x10, s26, s9, $0xb8;
	[tilespmem:$0x1C7B8] =	vst v63  }
0x18c: {  	s26 =	sadd.s32 $0x5700, s25  }
0x18d: {  	[tilespmem:s20], [sflag:$0x1] =	stream.indirect.gather [spmem:s4], $0x10, s26, s9, $0xb8;
	[tilespmem:$0x1C7B8] =	vst v63  }
0x18e: {  	s26 =	sadd.s32 $0x5780, s25  }
0x18f: {  	[tilespmem:s19], [sflag:$0x1] =	stream.indirect.gather [spmem:s4], $0x10, s26, s9, $0xb8;
	[tilespmem:$0x1C7B8] =	vst v63  }
0x190: {  	s26 =	sadd.s32 $0x5800, s25  }
0x191: {  	[tilespmem:s18], [sflag:$0x1] =	stream.indirect.gather [spmem:s4], $0x10, s26, s9, $0xb8;
	[tilespmem:$0x1C7B8] =	vst v63  }
0x192: {  	s26 =	sadd.s32 $0x5880, s25  }
0x193: {  	[tilespmem:s15], [sflag:$0x1] =	stream.indirect.gather [spmem:s4], $0x10, s26, s9, $0xb8;
	[tilespmem:$0x1C7B8] =	vst v63  }
0x194: {  	_ =	swait.ge [sflag:s10], $0x800  }
0x195: {  	[sflag:s10] =	ssyncset.done $0x0  }
0x196: {  	s26 =	sadd.s32 $0xA480, s25;
	[sflag:s10] =	ssyncadd.s32 $0xFFFFF800  }
0x197: {  	[spmem:s7] =	stream.indirect.scatter.add.f32 [tilespmem:s22], [sflag:$0x3], $0x10, s26, s9, $0xb8;
	[tilespmem:$0x1C7B8] =	vst v63  }
0x198: {  	_ =	swait.ge [sflag:s10], $0x800  }
0x199: {  	[sflag:s10] =	ssyncset.done $0x0  }
0x19a: {  	s26 =	sadd.s32 $0xA500, s25;
	[sflag:s10] =	ssyncadd.s32 $0xFFFFF800  }
0x19b: {  	[spmem:s7] =	stream.indirect.scatter.add.f32 [tilespmem:s21], [sflag:$0x3], $0x10, s26, s9, $0xb8;
	[tilespmem:$0x1C7B8] =	vst v63  }
0x19c: {  	_ =	swait.ge [sflag:s10], $0x800  }
0x19d: {  	[sflag:s10] =	ssyncset.done $0x0  }
0x19e: {  	s26 =	sadd.s32 $0xA580, s25;
	[sflag:s10] =	ssyncadd.s32 $0xFFFFF800  }
0x19f: {  	[spmem:s7] =	stream.indirect.scatter.add.f32 [tilespmem:s20], [sflag:$0x3], $0x10, s26, s9, $0xb8;
	[tilespmem:$0x1C7B8] =	vst v63  }
0x1a0: {  	_ =	swait.ge [sflag:s10], $0x800  }
0x1a1: {  	[sflag:s10] =	ssyncset.done $0x0  }
0x1a2: {  	s26 =	sadd.s32 $0xA600, s25;
	[sflag:s10] =	ssyncadd.s32 $0xFFFFF800  }
0x1a3: {  	[spmem:s7] =	stream.indirect.scatter.add.f32 [tilespmem:s19], [sflag:$0x3], $0x10, s26, s9, $0xb8;
	[tilespmem:$0x1C7B8] =	vst v63  }
0x1a4: {  	_ =	swait.ge [sflag:s10], $0x800  }
.Ltmp7:
0x1a5: {  	[sflag:s10] =	ssyncset.done $0x0;
	(pc) =	sbr.rel @p2 .LBB2_11-.Ltmp7, $4  }
0x1a6: {  	s26 =	sadd.s32 $0xA680, s25;
	[sflag:s10] =	ssyncadd.s32 $0xFFFFF800  }
0x1a7: {  	[spmem:s7] =	stream.indirect.scatter.add.f32 [tilespmem:s18], [sflag:$0x3], $0x10, s26, s9, $0xb8;
	[tilespmem:$0x1C7B8] =	vst v63  }
0x1a8: {  	_ =	swait.ge [sflag:s10], $0x800  }
0x1a9: {  	p1 =	seq.s32 s23, $0x0;
	s25 =	sadd.s32 $0xA700, s25;
	[sflag:s10] =	ssyncset.done $0x0  }
0x1aa: {  	s24 =	simm.s32 @!p1 $0x2;
	[sflag:s10] =	ssyncadd.s32 $0xFFFFF800  }
0x1ab: {  	[spmem:s7] =	stream.indirect.scatter.add.f32 [tilespmem:s15], [sflag:$0x3], $0x10, s25, s9, $0xb8;
	[tilespmem:$0x1C7B8] =	vst v63  }
0x1ac: {  	_ =	swait.ge @!p1 [sflag:s24], $0x800  }
0x1ad: {  	[sflag:s24] =	ssyncset.done @!p1 $0x0  }
0x1ae: {  	[sflag:s24] =	ssyncadd.s32 @!p1 $0xFFFFF800  }
0x1af: {  	_ =	swait.ge @!p1 [sflag:s24], $0x800  }
0x1b0: {  	[sflag:s24] =	ssyncset.done @!p1 $0x0  }
0x1b1: {  	[sflag:s24] =	ssyncadd.s32 @!p1 $0xFFFFF800  }
0x1b2: {  	_ =	swait.ge @!p1 [sflag:s24], $0x800  }
0x1b3: {  	[sflag:s24] =	ssyncset.done @!p1 $0x0  }
0x1b4: {  	[sflag:s24] =	ssyncadd.s32 @!p1 $0xFFFFF800  }
0x1b5: {  	_ =	swait.ge @!p1 [sflag:s24], $0x800  }
0x1b6: {  	[sflag:s24] =	ssyncset.done @!p1 $0x0  }
0x1b7: {  	[sflag:s24] =	ssyncadd.s32 @!p1 $0xFFFFF800  }
0x1b8: {  	_ =	swait.ge @!p1 [sflag:s24], $0x800  }
0x1b9: {  	[sflag:s24] =	ssyncset.done @!p1 $0x0  }
0x1ba: {  	[sflag:s24] =	ssyncadd.s32 @!p1 $0xFFFFF800  }
0x1bb: {  	_ =	swait.ge @!p1 [sflag:s24], $0x800  }
0x1bc: {  	s23 =	sshra.s32 s23, $0x2;
	[sflag:s24] =	ssyncset.done @!p1 $0x0  }
0x1bd: {  	s30 =	sadd.s32 $0x5300, s23;
	[sflag:s24] =	ssyncadd.s32 @!p1 $0xFFFFF800  }
0x1be: {  	[tilespmem:s17], [sflag:$0x1] =	stream.indirect.gather [spmem:s4], $0x10, s30, s9, $0xb8;
	[tilespmem:$0x1C7B8] =	vst v63  }
0x1bf: {  	s31 =	sadd.s32 $0x5380, s23  }
0x1c0: {  	[tilespmem:s16], [sflag:$0x1] =	stream.indirect.gather [spmem:s4], $0x10, s31, s9, $0xb8;
	[tilespmem:$0x1C7B8] =	vst v63  }
0x1c1: {  	s25 =	sadd.s32 $0x5400, s23  }
0x1c2: {  	[tilespmem:s14], [sflag:$0x1] =	stream.indirect.gather [spmem:s4], $0x10, s25, s9, $0xb8;
	[tilespmem:$0x1C7B8] =	vst v63  }
0x1c3: {  	s26 =	sadd.s32 $0x5480, s23  }
0x1c4: {  	[tilespmem:s13], [sflag:$0x1] =	stream.indirect.gather [spmem:s4], $0x10, s26, s9, $0xb8;
	[tilespmem:$0x1C7B8] =	vst v63  }
0x1c5: {  	s28 =	sadd.s32 $0x5500, s23  }
0x1c6: {  	[tilespmem:s12], [sflag:$0x1] =	stream.indirect.gather [spmem:s4], $0x10, s28, s9, $0xb8;
	[tilespmem:$0x1C7B8] =	vst v63  }
0x1c7: {  	s29 =	sadd.s32 $0x5580, s23  }
0x1c8: {  	[tilespmem:s11], [sflag:$0x1] =	stream.indirect.gather [spmem:s4], $0x10, s29, s9, $0xb8;
	[tilespmem:$0x1C7B8] =	vst v63  }
0x1c9: {  	_ =	swait.ge [sflag:s10], $0x800  }
0x1ca: {  	[sflag:s10] =	ssyncset.done $0x0  }
0x1cb: {  	s30 =	sadd.s32 $0xA180, s23;
	[sflag:s10] =	ssyncadd.s32 $0xFFFFF800  }
0x1cc: {  	[spmem:s7] =	stream.indirect.scatter.add.f32 [tilespmem:s17], [sflag:$0x2], $0x10, s30, s9, $0xb8;
	[tilespmem:$0x1C7B8] =	vst v63  }
0x1cd: {  	_ =	swait.ge [sflag:s10], $0x800  }
0x1ce: {  	[sflag:s10] =	ssyncset.done $0x0  }
0x1cf: {  	s31 =	sadd.s32 $0xA200, s23;
	[sflag:s10] =	ssyncadd.s32 $0xFFFFF800  }
0x1d0: {  	[spmem:s7] =	stream.indirect.scatter.add.f32 [tilespmem:s16], [sflag:$0x2], $0x10, s31, s9, $0xb8;
	[tilespmem:$0x1C7B8] =	vst v63  }
0x1d1: {  	_ =	swait.ge [sflag:s10], $0x800  }
0x1d2: {  	[sflag:s10] =	ssyncset.done $0x0  }
0x1d3: {  	s24 =	sadd.s32 $0xA280, s23;
	[sflag:s10] =	ssyncadd.s32 $0xFFFFF800  }
0x1d4: {  	[spmem:s7] =	stream.indirect.scatter.add.f32 [tilespmem:s14], [sflag:$0x2], $0x10, s24, s9, $0xb8;
	[tilespmem:$0x1C7B8] =	vst v63  }
0x1d5: {  	_ =	swait.ge [sflag:s10], $0x800  }
0x1d6: {  	[sflag:s10] =	ssyncset.done $0x0  }
0x1d7: {  	s25 =	sadd.s32 $0xA300, s23;
	[sflag:s10] =	ssyncadd.s32 $0xFFFFF800  }
0x1d8: {  	[spmem:s7] =	stream.indirect.scatter.add.f32 [tilespmem:s13], [sflag:$0x2], $0x10, s25, s9, $0xb8;
	[tilespmem:$0x1C7B8] =	vst v63  }
0x1d9: {  	_ =	swait.ge [sflag:s10], $0x800  }
0x1da: {  	[sflag:s10] =	ssyncset.done $0x0  }
0x1db: {  	s26 =	sadd.s32 $0xA380, s23;
	[sflag:s10] =	ssyncadd.s32 $0xFFFFF800  }
0x1dc: {  	[spmem:s7] =	stream.indirect.scatter.add.f32 [tilespmem:s12], [sflag:$0x2], $0x10, s26, s9, $0xb8;
	[tilespmem:$0x1C7B8] =	vst v63  }
0x1dd: {  	_ =	swait.ge [sflag:s10], $0x800  }
0x1de: {  	[sflag:s10] =	ssyncset.done $0x0  }
0x1df: {  	s28 =	sadd.s32 $0xA400, s23;
	s13 =	simm.s32 @!p1 $0x3;
	[sflag:s10] =	ssyncadd.s32 $0xFFFFF800  }
0x1e0: {  	[spmem:s7] =	stream.indirect.scatter.add.f32 [tilespmem:s11], [sflag:$0x2], $0x10, s28, s9, $0xb8;
	[tilespmem:$0x1C7B8] =	vst v63  }
0x1e1: {  	_ =	swait.ge @!p1 [sflag:s13], $0x800  }
0x1e2: {  	[sflag:s13] =	ssyncset.done @!p1 $0x0  }
0x1e3: {  	[sflag:s13] =	ssyncadd.s32 @!p1 $0xFFFFF800  }
0x1e4: {  	_ =	swait.ge @!p1 [sflag:s13], $0x800  }
0x1e5: {  	[sflag:s13] =	ssyncset.done @!p1 $0x0  }
0x1e6: {  	[sflag:s13] =	ssyncadd.s32 @!p1 $0xFFFFF800  }
0x1e7: {  	_ =	swait.ge @!p1 [sflag:s13], $0x800  }
0x1e8: {  	[sflag:s13] =	ssyncset.done @!p1 $0x0  }
0x1e9: {  	[sflag:s13] =	ssyncadd.s32 @!p1 $0xFFFFF800  }
0x1ea: {  	_ =	swait.ge @!p1 [sflag:s13], $0x800  }
0x1eb: {  	[sflag:s13] =	ssyncset.done @!p1 $0x0  }
0x1ec: {  	[sflag:s13] =	ssyncadd.s32 @!p1 $0xFFFFF800  }
0x1ed: {  	_ =	swait.ge @!p1 [sflag:s13], $0x800  }
0x1ee: {  	[sflag:s13] =	ssyncset.done @!p1 $0x0  }
0x1ef: {  	[sflag:s13] =	ssyncadd.s32 @!p1 $0xFFFFF800  }
0x1f0: {  	_ =	swait.ge @!p1 [sflag:s13], $0x800  }
0x1f1: {  	[sflag:s13] =	ssyncset.done @!p1 $0x0  }
0x1f2: {  	s29 =	sadd.s32 $0x5600, s23;
	[sflag:s13] =	ssyncadd.s32 @!p1 $0xFFFFF800  }
0x1f3: {  	[tilespmem:s22], [sflag:$0x1] =	stream.indirect.gather [spmem:s4], $0x10, s29, s9, $0xb8;
	[tilespmem:$0x1C7B8] =	vst v63  }
0x1f4: {  	s30 =	sadd.s32 $0x5680, s23  }
0x1f5: {  	[tilespmem:s21], [sflag:$0x1] =	stream.indirect.gather [spmem:s4], $0x10, s30, s9, $0xb8;
	[tilespmem:$0x1C7B8] =	vst v63  }
0x1f6: {  	s31 =	sadd.s32 $0x5700, s23  }
0x1f7: {  	[tilespmem:s20], [sflag:$0x1] =	stream.indirect.gather [spmem:s4], $0x10, s31, s9, $0xb8;
	[tilespmem:$0x1C7B8] =	vst v63  }
0x1f8: {  	s12 =	sadd.s32 $0x5780, s23  }
0x1f9: {  	[tilespmem:s19], [sflag:$0x1] =	stream.indirect.gather [spmem:s4], $0x10, s12, s9, $0xb8;
	[tilespmem:$0x1C7B8] =	vst v63  }
0x1fa: {  	s13 =	sadd.s32 $0x5800, s23  }
0x1fb: {  	[tilespmem:s18], [sflag:$0x1] =	stream.indirect.gather [spmem:s4], $0x10, s13, s9, $0xb8;
	[tilespmem:$0x1C7B8] =	vst v63  }
0x1fc: {  	s14 =	sadd.s32 $0x5880, s23  }
0x1fd: {  	[tilespmem:s15], [sflag:$0x1] =	stream.indirect.gather [spmem:s4], $0x10, s14, s9, $0xb8;
	[tilespmem:$0x1C7B8] =	vst v63  }
0x1fe: {  	_ =	swait.ge [sflag:s10], $0x800  }
0x1ff: {  	[sflag:s10] =	ssyncset.done $0x0  }
0x200: {  	s16 =	sadd.s32 $0xA480, s23;
	[sflag:s10] =	ssyncadd.s32 $0xFFFFF800  }
0x201: {  	[spmem:s7] =	stream.indirect.scatter.add.f32 [tilespmem:s22], [sflag:$0x3], $0x10, s16, s9, $0xb8;
	[tilespmem:$0x1C7B8] =	vst v63  }
0x202: {  	_ =	swait.ge [sflag:s10], $0x800  }
0x203: {  	[sflag:s10] =	ssyncset.done $0x0  }
0x204: {  	s17 =	sadd.s32 $0xA500, s23;
	[sflag:s10] =	ssyncadd.s32 $0xFFFFF800  }
0x205: {  	[spmem:s7] =	stream.indirect.scatter.add.f32 [tilespmem:s21], [sflag:$0x3], $0x10, s17, s9, $0xb8;
	[tilespmem:$0x1C7B8] =	vst v63  }
0x206: {  	_ =	swait.ge [sflag:s10], $0x800  }
0x207: {  	[sflag:s10] =	ssyncset.done $0x0  }
0x208: {  	s22 =	sadd.s32 $0xA580, s23;
	[sflag:s10] =	ssyncadd.s32 $0xFFFFF800  }
0x209: {  	[spmem:s7] =	stream.indirect.scatter.add.f32 [tilespmem:s20], [sflag:$0x3], $0x10, s22, s9, $0xb8;
	[tilespmem:$0x1C7B8] =	vst v63  }
0x20a: {  	_ =	swait.ge [sflag:s10], $0x800  }
0x20b: {  	[sflag:s10] =	ssyncset.done $0x0  }
0x20c: {  	s24 =	sadd.s32 $0xA600, s23;
	[sflag:s10] =	ssyncadd.s32 $0xFFFFF800  }
0x20d: {  	[spmem:s7] =	stream.indirect.scatter.add.f32 [tilespmem:s19], [sflag:$0x3], $0x10, s24, s9, $0xb8;
	[tilespmem:$0x1C7B8] =	vst v63  }
0x20e: {  	_ =	swait.ge [sflag:s10], $0x800  }
0x20f: {  	[sflag:s10] =	ssyncset.done $0x0  }
0x210: {  	s25 =	sadd.s32 $0xA680, s23;
	[sflag:s10] =	ssyncadd.s32 $0xFFFFF800  }
0x211: {  	[spmem:s7] =	stream.indirect.scatter.add.f32 [tilespmem:s18], [sflag:$0x3], $0x10, s25, s9, $0xb8;
	[tilespmem:$0x1C7B8] =	vst v63  }
0x212: {  	_ =	swait.ge [sflag:s10], $0x800  }
0x213: {  	[sflag:s10] =	ssyncset.done $0x0  }
0x214: {  	s26 =	sadd.s32 $0xA700, s23;
	s28 =	simm.s32 $0x3;
	[sflag:s10] =	ssyncadd.s32 $0xFFFFF800  }
0x215: {  	[spmem:s7] =	stream.indirect.scatter.add.f32 [tilespmem:s15], [sflag:$0x3], $0x10, s26, s9, $0xb8;
	[tilespmem:$0x1C7B8] =	vst v63  }
0x216: {  	_ =	swait.ge [sflag:s28], $0x800  }
0x217: {  	[sflag:s28] =	ssyncset.done $0x0  }
0x218: {  	[sflag:s28] =	ssyncadd.s32 $0xFFFFF800  }
0x219: {  	_ =	swait.ge [sflag:s28], $0x800  }
0x21a: {  	[sflag:s28] =	ssyncset.done $0x0  }
0x21b: {  	[sflag:s28] =	ssyncadd.s32 $0xFFFFF800  }
0x21c: {  	_ =	swait.ge [sflag:s28], $0x800  }
0x21d: {  	[sflag:s28] =	ssyncset.done $0x0  }
0x21e: {  	[sflag:s28] =	ssyncadd.s32 $0xFFFFF800  }
0x21f: {  	_ =	swait.ge [sflag:s28], $0x800  }
0x220: {  	[sflag:s28] =	ssyncset.done $0x0  }
0x221: {  	[sflag:s28] =	ssyncadd.s32 $0xFFFFF800  }
0x222: {  	_ =	swait.ge [sflag:s28], $0x800  }
0x223: {  	[sflag:s28] =	ssyncset.done $0x0  }
0x224: {  	[sflag:s28] =	ssyncadd.s32 $0xFFFFF800  }
0x225: {  	_ =	swait.ge [sflag:s28], $0x800  }
0x226: {  	s11 =	simm.s32 @!p0 $0x12000;
	[sflag:s28] =	ssyncset.done $0x0  }
0x227: {  	s10 =	simm.s32 @!p0 $0xA100;
	s9 =	simm.s32 @!p0 $0x80;
	[sflag:s28] =	ssyncadd.s32 $0xFFFFF800  }
0x228: {  	[tilespmem:s11], [sflag:$0x4] =	stream.indirect.gather @!p0 [spmem:s4], $0x10, s10, s9, $0xb8;
	[tilespmem:$0x1C7B8] =	vst v63  }
0x229: {  	s10 =	simm.s32 @!p0 $0x4  }
0x22a: {  	_ =	swait.ge @!p0 [sflag:s10], $0x800  }
0x22b: {  	[sflag:s10] =	ssyncset.done @!p0 $0x0  }
0x22c: {  	s12 =	simm.s32 @!p0 $0xEF80;
	[sflag:s10] =	ssyncadd.s32 @!p0 $0xFFFFF800  }
0x22d: {  	[spmem:s7] =	stream.indirect.scatter.add.f32 @!p0 [tilespmem:s11], [sflag:$0x4], $0x10, s12, s9, $0xb8;
	[tilespmem:$0x1C7B8] =	vst v63  }
0x22e: {  	_ =	swait.ge @!p0 [sflag:s10], $0x800  }
0x22f: {  	[sflag:s10] =	ssyncset.done @!p0 $0x0  }
0x230: {  	s29 =	simm.s32 $0x2;
	[sflag:s10] =	ssyncadd.s32 @!p0 $0xFFFFF800  }
0x231: {  	_ =	swait.ge [sflag:s29], $0x800  }
0x232: {  	[sflag:s29] =	ssyncset.done $0x0  }
0x233: {  	[sflag:s29] =	ssyncadd.s32 $0xFFFFF800  }
0x234: {  	_ =	swait.ge [sflag:s29], $0x800  }
0x235: {  	[sflag:s29] =	ssyncset.done $0x0  }
0x236: {  	[sflag:s29] =	ssyncadd.s32 $0xFFFFF800  }
0x237: {  	_ =	swait.ge [sflag:s29], $0x800  }
0x238: {  	[sflag:s29] =	ssyncset.done $0x0  }
0x239: {  	[sflag:s29] =	ssyncadd.s32 $0xFFFFF800  }
0x23a: {  	_ =	swait.ge [sflag:s29], $0x800  }
0x23b: {  	[sflag:s29] =	ssyncset.done $0x0  }
0x23c: {  	[sflag:s29] =	ssyncadd.s32 $0xFFFFF800  }
0x23d: {  	_ =	swait.ge [sflag:s29], $0x800  }
0x23e: {  	[sflag:s29] =	ssyncset.done $0x0  }
0x23f: {  	[sflag:s29] =	ssyncadd.s32 $0xFFFFF800  }
0x240: {  	_ =	swait.ge [sflag:s29], $0x800  }
0x241: {  	[sflag:s29] =	ssyncset.done $0x0  }
0x242: {  	[sflag:s29] =	ssyncadd.s32 $0xFFFFF800  }
0x243: {  	s30 =	simm.s32 $0x2B00;
	s31 =	simm.s32 $0x4;
	[bflag:$0x0] =	sbarrier.arrive $0xFFFF  }
0x244: {  	[tilespmem:s30], [sflag:$0x4] =	stream.linear.gather [spmem:s8], $0x2800, $0x38;
	[tilespmem:$0x1C7B8] =	vst v63  }
0x245: {  	_ =	swait.ge [sflag:s31], $0x2800  }
0x246: {  	[sflag:s31] =	ssyncset.done $0x0  }
0x247: {  	[sflag:s31] =	ssyncadd.s32 $0xFFFFD800  }
0x248: {  	s7 =	simm.s32 $0x0;
	v0 =	vld [tilespmem:$0x15000]  }
0x249: {  	v20 =	vld [tilespmem:s7+$0x380]  }
0x24a: {  	v23 =	vld [tilespmem:s7+$0x3F0]  }
0x24b: {  	v17 =	vld [tilespmem:s7+$0x330]  }
0x24c: {  	v18 =	vld [tilespmem:s7+$0x310]  }
0x24d: {  	v25 =	vld [tilespmem:s7+$0x320]  }
0x24e: {  	v22 =	vld [tilespmem:s7+$0x340]  }
0x24f: {  	v21 =	vld [tilespmem:s7+$0x350]  }
0x250: {  	v19 =	vld [tilespmem:s7+$0x390]  }
0x251: {  	v1 =	vimm.s32 $0x0;
	v26 =	vld [tilespmem:s7+$0x3E0]  }
0x252: {  	v5 =	vimm.s32 $0x1;
	v10 =	vimm.s32 $0x2;
	v6 =	vimm.s32 $0x3;
	v30 =	vld [tilespmem:s7+$0x2B50]  }
0x253: {  	v2 =	vimm.s32 $0x4;
	v9 =	vimm.s32 $0x5;
	v12 =	vimm.s32 $0x6;
	s8 =	simm.s32 $0x80;
	v29 =	vld [tilespmem:s7+$0x2B90]  }
0x254: {  	v4 =	vimm.s32 $0x7;
	v13 =	vimm.s32 $0x8;
	v7 =	vimm.s32 $0x9;
	v27 =	vld [tilespmem:s8+$0x0]  }
0x255: {  	v11 =	vimm.s32 $0xA;
	v15 =	vimm.s32 $0xB;
	v3 =	vimm.s32 $0xC;
	v24 =	vld [tilespmem:s7+$0x2BF0]  }
0x256: {  	v8 =	vimm.s32 $0xD;
	v14 =	vimm.s32 $0xE;
	v16 =	vimm.s32 $0xF;
	s9 =	simm.s32 $0x400;
	v28 =	vld [tilespmem:s7+$0x2B40]  }
.LBB2_13:
0x257: {  	p1 =	sne.s32 s9, $0x9C00  }
0x258: {  	v31 =	vld [tilespmem:s7+$0x370];
	s8 =	sadd.s32 $0x10, s8;
	s10 =	smov.u32 s9;
	s9 =	sadd.s32 $0x400, s9  }
0x259: {  	v30 =	vadd.f32 v21, v30;
	v32 =	vld [tilespmem:s7+$0x3C0]  }
0x25a: {  	v29 =	vadd.f32 v19, v29;
	v33 =	vperm.xlane v27, v10;
	v34 =	vld [tilespmem:s7+$0x2B80];
	v35 =	vperm.xlane v27, v16  }
0x25b: {  	v19 =	vperm.xlane v27, v12;
	v37 =	vperm.xlane v27, v13;
	v36 =	vld [tilespmem:s7+$0x2B20]  }
0x25c: {  	v38 =	vperm.xlane v27, v15;
	v28 =	vadd.f32 v22, v28;
	v22 =	vperm.xlane v27, v9;
	v39 =	vld [tilespmem:s7+$0x2BE0]  }
0x25d: {  	v21 =	vperm.xlane v27, v11;
	v41 =	vperm.xlane v27, v14;
	v40 =	vld [tilespmem:s7+$0x2BC0]  }
0x25e: {  	v43 =	vperm.xlane v27, v5;
	v44 =	vperm.xlane v27, v6;
	v23 =	vadd.f32 v23, v24;
	v42 =	vld [tilespmem:s7+$0x2B00]  }
0x25f: {  	v45 =	vperm.xlane v27, v1;
	v47 =	vperm.xlane v27, v8;
	v46 =	vld [tilespmem:s7+$0x2B30]  }
0x260: {  	v20 =	vadd.f32 v20, v34;
	v34 =	vperm.xlane v27, v7;
	v48 =	vld [tilespmem:s7+$0x2B10];
	v25 =	vadd.f32 v25, v36  }
0x261: {  	v24 =	vperm.xlane v27, v4;
	v36 =	vperm.xlane v27, v2;
	v49 =	vld [tilespmem:s7+$0x2B70];
	v26 =	vadd.f32 v26, v39  }
0x262: {  	v23 =	vmul.f32 v23, v35;
	v20 =	vmul.f32 v20, v37;
	v39 =	vld [tilespmem:s7+$0x300]  }
0x263: {  	v27 =	vperm.xlane v27, v3;
	v26 =	vmul.f32 v26, v41  }
0x264: {  	v23 =	vadd.f32 v23, v0;
	v25 =	vmul.f32 v25, v33;
	v17 =	vadd.f32 v17, v46;
	v46 =	vld [tilespmem:s7+$0x2BB0]  }
0x265: {  	v29 =	vmul.f32 v29, v34;
	v28 =	vmul.f32 v28, v36;
	v18 =	vadd.f32 v18, v48;
	v48 =	vld [tilespmem:s7+$0x3D0]  }
0x266: {  	v32 =	vadd.f32 v32, v40;
	v25 =	vadd.f32 v25, v0;
	v17 =	vmul.f32 v17, v44;
	v40 =	vld [tilespmem:s7+$0x2BD0]  }
0x267: {  	v28 =	vadd.f32 v28, v0;
	v39 =	vadd.f32 v39, v42;
	v18 =	vmul.f32 v18, v43;
	v42 =	vld [tilespmem:s7+$0x360]  }
0x268: {  	v32 =	vmul.f32 v32, v27;
	v25 =	vmax.f32 v25, $0.0e+00;
	v17 =	vadd.f32 v17, v0;
	v50 =	vld [tilespmem:s7+$0x2B60]  }
0x269: {  	v26 =	vadd.f32 v26, v0;
	v39 =	vmul.f32 v39, v45;
	v18 =	vadd.f32 v18, v0;
	v51 =	vld [tilespmem:s7+$0x3B0]  }
0x26a: {  	v23 =	vmax.f32 v23, $0.0e+00;
	v32 =	vadd.f32 v32, v0;
	v17 =	vmax.f32 v17, $0.0e+00  }
0x26b: {  	v31 =	vadd.f32 v31, v49;
	v18 =	vmax.f32 v18, $0.0e+00;
	v17 =	vmul.f32 v17, v44;
	v44 =	vld [tilespmem:s7+$0x2BA0]  }
0x26c: {  	v32 =	vmax.f32 v32, $0.0e+00;
	v40 =	vadd.f32 v48, v40;
	v18 =	vmul.f32 v18, v43;
	v43 =	vld [tilespmem:s7+$0x3A0]  }
0x26d: {  	v26 =	vmax.f32 v26, $0.0e+00;
	v27 =	vmul.f32 v32, v27;
	[tilespmem:s7+$0x330] =	vst v17;
	v17 =	vadd.f32 v42, v50  }
0x26e: {  	v23 =	vmul.f32 v23, v35;
	v26 =	vmul.f32 v26, v41;
	[tilespmem:s7+$0x310] =	vst v18;
	v18 =	vadd.f32 v51, v46  }
0x26f: {  	v20 =	vadd.f32 v20, v0;
	v29 =	vadd.f32 v29, v0;
	[tilespmem:s7+$0x3C0] =	vst v27;
	v27 =	vmul.f32 v40, v47  }
0x270: {  	v32 =	vadd.f32 v39, v0;
	v35 =	vmul.f32 v17, v19;
	v17 =	vmul.f32 v18, v38;
	[tilespmem:s7+$0x3E0] =	vst v26  }
0x271: {  	v18 =	vmax.f32 v20, $0.0e+00;
	v20 =	vadd.f32 v43, v44;
	v26 =	vadd.f32 v27, v0;
	[tilespmem:s7+$0x3F0] =	vst v23  }
0x272: {  	v18 =	vmul.f32 v18, v37;
	v23 =	vmax.f32 v29, $0.0e+00;
	v17 =	vadd.f32 v17, v0  }
0x273: {  	v27 =	vmax.f32 v32, $0.0e+00;
	v29 =	vmul.f32 v30, v22;
	v30 =	vmul.f32 v20, v21  }
0x274: {  	s10 =	sshra.s32 s10, $0x2;
	v25 =	vmul.f32 v25, v33;
	v27 =	vmul.f32 v27, v45;
	[tilespmem:s7+$0x380] =	vst v18;
	v17 =	vmax.f32 v17, $0.0e+00  }
0x275: {  	v18 =	vadd.f32 v29, v0;
	v29 =	vmul.f32 v23, v34;
	v20 =	vld [tilespmem:s10+$0x380];
	v32 =	vmul.f32 v17, v38  }
0x276: {  	v26 =	vmax.f32 v26, $0.0e+00;
	v23 =	vld [tilespmem:s10+$0x3F0];
	[tilespmem:s7+$0x320] =	vst v25;
	v25 =	vmax.f32 v28, $0.0e+00;
	v28 =	vmul.f32 v31, v24  }
0x277: {  	v17 =	vld [tilespmem:s10+$0x330];
	v31 =	vmul.f32 v25, v36;
	v25 =	vmax.f32 v18, $0.0e+00;
	[tilespmem:s7+$0x390] =	vst v29;
	v29 =	vadd.f32 v30, v0  }
0x278: {  	v30 =	vadd.f32 v35, v0;
	v18 =	vld [tilespmem:s10+$0x310];
	[tilespmem:s7+$0x300] =	vst v27;
	v27 =	vmul.f32 v25, v22;
	v28 =	vadd.f32 v28, v0  }
0x279: {  	v26 =	vmul.f32 v26, v47;
	v25 =	vld [tilespmem:s10+$0x320];
	[tilespmem:s7+$0x340] =	vst v31;
	v29 =	vmax.f32 v29, $0.0e+00  }
0x27a: {  	v22 =	vld [tilespmem:s10+$0x340];
	[tilespmem:s7+$0x350] =	vst v27;
	v27 =	vmax.f32 v30, $0.0e+00;
	v28 =	vmax.f32 v28, $0.0e+00;
	v31 =	vmul.f32 v29, v21  }
0x27b: {  	v21 =	vld [tilespmem:s10+$0x350];
	v27 =	vmul.f32 v27, v19;
	v24 =	vmul.f32 v28, v24;
	[tilespmem:s7+$0x3D0] =	vst v26  }
0x27c: {  	v19 =	vld [tilespmem:s10+$0x390];
	[tilespmem:s7+$0x3B0] =	vst v32  }
0x27d: {  	v26 =	vld [tilespmem:s10+$0x3E0];
	[tilespmem:s7+$0x370] =	vst v24  }
.Ltmp8:
0x27e: {  	v30 =	vld [tilespmem:s10+$0x2B50];
	[tilespmem:s7+$0x360] =	vst v27;
	(pc) =	sbr.rel @p1 .LBB2_13-.Ltmp8, $4  }
0x27f: {  	v29 =	vld [tilespmem:s10+$0x2B90];
	[tilespmem:s7+$0x3A0] =	vst v31;
	s7 =	smov.u32 s10  }
0x280: {  	v27 =	vld [tilespmem:s8+$0x0]  }
0x281: {  	v24 =	vld [tilespmem:s7+$0x2BF0]  }
0x282: {  	v28 =	vld [tilespmem:s7+$0x2B40]  }
0x283: {  	v31 =	vld [tilespmem:s7+$0x370]  }
0x284: {  	v32 =	vld [tilespmem:s7+$0x3C0]  }
0x285: {  	v33 =	vld [tilespmem:s7+$0x2B80]  }
0x286: {  	v34 =	vld [tilespmem:s7+$0x2B20]  }
0x287: {  	v55 =	vld [tilespmem:s7+$0x2BE0]  }
0x288: {  	v56 =	vld [tilespmem:s7+$0x2BC0]  }
0x289: {  	v57 =	vld [tilespmem:s7+$0x2B30]  }
0x28a: {  	v35 =	vld [tilespmem:s7+$0x2B10];
	v10 =	vperm.xlane v27, v10;
	v16 =	vperm.xlane v27, v16  }
0x28b: {  	v58 =	vld [tilespmem:s7+$0x2B00];
	v12 =	vperm.xlane v27, v12;
	v13 =	vperm.xlane v27, v13  }
0x28c: {  	v59 =	vld [tilespmem:s7+$0x300];
	v9 =	vperm.xlane v27, v9;
	v15 =	vperm.xlane v27, v15  }
0x28d: {  	v60 =	vld [tilespmem:s7+$0x2B70];
	v11 =	vperm.xlane v27, v11;
	v14 =	vperm.xlane v27, v14  }
0x28e: {  	v61 =	vld [tilespmem:s7+$0x2BB0];
	v5 =	vperm.xlane v27, v5;
	v6 =	vperm.xlane v27, v6  }
0x28f: {  	v21 =	vadd.f32 v21, v30;
	v62 =	vld [tilespmem:s7+$0x3D0];
	v1 =	vperm.xlane v27, v1;
	v8 =	vperm.xlane v27, v8  }
0x290: {  	v63 =	vld [tilespmem:s7+$0x2BD0];
	v19 =	vadd.f32 v19, v29;
	v7 =	vperm.xlane v27, v7;
	v2 =	vperm.xlane v27, v2  }
0x291: {  	v36 =	vld [tilespmem:s7+$0x360];
	v4 =	vperm.xlane v27, v4;
	v23 =	vadd.f32 v23, v24;
	v22 =	vadd.f32 v22, v28  }
0x292: {  	v37 =	vld [tilespmem:s7+$0x2B60];
	v3 =	vperm.xlane v27, v3;
	v20 =	vadd.f32 v20, v33;
	v25 =	vadd.f32 v25, v34  }
0x293: {  	v38 =	vld [tilespmem:s7+$0x3B0];
	v19 =	vmul.f32 v19, v7;
	v26 =	vadd.f32 v26, v55;
	v17 =	vadd.f32 v17, v57  }
0x294: {  	v48 =	vmul.f32 v21, v9;
	v18 =	vadd.f32 v18, v35;
	v29 =	vadd.f32 v32, v56  }
0x295: {  	v23 =	vmul.f32 v23, v16;
	v30 =	vadd.f32 v59, v58;
	v28 =	vadd.f32 v31, v60  }
0x296: {  	v27 =	vadd.f32 v62, v63;
	v22 =	vmul.f32 v22, v2;
	v20 =	vmul.f32 v20, v13  }
0x297: {  	v41 =	vadd.f32 v36, v37;
	v26 =	vmul.f32 v26, v14;
	v25 =	vmul.f32 v25, v10  }
0x298: {  	v24 =	vadd.f32 v38, v61;
	v17 =	vmul.f32 v17, v6;
	v18 =	vmul.f32 v18, v5  }
0x299: {  	v19 =	vadd.f32 v19, v0;
	v29 =	vmul.f32 v29, v3;
	v30 =	vmul.f32 v30, v1  }
0x29a: {  	v51 =	vadd.f32 v48, v0;
	v44 =	vmul.f32 v27, v8;
	v46 =	vmul.f32 v41, v12  }
0x29b: {  	v23 =	vadd.f32 v23, v0;
	v47 =	vmul.f32 v24, v15;
	v53 =	vmul.f32 v28, v4  }
0x29c: {  	v22 =	vadd.f32 v22, v0;
	v49 =	vmax.f32 v19, $0.0e+00;
	v55 =	vmax.f32 v51, $0.0e+00  }
0x29d: {  	v17 =	vadd.f32 v17, v0;
	v23 =	vmax.f32 v23, $0.0e+00;
	v56 =	vmul.f32 v55, v9  }
0x29e: {  	v18 =	vadd.f32 v18, v0;
	v42 =	vmul.f32 v23, v16;
	v52 =	vmax.f32 v22, $0.0e+00  }
0x29f: {  	v39 =	vld [tilespmem:s7+$0x2BA0];
	v29 =	vadd.f32 v29, v0;
	v17 =	vmax.f32 v17, $0.0e+00;
	v2 =	vmul.f32 v52, v2;
	[tilespmem:s7+$0x350] =	vst v56  }
0x2a0: {  	v40 =	vld [tilespmem:s7+$0x3A0];
	v26 =	vadd.f32 v26, v0;
	v18 =	vmax.f32 v18, $0.0e+00;
	v6 =	vmul.f32 v17, v6;
	[tilespmem:s7+$0x3F0] =	vst v42  }
0x2a1: {  	v43 =	vadd.f32 v20, v0;
	v29 =	vmax.f32 v29, $0.0e+00;
	v5 =	vmul.f32 v18, v5;
	[tilespmem:s7+$0x340] =	vst v2  }
0x2a2: {  	v25 =	vadd.f32 v25, v0;
	v26 =	vmax.f32 v26, $0.0e+00;
	v3 =	vmul.f32 v29, v3;
	[tilespmem:s7+$0x330] =	vst v6  }
0x2a3: {  	v45 =	vadd.f32 v30, v0;
	v16 =	vmax.f32 v43, $0.0e+00;
	v14 =	vmul.f32 v26, v14;
	[tilespmem:s7+$0x310] =	vst v5  }
0x2a4: {  	v58 =	vadd.f32 v46, v0;
	v25 =	vmax.f32 v25, $0.0e+00;
	v13 =	vmul.f32 v16, v13;
	[tilespmem:s7+$0x3C0] =	vst v3  }
0x2a5: {  	v50 =	vmax.f32 v45, $0.0e+00;
	v17 =	vadd.f32 v40, v39;
	v10 =	vmul.f32 v25, v10;
	[tilespmem:s7+$0x3E0] =	vst v14  }
0x2a6: {  	v57 =	vadd.f32 v53, v0;
	v62 =	vmax.f32 v58, $0.0e+00;
	v1 =	vmul.f32 v50, v1;
	[tilespmem:s7+$0x380] =	vst v13  }
0x2a7: {  	v63 =	vmul.f32 v62, v12;
	v5 =	vadd.f32 v44, v0;
	[tilespmem:s7+$0x320] =	vst v10;
	v54 =	vmul.f32 v17, v11  }
0x2a8: {  	v61 =	vmax.f32 v57, $0.0e+00;
	v3 =	vadd.f32 v47, v0;
	v6 =	vmul.f32 v49, v7;
	[tilespmem:s7+$0x300] =	vst v1  }
0x2a9: {  	v1 =	vmul.f32 v61, v4;
	[tilespmem:s7+$0x360] =	vst v63;
	v5 =	vmax.f32 v5, $0.0e+00;
	v60 =	vadd.f32 v54, v0  }
0x2aa: {  	[tilespmem:s7+$0x390] =	vst v6;
	v3 =	vmax.f32 v3, $0.0e+00;
	v59 =	vmul.f32 v5, v8  }
0x2ab: {  	[tilespmem:s7+$0x370] =	vst v1;
	v3 =	vmul.f32 v3, v15;
	v0 =	vmax.f32 v60, $0.0e+00  }
0x2ac: {  	[tilespmem:s7+$0x3D0] =	vst v59;
	v0 =	vmul.f32 v0, v11  }
0x2ad: {  	[tilespmem:s7+$0x3B0] =	vst v3  }
0x2ae: {  	s28 =	simm.s32 $0x300;
	s29 =	simm.s32 $0x4;
	[tilespmem:s7+$0x3A0] =	vst v0  }
0x2af: {  	[spmem:s6] =	stream.linear.scatter [tilespmem:s28], [sflag:$0x4], $0x2800, $0x38;
	[tilespmem:$0x1C7B8] =	vst v63  }
0x2b0: {  	_ =	swait.ge [sflag:s29], $0x2800  }
0x2b1: {  	[sflag:s29] =	ssyncset.done $0x0  }
0x2b2: {  	p1 =	por $0x1, $0x1;
	[sflag:s29] =	ssyncadd.s32 $0xFFFFD800  }
0x2b3: {  	s7 =	simm.s32 @!p1 $0x2;
	[bflag:$0x0] =	sbarrier.arrive $0xFFFF  }
0x2b4: {  	_ =	swait.ge @!p1 [sflag:s7], $0x800  }
0x2b5: {  	[sflag:s7] =	ssyncset.done @!p1 $0x0  }
0x2b6: {  	[sflag:s7] =	ssyncadd.s32 @!p1 $0xFFFFF800  }
0x2b7: {  	_ =	swait.ge @!p1 [sflag:s7], $0x800  }
0x2b8: {  	[sflag:s7] =	ssyncset.done @!p1 $0x0  }
0x2b9: {  	[sflag:s7] =	ssyncadd.s32 @!p1 $0xFFFFF800  }
0x2ba: {  	_ =	swait.ge @!p1 [sflag:s7], $0x800  }
0x2bb: {  	[sflag:s7] =	ssyncset.done @!p1 $0x0  }
0x2bc: {  	[sflag:s7] =	ssyncadd.s32 @!p1 $0xFFFFF800  }
0x2bd: {  	_ =	swait.ge @!p1 [sflag:s7], $0x800  }
0x2be: {  	[sflag:s7] =	ssyncset.done @!p1 $0x0  }
0x2bf: {  	[sflag:s7] =	ssyncadd.s32 @!p1 $0xFFFFF800  }
0x2c0: {  	_ =	swait.ge @!p1 [sflag:s7], $0x800  }
0x2c1: {  	[sflag:s7] =	ssyncset.done @!p1 $0x0  }
0x2c2: {  	[sflag:s7] =	ssyncadd.s32 @!p1 $0xFFFFF800  }
0x2c3: {  	_ =	swait.ge @!p1 [sflag:s7], $0x800  }
0x2c4: {  	s14 =	simm.s32 $0xF000;
	[sflag:s7] =	ssyncset.done @!p1 $0x0  }
0x2c5: {  	s30 =	simm.s32 $0x5300;
	s6 =	simm.s32 $0x80;
	[sflag:s7] =	ssyncadd.s32 @!p1 $0xFFFFF800  }
0x2c6: {  	[tilespmem:s14], [sflag:$0x1] =	stream.indirect.gather [spmem:s4], $0x10, s30, s6, $0xb8;
	[tilespmem:$0x1C7B8] =	vst v63  }
0x2c7: {  	s13 =	simm.s32 $0xF800;
	s31 =	simm.s32 $0x5380  }
0x2c8: {  	[tilespmem:s13], [sflag:$0x1] =	stream.indirect.gather [spmem:s4], $0x10, s31, s6, $0xb8;
	[tilespmem:$0x1C7B8] =	vst v63  }
0x2c9: {  	s11 =	simm.s32 $0x10000;
	s8 =	simm.s32 $0x5400  }
0x2ca: {  	[tilespmem:s11], [sflag:$0x1] =	stream.indirect.gather [spmem:s4], $0x10, s8, s6, $0xb8;
	[tilespmem:$0x1C7B8] =	vst v63  }
0x2cb: {  	s10 =	simm.s32 $0x10800;
	s9 =	simm.s32 $0x5480  }
0x2cc: {  	[tilespmem:s10], [sflag:$0x1] =	stream.indirect.gather [spmem:s4], $0x10, s9, s6, $0xb8;
	[tilespmem:$0x1C7B8] =	vst v63  }
0x2cd: {  	s12 =	simm.s32 $0x5500;
	s9 =	simm.s32 $0x11000  }
0x2ce: {  	[tilespmem:s9], [sflag:$0x1] =	stream.indirect.gather [spmem:s4], $0x10, s12, s6, $0xb8;
	[tilespmem:$0x1C7B8] =	vst v63  }
0x2cf: {  	s7 =	simm.s32 $0x1;
	s8 =	simm.s32 $0x11800;
	s12 =	simm.s32 $0x5580  }
0x2d0: {  	[tilespmem:s8], [sflag:$0x1] =	stream.indirect.gather [spmem:s4], $0x10, s12, s6, $0xb8;
	[tilespmem:$0x1C7B8] =	vst v63  }
0x2d1: {  	_ =	swait.ge [sflag:s7], $0x800  }
0x2d2: {  	[sflag:s7] =	ssyncset.done $0x0  }
0x2d3: {  	s15 =	simm.s32 $0xA180;
	[sflag:s7] =	ssyncadd.s32 $0xFFFFF800  }
0x2d4: {  	[spmem:s3] =	stream.indirect.scatter.add.f32 [tilespmem:s14], [sflag:$0x2], $0x10, s15, s6, $0xb8;
	[tilespmem:$0x1C7B8] =	vst v63  }
0x2d5: {  	_ =	swait.ge [sflag:s7], $0x800  }
0x2d6: {  	[sflag:s7] =	ssyncset.done $0x0  }
0x2d7: {  	s16 =	simm.s32 $0xA200;
	[sflag:s7] =	ssyncadd.s32 $0xFFFFF800  }
0x2d8: {  	[spmem:s3] =	stream.indirect.scatter.add.f32 [tilespmem:s13], [sflag:$0x2], $0x10, s16, s6, $0xb8;
	[tilespmem:$0x1C7B8] =	vst v63  }
0x2d9: {  	_ =	swait.ge [sflag:s7], $0x800  }
0x2da: {  	[sflag:s7] =	ssyncset.done $0x0  }
0x2db: {  	s17 =	simm.s32 $0xA280;
	[sflag:s7] =	ssyncadd.s32 $0xFFFFF800  }
0x2dc: {  	[spmem:s3] =	stream.indirect.scatter.add.f32 [tilespmem:s11], [sflag:$0x2], $0x10, s17, s6, $0xb8;
	[tilespmem:$0x1C7B8] =	vst v63  }
0x2dd: {  	_ =	swait.ge [sflag:s7], $0x800  }
0x2de: {  	[sflag:s7] =	ssyncset.done $0x0  }
0x2df: {  	s18 =	simm.s32 $0xA300;
	[sflag:s7] =	ssyncadd.s32 $0xFFFFF800  }
0x2e0: {  	[spmem:s3] =	stream.indirect.scatter.add.f32 [tilespmem:s10], [sflag:$0x2], $0x10, s18, s6, $0xb8;
	[tilespmem:$0x1C7B8] =	vst v63  }
0x2e1: {  	_ =	swait.ge [sflag:s7], $0x800  }
0x2e2: {  	[sflag:s7] =	ssyncset.done $0x0  }
0x2e3: {  	s19 =	simm.s32 $0xA380;
	[sflag:s7] =	ssyncadd.s32 $0xFFFFF800  }
0x2e4: {  	[spmem:s3] =	stream.indirect.scatter.add.f32 [tilespmem:s9], [sflag:$0x2], $0x10, s19, s6, $0xb8;
	[tilespmem:$0x1C7B8] =	vst v63  }
0x2e5: {  	_ =	swait.ge [sflag:s7], $0x800  }
0x2e6: {  	[sflag:s7] =	ssyncset.done $0x0  }
0x2e7: {  	s20 =	simm.s32 $0xA400;
	s15 =	simm.s32 @!p1 $0x3;
	[sflag:s7] =	ssyncadd.s32 $0xFFFFF800  }
0x2e8: {  	[spmem:s3] =	stream.indirect.scatter.add.f32 [tilespmem:s8], [sflag:$0x2], $0x10, s20, s6, $0xb8;
	[tilespmem:$0x1C7B8] =	vst v63  }
0x2e9: {  	_ =	swait.ge @!p1 [sflag:s15], $0x800  }
0x2ea: {  	[sflag:s15] =	ssyncset.done @!p1 $0x0  }
0x2eb: {  	[sflag:s15] =	ssyncadd.s32 @!p1 $0xFFFFF800  }
0x2ec: {  	_ =	swait.ge @!p1 [sflag:s15], $0x800  }
0x2ed: {  	[sflag:s15] =	ssyncset.done @!p1 $0x0  }
0x2ee: {  	[sflag:s15] =	ssyncadd.s32 @!p1 $0xFFFFF800  }
0x2ef: {  	_ =	swait.ge @!p1 [sflag:s15], $0x800  }
0x2f0: {  	[sflag:s15] =	ssyncset.done @!p1 $0x0  }
0x2f1: {  	[sflag:s15] =	ssyncadd.s32 @!p1 $0xFFFFF800  }
0x2f2: {  	_ =	swait.ge @!p1 [sflag:s15], $0x800  }
0x2f3: {  	[sflag:s15] =	ssyncset.done @!p1 $0x0  }
0x2f4: {  	[sflag:s15] =	ssyncadd.s32 @!p1 $0xFFFFF800  }
0x2f5: {  	_ =	swait.ge @!p1 [sflag:s15], $0x800  }
0x2f6: {  	[sflag:s15] =	ssyncset.done @!p1 $0x0  }
0x2f7: {  	[sflag:s15] =	ssyncadd.s32 @!p1 $0xFFFFF800  }
0x2f8: {  	_ =	swait.ge @!p1 [sflag:s15], $0x800  }
0x2f9: {  	[sflag:s15] =	ssyncset.done @!p1 $0x0  }
0x2fa: {  	s21 =	simm.s32 $0x5600;
	s19 =	simm.s32 $0x12000;
	[sflag:s15] =	ssyncadd.s32 @!p1 $0xFFFFF800  }
0x2fb: {  	[tilespmem:s19], [sflag:$0x1] =	stream.indirect.gather [spmem:s4], $0x10, s21, s6, $0xb8;
	[tilespmem:$0x1C7B8] =	vst v63  }
0x2fc: {  	s22 =	simm.s32 $0x5680;
	s18 =	simm.s32 $0x12800  }
0x2fd: {  	[tilespmem:s18], [sflag:$0x1] =	stream.indirect.gather [spmem:s4], $0x10, s22, s6, $0xb8;
	[tilespmem:$0x1C7B8] =	vst v63  }
0x2fe: {  	s23 =	simm.s32 $0x5700;
	s17 =	simm.s32 $0x13000  }
0x2ff: {  	[tilespmem:s17], [sflag:$0x1] =	stream.indirect.gather [spmem:s4], $0x10, s23, s6, $0xb8;
	[tilespmem:$0x1C7B8] =	vst v63  }
0x300: {  	s24 =	simm.s32 $0x5780;
	s16 =	simm.s32 $0x13800  }
0x301: {  	[tilespmem:s16], [sflag:$0x1] =	stream.indirect.gather [spmem:s4], $0x10, s24, s6, $0xb8;
	[tilespmem:$0x1C7B8] =	vst v63  }
0x302: {  	s25 =	simm.s32 $0x5800;
	s15 =	simm.s32 $0x14000  }
0x303: {  	[tilespmem:s15], [sflag:$0x1] =	stream.indirect.gather [spmem:s4], $0x10, s25, s6, $0xb8;
	[tilespmem:$0x1C7B8] =	vst v63  }
0x304: {  	s12 =	simm.s32 $0x14800;
	s20 =	simm.s32 $0x5880  }
0x305: {  	[tilespmem:s12], [sflag:$0x1] =	stream.indirect.gather [spmem:s4], $0x10, s20, s6, $0xb8;
	[tilespmem:$0x1C7B8] =	vst v63  }
0x306: {  	_ =	swait.ge [sflag:s7], $0x800  }
0x307: {  	[sflag:s7] =	ssyncset.done $0x0  }
0x308: {  	s26 =	simm.s32 $0xA480;
	[sflag:s7] =	ssyncadd.s32 $0xFFFFF800  }
0x309: {  	[spmem:s3] =	stream.indirect.scatter.add.f32 [tilespmem:s19], [sflag:$0x3], $0x10, s26, s6, $0xb8;
	[tilespmem:$0x1C7B8] =	vst v63  }
0x30a: {  	_ =	swait.ge [sflag:s7], $0x800  }
0x30b: {  	[sflag:s7] =	ssyncset.done $0x0  }
0x30c: {  	s28 =	simm.s32 $0xA500;
	[sflag:s7] =	ssyncadd.s32 $0xFFFFF800  }
0x30d: {  	[spmem:s3] =	stream.indirect.scatter.add.f32 [tilespmem:s18], [sflag:$0x3], $0x10, s28, s6, $0xb8;
	[tilespmem:$0x1C7B8] =	vst v63  }
0x30e: {  	_ =	swait.ge [sflag:s7], $0x800  }
0x30f: {  	[sflag:s7] =	ssyncset.done $0x0  }
0x310: {  	s29 =	simm.s32 $0xA580;
	[sflag:s7] =	ssyncadd.s32 $0xFFFFF800  }
0x311: {  	[spmem:s3] =	stream.indirect.scatter.add.f32 [tilespmem:s17], [sflag:$0x3], $0x10, s29, s6, $0xb8;
	[tilespmem:$0x1C7B8] =	vst v63  }
0x312: {  	_ =	swait.ge [sflag:s7], $0x800  }
0x313: {  	[sflag:s7] =	ssyncset.done $0x0  }
0x314: {  	s30 =	simm.s32 $0xA600;
	[sflag:s7] =	ssyncadd.s32 $0xFFFFF800  }
0x315: {  	[spmem:s3] =	stream.indirect.scatter.add.f32 [tilespmem:s16], [sflag:$0x3], $0x10, s30, s6, $0xb8;
	[tilespmem:$0x1C7B8] =	vst v63  }
0x316: {  	_ =	swait.ge [sflag:s7], $0x800  }
0x317: {  	[sflag:s7] =	ssyncset.done $0x0  }
0x318: {  	s31 =	simm.s32 $0xA680;
	[sflag:s7] =	ssyncadd.s32 $0xFFFFF800  }
0x319: {  	[spmem:s3] =	stream.indirect.scatter.add.f32 [tilespmem:s15], [sflag:$0x3], $0x10, s31, s6, $0xb8;
	[tilespmem:$0x1C7B8] =	vst v63  }
0x31a: {  	p1 =	por $0x0, $0x0;
	s21 =	simm.s32 $0x3000;
	_ =	swait.ge [sflag:s7], $0x800  }
0x31b: {  	s22 =	simm.s32 $0xA700;
	s20 =	simm.s32 $0x1800;
	[sflag:s7] =	ssyncset.done $0x0  }
.LBB2_15:
0x31c: {  	s23 =	simm.s32 @!p1 $0x2  }
0x31d: {  	[sflag:s7] =	ssyncadd.s32 $0xFFFFF800;
	s24 =	smov.u32 s21;
	s21 =	sadd.s32 $0x1800, s21  }
0x31e: {  	[spmem:s3] =	stream.indirect.scatter.add.f32 [tilespmem:s12], [sflag:$0x3], $0x10, s22, s6, $0xb8;
	[tilespmem:$0x1C7B8] =	vst v63  }
0x31f: {  	p2 =	sne.s32 s21, $0x13800;
	_ =	swait.ge @!p1 [sflag:s23], $0x800  }
0x320: {  	[sflag:s23] =	ssyncset.done @!p1 $0x0  }
0x321: {  	[sflag:s23] =	ssyncadd.s32 @!p1 $0xFFFFF800  }
0x322: {  	_ =	swait.ge @!p1 [sflag:s23], $0x800  }
0x323: {  	[sflag:s23] =	ssyncset.done @!p1 $0x0  }
0x324: {  	[sflag:s23] =	ssyncadd.s32 @!p1 $0xFFFFF800  }
0x325: {  	_ =	swait.ge @!p1 [sflag:s23], $0x800  }
0x326: {  	[sflag:s23] =	ssyncset.done @!p1 $0x0  }
0x327: {  	[sflag:s23] =	ssyncadd.s32 @!p1 $0xFFFFF800  }
0x328: {  	_ =	swait.ge @!p1 [sflag:s23], $0x800  }
0x329: {  	[sflag:s23] =	ssyncset.done @!p1 $0x0  }
0x32a: {  	[sflag:s23] =	ssyncadd.s32 @!p1 $0xFFFFF800  }
0x32b: {  	_ =	swait.ge @!p1 [sflag:s23], $0x800  }
0x32c: {  	[sflag:s23] =	ssyncset.done @!p1 $0x0  }
0x32d: {  	[sflag:s23] =	ssyncadd.s32 @!p1 $0xFFFFF800  }
0x32e: {  	_ =	swait.ge @!p1 [sflag:s23], $0x800  }
0x32f: {  	s22 =	sshra.s32 s20, $0x2;
	s20 =	smov.u32 s24;
	[sflag:s23] =	ssyncset.done @!p1 $0x0  }
0x330: {  	[sflag:s23] =	ssyncadd.s32 @!p1 $0xFFFFF800;
	s23 =	sadd.s32 $0x5300, s22  }
0x331: {  	[tilespmem:s14], [sflag:$0x1] =	stream.indirect.gather [spmem:s4], $0x10, s23, s6, $0xb8;
	[tilespmem:$0x1C7B8] =	vst v63  }
0x332: {  	s23 =	sadd.s32 $0x5380, s22  }
0x333: {  	[tilespmem:s13], [sflag:$0x1] =	stream.indirect.gather [spmem:s4], $0x10, s23, s6, $0xb8;
	[tilespmem:$0x1C7B8] =	vst v63  }
0x334: {  	s23 =	sadd.s32 $0x5400, s22  }
0x335: {  	[tilespmem:s11], [sflag:$0x1] =	stream.indirect.gather [spmem:s4], $0x10, s23, s6, $0xb8;
	[tilespmem:$0x1C7B8] =	vst v63  }
0x336: {  	s23 =	sadd.s32 $0x5480, s22  }
0x337: {  	[tilespmem:s10], [sflag:$0x1] =	stream.indirect.gather [spmem:s4], $0x10, s23, s6, $0xb8;
	[tilespmem:$0x1C7B8] =	vst v63  }
0x338: {  	s23 =	sadd.s32 $0x5500, s22  }
0x339: {  	[tilespmem:s9], [sflag:$0x1] =	stream.indirect.gather [spmem:s4], $0x10, s23, s6, $0xb8;
	[tilespmem:$0x1C7B8] =	vst v63  }
0x33a: {  	s23 =	sadd.s32 $0x5580, s22  }
0x33b: {  	[tilespmem:s8], [sflag:$0x1] =	stream.indirect.gather [spmem:s4], $0x10, s23, s6, $0xb8;
	[tilespmem:$0x1C7B8] =	vst v63  }
0x33c: {  	_ =	swait.ge [sflag:s7], $0x800  }
0x33d: {  	[sflag:s7] =	ssyncset.done $0x0  }
0x33e: {  	s23 =	sadd.s32 $0xA180, s22;
	[sflag:s7] =	ssyncadd.s32 $0xFFFFF800  }
0x33f: {  	[spmem:s3] =	stream.indirect.scatter.add.f32 [tilespmem:s14], [sflag:$0x2], $0x10, s23, s6, $0xb8;
	[tilespmem:$0x1C7B8] =	vst v63  }
0x340: {  	_ =	swait.ge [sflag:s7], $0x800  }
0x341: {  	[sflag:s7] =	ssyncset.done $0x0  }
0x342: {  	s23 =	sadd.s32 $0xA200, s22;
	[sflag:s7] =	ssyncadd.s32 $0xFFFFF800  }
0x343: {  	[spmem:s3] =	stream.indirect.scatter.add.f32 [tilespmem:s13], [sflag:$0x2], $0x10, s23, s6, $0xb8;
	[tilespmem:$0x1C7B8] =	vst v63  }
0x344: {  	_ =	swait.ge [sflag:s7], $0x800  }
0x345: {  	[sflag:s7] =	ssyncset.done $0x0  }
0x346: {  	s23 =	sadd.s32 $0xA280, s22;
	[sflag:s7] =	ssyncadd.s32 $0xFFFFF800  }
0x347: {  	[spmem:s3] =	stream.indirect.scatter.add.f32 [tilespmem:s11], [sflag:$0x2], $0x10, s23, s6, $0xb8;
	[tilespmem:$0x1C7B8] =	vst v63  }
0x348: {  	_ =	swait.ge [sflag:s7], $0x800  }
0x349: {  	[sflag:s7] =	ssyncset.done $0x0  }
0x34a: {  	s23 =	sadd.s32 $0xA300, s22;
	[sflag:s7] =	ssyncadd.s32 $0xFFFFF800  }
0x34b: {  	[spmem:s3] =	stream.indirect.scatter.add.f32 [tilespmem:s10], [sflag:$0x2], $0x10, s23, s6, $0xb8;
	[tilespmem:$0x1C7B8] =	vst v63  }
0x34c: {  	_ =	swait.ge [sflag:s7], $0x800  }
0x34d: {  	[sflag:s7] =	ssyncset.done $0x0  }
0x34e: {  	s23 =	sadd.s32 $0xA380, s22;
	[sflag:s7] =	ssyncadd.s32 $0xFFFFF800  }
0x34f: {  	[spmem:s3] =	stream.indirect.scatter.add.f32 [tilespmem:s9], [sflag:$0x2], $0x10, s23, s6, $0xb8;
	[tilespmem:$0x1C7B8] =	vst v63  }
0x350: {  	_ =	swait.ge [sflag:s7], $0x800  }
0x351: {  	[sflag:s7] =	ssyncset.done $0x0  }
0x352: {  	s24 =	simm.s32 @!p1 $0x3;
	s23 =	sadd.s32 $0xA400, s22;
	[sflag:s7] =	ssyncadd.s32 $0xFFFFF800  }
0x353: {  	[spmem:s3] =	stream.indirect.scatter.add.f32 [tilespmem:s8], [sflag:$0x2], $0x10, s23, s6, $0xb8;
	[tilespmem:$0x1C7B8] =	vst v63  }
0x354: {  	_ =	swait.ge @!p1 [sflag:s24], $0x800  }
0x355: {  	[sflag:s24] =	ssyncset.done @!p1 $0x0  }
0x356: {  	[sflag:s24] =	ssyncadd.s32 @!p1 $0xFFFFF800  }
0x357: {  	_ =	swait.ge @!p1 [sflag:s24], $0x800  }
0x358: {  	[sflag:s24] =	ssyncset.done @!p1 $0x0  }
0x359: {  	[sflag:s24] =	ssyncadd.s32 @!p1 $0xFFFFF800  }
0x35a: {  	_ =	swait.ge @!p1 [sflag:s24], $0x800  }
0x35b: {  	[sflag:s24] =	ssyncset.done @!p1 $0x0  }
0x35c: {  	[sflag:s24] =	ssyncadd.s32 @!p1 $0xFFFFF800  }
0x35d: {  	_ =	swait.ge @!p1 [sflag:s24], $0x800  }
0x35e: {  	[sflag:s24] =	ssyncset.done @!p1 $0x0  }
0x35f: {  	[sflag:s24] =	ssyncadd.s32 @!p1 $0xFFFFF800  }
0x360: {  	_ =	swait.ge @!p1 [sflag:s24], $0x800  }
0x361: {  	[sflag:s24] =	ssyncset.done @!p1 $0x0  }
0x362: {  	[sflag:s24] =	ssyncadd.s32 @!p1 $0xFFFFF800  }
0x363: {  	_ =	swait.ge @!p1 [sflag:s24], $0x800  }
0x364: {  	[sflag:s24] =	ssyncset.done @!p1 $0x0  }
0x365: {  	s23 =	sadd.s32 $0x5600, s22;
	[sflag:s24] =	ssyncadd.s32 @!p1 $0xFFFFF800  }
0x366: {  	[tilespmem:s19], [sflag:$0x1] =	stream.indirect.gather [spmem:s4], $0x10, s23, s6, $0xb8;
	[tilespmem:$0x1C7B8] =	vst v63  }
0x367: {  	s23 =	sadd.s32 $0x5680, s22  }
0x368: {  	[tilespmem:s18], [sflag:$0x1] =	stream.indirect.gather [spmem:s4], $0x10, s23, s6, $0xb8;
	[tilespmem:$0x1C7B8] =	vst v63  }
0x369: {  	s23 =	sadd.s32 $0x5700, s22  }
0x36a: {  	[tilespmem:s17], [sflag:$0x1] =	stream.indirect.gather [spmem:s4], $0x10, s23, s6, $0xb8;
	[tilespmem:$0x1C7B8] =	vst v63  }
0x36b: {  	s23 =	sadd.s32 $0x5780, s22  }
0x36c: {  	[tilespmem:s16], [sflag:$0x1] =	stream.indirect.gather [spmem:s4], $0x10, s23, s6, $0xb8;
	[tilespmem:$0x1C7B8] =	vst v63  }
0x36d: {  	s23 =	sadd.s32 $0x5800, s22  }
0x36e: {  	[tilespmem:s15], [sflag:$0x1] =	stream.indirect.gather [spmem:s4], $0x10, s23, s6, $0xb8;
	[tilespmem:$0x1C7B8] =	vst v63  }
0x36f: {  	s23 =	sadd.s32 $0x5880, s22  }
0x370: {  	[tilespmem:s12], [sflag:$0x1] =	stream.indirect.gather [spmem:s4], $0x10, s23, s6, $0xb8;
	[tilespmem:$0x1C7B8] =	vst v63  }
0x371: {  	_ =	swait.ge [sflag:s7], $0x800  }
0x372: {  	[sflag:s7] =	ssyncset.done $0x0  }
0x373: {  	s23 =	sadd.s32 $0xA480, s22;
	[sflag:s7] =	ssyncadd.s32 $0xFFFFF800  }
0x374: {  	[spmem:s3] =	stream.indirect.scatter.add.f32 [tilespmem:s19], [sflag:$0x3], $0x10, s23, s6, $0xb8;
	[tilespmem:$0x1C7B8] =	vst v63  }
0x375: {  	_ =	swait.ge [sflag:s7], $0x800  }
0x376: {  	[sflag:s7] =	ssyncset.done $0x0  }
0x377: {  	s23 =	sadd.s32 $0xA500, s22;
	[sflag:s7] =	ssyncadd.s32 $0xFFFFF800  }
0x378: {  	[spmem:s3] =	stream.indirect.scatter.add.f32 [tilespmem:s18], [sflag:$0x3], $0x10, s23, s6, $0xb8;
	[tilespmem:$0x1C7B8] =	vst v63  }
0x379: {  	_ =	swait.ge [sflag:s7], $0x800  }
0x37a: {  	[sflag:s7] =	ssyncset.done $0x0  }
0x37b: {  	s23 =	sadd.s32 $0xA580, s22;
	[sflag:s7] =	ssyncadd.s32 $0xFFFFF800  }
0x37c: {  	[spmem:s3] =	stream.indirect.scatter.add.f32 [tilespmem:s17], [sflag:$0x3], $0x10, s23, s6, $0xb8;
	[tilespmem:$0x1C7B8] =	vst v63  }
0x37d: {  	_ =	swait.ge [sflag:s7], $0x800  }
0x37e: {  	[sflag:s7] =	ssyncset.done $0x0  }
0x37f: {  	s23 =	sadd.s32 $0xA600, s22;
	[sflag:s7] =	ssyncadd.s32 $0xFFFFF800  }
0x380: {  	[spmem:s3] =	stream.indirect.scatter.add.f32 [tilespmem:s16], [sflag:$0x3], $0x10, s23, s6, $0xb8;
	[tilespmem:$0x1C7B8] =	vst v63  }
0x381: {  	_ =	swait.ge [sflag:s7], $0x800  }
.Ltmp9:
0x382: {  	[sflag:s7] =	ssyncset.done $0x0;
	(pc) =	sbr.rel @p2 .LBB2_15-.Ltmp9, $4  }
0x383: {  	s23 =	sadd.s32 $0xA680, s22;
	[sflag:s7] =	ssyncadd.s32 $0xFFFFF800  }
0x384: {  	[spmem:s3] =	stream.indirect.scatter.add.f32 [tilespmem:s15], [sflag:$0x3], $0x10, s23, s6, $0xb8;
	[tilespmem:$0x1C7B8] =	vst v63  }
0x385: {  	_ =	swait.ge [sflag:s7], $0x800  }
0x386: {  	p1 =	seq.s32 s20, $0x0;
	s22 =	sadd.s32 $0xA700, s22;
	[sflag:s7] =	ssyncset.done $0x0  }
0x387: {  	s21 =	simm.s32 @!p1 $0x2;
	[sflag:s7] =	ssyncadd.s32 $0xFFFFF800  }
0x388: {  	[spmem:s3] =	stream.indirect.scatter.add.f32 [tilespmem:s12], [sflag:$0x3], $0x10, s22, s6, $0xb8;
	[tilespmem:$0x1C7B8] =	vst v63  }
0x389: {  	_ =	swait.ge @!p1 [sflag:s21], $0x800  }
0x38a: {  	[sflag:s21] =	ssyncset.done @!p1 $0x0  }
0x38b: {  	[sflag:s21] =	ssyncadd.s32 @!p1 $0xFFFFF800  }
0x38c: {  	_ =	swait.ge @!p1 [sflag:s21], $0x800  }
0x38d: {  	[sflag:s21] =	ssyncset.done @!p1 $0x0  }
0x38e: {  	[sflag:s21] =	ssyncadd.s32 @!p1 $0xFFFFF800  }
0x38f: {  	_ =	swait.ge @!p1 [sflag:s21], $0x800  }
0x390: {  	[sflag:s21] =	ssyncset.done @!p1 $0x0  }
0x391: {  	[sflag:s21] =	ssyncadd.s32 @!p1 $0xFFFFF800  }
0x392: {  	_ =	swait.ge @!p1 [sflag:s21], $0x800  }
0x393: {  	[sflag:s21] =	ssyncset.done @!p1 $0x0  }
0x394: {  	[sflag:s21] =	ssyncadd.s32 @!p1 $0xFFFFF800  }
0x395: {  	_ =	swait.ge @!p1 [sflag:s21], $0x800  }
0x396: {  	[sflag:s21] =	ssyncset.done @!p1 $0x0  }
0x397: {  	[sflag:s21] =	ssyncadd.s32 @!p1 $0xFFFFF800  }
0x398: {  	_ =	swait.ge @!p1 [sflag:s21], $0x800  }
0x399: {  	s20 =	sshra.s32 s20, $0x2;
	[sflag:s21] =	ssyncset.done @!p1 $0x0  }
0x39a: {  	s28 =	sadd.s32 $0x5300, s20;
	[sflag:s21] =	ssyncadd.s32 @!p1 $0xFFFFF800  }
0x39b: {  	[tilespmem:s14], [sflag:$0x1] =	stream.indirect.gather [spmem:s4], $0x10, s28, s6, $0xb8;
	[tilespmem:$0x1C7B8] =	vst v63  }
0x39c: {  	s29 =	sadd.s32 $0x5380, s20  }
0x39d: {  	[tilespmem:s13], [sflag:$0x1] =	stream.indirect.gather [spmem:s4], $0x10, s29, s6, $0xb8;
	[tilespmem:$0x1C7B8] =	vst v63  }
0x39e: {  	s30 =	sadd.s32 $0x5400, s20  }
0x39f: {  	[tilespmem:s11], [sflag:$0x1] =	stream.indirect.gather [spmem:s4], $0x10, s30, s6, $0xb8;
	[tilespmem:$0x1C7B8] =	vst v63  }
0x3a0: {  	s31 =	sadd.s32 $0x5480, s20  }
0x3a1: {  	[tilespmem:s10], [sflag:$0x1] =	stream.indirect.gather [spmem:s4], $0x10, s31, s6, $0xb8;
	[tilespmem:$0x1C7B8] =	vst v63  }
0x3a2: {  	s22 =	sadd.s32 $0x5500, s20  }
0x3a3: {  	[tilespmem:s9], [sflag:$0x1] =	stream.indirect.gather [spmem:s4], $0x10, s22, s6, $0xb8;
	[tilespmem:$0x1C7B8] =	vst v63  }
0x3a4: {  	s23 =	sadd.s32 $0x5580, s20  }
0x3a5: {  	[tilespmem:s8], [sflag:$0x1] =	stream.indirect.gather [spmem:s4], $0x10, s23, s6, $0xb8;
	[tilespmem:$0x1C7B8] =	vst v63  }
0x3a6: {  	_ =	swait.ge [sflag:s7], $0x800  }
0x3a7: {  	[sflag:s7] =	ssyncset.done $0x0  }
0x3a8: {  	s24 =	sadd.s32 $0xA180, s20;
	[sflag:s7] =	ssyncadd.s32 $0xFFFFF800  }
0x3a9: {  	[spmem:s3] =	stream.indirect.scatter.add.f32 [tilespmem:s14], [sflag:$0x2], $0x10, s24, s6, $0xb8;
	[tilespmem:$0x1C7B8] =	vst v63  }
0x3aa: {  	_ =	swait.ge [sflag:s7], $0x800  }
0x3ab: {  	[sflag:s7] =	ssyncset.done $0x0  }
0x3ac: {  	s25 =	sadd.s32 $0xA200, s20;
	[sflag:s7] =	ssyncadd.s32 $0xFFFFF800  }
0x3ad: {  	[spmem:s3] =	stream.indirect.scatter.add.f32 [tilespmem:s13], [sflag:$0x2], $0x10, s25, s6, $0xb8;
	[tilespmem:$0x1C7B8] =	vst v63  }
0x3ae: {  	_ =	swait.ge [sflag:s7], $0x800  }
0x3af: {  	[sflag:s7] =	ssyncset.done $0x0  }
0x3b0: {  	s26 =	sadd.s32 $0xA280, s20;
	[sflag:s7] =	ssyncadd.s32 $0xFFFFF800  }
0x3b1: {  	[spmem:s3] =	stream.indirect.scatter.add.f32 [tilespmem:s11], [sflag:$0x2], $0x10, s26, s6, $0xb8;
	[tilespmem:$0x1C7B8] =	vst v63  }
0x3b2: {  	_ =	swait.ge [sflag:s7], $0x800  }
0x3b3: {  	[sflag:s7] =	ssyncset.done $0x0  }
0x3b4: {  	s28 =	sadd.s32 $0xA300, s20;
	[sflag:s7] =	ssyncadd.s32 $0xFFFFF800  }
0x3b5: {  	[spmem:s3] =	stream.indirect.scatter.add.f32 [tilespmem:s10], [sflag:$0x2], $0x10, s28, s6, $0xb8;
	[tilespmem:$0x1C7B8] =	vst v63  }
0x3b6: {  	_ =	swait.ge [sflag:s7], $0x800  }
0x3b7: {  	[sflag:s7] =	ssyncset.done $0x0  }
0x3b8: {  	s29 =	sadd.s32 $0xA380, s20;
	[sflag:s7] =	ssyncadd.s32 $0xFFFFF800  }
0x3b9: {  	[spmem:s3] =	stream.indirect.scatter.add.f32 [tilespmem:s9], [sflag:$0x2], $0x10, s29, s6, $0xb8;
	[tilespmem:$0x1C7B8] =	vst v63  }
0x3ba: {  	_ =	swait.ge [sflag:s7], $0x800  }
0x3bb: {  	[sflag:s7] =	ssyncset.done $0x0  }
0x3bc: {  	s30 =	sadd.s32 $0xA400, s20;
	s10 =	simm.s32 @!p1 $0x3;
	[sflag:s7] =	ssyncadd.s32 $0xFFFFF800  }
0x3bd: {  	[spmem:s3] =	stream.indirect.scatter.add.f32 [tilespmem:s8], [sflag:$0x2], $0x10, s30, s6, $0xb8;
	[tilespmem:$0x1C7B8] =	vst v63  }
0x3be: {  	_ =	swait.ge @!p1 [sflag:s10], $0x800  }
0x3bf: {  	[sflag:s10] =	ssyncset.done @!p1 $0x0  }
0x3c0: {  	[sflag:s10] =	ssyncadd.s32 @!p1 $0xFFFFF800  }
0x3c1: {  	_ =	swait.ge @!p1 [sflag:s10], $0x800  }
0x3c2: {  	[sflag:s10] =	ssyncset.done @!p1 $0x0  }
0x3c3: {  	[sflag:s10] =	ssyncadd.s32 @!p1 $0xFFFFF800  }
0x3c4: {  	_ =	swait.ge @!p1 [sflag:s10], $0x800  }
0x3c5: {  	[sflag:s10] =	ssyncset.done @!p1 $0x0  }
0x3c6: {  	[sflag:s10] =	ssyncadd.s32 @!p1 $0xFFFFF800  }
0x3c7: {  	_ =	swait.ge @!p1 [sflag:s10], $0x800  }
0x3c8: {  	[sflag:s10] =	ssyncset.done @!p1 $0x0  }
0x3c9: {  	[sflag:s10] =	ssyncadd.s32 @!p1 $0xFFFFF800  }
0x3ca: {  	_ =	swait.ge @!p1 [sflag:s10], $0x800  }
0x3cb: {  	[sflag:s10] =	ssyncset.done @!p1 $0x0  }
0x3cc: {  	[sflag:s10] =	ssyncadd.s32 @!p1 $0xFFFFF800  }
0x3cd: {  	_ =	swait.ge @!p1 [sflag:s10], $0x800  }
0x3ce: {  	[sflag:s10] =	ssyncset.done @!p1 $0x0  }
0x3cf: {  	s31 =	sadd.s32 $0x5600, s20;
	[sflag:s10] =	ssyncadd.s32 @!p1 $0xFFFFF800  }
0x3d0: {  	[tilespmem:s19], [sflag:$0x1] =	stream.indirect.gather [spmem:s4], $0x10, s31, s6, $0xb8;
	[tilespmem:$0x1C7B8] =	vst v63  }
0x3d1: {  	s9 =	sadd.s32 $0x5680, s20  }
0x3d2: {  	[tilespmem:s18], [sflag:$0x1] =	stream.indirect.gather [spmem:s4], $0x10, s9, s6, $0xb8;
	[tilespmem:$0x1C7B8] =	vst v63  }
0x3d3: {  	s10 =	sadd.s32 $0x5700, s20  }
0x3d4: {  	[tilespmem:s17], [sflag:$0x1] =	stream.indirect.gather [spmem:s4], $0x10, s10, s6, $0xb8;
	[tilespmem:$0x1C7B8] =	vst v63  }
0x3d5: {  	s11 =	sadd.s32 $0x5780, s20  }
0x3d6: {  	[tilespmem:s16], [sflag:$0x1] =	stream.indirect.gather [spmem:s4], $0x10, s11, s6, $0xb8;
	[tilespmem:$0x1C7B8] =	vst v63  }
0x3d7: {  	s13 =	sadd.s32 $0x5800, s20  }
0x3d8: {  	[tilespmem:s15], [sflag:$0x1] =	stream.indirect.gather [spmem:s4], $0x10, s13, s6, $0xb8;
	[tilespmem:$0x1C7B8] =	vst v63  }
0x3d9: {  	s14 =	sadd.s32 $0x5880, s20  }
0x3da: {  	[tilespmem:s12], [sflag:$0x1] =	stream.indirect.gather [spmem:s4], $0x10, s14, s6, $0xb8;
	[tilespmem:$0x1C7B8] =	vst v63  }
0x3db: {  	_ =	swait.ge [sflag:s7], $0x800  }
0x3dc: {  	[sflag:s7] =	ssyncset.done $0x0  }
0x3dd: {  	s21 =	sadd.s32 $0xA480, s20;
	[sflag:s7] =	ssyncadd.s32 $0xFFFFF800  }
0x3de: {  	[spmem:s3] =	stream.indirect.scatter.add.f32 [tilespmem:s19], [sflag:$0x3], $0x10, s21, s6, $0xb8;
	[tilespmem:$0x1C7B8] =	vst v63  }
0x3df: {  	_ =	swait.ge [sflag:s7], $0x800  }
0x3e0: {  	[sflag:s7] =	ssyncset.done $0x0  }
0x3e1: {  	s22 =	sadd.s32 $0xA500, s20;
	[sflag:s7] =	ssyncadd.s32 $0xFFFFF800  }
0x3e2: {  	[spmem:s3] =	stream.indirect.scatter.add.f32 [tilespmem:s18], [sflag:$0x3], $0x10, s22, s6, $0xb8;
	[tilespmem:$0x1C7B8] =	vst v63  }
0x3e3: {  	_ =	swait.ge [sflag:s7], $0x800  }
0x3e4: {  	[sflag:s7] =	ssyncset.done $0x0  }
0x3e5: {  	s23 =	sadd.s32 $0xA580, s20;
	[sflag:s7] =	ssyncadd.s32 $0xFFFFF800  }
0x3e6: {  	[spmem:s3] =	stream.indirect.scatter.add.f32 [tilespmem:s17], [sflag:$0x3], $0x10, s23, s6, $0xb8;
	[tilespmem:$0x1C7B8] =	vst v63  }
0x3e7: {  	_ =	swait.ge [sflag:s7], $0x800  }
0x3e8: {  	[sflag:s7] =	ssyncset.done $0x0  }
0x3e9: {  	s24 =	sadd.s32 $0xA600, s20;
	[sflag:s7] =	ssyncadd.s32 $0xFFFFF800  }
0x3ea: {  	[spmem:s3] =	stream.indirect.scatter.add.f32 [tilespmem:s16], [sflag:$0x3], $0x10, s24, s6, $0xb8;
	[tilespmem:$0x1C7B8] =	vst v63  }
0x3eb: {  	_ =	swait.ge [sflag:s7], $0x800  }
0x3ec: {  	[sflag:s7] =	ssyncset.done $0x0  }
0x3ed: {  	s25 =	sadd.s32 $0xA680, s20;
	[sflag:s7] =	ssyncadd.s32 $0xFFFFF800  }
0x3ee: {  	[spmem:s3] =	stream.indirect.scatter.add.f32 [tilespmem:s15], [sflag:$0x3], $0x10, s25, s6, $0xb8;
	[tilespmem:$0x1C7B8] =	vst v63  }
0x3ef: {  	_ =	swait.ge [sflag:s7], $0x800  }
0x3f0: {  	[sflag:s7] =	ssyncset.done $0x0  }
0x3f1: {  	s26 =	sadd.s32 $0xA700, s20;
	s28 =	simm.s32 $0x3;
	[sflag:s7] =	ssyncadd.s32 $0xFFFFF800  }
0x3f2: {  	[spmem:s3] =	stream.indirect.scatter.add.f32 [tilespmem:s12], [sflag:$0x3], $0x10, s26, s6, $0xb8;
	[tilespmem:$0x1C7B8] =	vst v63  }
0x3f3: {  	_ =	swait.ge [sflag:s28], $0x800  }
0x3f4: {  	[sflag:s28] =	ssyncset.done $0x0  }
0x3f5: {  	[sflag:s28] =	ssyncadd.s32 $0xFFFFF800  }
0x3f6: {  	_ =	swait.ge [sflag:s28], $0x800  }
0x3f7: {  	[sflag:s28] =	ssyncset.done $0x0  }
0x3f8: {  	[sflag:s28] =	ssyncadd.s32 $0xFFFFF800  }
0x3f9: {  	_ =	swait.ge [sflag:s28], $0x800  }
0x3fa: {  	[sflag:s28] =	ssyncset.done $0x0  }
0x3fb: {  	[sflag:s28] =	ssyncadd.s32 $0xFFFFF800  }
0x3fc: {  	_ =	swait.ge [sflag:s28], $0x800  }
0x3fd: {  	[sflag:s28] =	ssyncset.done $0x0  }
0x3fe: {  	[sflag:s28] =	ssyncadd.s32 $0xFFFFF800  }
0x3ff: {  	_ =	swait.ge [sflag:s28], $0x800  }
0x400: {  	[sflag:s28] =	ssyncset.done $0x0  }
0x401: {  	[sflag:s28] =	ssyncadd.s32 $0xFFFFF800  }
0x402: {  	_ =	swait.ge [sflag:s28], $0x800  }
0x403: {  	s8 =	simm.s32 @!p0 $0x12000;
	[sflag:s28] =	ssyncset.done $0x0  }
0x404: {  	s7 =	simm.s32 @!p0 $0xA100;
	s6 =	simm.s32 @!p0 $0x80;
	[sflag:s28] =	ssyncadd.s32 $0xFFFFF800  }
0x405: {  	[tilespmem:s8], [sflag:$0x4] =	stream.indirect.gather @!p0 [spmem:s4], $0x10, s7, s6, $0xb8;
	[tilespmem:$0x1C7B8] =	vst v63  }
0x406: {  	s4 =	simm.s32 @!p0 $0x4  }
0x407: {  	_ =	swait.ge @!p0 [sflag:s4], $0x800  }
0x408: {  	[sflag:s4] =	ssyncset.done @!p0 $0x0  }
0x409: {  	s7 =	simm.s32 @!p0 $0xEF80;
	[sflag:s4] =	ssyncadd.s32 @!p0 $0xFFFFF800  }
0x40a: {  	[spmem:s3] =	stream.indirect.scatter.add.f32 @!p0 [tilespmem:s8], [sflag:$0x4], $0x10, s7, s6, $0xb8;
	[tilespmem:$0x1C7B8] =	vst v63  }
0x40b: {  	_ =	swait.ge @!p0 [sflag:s4], $0x800  }
0x40c: {  	[sflag:s4] =	ssyncset.done @!p0 $0x0  }
0x40d: {  	s29 =	simm.s32 $0x2;
	[sflag:s4] =	ssyncadd.s32 @!p0 $0xFFFFF800  }
0x40e: {  	_ =	swait.ge [sflag:s29], $0x800  }
0x40f: {  	[sflag:s29] =	ssyncset.done $0x0  }
0x410: {  	[sflag:s29] =	ssyncadd.s32 $0xFFFFF800  }
0x411: {  	_ =	swait.ge [sflag:s29], $0x800  }
0x412: {  	[sflag:s29] =	ssyncset.done $0x0  }
0x413: {  	[sflag:s29] =	ssyncadd.s32 $0xFFFFF800  }
0x414: {  	_ =	swait.ge [sflag:s29], $0x800  }
0x415: {  	[sflag:s29] =	ssyncset.done $0x0  }
0x416: {  	[sflag:s29] =	ssyncadd.s32 $0xFFFFF800  }
0x417: {  	_ =	swait.ge [sflag:s29], $0x800  }
0x418: {  	[sflag:s29] =	ssyncset.done $0x0  }
0x419: {  	[sflag:s29] =	ssyncadd.s32 $0xFFFFF800  }
0x41a: {  	_ =	swait.ge [sflag:s29], $0x800  }
0x41b: {  	[sflag:s29] =	ssyncset.done $0x0  }
0x41c: {  	[sflag:s29] =	ssyncadd.s32 $0xFFFFF800  }
0x41d: {  	_ =	swait.ge [sflag:s29], $0x800  }
0x41e: {  	[sflag:s29] =	ssyncset.done $0x0  }
0x41f: {  	[sflag:s29] =	ssyncadd.s32 $0xFFFFF800  }
0x420: {  	s30 =	simm.s32 $0x2B00;
	s31 =	simm.s32 $0x4;
	[bflag:$0x0] =	sbarrier.arrive $0xFFFF  }
0x421: {  	[tilespmem:s30], [sflag:$0x4] =	stream.linear.gather [spmem:s5], $0x2800, $0x38;
	[tilespmem:$0x1C7B8] =	vst v63  }
0x422: {  	_ =	swait.ge [sflag:s31], $0x2800  }
0x423: {  	[sflag:s31] =	ssyncset.done $0x0  }
0x424: {  	s3 =	simm.s32 $0x0;
	[sflag:s31] =	ssyncadd.s32 $0xFFFFD800  }
0x425: {  	v27 =	vld [tilespmem:s3+$0x300]  }
0x426: {  	v30 =	vld [tilespmem:s3+$0x310]  }
0x427: {  	v28 =	vld [tilespmem:s3+$0x320]  }
0x428: {  	v31 =	vld [tilespmem:s3+$0x330]  }
0x429: {  	v25 =	vld [tilespmem:s3+$0x340]  }
0x42a: {  	v26 =	vld [tilespmem:s3+$0x350]  }
0x42b: {  	v24 =	vld [tilespmem:s3+$0x360]  }
0x42c: {  	v29 =	vld [tilespmem:s3+$0x370]  }
0x42d: {  	v21 =	vld [tilespmem:s3+$0x380]  }
0x42e: {  	v22 =	vld [tilespmem:s3+$0x390]  }
0x42f: {  	v20 =	vld [tilespmem:s3+$0x3A0]  }
0x430: {  	v23 =	vld [tilespmem:s3+$0x3B0]  }
0x431: {  	v11 =	vld [tilespmem:s3+$0x3C0]  }
0x432: {  	v19 =	vimm.s32 $0x0;
	v14 =	vld [tilespmem:s3+$0x3D0]  }
0x433: {  	v17 =	vimm.s32 $0x1;
	v16 =	vimm.s32 $0x2;
	v15 =	vimm.s32 $0x3;
	v10 =	vld [tilespmem:s3+$0x3E0]  }
0x434: {  	v13 =	vimm.s32 $0x4;
	v12 =	vimm.s32 $0x5;
	v9 =	vimm.s32 $0x6;
	v18 =	vld [tilespmem:s3+$0x3F0]  }
0x435: {  	v8 =	vimm.s32 $0x7;
	v7 =	vimm.s32 $0x8;
	v6 =	vimm.s32 $0x9;
	v32 =	vld [tilespmem:s3+$0x2B30]  }
0x436: {  	v5 =	vimm.s32 $0xA;
	v4 =	vimm.s32 $0xB;
	v2 =	vimm.s32 $0xC;
	v33 =	vld [tilespmem:s3+$0x2B10]  }
0x437: {  	v3 =	vimm.s32 $0xD;
	v1 =	vimm.s32 $0xE;
	v0 =	vimm.s32 $0xF;
	s4 =	simm.s32 $0x80;
	s5 =	simm.s32 $0x400;
	v34 =	vld [tilespmem:s3+$0x2B00]  }
.LBB2_17:
0x438: {  	p0 =	sne.s32 s5, $0x9C00;
	v35 =	vld [tilespmem:s4+$0x0]  }
0x439: {  	v36 =	vld [tilespmem:s3+$0x2B20]  }
0x43a: {  	v37 =	vld [tilespmem:s3+$0x2B70]  }
0x43b: {  	v38 =	vld [tilespmem:s3+$0x2B50]  }
0x43c: {  	v31 =	vadd.f32 v31, v32;
	v30 =	vadd.f32 v30, v33;
	v32 =	vld [tilespmem:s3+$0x2B40]  }
0x43d: {  	v27 =	vadd.f32 v27, v34;
	v33 =	vperm.xlane v35, v19;
	v34 =	vperm.xlane v35, v17;
	v39 =	vld [tilespmem:s3+$0x2B60]  }
0x43e: {  	v40 =	vperm.xlane v35, v15;
	v28 =	vadd.f32 v28, v36;
	v36 =	vperm.xlane v35, v16;
	v41 =	vld [tilespmem:s3+$0x2BB0]  }
0x43f: {  	v27 =	vmul.f32 v33, v27;
	v30 =	vmul.f32 v34, v30;
	v29 =	vadd.f32 v29, v37;
	v33 =	vld [tilespmem:s3+$0x2B90]  }
0x440: {  	v31 =	vmul.f32 v40, v31;
	v28 =	vmul.f32 v36, v28;
	v26 =	vadd.f32 v26, v38;
	v34 =	vld [tilespmem:s3+$0x2B80]  }
0x441: {  	[tilespmem:s3+$0x2B00] =	vst v27;
	v25 =	vadd.f32 v25, v32;
	v27 =	vperm.xlane v35, v13;
	v32 =	vperm.xlane v35, v12;
	v36 =	vld [tilespmem:s3+$0x2BA0]  }
0x442: {  	v37 =	vperm.xlane v35, v8;
	[tilespmem:s3+$0x2B10] =	vst v30;
	v24 =	vadd.f32 v24, v39;
	v30 =	vperm.xlane v35, v9;
	v38 =	vld [tilespmem:s3+$0x2BF0]  }
0x443: {  	[tilespmem:s3+$0x2B20] =	vst v28;
	v25 =	vmul.f32 v27, v25;
	v26 =	vmul.f32 v32, v26;
	v23 =	vadd.f32 v23, v41;
	v32 =	vld [tilespmem:s3+$0x2BD0]  }
0x444: {  	v29 =	vmul.f32 v37, v29;
	[tilespmem:s3+$0x2B30] =	vst v31;
	v24 =	vmul.f32 v30, v24;
	v22 =	vadd.f32 v22, v33;
	v33 =	vld [tilespmem:s3+$0x2BC0]  }
0x445: {  	s6 =	sshra.s32 s5, $0x2;
	v28 =	vperm.xlane v35, v6;
	[tilespmem:s3+$0x2B40] =	vst v25;
	v21 =	vadd.f32 v21, v34;
	v25 =	vperm.xlane v35, v7;
	v34 =	vld [tilespmem:s3+$0x2BE0]  }
0x446: {  	v31 =	vperm.xlane v35, v4;
	v27 =	vld [tilespmem:s6+$0x300];
	[tilespmem:s3+$0x2B50] =	vst v26;
	v20 =	vadd.f32 v20, v36;
	v26 =	vperm.xlane v35, v5  }
0x447: {  	v22 =	vmul.f32 v28, v22;
	v30 =	vld [tilespmem:s6+$0x310];
	[tilespmem:s3+$0x2B60] =	vst v24;
	v21 =	vmul.f32 v25, v21;
	v18 =	vadd.f32 v18, v38  }
0x448: {  	v23 =	vmul.f32 v31, v23;
	v28 =	vld [tilespmem:s6+$0x320];
	[tilespmem:s3+$0x2B70] =	vst v29;
	v20 =	vmul.f32 v26, v20;
	v14 =	vadd.f32 v14, v32  }
0x449: {  	v24 =	vperm.xlane v35, v3;
	v31 =	vld [tilespmem:s6+$0x330];
	[tilespmem:s3+$0x2B80] =	vst v21;
	v11 =	vadd.f32 v11, v33;
	v21 =	vperm.xlane v35, v2  }
0x44a: {  	v29 =	vperm.xlane v35, v0;
	v25 =	vld [tilespmem:s6+$0x340];
	[tilespmem:s3+$0x2B90] =	vst v22;
	v10 =	vadd.f32 v10, v34;
	v22 =	vperm.xlane v35, v1  }
0x44b: {  	v14 =	vmul.f32 v24, v14;
	v26 =	vld [tilespmem:s6+$0x350];
	[tilespmem:s3+$0x2BA0] =	vst v20;
	v11 =	vmul.f32 v21, v11  }
0x44c: {  	v18 =	vmul.f32 v29, v18;
	v24 =	vld [tilespmem:s6+$0x360];
	[tilespmem:s3+$0x2BB0] =	vst v23;
	v10 =	vmul.f32 v22, v10  }
0x44d: {  	v29 =	vld [tilespmem:s6+$0x370];
	[tilespmem:s3+$0x2BC0] =	vst v11  }
0x44e: {  	v21 =	vld [tilespmem:s6+$0x380];
	[tilespmem:s3+$0x2BD0] =	vst v14  }
0x44f: {  	v22 =	vld [tilespmem:s6+$0x390];
	[tilespmem:s3+$0x2BE0] =	vst v10  }
0x450: {  	v20 =	vld [tilespmem:s6+$0x3A0];
	[tilespmem:s3+$0x2BF0] =	vst v18;
	s3 =	smov.u32 s6  }
0x451: {  	v23 =	vld [tilespmem:s3+$0x3B0]  }
0x452: {  	v11 =	vld [tilespmem:s3+$0x3C0]  }
0x453: {  	v14 =	vld [tilespmem:s3+$0x3D0]  }
.Ltmp10:
0x454: {  	v10 =	vld [tilespmem:s3+$0x3E0];
	(pc) =	sbr.rel @p0 .LBB2_17-.Ltmp10, $4  }
0x455: {  	v18 =	vld [tilespmem:s3+$0x3F0]  }
0x456: {  	v32 =	vld [tilespmem:s3+$0x2B30]  }
0x457: {  	v33 =	vld [tilespmem:s3+$0x2B10]  }
0x458: {  	s5 =	sadd.s32 $0x400, s5;
	s4 =	sadd.s32 $0x10, s4;
	v34 =	vld [tilespmem:s3+$0x2B00]  }
0x459: {  	v35 =	vld [tilespmem:s4+$0x0];
	_ =	sdelay $0x1  }
0x45a: {  	v36 =	vld [tilespmem:s3+$0x2B20];
	_ =	sdelay $0x1  }
0x45b: {  	v39 =	vld [tilespmem:s3+$0x2B40]  }
0x45c: {  	v38 =	vld [tilespmem:s3+$0x2B50];
	v27 =	vadd.f32 v27, v34;
	v19 =	vperm.xlane v35, v19  }
0x45d: {  	v45 =	vld [tilespmem:s3+$0x2B60];
	v30 =	vadd.f32 v30, v33;
	v17 =	vperm.xlane v35, v17  }
0x45e: {  	v37 =	vld [tilespmem:s3+$0x2B70];
	v28 =	vadd.f32 v28, v36;
	v16 =	vperm.xlane v35, v16;
	v19 =	vmul.f32 v19, v27  }
0x45f: {  	v47 =	vld [tilespmem:s3+$0x2B80];
	v49 =	vadd.f32 v31, v32;
	v15 =	vperm.xlane v35, v15;
	v17 =	vmul.f32 v17, v30  }
0x460: {  	v46 =	vld [tilespmem:s3+$0x2B90];
	v25 =	vadd.f32 v25, v39;
	v13 =	vperm.xlane v35, v13;
	v16 =	vmul.f32 v16, v28;
	[tilespmem:s3+$0x2B00] =	vst v19  }
0x461: {  	v48 =	vld [tilespmem:s3+$0x2BA0];
	v26 =	vadd.f32 v26, v38;
	v12 =	vperm.xlane v35, v12;
	v15 =	vmul.f32 v15, v49;
	[tilespmem:s3+$0x2B10] =	vst v17  }
0x462: {  	v40 =	vld [tilespmem:s3+$0x2BB0];
	v52 =	vadd.f32 v24, v45;
	v9 =	vperm.xlane v35, v9;
	v13 =	vmul.f32 v13, v25;
	[tilespmem:s3+$0x2B20] =	vst v16  }
0x463: {  	v53 =	vld [tilespmem:s3+$0x2BC0];
	v54 =	vadd.f32 v29, v37;
	v8 =	vperm.xlane v35, v8;
	v12 =	vmul.f32 v12, v26;
	[tilespmem:s3+$0x2B30] =	vst v15  }
0x464: {  	v51 =	vld [tilespmem:s3+$0x2BD0];
	v55 =	vadd.f32 v21, v47;
	v7 =	vperm.xlane v35, v7;
	v9 =	vmul.f32 v9, v52;
	[tilespmem:s3+$0x2B40] =	vst v13  }
0x465: {  	v56 =	vld [tilespmem:s3+$0x2BE0];
	v57 =	vadd.f32 v22, v46;
	v6 =	vperm.xlane v35, v6;
	v8 =	vmul.f32 v8, v54;
	[tilespmem:s3+$0x2B50] =	vst v12  }
0x466: {  	v50 =	vld [tilespmem:s3+$0x2BF0];
	v58 =	vadd.f32 v20, v48;
	v5 =	vperm.xlane v35, v5;
	v7 =	vmul.f32 v7, v55;
	[tilespmem:s3+$0x2B60] =	vst v9  }
0x467: {  	v59 =	vadd.f32 v23, v40;
	v4 =	vperm.xlane v35, v4;
	v6 =	vmul.f32 v6, v57;
	[tilespmem:s3+$0x2B70] =	vst v8  }
0x468: {  	v60 =	vadd.f32 v11, v53;
	v2 =	vperm.xlane v35, v2;
	v5 =	vmul.f32 v5, v58;
	[tilespmem:s3+$0x2B80] =	vst v7  }
0x469: {  	v61 =	vadd.f32 v14, v51;
	v3 =	vperm.xlane v35, v3;
	v4 =	vmul.f32 v4, v59;
	[tilespmem:s3+$0x2B90] =	vst v6  }
0x46a: {  	v62 =	vadd.f32 v10, v56;
	v1 =	vperm.xlane v35, v1;
	v2 =	vmul.f32 v2, v60;
	[tilespmem:s3+$0x2BA0] =	vst v5  }
0x46b: {  	v63 =	vadd.f32 v18, v50;
	v0 =	vperm.xlane v35, v0;
	v3 =	vmul.f32 v3, v61;
	[tilespmem:s3+$0x2BB0] =	vst v4  }
0x46c: {  	v1 =	vmul.f32 v1, v62;
	[tilespmem:s3+$0x2BC0] =	vst v2  }
0x46d: {  	v0 =	vmul.f32 v0, v63;
	[tilespmem:s3+$0x2BD0] =	vst v3  }
0x46e: {  	[tilespmem:s3+$0x2BE0] =	vst v1  }
0x46f: {  	s29 =	simm.s32 $0x0;
	s30 =	simm.s32 $0x2B00;
	s31 =	simm.s32 $0x4;
	[tilespmem:s3+$0x2BF0] =	vst v0  }
0x470: {  	[hbm4b:s2+s29] =	stream.linear.scatter [tilespmem:s30], [sflag:$0x4], $0x2800, $0x38;
	[tilespmem:$0x1C7B8] =	vst v63  }
0x471: {  	_ =	swait.ge [sflag:s31], $0x2800  }
0x472: {  	[sflag:s31] =	ssyncset.done $0x0  }
0x473: {  	[sflag:s31] =	ssyncadd.s32 $0xFFFFD800  }
0x474: {  	_ =	sfence.sel $0x180000  }
0x475: {  	[bflag:$0x0] =	sbarrier.arrive $0xFFFF  }
0x476: {  	p0 =	sne.s32 s1, $0x0;
	_ =	strace $0x90000047  }
0x477: {  	s0 =	sadd.s32 @!p0 $0x100000, s0;
	[bflag:$0x2] =	sbarrier.arrive $0xFFFF  }
0x478: {  	[sflag:s0] =	ssyncadd.tile.s32 @!p0 $0x1;
	_ =	shalt  }
.Lfunc_end2:
_tile_overlayer_lowered:
.L_overlay_start_2:
0x479: {  	(tag) =	ssettag $0x2  }
0x47a: {  	s0 =	rddreg [dreg:$0x0];
	s2 =	stileid.u32  }
0x47b: {  	s1 =	rddreg [dreg:$0x1];
	p0 =	sne.s32 s2, $0x0  }
0x47c: {  	s3 =	rddreg [dreg:$0x2];
	[bflag:$0x3] =	sbarrier.arrive $0xFFFF;
	s2 =	simm.s32 @!p0 $0x1C04  }
0x47d: {  	[timem:s3], [sflag:s2] =	dma.local @!p0 [hbm:s0], s1  }
0x47e: {  	s0 =	simm.s32 @!p0 $0x4  }
0x47f: {  	_ =	swait.ge @!p0 [sflag:s0], s1  }
0x480: {  	s1 =	ssub.s32 @!p0 $0x0, s1;
	[sflag:s0] =	ssyncset.done @!p0 $0x0  }
0x481: {  	[sflag:s0] =	ssyncadd.s32 @!p0 s1  }
0x482: {  	[bflag:$0x3] =	sbarrier.arrive $0xFFFF  }
0x483: {  	_ =	shalt  }

</sc_bundles>
